<compile_context>
chip_gen: v7x
topology: tpu7x:2x2x1
jax: 0.10.2.dev20260603
libtpu: 0.0.44.dev20260713+nightly
codegen_flags: <defaults>
</compile_context>

<pallas_src>
import functools

import jax
import jax.numpy as jnp
from jax import lax
from jax.experimental import pallas as pl
from jax.experimental.pallas import tpu as pltpu
from jax.experimental.pallas import tpu_sc as plsc

N = 50000
E = 800000
D = 64
NG = 16
N_OPS = 120

NC = 2
NS = 16
H = N // NC
TRASH = 128
ACC_ROWS = 25152
ZROWS = 64
ZCHUNKS = ACC_ROWS // ZROWS
DH = 32
CHUNK = 128
G = 8
CPT = 392
E_PAD = NS * CPT * CHUNK
NGROUP = CPT // G
OUT_CHUNK = 1000

R = 400
GRID = N // R

_HI = jax.lax.Precision.HIGHEST


CAP = CPT * CHUNK
PK_TOT = 2 * NC * NS * CAP
NF = 8
NBLK = CPT // NF
CD = 16


def _sc_mesh():
    return plsc.VectorSubcoreMesh(core_axis_name="c", subcore_axis_name="s")


def _zero_acc(s, z_v, accs, width):
    def zb(i, _):
        for j in range(width // 16):
            z_v[i, pl.ds(j * 16, 16)] = jnp.zeros((16,), jnp.float32)
        return 0
    lax.fori_loop(0, ZROWS, zb, 0)

    def zc(t, _):
        cid = s * (ZCHUNKS // NS + 1) + t

        @pl.when(cid < ZCHUNKS)
        def _():
            for a in accs:
                pltpu.sync_copy(z_v, a.at[pl.ds(cid * ZROWS, ZROWS)])
        return 0
    lax.fori_loop(0, ZCHUNKS // NS + 1, zc, 0)


def _copy_out(c, s, accs, outs):
    for t in range(2):
        cid = s + t * NS

        @pl.when(cid < H // OUT_CHUNK)
        def _():
            r0 = cid * OUT_CHUNK
            for a, o in zip(accs, outs):
                pltpu.sync_copy(a.at[pl.ds(r0, OUT_CHUNK)],
                                o.at[pl.ds(c * H + r0, OUT_CHUNK)])


def _prep_body(src_hbm, dst_hbm, out1_hbm, out2_hbm,
               i1_v, i2_v, il_v, ones_v, z_v, acc1, acc2,
               sem_i, sem_s):
    c = lax.axis_index("c")
    s = lax.axis_index("s")
    base_node = c * H

    def zb(i, _):
        ones_v[i, pl.ds(0, 16)] = jnp.ones((16,), jnp.float32)

        @pl.when(i < ZROWS)
        def _():
            z_v[i, pl.ds(0, 16)] = jnp.zeros((16,), jnp.float32)
        return 0
    lax.fori_loop(0, CHUNK, zb, 0)

    def zc(t, _):
        cid = s * (ZCHUNKS // NS + 1) + t

        @pl.when(cid < ZCHUNKS)
        def _():
            pltpu.sync_copy(z_v, acc1.at[pl.ds(cid * ZROWS, ZROWS)])
            pltpu.sync_copy(z_v, acc2.at[pl.ds(cid * ZROWS, ZROWS)])
        return 0
    lax.fori_loop(0, ZCHUNKS // NS + 1, zc, 0)
    plsc.subcore_barrier()

    for m_hbm, accc in ((dst_hbm, acc1), (src_hbm, acc2)):

        def group(g, w):
            base = s * (CPT * CHUNK) + g * (G * CHUNK)
            d_i = []
            for b in range(G):
                d_i.append(pltpu.async_copy(
                    m_hbm.at[pl.ds(base + b * CHUNK, CHUNK)], i1_v.at[b],
                    sem_i))
            for d in d_i:
                d.wait()
            d_s = []
            for b in range(G):
                def ib(i, _):
                    mm = i1_v[b, pl.ds(i * 16, 16)]
                    loc = mm - base_node
                    ok = (loc >= 0) & (loc < H)
                    tr = H + (loc & (TRASH - 1))
                    il_v[b, pl.ds(i * 16, 16)] = jnp.where(ok, loc, tr)
                    return 0
                lax.fori_loop(0, CHUNK // 16, ib, 0, unroll=True)
                d_s.append(pltpu.async_copy(ones_v, accc.at[il_v.at[b]],
                                            sem_s, add=True))
            for d in d_s:
                d.wait()
            return 0
        lax.fori_loop(0, NGROUP, group, 0)

    plsc.subcore_barrier()
    _copy_out(c, s, (acc1, acc2), (out1_hbm, out2_hbm))


@jax.jit
def _preprocess(src_s, dst_s):
    return pl.kernel(
        _prep_body,
        out_type=[jax.ShapeDtypeStruct((N, CD), jnp.float32),
                  jax.ShapeDtypeStruct((N, CD), jnp.float32)],
        mesh=_sc_mesh(),
        compiler_params=pltpu.CompilerParams(use_tc_tiling_on_sc=False),
        scratch_types=[
            pltpu.VMEM((G, CHUNK), jnp.int32),
            pltpu.VMEM((G, CHUNK), jnp.int32),
            pltpu.VMEM((G, CHUNK), jnp.int32),
            pltpu.VMEM((CHUNK, CD), jnp.float32),
            pltpu.VMEM((ZROWS, CD), jnp.float32),
            pltpu.VMEM_SHARED((ACC_ROWS, CD), jnp.float32),
            pltpu.VMEM_SHARED((ACC_ROWS, CD), jnp.float32),
            pltpu.SemaphoreType.DMA,
            pltpu.SemaphoreType.DMA,
        ],
    )(src_s, dst_s)


def _seg_sum_body(tbl_hbm, ig_hbm, is_hbm, out_hbm, ig_v, is_v, il_v,
                  rows_v, z_v, acc, sem_i, sem_g, sem_s):
    c = lax.axis_index("c")
    s = lax.axis_index("s")
    base_node = c * H

    _zero_acc(s, z_v, (acc,), DH)
    plsc.subcore_barrier()

    def blk(q, _):
        base = s * (CPT * CHUNK) + q * (NF * CHUNK)
        d_i = []
        for b in range(NF):
            d_i.append(pltpu.async_copy(
                ig_hbm.at[pl.ds(base + b * CHUNK, CHUNK)], ig_v.at[b], sem_i))
            d_i.append(pltpu.async_copy(
                is_hbm.at[pl.ds(base + b * CHUNK, CHUNK)], is_v.at[b], sem_i))
        for d in d_i:
            d.wait()
        d_g = []
        for b in range(NF):
            def ib(i, _):
                dd = is_v[b, pl.ds(i * 16, 16)]
                loc = dd - base_node
                ok = (loc >= 0) & (loc < H)
                tr = H + (loc & (TRASH - 1))
                il_v[b, pl.ds(i * 16, 16)] = jnp.where(ok, loc, tr)
                return 0
            lax.fori_loop(0, CHUNK // 16, ib, 0, unroll=True)
            d_g.append(pltpu.async_copy(tbl_hbm.at[ig_v.at[b]], rows_v.at[b],
                                        sem_g))
        d_s = []
        for b in range(NF):
            d_g[b].wait()
            d_s.append(pltpu.async_copy(rows_v.at[b], acc.at[il_v.at[b]],
                                        sem_s, add=True))
        for d in d_s:
            d.wait()
        return 0
    lax.fori_loop(0, NBLK, blk, 0)

    plsc.subcore_barrier()
    _copy_out(c, s, (acc,), (out_hbm,))


@jax.jit
def _seg_sum(tbl, idx_g, idx_s):
    return pl.kernel(
        _seg_sum_body,
        out_type=jax.ShapeDtypeStruct((N, DH), jnp.float32),
        mesh=_sc_mesh(),
        compiler_params=pltpu.CompilerParams(use_tc_tiling_on_sc=False),
        scratch_types=[
            pltpu.VMEM((NF, CHUNK), jnp.int32),
            pltpu.VMEM((NF, CHUNK), jnp.int32),
            pltpu.VMEM((NF, CHUNK), jnp.int32),
            pltpu.VMEM((NF, CHUNK, DH), jnp.float32),
            pltpu.VMEM((ZROWS, DH), jnp.float32),
            pltpu.VMEM_SHARED((ACC_ROWS, DH), jnp.float32),
            pltpu.SemaphoreType.DMA,
            pltpu.SemaphoreType.DMA,
            pltpu.SemaphoreType.DMA,
        ],
    )(tbl, idx_g, idx_s)


def _split_out(y, refs):
    yfl, yfh, ybl, ybh, yr = refs
    yfl[...] = y[:, 0 * DH:1 * DH]
    yfh[...] = y[:, 1 * DH:2 * DH]
    ybl[...] = y[:, 2 * DH:3 * DH]
    ybh[...] = y[:, 3 * DH:4 * DH]
    yr[...] = y[:, 4 * DH:]


def _enc_body(nf_ref, opc_ref, ope_ref, she_ref, w_ref, b_ref,
              *out_refs):
    nf = nf_ref[...]
    opc = opc_ref[0, 0, :]
    oh_op = (opc[:, None] == lax.broadcasted_iota(jnp.int32, (1, N_OPS), 1)
             ).astype(jnp.float32)
    xop = jnp.dot(oh_op, ope_ref[...], preferred_element_type=jnp.float32,
                  precision=_HI)
    sidx = nf[:, 139].astype(jnp.int32)
    oh_s = (sidx[:, None] == lax.broadcasted_iota(jnp.int32, (1, 8), 1)
            ).astype(jnp.float32)
    xsh = jnp.dot(oh_s, she_ref[...], preferred_element_type=jnp.float32,
                  precision=_HI)
    x = jnp.concatenate([nf[:, :139], xop, xsh], axis=1)
    y = jnp.dot(x, w_ref[...], preferred_element_type=jnp.float32,
                precision=_HI) + b_ref[...]
    _split_out(y, out_refs)


_YSPECS = ([pl.BlockSpec((R, DH), lambda i: (i, 0))] * 4
           + [pl.BlockSpec((R, D), lambda i: (i, 0))])
_YSHAPES = ([jax.ShapeDtypeStruct((N, DH), jnp.float32)] * 4
            + [jax.ShapeDtypeStruct((N, D), jnp.float32)])


def _encode_project(node_feat, opcode3, op_emb, shape_emb, wcat, bias):
    return pl.pallas_call(
        _enc_body,
        grid=(GRID,),
        in_specs=[
            pl.BlockSpec((R, 140), lambda i: (i, 0)),
            pl.BlockSpec((1, 1, R), lambda i: (i, 0, 0)),
            pl.BlockSpec((N_OPS, 8), lambda i: (0, 0)),
            pl.BlockSpec((8, 4), lambda i: (0, 0)),
            pl.BlockSpec((151, 3 * D), lambda i: (0, 0)),
            pl.BlockSpec((1, 3 * D), lambda i: (0, 0)),
        ],
        out_specs=list(_YSPECS),
        out_shape=list(_YSHAPES),
    )(node_feat, opcode3, op_emb, shape_emb, wcat, bias)


def _relu_x(afl, afh, abl, abh, cf_ref, cb_ref, yr_ref):
    rf = 1.0 / jnp.maximum(cf_ref[:, :1], 1.0)
    rb = 1.0 / jnp.maximum(cb_ref[:, :1], 1.0)
    af = jnp.concatenate([afl[...], afh[...]], axis=1)
    ab = jnp.concatenate([abl[...], abh[...]], axis=1)
    return jnp.maximum(af * rf + ab * rb + yr_ref[...], 0.0)


def _comb_body(afl, afh, abl, abh, cf_ref, cb_ref, yr_ref, w_ref, b_ref,
               *out_refs):
    x = _relu_x(afl, afh, abl, abh, cf_ref, cb_ref, yr_ref)
    y = jnp.dot(x, w_ref[...], preferred_element_type=jnp.float32,
                precision=_HI) + b_ref[...]
    _split_out(y, out_refs)


_AGGSPECS = ([pl.BlockSpec((R, DH), lambda i: (i, 0))] * 4
             + [pl.BlockSpec((R, CD), lambda i: (i, 0))] * 2
             + [pl.BlockSpec((R, D), lambda i: (i, 0))])


def _combine_project(aggs, cntf, cntb, yr, wcat, bias):
    return pl.pallas_call(
        _comb_body,
        grid=(GRID,),
        in_specs=list(_AGGSPECS) + [
            pl.BlockSpec((D, 3 * D), lambda i: (0, 0)),
            pl.BlockSpec((1, 3 * D), lambda i: (0, 0)),
        ],
        out_specs=list(_YSPECS),
        out_shape=list(_YSHAPES),
    )(*aggs, cntf, cntb, yr, wcat, bias)


def _head_body(afl, afh, abl, abh, cf_ref, cb_ref, yr_ref, bat_ref, cfg_ref,
               w1_ref, b1_ref, w2_ref, b2_ref, out_ref,
               ssum, smax, scnt):
    i = pl.program_id(0)

    @pl.when(i == 0)
    def _():
        ssum[...] = jnp.zeros((NG, D), jnp.float32)
        smax[...] = jnp.zeros((NG, D), jnp.float32)
        scnt[...] = jnp.zeros((NG, 1), jnp.float32)

    x = _relu_x(afl, afh, abl, abh, cf_ref, cb_ref, yr_ref)
    b = bat_ref[0, 0, :]
    oh = (b[:, None] == lax.broadcasted_iota(jnp.int32, (1, NG), 1)
          ).astype(jnp.float32)
    ssum[...] += lax.dot_general(oh, x, (((0,), (0,)), ((), ())),
                                 preferred_element_type=jnp.float32,
                                 precision=_HI)
    scnt[...] += lax.dot_general(oh, jnp.ones((R, 1), jnp.float32),
                                 (((0,), (0,)), ((), ())),
                                 preferred_element_type=jnp.float32,
                                 precision=_HI)
    for g in range(NG):
        m = jnp.where(b[:, None] == g, x, 0.0)
        smax[g:g + 1, :] = jnp.maximum(smax[g:g + 1, :],
                                       jnp.max(m, axis=0, keepdims=True))

    @pl.when(i == GRID - 1)
    def _():
        mean = ssum[...] / jnp.maximum(scnt[...], 1.0)
        gf = jnp.concatenate([mean, smax[...]], axis=1)
        hc = jnp.concatenate([gf, cfg_ref[...]], axis=1)
        h = jnp.maximum(jnp.dot(hc, w1_ref[...],
                                preferred_element_type=jnp.float32,
                                precision=_HI) + b1_ref[...], 0.0)
        out_ref[...] = jnp.dot(h, w2_ref[...],
                               preferred_element_type=jnp.float32,
                               precision=_HI) + b2_ref[...]


def _pool_head(aggs, cntf, cntb, yr, batch3, config_feat, w1, b1, w2, b2):
    return pl.pallas_call(
        _head_body,
        grid=(GRID,),
        in_specs=list(_AGGSPECS) + [
            pl.BlockSpec((1, 1, R), lambda i: (i, 0, 0)),
            pl.BlockSpec((NG, 24), lambda i: (0, 0)),
            pl.BlockSpec((2 * D + 24, D), lambda i: (0, 0)),
            pl.BlockSpec((1, D), lambda i: (0, 0)),
            pl.BlockSpec((D, 1), lambda i: (0, 0)),
            pl.BlockSpec((1, 1), lambda i: (0, 0)),
        ],
        out_specs=pl.BlockSpec((NG, 1), lambda i: (0, 0)),
        out_shape=jax.ShapeDtypeStruct((NG, 1), jnp.float32),
        scratch_shapes=[
            pltpu.VMEM((NG, D), jnp.float32),
            pltpu.VMEM((NG, D), jnp.float32),
            pltpu.VMEM((NG, 1), jnp.float32),
        ],
    )(*aggs, cntf, cntb, yr, batch3, config_feat, w1, b1, w2, b2)


def kernel(node_feat, node_opcode, edge_index, config_feat, n_configs, batch,
           params):
    src = edge_index[:, 0]
    dst = edge_index[:, 1]
    pad0 = jnp.zeros((E_PAD - E,), jnp.int32)
    padm = jnp.full((E_PAD - E,), -1, jnp.int32)
    src_g = jnp.concatenate([src, pad0])
    dst_g = jnp.concatenate([dst, pad0])
    src_s = jnp.concatenate([src, padm])
    dst_s = jnp.concatenate([dst, padm])

    opcode3 = node_opcode.reshape(GRID, 1, R)
    batch3 = batch.reshape(GRID, 1, R)

    wcats, biases = [], []
    for lyr in params['layers']:
        wcats.append(jnp.concatenate(
            [lyr['Wn_f'], lyr['Wn_b'], lyr['Wr_f'] + lyr['Wr_b']], axis=1))
        biases.append(jnp.concatenate(
            [jnp.zeros((2 * D,), jnp.float32), lyr['b_f'] + lyr['b_b']]
        ).reshape(1, 3 * D))

    cntf, cntb = _preprocess(src_s, dst_s)

    def agg4(ys):
        yfl, yfh, ybl, ybh = ys
        return (_seg_sum(yfl, src_g, dst_s), _seg_sum(yfh, src_g, dst_s),
                _seg_sum(ybl, dst_g, src_s), _seg_sum(ybh, dst_g, src_s))

    *ys, yr = _encode_project(node_feat, opcode3, params['op_emb'],
                              params['shape_emb'], wcats[0], biases[0])
    for l in (1, 2):
        aggs = agg4(ys)
        *ys, yr = _combine_project(aggs, cntf, cntb, yr, wcats[l], biases[l])
    aggs = agg4(ys)

    out = _pool_head(aggs, cntf, cntb, yr, batch3, config_feat,
                     params['W1'], params['b1'].reshape(1, D),
                     params['W2'], params['b2'].reshape(1, 1))
    return out[:, 0]

# --- scband reference (transcript-rebuilt; emitter-appended) ---
"""Pipeline reference for scband-late-join-gconv-13228499272261 (READ-ONLY COPY).

The authoritative reference and input builder live on the scoring server;
editing this copy changes nothing except your own understanding.
"""

import jax, jax.numpy as jnp
import numpy as np

N_NODES = 50000
N_EDGES = 800000
NODE_FEAT_DIM = 140
N_OPS = 120
CONFIG_FEAT_DIM = 24
N_GRAPHS = 16
OP_EMB_DIM = 8
SHAPE_EMB_DIM = 4
H_DIM = 64
N_LAYERS = 3
GNN_IN_DIM = NODE_FEAT_DIM - 1 + OP_EMB_DIM + SHAPE_EMB_DIM


def _init_params(key):
    ks = jax.random.split(key, 4 + 4 * N_LAYERS)
    p = {}
    p['op_emb'] = jax.random.normal(ks[0], (N_OPS, OP_EMB_DIM), dtype=jnp.float32) * 0.05
    p['shape_emb'] = jax.random.normal(ks[1], (8, SHAPE_EMB_DIM), dtype=jnp.float32) * 0.05
    layers = []
    i = 2
    for l in range(N_LAYERS):
        in_dim = GNN_IN_DIM if l == 0 else H_DIM
        s = 1.0 / np.sqrt(in_dim)
        layers.append({
            'Wn_f': jax.random.normal(ks[i + 0], (in_dim, H_DIM), dtype=jnp.float32) * s,
            'Wr_f': jax.random.normal(ks[i + 1], (in_dim, H_DIM), dtype=jnp.float32) * s,
            'b_f': jnp.zeros((H_DIM,), dtype=jnp.float32),
            'Wn_b': jax.random.normal(ks[i + 2], (in_dim, H_DIM), dtype=jnp.float32) * s,
            'Wr_b': jax.random.normal(ks[i + 3], (in_dim, H_DIM), dtype=jnp.float32) * s,
            'b_b': jnp.zeros((H_DIM,), dtype=jnp.float32),
        })
        i += 4
    p['layers'] = layers
    post_in = 2 * H_DIM + CONFIG_FEAT_DIM
    p['W1'] = jax.random.normal(ks[i], (post_in, H_DIM), dtype=jnp.float32) * (1.0 / np.sqrt(post_in))
    p['b1'] = jnp.zeros((H_DIM,), dtype=jnp.float32)
    p['W2'] = jax.random.normal(ks[i + 1], (H_DIM, 1), dtype=jnp.float32) * (1.0 / np.sqrt(H_DIM))
    p['b2'] = jnp.zeros((1,), dtype=jnp.float32)
    return p


def setup_inputs(seed: int = 0) -> dict:
    key = jax.random.key(seed)
    ks = jax.random.split(key, 10)
    node_feat = jax.random.uniform(ks[0], (N_NODES, NODE_FEAT_DIM), dtype=jnp.float32)
    shape_type = jax.random.randint(ks[1], (N_NODES,), 0, 8).astype(jnp.float32)
    node_feat = node_feat.at[:, -1].set(shape_type)
    node_opcode = jax.random.randint(ks[2], (N_NODES,), 0, N_OPS, dtype=jnp.int32)
    edge_index = jax.random.randint(ks[3], (N_EDGES, 2), 0, N_NODES, dtype=jnp.int32)
    batch = jnp.sort(jax.random.randint(ks[4], (N_NODES,), 0, N_GRAPHS, dtype=jnp.int32))
    n_configs = jnp.ones((N_GRAPHS,), dtype=jnp.int32)
    config_feat = jax.random.normal(ks[5], (N_GRAPHS, CONFIG_FEAT_DIM), dtype=jnp.float32)
    params = _init_params(ks[6])
    return {'node_feat': node_feat, 'node_opcode': node_opcode, 'edge_index': edge_index,
            'config_feat': config_feat, 'n_configs': n_configs, 'batch': batch, 'params': params}


def _sage(x, src, dst, Wn, Wr, b, n):
    msg = jnp.take(x, src, axis=0)
    agg = jax.ops.segment_sum(msg, dst, num_segments=n)
    cnt = jax.ops.segment_sum(jnp.ones((src.shape[0], 1), dtype=x.dtype), dst, num_segments=n)
    mean = agg / jnp.maximum(cnt, 1.0)
    return mean @ Wn + x @ Wr + b


def _forward(node_feat, config_feat, params, node_opcode, edge_index, batch, n_configs):
    n = node_feat.shape[0]
    x_op = jnp.take(params['op_emb'], node_opcode, axis=0)
    shape_idx = node_feat[:, -1].astype(jnp.int32)
    x_shape = jnp.take(params['shape_emb'], shape_idx, axis=0)
    x = jnp.concatenate([node_feat[:, :-1], x_op, x_shape], axis=-1)
    src = edge_index[:, 0]
    dst = edge_index[:, 1]
    for layer in params['layers']:
        h_f = _sage(x, src, dst, layer['Wn_f'], layer['Wr_f'], layer['b_f'], n)
        h_b = _sage(x, dst, src, layer['Wn_b'], layer['Wr_b'], layer['b_b'], n)
        x = jax.nn.relu(h_f + h_b)
    seg_sum = jax.ops.segment_sum(x, batch, num_segments=N_GRAPHS)
    seg_cnt = jax.ops.segment_sum(jnp.ones((n, 1), dtype=x.dtype), batch, num_segments=N_GRAPHS)
    x_avg = seg_sum / jnp.maximum(seg_cnt, 1.0)
    x_max = jax.ops.segment_max(x, batch, num_segments=N_GRAPHS)
    g = jnp.concatenate([x_avg, x_max], axis=-1)
    g = jnp.repeat(g, n_configs, axis=0, total_repeat_length=config_feat.shape[0])
    h = jnp.concatenate([g, config_feat], axis=-1)
    h = jax.nn.relu(h @ params['W1'] + params['b1'])
    out = (h @ params['W2'] + params['b2'])[:, 0]
    return out


def reference(node_feat, node_opcode, edge_index, config_feat, n_configs, batch, params):
    return _forward(node_feat, config_feat, params, node_opcode, edge_index, batch, n_configs)

if __name__ == "__main__":
    import jax
    _d = setup_inputs()
    print(jax.jit(kernel)(*tuple(_d.values())))

</pallas_src>

<mosaic_0001>
#map = affine_map<(d0, d1) -> (0)>
#map1 = affine_map<(d0, d1) -> (0, 0)>
module attributes {stable_mosaic.version = 14 : i64} {
  func.func @_prep_body(%arg0: i32, %arg1: i32, %arg2: memref<802816xi32, #tpu.memory_space<hbm>>, %arg3: memref<802816xi32, #tpu.memory_space<hbm>>, %arg4: memref<50000x16xf32, #tpu.memory_space<hbm>>, %arg5: memref<50000x16xf32, #tpu.memory_space<hbm>>, %arg6: memref<8x128xi32, #tpu.memory_space<vmem>>, %arg7: memref<8x128xi32, #tpu.memory_space<vmem>>, %arg8: memref<8x128xi32, #tpu.memory_space<vmem>>, %arg9: memref<128x16xf32, #tpu.memory_space<vmem>>, %arg10: memref<64x16xf32, #tpu.memory_space<vmem>>, %arg11: memref<25152x16xf32, #tpu.memory_space<vmem_shared>>, %arg12: memref<25152x16xf32, #tpu.memory_space<vmem_shared>>, %arg13: memref<!tpu.dma_semaphore, #tpu.memory_space<semaphore_mem>>, %arg14: memref<!tpu.dma_semaphore, #tpu.memory_space<semaphore_mem>>) attributes {dimension_semantics = [#tpu.dimension_semantics<core_parallel>, #tpu.dimension_semantics<subcore_parallel>], iteration_bounds = array<i64: 2, 16>, scalar_prefetch = 0 : i64, scratch_operands = 9 : i64, tpu.core_type = #tpu.core_type<sc_vector_subcore>, window_params = [{transform_indices = #map}, {transform_indices = #map}, {transform_indices = #map1}, {transform_indices = #map1}]} {
    %mul3A = arith.constant 25000 : i32
    %mul3A_0 = arith.muli %arg0, %mul3A : i32
    %scan3A = arith.constant 0 : i32
    %scan3A_1 = arith.constant 0 : i32
    %scan3A_2 = arith.constant 128 : i32
    %scan3A_3 = arith.addi %scan3A_1, %scan3A_2 : i32
    %scan3A_4 = arith.constant 1 : i32
    %scan3A_5 = scf.for %scan3A_39 = %scan3A_1 to %scan3A_3 step %scan3A_4 iter_args(%scan3A_40 = %scan3A) -> (i32)  : i32 {
      %broadcast_in_dim3A = arith.constant 1.000000e+00 : f32
      %broadcast_in_dim3A_41 = vector.broadcast %broadcast_in_dim3A : f32 to vector<16xf32>
      %swap3A = arith.index_cast %scan3A_39 : i32 to index
      %swap3A_42 = arith.constant 0 : index
      %swap3A_43 = tpu.vector_load %arg9[%swap3A, %swap3A_42] {strides = array<i32>} : memref<128x16xf32, #tpu.memory_space<vmem>>, vector<1x16xf32>,
      %swap3A_44 = vector.shape_cast %swap3A_43 : vector<1x16xf32> to vector<16xf32>
      %swap3A_45 = vector.shape_cast %broadcast_in_dim3A_41 : vector<16xf32> to vector<1x16xf32>
      tpu.vector_store %arg9[%swap3A, %swap3A_42], %swap3A_45 {strides = array<i32>} : memref<128x16xf32, #tpu.memory_space<vmem>>, vector<1x16xf32>,
      %lt3A_46 = arith.constant 64 : i32
      %lt3A_47 = arith.cmpi slt, %scan3A_39, %lt3A_46 : i32
      %convert_element_type3A_48 = arith.extui %lt3A_47 : i1 to i32
      %cond3A_49 = arith.constant 0 : i32
      %cond3A_50 = arith.cmpi ne, %convert_element_type3A_48, %cond3A_49 : i32
      scf.if %cond3A_50 {
        %broadcast_in_dim3A_52 = arith.constant 0.000000e+00 : f32
        %broadcast_in_dim3A_53 = vector.broadcast %broadcast_in_dim3A_52 : f32 to vector<16xf32>
        %swap3A_54 = arith.index_cast %scan3A_39 : i32 to index
        %swap3A_55 = arith.constant 0 : index
        %swap3A_56 = tpu.vector_load %arg10[%swap3A_54, %swap3A_55] {strides = array<i32>} : memref<64x16xf32, #tpu.memory_space<vmem>>, vector<1x16xf32>,
        %swap3A_57 = vector.shape_cast %swap3A_56 : vector<1x16xf32> to vector<16xf32>
        %swap3A_58 = vector.shape_cast %broadcast_in_dim3A_53 : vector<16xf32> to vector<1x16xf32>
        tpu.vector_store %arg10[%swap3A_54, %swap3A_55], %swap3A_58 {strides = array<i32>} : memref<64x16xf32, #tpu.memory_space<vmem>>, vector<1x16xf32>,
      } else {
      }
      %scan3A_51 = arith.constant 0 : i32
      scf.yield %scan3A_51 : i32
    }
    %scan3A_6 = arith.constant 128 : i32
    %scan3A_7 = arith.constant 0 : i32
    %scan3A_8 = arith.constant 0 : i32
    %scan3A_9 = arith.constant 25 : i32
    %scan3A_10 = arith.addi %scan3A_8, %scan3A_9 : i32
    %scan3A_11 = arith.constant 1 : i32
    %scan3A_12 = scf.for %scan3A_39 = %scan3A_8 to %scan3A_10 step %scan3A_11 iter_args(%scan3A_40 = %scan3A_7) -> (i32)  : i32 {
      %mul3A_41 = arith.constant 25 : i32
      %mul3A_42 = arith.muli %arg1, %mul3A_41 : i32
      %add3A_43 = arith.addi %mul3A_42, %scan3A_39 : i32
      %lt3A_44 = arith.constant 393 : i32
      %lt3A_45 = arith.cmpi slt, %add3A_43, %lt3A_44 : i32
      %convert_element_type3A_46 = arith.extui %lt3A_45 : i1 to i32
      %cond3A_47 = arith.constant 0 : i32
      %cond3A_48 = arith.cmpi ne, %convert_element_type3A_46, %cond3A_47 : i32
      scf.if %cond3A_48 {
        %mul3A_50 = arith.constant 64 : i32
        %mul3A_51 = arith.muli %add3A_43, %mul3A_50 : i32
        "tpu.region"() ({
          %run_scoped3A = tpu.sem_alloc : memref<!tpu.dma_semaphore, #tpu.memory_space<semaphore_mem>>
          %dma_start3A = arith.constant 0 : i32
          %dma_start3A_54 = tpu.memref_slice %arg11[%mul3A_51, %dma_start3A] : memref<25152x16xf32, #tpu.memory_space<vmem_shared>> -> memref<64x16xf32, #tpu.memory_space<vmem_shared>>
          %dma_start3A_55 = arith.constant 0 : i32
          %dma_start3A_56 = tpu.memref_slice %arg11[%mul3A_51, %dma_start3A_55] : memref<25152x16xf32, #tpu.memory_space<vmem_shared>> -> memref<64x16xf32, #tpu.memory_space<vmem_shared>>
          tpu.enqueue_dma source(%arg10 : memref<64x16xf32, #tpu.memory_space<vmem>>) target(%dma_start3A_56 : memref<64x16xf32, #tpu.memory_space<vmem_shared>>) target_semaphore(%run_scoped3A : memref<!tpu.dma_semaphore, #tpu.memory_space<semaphore_mem>>)
          %dma_wait3A = arith.constant 0 : i32
          %dma_wait3A_57 = tpu.memref_slice %arg11[%mul3A_51, %dma_wait3A] : memref<25152x16xf32, #tpu.memory_space<vmem_shared>> -> memref<64x16xf32, #tpu.memory_space<vmem_shared>>
          %dma_wait3A_58 = arith.constant 0 : i32
          %dma_wait3A_59 = tpu.memref_slice %arg11[%mul3A_51, %dma_wait3A_58] : memref<25152x16xf32, #tpu.memory_space<vmem_shared>> -> memref<64x16xf32, #tpu.memory_space<vmem_shared>>
          tpu.wait_dma2 semaphore(%run_scoped3A : memref<!tpu.dma_semaphore, #tpu.memory_space<semaphore_mem>>) src(%arg10 : memref<64x16xf32, #tpu.memory_space<vmem>>) dst(%dma_wait3A_59 : memref<64x16xf32, #tpu.memory_space<vmem_shared>>)
          tpu.yield
        }) : () -> ()
        %mul3A_52 = arith.constant 64 : i32
        %mul3A_53 = arith.muli %add3A_43, %mul3A_52 : i32
        "tpu.region"() ({
          %run_scoped3A = tpu.sem_alloc : memref<!tpu.dma_semaphore, #tpu.memory_space<semaphore_mem>>
          %dma_start3A = arith.constant 0 : i32
          %dma_start3A_54 = tpu.memref_slice %arg12[%mul3A_53, %dma_start3A] : memref<25152x16xf32, #tpu.memory_space<vmem_shared>> -> memref<64x16xf32, #tpu.memory_space<vmem_shared>>
          %dma_start3A_55 = arith.constant 0 : i32
          %dma_start3A_56 = tpu.memref_slice %arg12[%mul3A_53, %dma_start3A_55] : memref<25152x16xf32, #tpu.memory_space<vmem_shared>> -> memref<64x16xf32, #tpu.memory_space<vmem_shared>>
          tpu.enqueue_dma source(%arg10 : memref<64x16xf32, #tpu.memory_space<vmem>>) target(%dma_start3A_56 : memref<64x16xf32, #tpu.memory_space<vmem_shared>>) target_semaphore(%run_scoped3A : memref<!tpu.dma_semaphore, #tpu.memory_space<semaphore_mem>>)
          %dma_wait3A = arith.constant 0 : i32
          %dma_wait3A_57 = tpu.memref_slice %arg12[%mul3A_53, %dma_wait3A] : memref<25152x16xf32, #tpu.memory_space<vmem_shared>> -> memref<64x16xf32, #tpu.memory_space<vmem_shared>>
          %dma_wait3A_58 = arith.constant 0 : i32
          %dma_wait3A_59 = tpu.memref_slice %arg12[%mul3A_53, %dma_wait3A_58] : memref<25152x16xf32, #tpu.memory_space<vmem_shared>> -> memref<64x16xf32, #tpu.memory_space<vmem_shared>>
          tpu.wait_dma2 semaphore(%run_scoped3A : memref<!tpu.dma_semaphore, #tpu.memory_space<semaphore_mem>>) src(%arg10 : memref<64x16xf32, #tpu.memory_space<vmem>>) dst(%dma_wait3A_59 : memref<64x16xf32, #tpu.memory_space<vmem_shared>>)
          tpu.yield
        }) : () -> ()
      } else {
      }
      %scan3A_49 = arith.constant 0 : i32
      scf.yield %scan3A_49 : i32
    }
    %scan3A_13 = arith.constant 25 : i32
    %barrier3A = arith.constant 0 : index
    tpu.barrier barrier_id(%barrier3A)
    %scan3A_14 = arith.constant 0 : i32
    %scan3A_15 = arith.constant 0 : i32
    %scan3A_16 = arith.constant 49 : i32
    %scan3A_17 = arith.addi %scan3A_15, %scan3A_16 : i32
    %scan3A_18 = arith.constant 1 : i32
    %scan3A_19 = scf.for %scan3A_39 = %scan3A_15 to %scan3A_17 step %scan3A_18 iter_args(%scan3A_40 = %scan3A_14) -> (i32)  : i32 {
      %mul3A_41 = arith.constant 50176 : i32
      %mul3A_42 = arith.muli %arg1, %mul3A_41 : i32
      %mul3A_43 = arith.constant 1024 : i32
      %mul3A_44 = arith.muli %scan3A_39, %mul3A_43 : i32
      %add3A_45 = arith.addi %mul3A_42, %mul3A_44 : i32
      %add3A_46 = arith.constant 0 : i32
      %add3A_47 = arith.addi %add3A_45, %add3A_46 : i32
      %dma_start3A = arith.constant 0 : i32
      %dma_start3A_48 = arith.constant 0 : i32
      %dma_start3A_49 = tpu.memref_slice %arg6[%dma_start3A, %dma_start3A_48] : memref<8x128xi32, #tpu.memory_space<vmem>> -> memref<1x128xi32, #tpu.memory_space<vmem>>
      %dma_start3A_50 = tpu.memref_squeeze %dma_start3A_49 : memref<1x128xi32, #tpu.memory_space<vmem>> -> memref<128xi32, #tpu.memory_space<vmem>>
      %dma_start3A_51 = tpu.memref_slice %arg3[%add3A_47] : memref<802816xi32, #tpu.memory_space<hbm>> -> memref<128xi32, #tpu.memory_space<hbm>>
      %dma_start3A_52 = arith.constant 0 : i32
      %dma_start3A_53 = tpu.memref_slice %arg6[%dma_start3A, %dma_start3A_52] : memref<8x128xi32, #tpu.memory_space<vmem>> -> memref<1x128xi32, #tpu.memory_space<vmem>>
      %dma_start3A_54 = tpu.memref_squeeze %dma_start3A_53 : memref<1x128xi32, #tpu.memory_space<vmem>> -> memref<128xi32, #tpu.memory_space<vmem>>
      %dma_start3A_55 = tpu.memref_slice %arg3[%add3A_47] : memref<802816xi32, #tpu.memory_space<hbm>> -> memref<128xi32, #tpu.memory_space<hbm>>
      tpu.enqueue_dma source(%dma_start3A_55 : memref<128xi32, #tpu.memory_space<hbm>>) target(%dma_start3A_54 : memref<128xi32, #tpu.memory_space<vmem>>) target_semaphore(%arg13 : memref<!tpu.dma_semaphore, #tpu.memory_space<semaphore_mem>>)
      %add3A_56 = arith.constant 128 : i32
      %add3A_57 = arith.addi %add3A_45, %add3A_56 : i32
      %dma_start3A_58 = arith.constant 1 : i32
      %dma_start3A_59 = arith.constant 0 : i32
      %dma_start3A_60 = tpu.memref_slice %arg6[%dma_start3A_58, %dma_start3A_59] : memref<8x128xi32, #tpu.memory_space<vmem>> -> memref<1x128xi32, #tpu.memory_space<vmem>>
      %dma_start3A_61 = tpu.memref_squeeze %dma_start3A_60 : memref<1x128xi32, #tpu.memory_space<vmem>> -> memref<128xi32, #tpu.memory_space<vmem>>
      %dma_start3A_62 = tpu.memref_slice %arg3[%add3A_57] : memref<802816xi32, #tpu.memory_space<hbm>> -> memref<128xi32, #tpu.memory_space<hbm>>
      %dma_start3A_63 = arith.constant 0 : i32
      %dma_start3A_64 = tpu.memref_slice %arg6[%dma_start3A_58, %dma_start3A_63] : memref<8x128xi32, #tpu.memory_space<vmem>> -> memref<1x128xi32, #tpu.memory_space<vmem>>
      %dma_start3A_65 = tpu.memref_squeeze %dma_start3A_64 : memref<1x128xi32, #tpu.memory_space<vmem>> -> memref<128xi32, #tpu.memory_space<vmem>>
      %dma_start3A_66 = tpu.memref_slice %arg3[%add3A_57] : memref<802816xi32, #tpu.memory_space<hbm>> -> memref<128xi32, #tpu.memory_space<hbm>>
      tpu.enqueue_dma source(%dma_start3A_66 : memref<128xi32, #tpu.memory_space<hbm>>) target(%dma_start3A_65 : memref<128xi32, #tpu.memory_space<vmem>>) target_semaphore(%arg13 : memref<!tpu.dma_semaphore, #tpu.memory_space<semaphore_mem>>)
      %add3A_67 = arith.constant 256 : i32
      %add3A_68 = arith.addi %add3A_45, %add3A_67 : i32
      %dma_start3A_69 = arith.constant 2 : i32
      %dma_start3A_70 = arith.constant 0 : i32
      %dma_start3A_71 = tpu.memref_slice %arg6[%dma_start3A_69, %dma_start3A_70] : memref<8x128xi32, #tpu.memory_space<vmem>> -> memref<1x128xi32, #tpu.memory_space<vmem>>
      %dma_start3A_72 = tpu.memref_squeeze %dma_start3A_71 : memref<1x128xi32, #tpu.memory_space<vmem>> -> memref<128xi32, #tpu.memory_space<vmem>>
      %dma_start3A_73 = tpu.memref_slice %arg3[%add3A_68] : memref<802816xi32, #tpu.memory_space<hbm>> -> memref<128xi32, #tpu.memory_space<hbm>>
      %dma_start3A_74 = arith.constant 0 : i32
      %dma_start3A_75 = tpu.memref_slice %arg6[%dma_start3A_69, %dma_start3A_74] : memref<8x128xi32, #tpu.memory_space<vmem>> -> memref<1x128xi32, #tpu.memory_space<vmem>>
      %dma_start3A_76 = tpu.memref_squeeze %dma_start3A_75 : memref<1x128xi32, #tpu.memory_space<vmem>> -> memref<128xi32, #tpu.memory_space<vmem>>
      %dma_start3A_77 = tpu.memref_slice %arg3[%add3A_68] : memref<802816xi32, #tpu.memory_space<hbm>> -> memref<128xi32, #tpu.memory_space<hbm>>
      tpu.enqueue_dma source(%dma_start3A_77 : memref<128xi32, #tpu.memory_space<hbm>>) target(%dma_start3A_76 : memref<128xi32, #tpu.memory_space<vmem>>) target_semaphore(%arg13 : memref<!tpu.dma_semaphore, #tpu.memory_space<semaphore_mem>>)
      %add3A_78 = arith.constant 384 : i32
      %add3A_79 = arith.addi %add3A_45, %add3A_78 : i32
      %dma_start3A_80 = arith.constant 3 : i32
      %dma_start3A_81 = arith.constant 0 : i32
      %dma_start3A_82 = tpu.memref_slice %arg6[%dma_start3A_80, %dma_start3A_81] : memref<8x128xi32, #tpu.memory_space<vmem>> -> memref<1x128xi32, #tpu.memory_space<vmem>>
      %dma_start3A_83 = tpu.memref_squeeze %dma_start3A_82 : memref<1x128xi32, #tpu.memory_space<vmem>> -> memref<128xi32, #tpu.memory_space<vmem>>
      %dma_start3A_84 = tpu.memref_slice %arg3[%add3A_79] : memref<802816xi32, #tpu.memory_space<hbm>> -> memref<128xi32, #tpu.memory_space<hbm>>
      %dma_start3A_85 = arith.constant 0 : i32
      %dma_start3A_86 = tpu.memref_slice %arg6[%dma_start3A_80, %dma_start3A_85] : memref<8x128xi32, #tpu.memory_space<vmem>> -> memref<1x128xi32, #tpu.memory_space<vmem>>
      %dma_start3A_87 = tpu.memref_squeeze %dma_start3A_86 : memref<1x128xi32, #tpu.memory_space<vmem>> -> memref<128xi32, #tpu.memory_space<vmem>>
      %dma_start3A_88 = tpu.memref_slice %arg3[%add3A_79] : memref<802816xi32, #tpu.memory_space<hbm>> -> memref<128xi32, #tpu.memory_space<hbm>>
      tpu.enqueue_dma source(%dma_start3A_88 : memref<128xi32, #tpu.memory_space<hbm>>) target(%dma_start3A_87 : memref<128xi32, #tpu.memory_space<vmem>>) target_semaphore(%arg13 : memref<!tpu.dma_semaphore, #tpu.memory_space<semaphore_mem>>)
      %add3A_89 = arith.constant 512 : i32
      %add3A_90 = arith.addi %add3A_45, %add3A_89 : i32
      %dma_start3A_91 = arith.constant 4 : i32
      %dma_start3A_92 = arith.constant 0 : i32
      %dma_start3A_93 = tpu.memref_slice %arg6[%dma_start3A_91, %dma_start3A_92] : memref<8x128xi32, #tpu.memory_space<vmem>> -> memref<1x128xi32, #tpu.memory_space<vmem>>
      %dma_start3A_94 = tpu.memref_squeeze %dma_start3A_93 : memref<1x128xi32, #tpu.memory_space<vmem>> -> memref<128xi32, #tpu.memory_space<vmem>>
      %dma_start3A_95 = tpu.memref_slice %arg3[%add3A_90] : memref<802816xi32, #tpu.memory_space<hbm>> -> memref<128xi32, #tpu.memory_space<hbm>>
      %dma_start3A_96 = arith.constant 0 : i32
      %dma_start3A_97 = tpu.memref_slice %arg6[%dma_start3A_91, %dma_start3A_96] : memref<8x128xi32, #tpu.memory_space<vmem>> -> memref<1x128xi32, #tpu.memory_space<vmem>>
      %dma_start3A_98 = tpu.memref_squeeze %dma_start3A_97 : memref<1x128xi32, #tpu.memory_space<vmem>> -> memref<128xi32, #tpu.memory_space<vmem>>
      %dma_start3A_99 = tpu.memref_slice %arg3[%add3A_90] : memref<802816xi32, #tpu.memory_space<hbm>> -> memref<128xi32, #tpu.memory_space<hbm>>
      tpu.enqueue_dma source(%dma_start3A_99 : memref<128xi32, #tpu.memory_space<hbm>>) target(%dma_start3A_98 : memref<128xi32, #tpu.memory_space<vmem>>) target_semaphore(%arg13 : memref<!tpu.dma_semaphore, #tpu.memory_space<semaphore_mem>>)
      %add3A_100 = arith.constant 640 : i32
      %add3A_101 = arith.addi %add3A_45, %add3A_100 : i32
      %dma_start3A_102 = arith.constant 5 : i32
      %dma_start3A_103 = arith.constant 0 : i32
      %dma_start3A_104 = tpu.memref_slice %arg6[%dma_start3A_102, %dma_start3A_103] : memref<8x128xi32, #tpu.memory_space<vmem>> -> memref<1x128xi32, #tpu.memory_space<vmem>>
      %dma_start3A_105 = tpu.memref_squeeze %dma_start3A_104 : memref<1x128xi32, #tpu.memory_space<vmem>> -> memref<128xi32, #tpu.memory_space<vmem>>
      %dma_start3A_106 = tpu.memref_slice %arg3[%add3A_101] : memref<802816xi32, #tpu.memory_space<hbm>> -> memref<128xi32, #tpu.memory_space<hbm>>
      %dma_start3A_107 = arith.constant 0 : i32
      %dma_start3A_108 = tpu.memref_slice %arg6[%dma_start3A_102, %dma_start3A_107] : memref<8x128xi32, #tpu.memory_space<vmem>> -> memref<1x128xi32, #tpu.memory_space<vmem>>
      %dma_start3A_109 = tpu.memref_squeeze %dma_start3A_108 : memref<1x128xi32, #tpu.memory_space<vmem>> -> memref<128xi32, #tpu.memory_space<vmem>>
      %dma_start3A_110 = tpu.memref_slice %arg3[%add3A_101] : memref<802816xi32, #tpu.memory_space<hbm>> -> memref<128xi32, #tpu.memory_space<hbm>>
      tpu.enqueue_dma source(%dma_start3A_110 : memref<128xi32, #tpu.memory_space<hbm>>) target(%dma_start3A_109 : memref<128xi32, #tpu.memory_space<vmem>>) target_semaphore(%arg13 : memref<!tpu.dma_semaphore, #tpu.memory_space<semaphore_mem>>)
      %add3A_111 = arith.constant 768 : i32
      %add3A_112 = arith.addi %add3A_45, %add3A_111 : i32
      %dma_start3A_113 = arith.constant 6 : i32
      %dma_start3A_114 = arith.constant 0 : i32
      %dma_start3A_115 = tpu.memref_slice %arg6[%dma_start3A_113, %dma_start3A_114] : memref<8x128xi32, #tpu.memory_space<vmem>> -> memref<1x128xi32, #tpu.memory_space<vmem>>
      %dma_start3A_116 = tpu.memref_squeeze %dma_start3A_115 : memref<1x128xi32, #tpu.memory_space<vmem>> -> memref<128xi32, #tpu.memory_space<vmem>>
      %dma_start3A_117 = tpu.memref_slice %arg3[%add3A_112] : memref<802816xi32, #tpu.memory_space<hbm>> -> memref<128xi32, #tpu.memory_space<hbm>>
      %dma_start3A_118 = arith.constant 0 : i32
      %dma_start3A_119 = tpu.memref_slice %arg6[%dma_start3A_113, %dma_start3A_118] : memref<8x128xi32, #tpu.memory_space<vmem>> -> memref<1x128xi32, #tpu.memory_space<vmem>>
      %dma_start3A_120 = tpu.memref_squeeze %dma_start3A_119 : memref<1x128xi32, #tpu.memory_space<vmem>> -> memref<128xi32, #tpu.memory_space<vmem>>
      %dma_start3A_121 = tpu.memref_slice %arg3[%add3A_112] : memref<802816xi32, #tpu.memory_space<hbm>> -> memref<128xi32, #tpu.memory_space<hbm>>
      tpu.enqueue_dma source(%dma_start3A_121 : memref<128xi32, #tpu.memory_space<hbm>>) target(%dma_start3A_120 : memref<128xi32, #tpu.memory_space<vmem>>) target_semaphore(%arg13 : memref<!tpu.dma_semaphore, #tpu.memory_space<semaphore_mem>>)
      %add3A_122 = arith.constant 896 : i32
      %add3A_123 = arith.addi %add3A_45, %add3A_122 : i32
      %dma_start3A_124 = arith.constant 7 : i32
      %dma_start3A_125 = arith.constant 0 : i32
      %dma_start3A_126 = tpu.memref_slice %arg6[%dma_start3A_124, %dma_start3A_125] : memref<8x128xi32, #tpu.memory_space<vmem>> -> memref<1x128xi32, #tpu.memory_space<vmem>>
      %dma_start3A_127 = tpu.memref_squeeze %dma_start3A_126 : memref<1x128xi32, #tpu.memory_space<vmem>> -> memref<128xi32, #tpu.memory_space<vmem>>
      %dma_start3A_128 = tpu.memref_slice %arg3[%add3A_123] : memref<802816xi32, #tpu.memory_space<hbm>> -> memref<128xi32, #tpu.memory_space<hbm>>
      %dma_start3A_129 = arith.constant 0 : i32
      %dma_start3A_130 = tpu.memref_slice %arg6[%dma_start3A_124, %dma_start3A_129] : memref<8x128xi32, #tpu.memory_space<vmem>> -> memref<1x128xi32, #tpu.memory_space<vmem>>
      %dma_start3A_131 = tpu.memref_squeeze %dma_start3A_130 : memref<1x128xi32, #tpu.memory_space<vmem>> -> memref<128xi32, #tpu.memory_space<vmem>>
      %dma_start3A_132 = tpu.memref_slice %arg3[%add3A_123] : memref<802816xi32, #tpu.memory_space<hbm>> -> memref<128xi32, #tpu.memory_space<hbm>>
      tpu.enqueue_dma source(%dma_start3A_132 : memref<128xi32, #tpu.memory_space<hbm>>) target(%dma_start3A_131 : memref<128xi32, #tpu.memory_space<vmem>>) target_semaphore(%arg13 : memref<!tpu.dma_semaphore, #tpu.memory_space<semaphore_mem>>)
      %dma_wait3A = arith.constant 0 : i32
      %dma_wait3A_133 = arith.constant 0 : i32
      %dma_wait3A_134 = tpu.memref_slice %arg6[%dma_wait3A, %dma_wait3A_133] : memref<8x128xi32, #tpu.memory_space<vmem>> -> memref<1x128xi32, #tpu.memory_space<vmem>>
      %dma_wait3A_135 = tpu.memref_squeeze %dma_wait3A_134 : memref<1x128xi32, #tpu.memory_space<vmem>> -> memref<128xi32, #tpu.memory_space<vmem>>
      %dma_wait3A_136 = tpu.memref_slice %arg3[%add3A_47] : memref<802816xi32, #tpu.memory_space<hbm>> -> memref<128xi32, #tpu.memory_space<hbm>>
      %dma_wait3A_137 = arith.constant 0 : i32
      %dma_wait3A_138 = tpu.memref_slice %arg6[%dma_wait3A, %dma_wait3A_137] : memref<8x128xi32, #tpu.memory_space<vmem>> -> memref<1x128xi32, #tpu.memory_space<vmem>>
      %dma_wait3A_139 = tpu.memref_squeeze %dma_wait3A_138 : memref<1x128xi32, #tpu.memory_space<vmem>> -> memref<128xi32, #tpu.memory_space<vmem>>
      %dma_wait3A_140 = tpu.memref_slice %arg3[%add3A_47] : memref<802816xi32, #tpu.memory_space<hbm>> -> memref<128xi32, #tpu.memory_space<hbm>>
      tpu.wait_dma2 semaphore(%arg13 : memref<!tpu.dma_semaphore, #tpu.memory_space<semaphore_mem>>) src(%dma_wait3A_140 : memref<128xi32, #tpu.memory_space<hbm>>) dst(%dma_wait3A_139 : memref<128xi32, #tpu.memory_space<vmem>>)
      %dma_wait3A_141 = arith.constant 1 : i32
      %dma_wait3A_142 = arith.constant 0 : i32
      %dma_wait3A_143 = tpu.memref_slice %arg6[%dma_wait3A_141, %dma_wait3A_142] : memref<8x128xi32, #tpu.memory_space<vmem>> -> memref<1x128xi32, #tpu.memory_space<vmem>>
      %dma_wait3A_144 = tpu.memref_squeeze %dma_wait3A_143 : memref<1x128xi32, #tpu.memory_space<vmem>> -> memref<128xi32, #tpu.memory_space<vmem>>
      %dma_wait3A_145 = tpu.memref_slice %arg3[%add3A_57] : memref<802816xi32, #tpu.memory_space<hbm>> -> memref<128xi32, #tpu.memory_space<hbm>>
      %dma_wait3A_146 = arith.constant 0 : i32
      %dma_wait3A_147 = tpu.memref_slice %arg6[%dma_wait3A_141, %dma_wait3A_146] : memref<8x128xi32, #tpu.memory_space<vmem>> -> memref<1x128xi32, #tpu.memory_space<vmem>>
      %dma_wait3A_148 = tpu.memref_squeeze %dma_wait3A_147 : memref<1x128xi32, #tpu.memory_space<vmem>> -> memref<128xi32, #tpu.memory_space<vmem>>
      %dma_wait3A_149 = tpu.memref_slice %arg3[%add3A_57] : memref<802816xi32, #tpu.memory_space<hbm>> -> memref<128xi32, #tpu.memory_space<hbm>>
      tpu.wait_dma2 semaphore(%arg13 : memref<!tpu.dma_semaphore, #tpu.memory_space<semaphore_mem>>) src(%dma_wait3A_149 : memref<128xi32, #tpu.memory_space<hbm>>) dst(%dma_wait3A_148 : memref<128xi32, #tpu.memory_space<vmem>>)
      %dma_wait3A_150 = arith.constant 2 : i32
      %dma_wait3A_151 = arith.constant 0 : i32
      %dma_wait3A_152 = tpu.memref_slice %arg6[%dma_wait3A_150, %dma_wait3A_151] : memref<8x128xi32, #tpu.memory_space<vmem>> -> memref<1x128xi32, #tpu.memory_space<vmem>>
      %dma_wait3A_153 = tpu.memref_squeeze %dma_wait3A_152 : memref<1x128xi32, #tpu.memory_space<vmem>> -> memref<128xi32, #tpu.memory_space<vmem>>
      %dma_wait3A_154 = tpu.memref_slice %arg3[%add3A_68] : memref<802816xi32, #tpu.memory_space<hbm>> -> memref<128xi32, #tpu.memory_space<hbm>>
      %dma_wait3A_155 = arith.constant 0 : i32
      %dma_wait3A_156 = tpu.memref_slice %arg6[%dma_wait3A_150, %dma_wait3A_155] : memref<8x128xi32, #tpu.memory_space<vmem>> -> memref<1x128xi32, #tpu.memory_space<vmem>>
      %dma_wait3A_157 = tpu.memref_squeeze %dma_wait3A_156 : memref<1x128xi32, #tpu.memory_space<vmem>> -> memref<128xi32, #tpu.memory_space<vmem>>
      %dma_wait3A_158 = tpu.memref_slice %arg3[%add3A_68] : memref<802816xi32, #tpu.memory_space<hbm>> -> memref<128xi32, #tpu.memory_space<hbm>>
      tpu.wait_dma2 semaphore(%arg13 : memref<!tpu.dma_semaphore, #tpu.memory_space<semaphore_mem>>) src(%dma_wait3A_158 : memref<128xi32, #tpu.memory_space<hbm>>) dst(%dma_wait3A_157 : memref<128xi32, #tpu.memory_space<vmem>>)
      %dma_wait3A_159 = arith.constant 3 : i32
      %dma_wait3A_160 = arith.constant 0 : i32
      %dma_wait3A_161 = tpu.memref_slice %arg6[%dma_wait3A_159, %dma_wait3A_160] : memref<8x128xi32, #tpu.memory_space<vmem>> -> memref<1x128xi32, #tpu.memory_space<vmem>>
      %dma_wait3A_162 = tpu.memref_squeeze %dma_wait3A_161 : memref<1x128xi32, #tpu.memory_space<vmem>> -> memref<128xi32, #tpu.memory_space<vmem>>
      %dma_wait3A_163 = tpu.memref_slice %arg3[%add3A_79] : memref<802816xi32, #tpu.memory_space<hbm>> -> memref<128xi32, #tpu.memory_space<hbm>>
      %dma_wait3A_164 = arith.constant 0 : i32
      %dma_wait3A_165 = tpu.memref_slice %arg6[%dma_wait3A_159, %dma_wait3A_164] : memref<8x128xi32, #tpu.memory_space<vmem>> -> memref<1x128xi32, #tpu.memory_space<vmem>>
      %dma_wait3A_166 = tpu.memref_squeeze %dma_wait3A_165 : memref<1x128xi32, #tpu.memory_space<vmem>> -> memref<128xi32, #tpu.memory_space<vmem>>
      %dma_wait3A_167 = tpu.memref_slice %arg3[%add3A_79] : memref<802816xi32, #tpu.memory_space<hbm>> -> memref<128xi32, #tpu.memory_space<hbm>>
      tpu.wait_dma2 semaphore(%arg13 : memref<!tpu.dma_semaphore, #tpu.memory_space<semaphore_mem>>) src(%dma_wait3A_167 : memref<128xi32, #tpu.memory_space<hbm>>) dst(%dma_wait3A_166 : memref<128xi32, #tpu.memory_space<vmem>>)
      %dma_wait3A_168 = arith.constant 4 : i32
      %dma_wait3A_169 = arith.constant 0 : i32
      %dma_wait3A_170 = tpu.memref_slice %arg6[%dma_wait3A_168, %dma_wait3A_169] : memref<8x128xi32, #tpu.memory_space<vmem>> -> memref<1x128xi32, #tpu.memory_space<vmem>>
      %dma_wait3A_171 = tpu.memref_squeeze %dma_wait3A_170 : memref<1x128xi32, #tpu.memory_space<vmem>> -> memref<128xi32, #tpu.memory_space<vmem>>
      %dma_wait3A_172 = tpu.memref_slice %arg3[%add3A_90] : memref<802816xi32, #tpu.memory_space<hbm>> -> memref<128xi32, #tpu.memory_space<hbm>>
      %dma_wait3A_173 = arith.constant 0 : i32
      %dma_wait3A_174 = tpu.memref_slice %arg6[%dma_wait3A_168, %dma_wait3A_173] : memref<8x128xi32, #tpu.memory_space<vmem>> -> memref<1x128xi32, #tpu.memory_space<vmem>>
      %dma_wait3A_175 = tpu.memref_squeeze %dma_wait3A_174 : memref<1x128xi32, #tpu.memory_space<vmem>> -> memref<128xi32, #tpu.memory_space<vmem>>
      %dma_wait3A_176 = tpu.memref_slice %arg3[%add3A_90] : memref<802816xi32, #tpu.memory_space<hbm>> -> memref<128xi32, #tpu.memory_space<hbm>>
      tpu.wait_dma2 semaphore(%arg13 : memref<!tpu.dma_semaphore, #tpu.memory_space<semaphore_mem>>) src(%dma_wait3A_176 : memref<128xi32, #tpu.memory_space<hbm>>) dst(%dma_wait3A_175 : memref<128xi32, #tpu.memory_space<vmem>>)
      %dma_wait3A_177 = arith.constant 5 : i32
      %dma_wait3A_178 = arith.constant 0 : i32
      %dma_wait3A_179 = tpu.memref_slice %arg6[%dma_wait3A_177, %dma_wait3A_178] : memref<8x128xi32, #tpu.memory_space<vmem>> -> memref<1x128xi32, #tpu.memory_space<vmem>>
      %dma_wait3A_180 = tpu.memref_squeeze %dma_wait3A_179 : memref<1x128xi32, #tpu.memory_space<vmem>> -> memref<128xi32, #tpu.memory_space<vmem>>
      %dma_wait3A_181 = tpu.memref_slice %arg3[%add3A_101] : memref<802816xi32, #tpu.memory_space<hbm>> -> memref<128xi32, #tpu.memory_space<hbm>>
      %dma_wait3A_182 = arith.constant 0 : i32
      %dma_wait3A_183 = tpu.memref_slice %arg6[%dma_wait3A_177, %dma_wait3A_182] : memref<8x128xi32, #tpu.memory_space<vmem>> -> memref<1x128xi32, #tpu.memory_space<vmem>>
      %dma_wait3A_184 = tpu.memref_squeeze %dma_wait3A_183 : memref<1x128xi32, #tpu.memory_space<vmem>> -> memref<128xi32, #tpu.memory_space<vmem>>
      %dma_wait3A_185 = tpu.memref_slice %arg3[%add3A_101] : memref<802816xi32, #tpu.memory_space<hbm>> -> memref<128xi32, #tpu.memory_space<hbm>>
      tpu.wait_dma2 semaphore(%arg13 : memref<!tpu.dma_semaphore, #tpu.memory_space<semaphore_mem>>) src(%dma_wait3A_185 : memref<128xi32, #tpu.memory_space<hbm>>) dst(%dma_wait3A_184 : memref<128xi32, #tpu.memory_space<vmem>>)
      %dma_wait3A_186 = arith.constant 6 : i32
      %dma_wait3A_187 = arith.constant 0 : i32
      %dma_wait3A_188 = tpu.memref_slice %arg6[%dma_wait3A_186, %dma_wait3A_187] : memref<8x128xi32, #tpu.memory_space<vmem>> -> memref<1x128xi32, #tpu.memory_space<vmem>>
      %dma_wait3A_189 = tpu.memref_squeeze %dma_wait3A_188 : memref<1x128xi32, #tpu.memory_space<vmem>> -> memref<128xi32, #tpu.memory_space<vmem>>
      %dma_wait3A_190 = tpu.memref_slice %arg3[%add3A_112] : memref<802816xi32, #tpu.memory_space<hbm>> -> memref<128xi32, #tpu.memory_space<hbm>>
      %dma_wait3A_191 = arith.constant 0 : i32
      %dma_wait3A_192 = tpu.memref_slice %arg6[%dma_wait3A_186, %dma_wait3A_191] : memref<8x128xi32, #tpu.memory_space<vmem>> -> memref<1x128xi32, #tpu.memory_space<vmem>>
      %dma_wait3A_193 = tpu.memref_squeeze %dma_wait3A_192 : memref<1x128xi32, #tpu.memory_space<vmem>> -> memref<128xi32, #tpu.memory_space<vmem>>
      %dma_wait3A_194 = tpu.memref_slice %arg3[%add3A_112] : memref<802816xi32, #tpu.memory_space<hbm>> -> memref<128xi32, #tpu.memory_space<hbm>>
      tpu.wait_dma2 semaphore(%arg13 : memref<!tpu.dma_semaphore, #tpu.memory_space<semaphore_mem>>) src(%dma_wait3A_194 : memref<128xi32, #tpu.memory_space<hbm>>) dst(%dma_wait3A_193 : memref<128xi32, #tpu.memory_space<vmem>>)
      %dma_wait3A_195 = arith.constant 7 : i32
      %dma_wait3A_196 = arith.constant 0 : i32
      %dma_wait3A_197 = tpu.memref_slice %arg6[%dma_wait3A_195, %dma_wait3A_196] : memref<8x128xi32, #tpu.memory_space<vmem>> -> memref<1x128xi32, #tpu.memory_space<vmem>>
      %dma_wait3A_198 = tpu.memref_squeeze %dma_wait3A_197 : memref<1x128xi32, #tpu.memory_space<vmem>> -> memref<128xi32, #tpu.memory_space<vmem>>
      %dma_wait3A_199 = tpu.memref_slice %arg3[%add3A_123] : memref<802816xi32, #tpu.memory_space<hbm>> -> memref<128xi32, #tpu.memory_space<hbm>>
      %dma_wait3A_200 = arith.constant 0 : i32
      %dma_wait3A_201 = tpu.memref_slice %arg6[%dma_wait3A_195, %dma_wait3A_200] : memref<8x128xi32, #tpu.memory_space<vmem>> -> memref<1x128xi32, #tpu.memory_space<vmem>>
      %dma_wait3A_202 = tpu.memref_squeeze %dma_wait3A_201 : memref<1x128xi32, #tpu.memory_space<vmem>> -> memref<128xi32, #tpu.memory_space<vmem>>
      %dma_wait3A_203 = tpu.memref_slice %arg3[%add3A_123] : memref<802816xi32, #tpu.memory_space<hbm>> -> memref<128xi32, #tpu.memory_space<hbm>>
      tpu.wait_dma2 semaphore(%arg13 : memref<!tpu.dma_semaphore, #tpu.memory_space<semaphore_mem>>) src(%dma_wait3A_203 : memref<128xi32, #tpu.memory_space<hbm>>) dst(%dma_wait3A_202 : memref<128xi32, #tpu.memory_space<vmem>>)
      %scan3A_204 = arith.constant 0 : i32
      %scan3A_205 = arith.constant 0 : i32
      %mul3A_206 = arith.constant 16 : i32
      %mul3A_207 = arith.muli %scan3A_205, %mul3A_206 : i32
      %get3A = arith.constant 0 : i32
      %get3A_208 = arith.index_cast %get3A : i32 to index
      %get3A_209 = arith.index_cast %mul3A_207 : i32 to index
      %get3A_210 = tpu.vector_load %arg6[%get3A_208, %get3A_209] {strides = array<i32>} : memref<8x128xi32, #tpu.memory_space<vmem>>, vector<1x16xi32>,
      %get3A_211 = vector.shape_cast %get3A_210 : vector<1x16xi32> to vector<16xi32>
      %sub3A = vector.broadcast %mul3A_0 : i32 to vector<16xi32>
      %sub3A_212 = arith.subi %get3A_211, %sub3A : vector<16xi32>
      %ge3A = arith.constant 0 : i32
      %ge3A_213 = vector.broadcast %ge3A : i32 to vector<16xi32>
      %ge3A_214 = arith.cmpi sge, %sub3A_212, %ge3A_213 : vector<16xi32>
      %lt3A_215 = arith.constant 25000 : i32
      %lt3A_216 = vector.broadcast %lt3A_215 : i32 to vector<16xi32>
      %lt3A_217 = arith.cmpi slt, %sub3A_212, %lt3A_216 : vector<16xi32>
      %and3A = arith.andi %ge3A_214, %lt3A_217 : vector<16xi1>
      %and3A_218 = arith.constant 127 : i32
      %and3A_219 = vector.broadcast %and3A_218 : i32 to vector<16xi32>
      %and3A_220 = arith.andi %sub3A_212, %and3A_219 : vector<16xi32>
      %add3A_221 = arith.constant 25000 : i32
      %add3A_222 = vector.broadcast %add3A_221 : i32 to vector<16xi32>
      %add3A_223 = arith.addi %add3A_222, %and3A_220 : vector<16xi32>
      %select_n3A = arith.select %and3A, %sub3A_212, %add3A_223 : vector<16xi1>, vector<16xi32>
      %mul3A_224 = arith.constant 16 : i32
      %mul3A_225 = arith.muli %scan3A_205, %mul3A_224 : i32
      %swap3A = arith.constant 0 : i32
      %swap3A_226 = arith.index_cast %swap3A : i32 to index
      %swap3A_227 = arith.index_cast %mul3A_225 : i32 to index
      %swap3A_228 = tpu.vector_load %arg8[%swap3A_226, %swap3A_227] {strides = array<i32>} : memref<8x128xi32, #tpu.memory_space<vmem>>, vector<1x16xi32>,
      %swap3A_229 = vector.shape_cast %swap3A_228 : vector<1x16xi32> to vector<16xi32>
      %swap3A_230 = vector.shape_cast %select_n3A : vector<16xi32> to vector<1x16xi32>
      tpu.vector_store %arg8[%swap3A_226, %swap3A_227], %swap3A_230 {strides = array<i32>} : memref<8x128xi32, #tpu.memory_space<vmem>>, vector<1x16xi32>,
      %scan3A_231 = arith.constant 0 : i32
      %scan3A_232 = arith.constant 1 : i32
      %mul3A_233 = arith.constant 16 : i32
      %mul3A_234 = arith.muli %scan3A_232, %mul3A_233 : i32
      %get3A_235 = arith.constant 0 : i32
      %get3A_236 = arith.index_cast %get3A_235 : i32 to index
      %get3A_237 = arith.index_cast %mul3A_234 : i32 to index
      %get3A_238 = tpu.vector_load %arg6[%get3A_236, %get3A_237] {strides = array<i32>} : memref<8x128xi32, #tpu.memory_space<vmem>>, vector<1x16xi32>,
      %get3A_239 = vector.shape_cast %get3A_238 : vector<1x16xi32> to vector<16xi32>
      %sub3A_240 = vector.broadcast %mul3A_0 : i32 to vector<16xi32>
      %sub3A_241 = arith.subi %get3A_239, %sub3A_240 : vector<16xi32>
      %ge3A_242 = arith.constant 0 : i32
      %ge3A_243 = vector.broadcast %ge3A_242 : i32 to vector<16xi32>
      %ge3A_244 = arith.cmpi sge, %sub3A_241, %ge3A_243 : vector<16xi32>
      %lt3A_245 = arith.constant 25000 : i32
      %lt3A_246 = vector.broadcast %lt3A_245 : i32 to vector<16xi32>
      %lt3A_247 = arith.cmpi slt, %sub3A_241, %lt3A_246 : vector<16xi32>
      %and3A_248 = arith.andi %ge3A_244, %lt3A_247 : vector<16xi1>
      %and3A_249 = arith.constant 127 : i32
      %and3A_250 = vector.broadcast %and3A_249 : i32 to vector<16xi32>
      %and3A_251 = arith.andi %sub3A_241, %and3A_250 : vector<16xi32>
      %add3A_252 = arith.constant 25000 : i32
      %add3A_253 = vector.broadcast %add3A_252 : i32 to vector<16xi32>
      %add3A_254 = arith.addi %add3A_253, %and3A_251 : vector<16xi32>
      %select_n3A_255 = arith.select %and3A_248, %sub3A_241, %add3A_254 : vector<16xi1>, vector<16xi32>
      %mul3A_256 = arith.constant 16 : i32
      %mul3A_257 = arith.muli %scan3A_232, %mul3A_256 : i32
      %swap3A_258 = arith.constant 0 : i32
      %swap3A_259 = arith.index_cast %swap3A_258 : i32 to index
      %swap3A_260 = arith.index_cast %mul3A_257 : i32 to index
      %swap3A_261 = tpu.vector_load %arg8[%swap3A_259, %swap3A_260] {strides = array<i32>} : memref<8x128xi32, #tpu.memory_space<vmem>>, vector<1x16xi32>,
      %swap3A_262 = vector.shape_cast %swap3A_261 : vector<1x16xi32> to vector<16xi32>
      %swap3A_263 = vector.shape_cast %select_n3A_255 : vector<16xi32> to vector<1x16xi32>
      tpu.vector_store %arg8[%swap3A_259, %swap3A_260], %swap3A_263 {strides = array<i32>} : memref<8x128xi32, #tpu.memory_space<vmem>>, vector<1x16xi32>,
      %scan3A_264 = arith.constant 0 : i32
      %scan3A_265 = arith.constant 2 : i32
      %mul3A_266 = arith.constant 16 : i32
      %mul3A_267 = arith.muli %scan3A_265, %mul3A_266 : i32
      %get3A_268 = arith.constant 0 : i32
      %get3A_269 = arith.index_cast %get3A_268 : i32 to index
      %get3A_270 = arith.index_cast %mul3A_267 : i32 to index
      %get3A_271 = tpu.vector_load %arg6[%get3A_269, %get3A_270] {strides = array<i32>} : memref<8x128xi32, #tpu.memory_space<vmem>>, vector<1x16xi32>,
      %get3A_272 = vector.shape_cast %get3A_271 : vector<1x16xi32> to vector<16xi32>
      %sub3A_273 = vector.broadcast %mul3A_0 : i32 to vector<16xi32>
      %sub3A_274 = arith.subi %get3A_272, %sub3A_273 : vector<16xi32>
      %ge3A_275 = arith.constant 0 : i32
      %ge3A_276 = vector.broadcast %ge3A_275 : i32 to vector<16xi32>
      %ge3A_277 = arith.cmpi sge, %sub3A_274, %ge3A_276 : vector<16xi32>
      %lt3A_278 = arith.constant 25000 : i32
      %lt3A_279 = vector.broadcast %lt3A_278 : i32 to vector<16xi32>
      %lt3A_280 = arith.cmpi slt, %sub3A_274, %lt3A_279 : vector<16xi32>
      %and3A_281 = arith.andi %ge3A_277, %lt3A_280 : vector<16xi1>
      %and3A_282 = arith.constant 127 : i32
      %and3A_283 = vector.broadcast %and3A_282 : i32 to vector<16xi32>
      %and3A_284 = arith.andi %sub3A_274, %and3A_283 : vector<16xi32>
      %add3A_285 = arith.constant 25000 : i32
      %add3A_286 = vector.broadcast %add3A_285 : i32 to vector<16xi32>
      %add3A_287 = arith.addi %add3A_286, %and3A_284 : vector<16xi32>
      %select_n3A_288 = arith.select %and3A_281, %sub3A_274, %add3A_287 : vector<16xi1>, vector<16xi32>
      %mul3A_289 = arith.constant 16 : i32
      %mul3A_290 = arith.muli %scan3A_265, %mul3A_289 : i32
      %swap3A_291 = arith.constant 0 : i32
      %swap3A_292 = arith.index_cast %swap3A_291 : i32 to index
      %swap3A_293 = arith.index_cast %mul3A_290 : i32 to index
      %swap3A_294 = tpu.vector_load %arg8[%swap3A_292, %swap3A_293] {strides = array<i32>} : memref<8x128xi32, #tpu.memory_space<vmem>>, vector<1x16xi32>,
      %swap3A_295 = vector.shape_cast %swap3A_294 : vector<1x16xi32> to vector<16xi32>
      %swap3A_296 = vector.shape_cast %select_n3A_288 : vector<16xi32> to vector<1x16xi32>
      tpu.vector_store %arg8[%swap3A_292, %swap3A_293], %swap3A_296 {strides = array<i32>} : memref<8x128xi32, #tpu.memory_space<vmem>>, vector<1x16xi32>,
      %scan3A_297 = arith.constant 0 : i32
      %scan3A_298 = arith.constant 3 : i32
      %mul3A_299 = arith.constant 16 : i32
      %mul3A_300 = arith.muli %scan3A_298, %mul3A_299 : i32
      %get3A_301 = arith.constant 0 : i32
      %get3A_302 = arith.index_cast %get3A_301 : i32 to index
      %get3A_303 = arith.index_cast %mul3A_300 : i32 to index
      %get3A_304 = tpu.vector_load %arg6[%get3A_302, %get3A_303] {strides = array<i32>} : memref<8x128xi32, #tpu.memory_space<vmem>>, vector<1x16xi32>,
      %get3A_305 = vector.shape_cast %get3A_304 : vector<1x16xi32> to vector<16xi32>
      %sub3A_306 = vector.broadcast %mul3A_0 : i32 to vector<16xi32>
      %sub3A_307 = arith.subi %get3A_305, %sub3A_306 : vector<16xi32>
      %ge3A_308 = arith.constant 0 : i32
      %ge3A_309 = vector.broadcast %ge3A_308 : i32 to vector<16xi32>
      %ge3A_310 = arith.cmpi sge, %sub3A_307, %ge3A_309 : vector<16xi32>
      %lt3A_311 = arith.constant 25000 : i32
      %lt3A_312 = vector.broadcast %lt3A_311 : i32 to vector<16xi32>
      %lt3A_313 = arith.cmpi slt, %sub3A_307, %lt3A_312 : vector<16xi32>
      %and3A_314 = arith.andi %ge3A_310, %lt3A_313 : vector<16xi1>
      %and3A_315 = arith.constant 127 : i32
      %and3A_316 = vector.broadcast %and3A_315 : i32 to vector<16xi32>
      %and3A_317 = arith.andi %sub3A_307, %and3A_316 : vector<16xi32>
      %add3A_318 = arith.constant 25000 : i32
      %add3A_319 = vector.broadcast %add3A_318 : i32 to vector<16xi32>
      %add3A_320 = arith.addi %add3A_319, %and3A_317 : vector<16xi32>
      %select_n3A_321 = arith.select %and3A_314, %sub3A_307, %add3A_320 : vector<16xi1>, vector<16xi32>
      %mul3A_322 = arith.constant 16 : i32
      %mul3A_323 = arith.muli %scan3A_298, %mul3A_322 : i32
      %swap3A_324 = arith.constant 0 : i32
      %swap3A_325 = arith.index_cast %swap3A_324 : i32 to index
      %swap3A_326 = arith.index_cast %mul3A_323 : i32 to index
      %swap3A_327 = tpu.vector_load %arg8[%swap3A_325, %swap3A_326] {strides = array<i32>} : memref<8x128xi32, #tpu.memory_space<vmem>>, vector<1x16xi32>,
      %swap3A_328 = vector.shape_cast %swap3A_327 : vector<1x16xi32> to vector<16xi32>
      %swap3A_329 = vector.shape_cast %select_n3A_321 : vector<16xi32> to vector<1x16xi32>
      tpu.vector_store %arg8[%swap3A_325, %swap3A_326], %swap3A_329 {strides = array<i32>} : memref<8x128xi32, #tpu.memory_space<vmem>>, vector<1x16xi32>,
      %scan3A_330 = arith.constant 0 : i32
      %scan3A_331 = arith.constant 4 : i32
      %mul3A_332 = arith.constant 16 : i32
      %mul3A_333 = arith.muli %scan3A_331, %mul3A_332 : i32
      %get3A_334 = arith.constant 0 : i32
      %get3A_335 = arith.index_cast %get3A_334 : i32 to index
      %get3A_336 = arith.index_cast %mul3A_333 : i32 to index
      %get3A_337 = tpu.vector_load %arg6[%get3A_335, %get3A_336] {strides = array<i32>} : memref<8x128xi32, #tpu.memory_space<vmem>>, vector<1x16xi32>,
      %get3A_338 = vector.shape_cast %get3A_337 : vector<1x16xi32> to vector<16xi32>
      %sub3A_339 = vector.broadcast %mul3A_0 : i32 to vector<16xi32>
      %sub3A_340 = arith.subi %get3A_338, %sub3A_339 : vector<16xi32>
      %ge3A_341 = arith.constant 0 : i32
      %ge3A_342 = vector.broadcast %ge3A_341 : i32 to vector<16xi32>
      %ge3A_343 = arith.cmpi sge, %sub3A_340, %ge3A_342 : vector<16xi32>
      %lt3A_344 = arith.constant 25000 : i32
      %lt3A_345 = vector.broadcast %lt3A_344 : i32 to vector<16xi32>
      %lt3A_346 = arith.cmpi slt, %sub3A_340, %lt3A_345 : vector<16xi32>
      %and3A_347 = arith.andi %ge3A_343, %lt3A_346 : vector<16xi1>
      %and3A_348 = arith.constant 127 : i32
      %and3A_349 = vector.broadcast %and3A_348 : i32 to vector<16xi32>
      %and3A_350 = arith.andi %sub3A_340, %and3A_349 : vector<16xi32>
      %add3A_351 = arith.constant 25000 : i32
      %add3A_352 = vector.broadcast %add3A_351 : i32 to vector<16xi32>
      %add3A_353 = arith.addi %add3A_352, %and3A_350 : vector<16xi32>
      %select_n3A_354 = arith.select %and3A_347, %sub3A_340, %add3A_353 : vector<16xi1>, vector<16xi32>
      %mul3A_355 = arith.constant 16 : i32
      %mul3A_356 = arith.muli %scan3A_331, %mul3A_355 : i32
      %swap3A_357 = arith.constant 0 : i32
      %swap3A_358 = arith.index_cast %swap3A_357 : i32 to index
      %swap3A_359 = arith.index_cast %mul3A_356 : i32 to index
      %swap3A_360 = tpu.vector_load %arg8[%swap3A_358, %swap3A_359] {strides = array<i32>} : memref<8x128xi32, #tpu.memory_space<vmem>>, vector<1x16xi32>,
      %swap3A_361 = vector.shape_cast %swap3A_360 : vector<1x16xi32> to vector<16xi32>
      %swap3A_362 = vector.shape_cast %select_n3A_354 : vector<16xi32> to vector<1x16xi32>
      tpu.vector_store %arg8[%swap3A_358, %swap3A_359], %swap3A_362 {strides = array<i32>} : memref<8x128xi32, #tpu.memory_space<vmem>>, vector<1x16xi32>,
      %scan3A_363 = arith.constant 0 : i32
      %scan3A_364 = arith.constant 5 : i32
      %mul3A_365 = arith.constant 16 : i32
      %mul3A_366 = arith.muli %scan3A_364, %mul3A_365 : i32
      %get3A_367 = arith.constant 0 : i32
      %get3A_368 = arith.index_cast %get3A_367 : i32 to index
      %get3A_369 = arith.index_cast %mul3A_366 : i32 to index
      %get3A_370 = tpu.vector_load %arg6[%get3A_368, %get3A_369] {strides = array<i32>} : memref<8x128xi32, #tpu.memory_space<vmem>>, vector<1x16xi32>,
      %get3A_371 = vector.shape_cast %get3A_370 : vector<1x16xi32> to vector<16xi32>
      %sub3A_372 = vector.broadcast %mul3A_0 : i32 to vector<16xi32>
      %sub3A_373 = arith.subi %get3A_371, %sub3A_372 : vector<16xi32>
      %ge3A_374 = arith.constant 0 : i32
      %ge3A_375 = vector.broadcast %ge3A_374 : i32 to vector<16xi32>
      %ge3A_376 = arith.cmpi sge, %sub3A_373, %ge3A_375 : vector<16xi32>
      %lt3A_377 = arith.constant 25000 : i32
      %lt3A_378 = vector.broadcast %lt3A_377 : i32 to vector<16xi32>
      %lt3A_379 = arith.cmpi slt, %sub3A_373, %lt3A_378 : vector<16xi32>
      %and3A_380 = arith.andi %ge3A_376, %lt3A_379 : vector<16xi1>
      %and3A_381 = arith.constant 127 : i32
      %and3A_382 = vector.broadcast %and3A_381 : i32 to vector<16xi32>
      %and3A_383 = arith.andi %sub3A_373, %and3A_382 : vector<16xi32>
      %add3A_384 = arith.constant 25000 : i32
      %add3A_385 = vector.broadcast %add3A_384 : i32 to vector<16xi32>
      %add3A_386 = arith.addi %add3A_385, %and3A_383 : vector<16xi32>
      %select_n3A_387 = arith.select %and3A_380, %sub3A_373, %add3A_386 : vector<16xi1>, vector<16xi32>
      %mul3A_388 = arith.constant 16 : i32
      %mul3A_389 = arith.muli %scan3A_364, %mul3A_388 : i32
      %swap3A_390 = arith.constant 0 : i32
      %swap3A_391 = arith.index_cast %swap3A_390 : i32 to index
      %swap3A_392 = arith.index_cast %mul3A_389 : i32 to index
      %swap3A_393 = tpu.vector_load %arg8[%swap3A_391, %swap3A_392] {strides = array<i32>} : memref<8x128xi32, #tpu.memory_space<vmem>>, vector<1x16xi32>,
      %swap3A_394 = vector.shape_cast %swap3A_393 : vector<1x16xi32> to vector<16xi32>
      %swap3A_395 = vector.shape_cast %select_n3A_387 : vector<16xi32> to vector<1x16xi32>
      tpu.vector_store %arg8[%swap3A_391, %swap3A_392], %swap3A_395 {strides = array<i32>} : memref<8x128xi32, #tpu.memory_space<vmem>>, vector<1x16xi32>,
      %scan3A_396 = arith.constant 0 : i32
      %scan3A_397 = arith.constant 6 : i32
      %mul3A_398 = arith.constant 16 : i32
      %mul3A_399 = arith.muli %scan3A_397, %mul3A_398 : i32
      %get3A_400 = arith.constant 0 : i32
      %get3A_401 = arith.index_cast %get3A_400 : i32 to index
      %get3A_402 = arith.index_cast %mul3A_399 : i32 to index
      %get3A_403 = tpu.vector_load %arg6[%get3A_401, %get3A_402] {strides = array<i32>} : memref<8x128xi32, #tpu.memory_space<vmem>>, vector<1x16xi32>,
      %get3A_404 = vector.shape_cast %get3A_403 : vector<1x16xi32> to vector<16xi32>
      %sub3A_405 = vector.broadcast %mul3A_0 : i32 to vector<16xi32>
      %sub3A_406 = arith.subi %get3A_404, %sub3A_405 : vector<16xi32>
      %ge3A_407 = arith.constant 0 : i32
      %ge3A_408 = vector.broadcast %ge3A_407 : i32 to vector<16xi32>
      %ge3A_409 = arith.cmpi sge, %sub3A_406, %ge3A_408 : vector<16xi32>
      %lt3A_410 = arith.constant 25000 : i32
      %lt3A_411 = vector.broadcast %lt3A_410 : i32 to vector<16xi32>
      %lt3A_412 = arith.cmpi slt, %sub3A_406, %lt3A_411 : vector<16xi32>
      %and3A_413 = arith.andi %ge3A_409, %lt3A_412 : vector<16xi1>
      %and3A_414 = arith.constant 127 : i32
      %and3A_415 = vector.broadcast %and3A_414 : i32 to vector<16xi32>
      %and3A_416 = arith.andi %sub3A_406, %and3A_415 : vector<16xi32>
      %add3A_417 = arith.constant 25000 : i32
      %add3A_418 = vector.broadcast %add3A_417 : i32 to vector<16xi32>
      %add3A_419 = arith.addi %add3A_418, %and3A_416 : vector<16xi32>
      %select_n3A_420 = arith.select %and3A_413, %sub3A_406, %add3A_419 : vector<16xi1>, vector<16xi32>
      %mul3A_421 = arith.constant 16 : i32
      %mul3A_422 = arith.muli %scan3A_397, %mul3A_421 : i32
      %swap3A_423 = arith.constant 0 : i32
      %swap3A_424 = arith.index_cast %swap3A_423 : i32 to index
      %swap3A_425 = arith.index_cast %mul3A_422 : i32 to index
      %swap3A_426 = tpu.vector_load %arg8[%swap3A_424, %swap3A_425] {strides = array<i32>} : memref<8x128xi32, #tpu.memory_space<vmem>>, vector<1x16xi32>,
      %swap3A_427 = vector.shape_cast %swap3A_426 : vector<1x16xi32> to vector<16xi32>
      %swap3A_428 = vector.shape_cast %select_n3A_420 : vector<16xi32> to vector<1x16xi32>
      tpu.vector_store %arg8[%swap3A_424, %swap3A_425], %swap3A_428 {strides = array<i32>} : memref<8x128xi32, #tpu.memory_space<vmem>>, vector<1x16xi32>,
      %scan3A_429 = arith.constant 0 : i32
      %scan3A_430 = arith.constant 7 : i32
      %mul3A_431 = arith.constant 16 : i32
      %mul3A_432 = arith.muli %scan3A_430, %mul3A_431 : i32
      %get3A_433 = arith.constant 0 : i32
      %get3A_434 = arith.index_cast %get3A_433 : i32 to index
      %get3A_435 = arith.index_cast %mul3A_432 : i32 to index
      %get3A_436 = tpu.vector_load %arg6[%get3A_434, %get3A_435] {strides = array<i32>} : memref<8x128xi32, #tpu.memory_space<vmem>>, vector<1x16xi32>,
      %get3A_437 = vector.shape_cast %get3A_436 : vector<1x16xi32> to vector<16xi32>
      %sub3A_438 = vector.broadcast %mul3A_0 : i32 to vector<16xi32>
      %sub3A_439 = arith.subi %get3A_437, %sub3A_438 : vector<16xi32>
      %ge3A_440 = arith.constant 0 : i32
      %ge3A_441 = vector.broadcast %ge3A_440 : i32 to vector<16xi32>
      %ge3A_442 = arith.cmpi sge, %sub3A_439, %ge3A_441 : vector<16xi32>
      %lt3A_443 = arith.constant 25000 : i32
      %lt3A_444 = vector.broadcast %lt3A_443 : i32 to vector<16xi32>
      %lt3A_445 = arith.cmpi slt, %sub3A_439, %lt3A_444 : vector<16xi32>
      %and3A_446 = arith.andi %ge3A_442, %lt3A_445 : vector<16xi1>
      %and3A_447 = arith.constant 127 : i32
      %and3A_448 = vector.broadcast %and3A_447 : i32 to vector<16xi32>
      %and3A_449 = arith.andi %sub3A_439, %and3A_448 : vector<16xi32>
      %add3A_450 = arith.constant 25000 : i32
      %add3A_451 = vector.broadcast %add3A_450 : i32 to vector<16xi32>
      %add3A_452 = arith.addi %add3A_451, %and3A_449 : vector<16xi32>
      %select_n3A_453 = arith.select %and3A_446, %sub3A_439, %add3A_452 : vector<16xi1>, vector<16xi32>
      %mul3A_454 = arith.constant 16 : i32
      %mul3A_455 = arith.muli %scan3A_430, %mul3A_454 : i32
      %swap3A_456 = arith.constant 0 : i32
      %swap3A_457 = arith.index_cast %swap3A_456 : i32 to index
      %swap3A_458 = arith.index_cast %mul3A_455 : i32 to index
      %swap3A_459 = tpu.vector_load %arg8[%swap3A_457, %swap3A_458] {strides = array<i32>} : memref<8x128xi32, #tpu.memory_space<vmem>>, vector<1x16xi32>,
      %swap3A_460 = vector.shape_cast %swap3A_459 : vector<1x16xi32> to vector<16xi32>
      %swap3A_461 = vector.shape_cast %select_n3A_453 : vector<16xi32> to vector<1x16xi32>
      tpu.vector_store %arg8[%swap3A_457, %swap3A_458], %swap3A_461 {strides = array<i32>} : memref<8x128xi32, #tpu.memory_space<vmem>>, vector<1x16xi32>,
      %scan3A_462 = arith.constant 0 : i32
      %scan3A_463 = arith.constant 8 : i32
      %dma_start3A_464 = arith.constant 0 : i32
      %dma_start3A_465 = arith.constant 0 : i32
      %dma_start3A_466 = tpu.memref_slice %arg8[%dma_start3A_464, %dma_start3A_465] : memref<8x128xi32, #tpu.memory_space<vmem>> -> memref<1x128xi32, #tpu.memory_space<vmem>>
      %dma_start3A_467 = tpu.memref_squeeze %dma_start3A_466 : memref<1x128xi32, #tpu.memory_space<vmem>> -> memref<128xi32, #tpu.memory_space<vmem>>
      %dma_start3A_468 = arith.constant 0 : i32
      %dma_start3A_469 = arith.constant 0 : i32
      %dma_start3A_470 = tpu.memref_slice %arg11[%dma_start3A_468, %dma_start3A_469] : memref<25152x16xf32, #tpu.memory_space<vmem_shared>> -> memref<25152x16xf32, #tpu.memory_space<vmem_shared>>
      tpu.enqueue_indirect_dma source(%arg9 : memref<128x16xf32, #tpu.memory_space<vmem>>) target(%dma_start3A_470 : memref<25152x16xf32, #tpu.memory_space<vmem_shared>>) offsets(%dma_start3A_467 : memref<128xi32, #tpu.memory_space<vmem>>) semaphore(%arg14 : memref<!tpu.dma_semaphore, #tpu.memory_space<semaphore_mem>>) {add = true}
      %scan3A_471 = arith.constant 0 : i32
      %scan3A_472 = arith.constant 0 : i32
      %mul3A_473 = arith.constant 16 : i32
      %mul3A_474 = arith.muli %scan3A_472, %mul3A_473 : i32
      %get3A_475 = arith.constant 1 : i32
      %get3A_476 = arith.index_cast %get3A_475 : i32 to index
      %get3A_477 = arith.index_cast %mul3A_474 : i32 to index
      %get3A_478 = tpu.vector_load %arg6[%get3A_476, %get3A_477] {strides = array<i32>} : memref<8x128xi32, #tpu.memory_space<vmem>>, vector<1x16xi32>,
      %get3A_479 = vector.shape_cast %get3A_478 : vector<1x16xi32> to vector<16xi32>
      %sub3A_480 = vector.broadcast %mul3A_0 : i32 to vector<16xi32>
      %sub3A_481 = arith.subi %get3A_479, %sub3A_480 : vector<16xi32>
      %ge3A_482 = arith.constant 0 : i32
      %ge3A_483 = vector.broadcast %ge3A_482 : i32 to vector<16xi32>
      %ge3A_484 = arith.cmpi sge, %sub3A_481, %ge3A_483 : vector<16xi32>
      %lt3A_485 = arith.constant 25000 : i32
      %lt3A_486 = vector.broadcast %lt3A_485 : i32 to vector<16xi32>
      %lt3A_487 = arith.cmpi slt, %sub3A_481, %lt3A_486 : vector<16xi32>
      %and3A_488 = arith.andi %ge3A_484, %lt3A_487 : vector<16xi1>
      %and3A_489 = arith.constant 127 : i32
      %and3A_490 = vector.broadcast %and3A_489 : i32 to vector<16xi32>
      %and3A_491 = arith.andi %sub3A_481, %and3A_490 : vector<16xi32>
      %add3A_492 = arith.constant 25000 : i32
      %add3A_493 = vector.broadcast %add3A_492 : i32 to vector<16xi32>
      %add3A_494 = arith.addi %add3A_493, %and3A_491 : vector<16xi32>
      %select_n3A_495 = arith.select %and3A_488, %sub3A_481, %add3A_494 : vector<16xi1>, vector<16xi32>
      %mul3A_496 = arith.constant 16 : i32
      %mul3A_497 = arith.muli %scan3A_472, %mul3A_496 : i32
      %swap3A_498 = arith.constant 1 : i32
      %swap3A_499 = arith.index_cast %swap3A_498 : i32 to index
      %swap3A_500 = arith.index_cast %mul3A_497 : i32 to index
      %swap3A_501 = tpu.vector_load %arg8[%swap3A_499, %swap3A_500] {strides = array<i32>} : memref<8x128xi32, #tpu.memory_space<vmem>>, vector<1x16xi32>,
      %swap3A_502 = vector.shape_cast %swap3A_501 : vector<1x16xi32> to vector<16xi32>
      %swap3A_503 = vector.shape_cast %select_n3A_495 : vector<16xi32> to vector<1x16xi32>
      tpu.vector_store %arg8[%swap3A_499, %swap3A_500], %swap3A_503 {strides = array<i32>} : memref<8x128xi32, #tpu.memory_space<vmem>>, vector<1x16xi32>,
      %scan3A_504 = arith.constant 0 : i32
      %scan3A_505 = arith.constant 1 : i32
      %mul3A_506 = arith.constant 16 : i32
      %mul3A_507 = arith.muli %scan3A_505, %mul3A_506 : i32
      %get3A_508 = arith.constant 1 : i32
      %get3A_509 = arith.index_cast %get3A_508 : i32 to index
      %get3A_510 = arith.index_cast %mul3A_507 : i32 to index
      %get3A_511 = tpu.vector_load %arg6[%get3A_509, %get3A_510] {strides = array<i32>} : memref<8x128xi32, #tpu.memory_space<vmem>>, vector<1x16xi32>,
      %get3A_512 = vector.shape_cast %get3A_511 : vector<1x16xi32> to vector<16xi32>
      %sub3A_513 = vector.broadcast %mul3A_0 : i32 to vector<16xi32>
      %sub3A_514 = arith.subi %get3A_512, %sub3A_513 : vector<16xi32>
      %ge3A_515 = arith.constant 0 : i32
      %ge3A_516 = vector.broadcast %ge3A_515 : i32 to vector<16xi32>
      %ge3A_517 = arith.cmpi sge, %sub3A_514, %ge3A_516 : vector<16xi32>
      %lt3A_518 = arith.constant 25000 : i32
      %lt3A_519 = vector.broadcast %lt3A_518 : i32 to vector<16xi32>
      %lt3A_520 = arith.cmpi slt, %sub3A_514, %lt3A_519 : vector<16xi32>
      %and3A_521 = arith.andi %ge3A_517, %lt3A_520 : vector<16xi1>
      %and3A_522 = arith.constant 127 : i32
      %and3A_523 = vector.broadcast %and3A_522 : i32 to vector<16xi32>
      %and3A_524 = arith.andi %sub3A_514, %and3A_523 : vector<16xi32>
      %add3A_525 = arith.constant 25000 : i32
      %add3A_526 = vector.broadcast %add3A_525 : i32 to vector<16xi32>
      %add3A_527 = arith.addi %add3A_526, %and3A_524 : vector<16xi32>
      %select_n3A_528 = arith.select %and3A_521, %sub3A_514, %add3A_527 : vector<16xi1>, vector<16xi32>
      %mul3A_529 = arith.constant 16 : i32
      %mul3A_530 = arith.muli %scan3A_505, %mul3A_529 : i32
      %swap3A_531 = arith.constant 1 : i32
      %swap3A_532 = arith.index_cast %swap3A_531 : i32 to index
      %swap3A_533 = arith.index_cast %mul3A_530 : i32 to index
      %swap3A_534 = tpu.vector_load %arg8[%swap3A_532, %swap3A_533] {strides = array<i32>} : memref<8x128xi32, #tpu.memory_space<vmem>>, vector<1x16xi32>,
      %swap3A_535 = vector.shape_cast %swap3A_534 : vector<1x16xi32> to vector<16xi32>
      %swap3A_536 = vector.shape_cast %select_n3A_528 : vector<16xi32> to vector<1x16xi32>
      tpu.vector_store %arg8[%swap3A_532, %swap3A_533], %swap3A_536 {strides = array<i32>} : memref<8x128xi32, #tpu.memory_space<vmem>>, vector<1x16xi32>,
      %scan3A_537 = arith.constant 0 : i32
      %scan3A_538 = arith.constant 2 : i32
      %mul3A_539 = arith.constant 16 : i32
      %mul3A_540 = arith.muli %scan3A_538, %mul3A_539 : i32
      %get3A_541 = arith.constant 1 : i32
      %get3A_542 = arith.index_cast %get3A_541 : i32 to index
      %get3A_543 = arith.index_cast %mul3A_540 : i32 to index
      %get3A_544 = tpu.vector_load %arg6[%get3A_542, %get3A_543] {strides = array<i32>} : memref<8x128xi32, #tpu.memory_space<vmem>>, vector<1x16xi32>,
      %get3A_545 = vector.shape_cast %get3A_544 : vector<1x16xi32> to vector<16xi32>
      %sub3A_546 = vector.broadcast %mul3A_0 : i32 to vector<16xi32>
      %sub3A_547 = arith.subi %get3A_545, %sub3A_546 : vector<16xi32>
      %ge3A_548 = arith.constant 0 : i32
      %ge3A_549 = vector.broadcast %ge3A_548 : i32 to vector<16xi32>
      %ge3A_550 = arith.cmpi sge, %sub3A_547, %ge3A_549 : vector<16xi32>
      %lt3A_551 = arith.constant 25000 : i32
      %lt3A_552 = vector.broadcast %lt3A_551 : i32 to vector<16xi32>
      %lt3A_553 = arith.cmpi slt, %sub3A_547, %lt3A_552 : vector<16xi32>
      %and3A_554 = arith.andi %ge3A_550, %lt3A_553 : vector<16xi1>
      %and3A_555 = arith.constant 127 : i32
      %and3A_556 = vector.broadcast %and3A_555 : i32 to vector<16xi32>
      %and3A_557 = arith.andi %sub3A_547, %and3A_556 : vector<16xi32>
      %add3A_558 = arith.constant 25000 : i32
      %add3A_559 = vector.broadcast %add3A_558 : i32 to vector<16xi32>
      %add3A_560 = arith.addi %add3A_559, %and3A_557 : vector<16xi32>
      %select_n3A_561 = arith.select %and3A_554, %sub3A_547, %add3A_560 : vector<16xi1>, vector<16xi32>
      %mul3A_562 = arith.constant 16 : i32
      %mul3A_563 = arith.muli %scan3A_538, %mul3A_562 : i32
      %swap3A_564 = arith.constant 1 : i32
      %swap3A_565 = arith.index_cast %swap3A_564 : i32 to index
      %swap3A_566 = arith.index_cast %mul3A_563 : i32 to index
      %swap3A_567 = tpu.vector_load %arg8[%swap3A_565, %swap3A_566] {strides = array<i32>} : memref<8x128xi32, #tpu.memory_space<vmem>>, vector<1x16xi32>,
      %swap3A_568 = vector.shape_cast %swap3A_567 : vector<1x16xi32> to vector<16xi32>
      %swap3A_569 = vector.shape_cast %select_n3A_561 : vector<16xi32> to vector<1x16xi32>
      tpu.vector_store %arg8[%swap3A_565, %swap3A_566], %swap3A_569 {strides = array<i32>} : memref<8x128xi32, #tpu.memory_space<vmem>>, vector<1x16xi32>,
      %scan3A_570 = arith.constant 0 : i32
      %scan3A_571 = arith.constant 3 : i32
      %mul3A_572 = arith.constant 16 : i32
      %mul3A_573 = arith.muli %scan3A_571, %mul3A_572 : i32
      %get3A_574 = arith.constant 1 : i32
      %get3A_575 = arith.index_cast %get3A_574 : i32 to index
      %get3A_576 = arith.index_cast %mul3A_573 : i32 to index
      %get3A_577 = tpu.vector_load %arg6[%get3A_575, %get3A_576] {strides = array<i32>} : memref<8x128xi32, #tpu.memory_space<vmem>>, vector<1x16xi32>,
      %get3A_578 = vector.shape_cast %get3A_577 : vector<1x16xi32> to vector<16xi32>
      %sub3A_579 = vector.broadcast %mul3A_0 : i32 to vector<16xi32>
      %sub3A_580 = arith.subi %get3A_578, %sub3A_579 : vector<16xi32>
      %ge3A_581 = arith.constant 0 : i32
      %ge3A_582 = vector.broadcast %ge3A_581 : i32 to vector<16xi32>
      %ge3A_583 = arith.cmpi sge, %sub3A_580, %ge3A_582 : vector<16xi32>
      %lt3A_584 = arith.constant 25000 : i32
      %lt3A_585 = vector.broadcast %lt3A_584 : i32 to vector<16xi32>
      %lt3A_586 = arith.cmpi slt, %sub3A_580, %lt3A_585 : vector<16xi32>
      %and3A_587 = arith.andi %ge3A_583, %lt3A_586 : vector<16xi1>
      %and3A_588 = arith.constant 127 : i32
      %and3A_589 = vector.broadcast %and3A_588 : i32 to vector<16xi32>
      %and3A_590 = arith.andi %sub3A_580, %and3A_589 : vector<16xi32>
      %add3A_591 = arith.constant 25000 : i32
      %add3A_592 = vector.broadcast %add3A_591 : i32 to vector<16xi32>
      %add3A_593 = arith.addi %add3A_592, %and3A_590 : vector<16xi32>
      %select_n3A_594 = arith.select %and3A_587, %sub3A_580, %add3A_593 : vector<16xi1>, vector<16xi32>
      %mul3A_595 = arith.constant 16 : i32
      %mul3A_596 = arith.muli %scan3A_571, %mul3A_595 : i32
      %swap3A_597 = arith.constant 1 : i32
      %swap3A_598 = arith.index_cast %swap3A_597 : i32 to index
      %swap3A_599 = arith.index_cast %mul3A_596 : i32 to index
      %swap3A_600 = tpu.vector_load %arg8[%swap3A_598, %swap3A_599] {strides = array<i32>} : memref<8x128xi32, #tpu.memory_space<vmem>>, vector<1x16xi32>,
      %swap3A_601 = vector.shape_cast %swap3A_600 : vector<1x16xi32> to vector<16xi32>
      %swap3A_602 = vector.shape_cast %select_n3A_594 : vector<16xi32> to vector<1x16xi32>
      tpu.vector_store %arg8[%swap3A_598, %swap3A_599], %swap3A_602 {strides = array<i32>} : memref<8x128xi32, #tpu.memory_space<vmem>>, vector<1x16xi32>,
      %scan3A_603 = arith.constant 0 : i32
      %scan3A_604 = arith.constant 4 : i32
      %mul3A_605 = arith.constant 16 : i32
      %mul3A_606 = arith.muli %scan3A_604, %mul3A_605 : i32
      %get3A_607 = arith.constant 1 : i32
      %get3A_608 = arith.index_cast %get3A_607 : i32 to index
      %get3A_609 = arith.index_cast %mul3A_606 : i32 to index
      %get3A_610 = tpu.vector_load %arg6[%get3A_608, %get3A_609] {strides = array<i32>} : memref<8x128xi32, #tpu.memory_space<vmem>>, vector<1x16xi32>,
      %get3A_611 = vector.shape_cast %get3A_610 : vector<1x16xi32> to vector<16xi32>
      %sub3A_612 = vector.broadcast %mul3A_0 : i32 to vector<16xi32>
      %sub3A_613 = arith.subi %get3A_611, %sub3A_612 : vector<16xi32>
      %ge3A_614 = arith.constant 0 : i32
      %ge3A_615 = vector.broadcast %ge3A_614 : i32 to vector<16xi32>
      %ge3A_616 = arith.cmpi sge, %sub3A_613, %ge3A_615 : vector<16xi32>
      %lt3A_617 = arith.constant 25000 : i32
      %lt3A_618 = vector.broadcast %lt3A_617 : i32 to vector<16xi32>
      %lt3A_619 = arith.cmpi slt, %sub3A_613, %lt3A_618 : vector<16xi32>
      %and3A_620 = arith.andi %ge3A_616, %lt3A_619 : vector<16xi1>
      %and3A_621 = arith.constant 127 : i32
      %and3A_622 = vector.broadcast %and3A_621 : i32 to vector<16xi32>
      %and3A_623 = arith.andi %sub3A_613, %and3A_622 : vector<16xi32>
      %add3A_624 = arith.constant 25000 : i32
      %add3A_625 = vector.broadcast %add3A_624 : i32 to vector<16xi32>
      %add3A_626 = arith.addi %add3A_625, %and3A_623 : vector<16xi32>
      %select_n3A_627 = arith.select %and3A_620, %sub3A_613, %add3A_626 : vector<16xi1>, vector<16xi32>
      %mul3A_628 = arith.constant 16 : i32
      %mul3A_629 = arith.muli %scan3A_604, %mul3A_628 : i32
      %swap3A_630 = arith.constant 1 : i32
      %swap3A_631 = arith.index_cast %swap3A_630 : i32 to index
      %swap3A_632 = arith.index_cast %mul3A_629 : i32 to index
      %swap3A_633 = tpu.vector_load %arg8[%swap3A_631, %swap3A_632] {strides = array<i32>} : memref<8x128xi32, #tpu.memory_space<vmem>>, vector<1x16xi32>,
      %swap3A_634 = vector.shape_cast %swap3A_633 : vector<1x16xi32> to vector<16xi32>
      %swap3A_635 = vector.shape_cast %select_n3A_627 : vector<16xi32> to vector<1x16xi32>
      tpu.vector_store %arg8[%swap3A_631, %swap3A_632], %swap3A_635 {strides = array<i32>} : memref<8x128xi32, #tpu.memory_space<vmem>>, vector<1x16xi32>,
      %scan3A_636 = arith.constant 0 : i32
      %scan3A_637 = arith.constant 5 : i32
      %mul3A_638 = arith.constant 16 : i32
      %mul3A_639 = arith.muli %scan3A_637, %mul3A_638 : i32
      %get3A_640 = arith.constant 1 : i32
      %get3A_641 = arith.index_cast %get3A_640 : i32 to index
      %get3A_642 = arith.index_cast %mul3A_639 : i32 to index
      %get3A_643 = tpu.vector_load %arg6[%get3A_641, %get3A_642] {strides = array<i32>} : memref<8x128xi32, #tpu.memory_space<vmem>>, vector<1x16xi32>,
      %get3A_644 = vector.shape_cast %get3A_643 : vector<1x16xi32> to vector<16xi32>
      %sub3A_645 = vector.broadcast %mul3A_0 : i32 to vector<16xi32>
      %sub3A_646 = arith.subi %get3A_644, %sub3A_645 : vector<16xi32>
      %ge3A_647 = arith.constant 0 : i32
      %ge3A_648 = vector.broadcast %ge3A_647 : i32 to vector<16xi32>
      %ge3A_649 = arith.cmpi sge, %sub3A_646, %ge3A_648 : vector<16xi32>
      %lt3A_650 = arith.constant 25000 : i32
      %lt3A_651 = vector.broadcast %lt3A_650 : i32 to vector<16xi32>
      %lt3A_652 = arith.cmpi slt, %sub3A_646, %lt3A_651 : vector<16xi32>
      %and3A_653 = arith.andi %ge3A_649, %lt3A_652 : vector<16xi1>
      %and3A_654 = arith.constant 127 : i32
      %and3A_655 = vector.broadcast %and3A_654 : i32 to vector<16xi32>
      %and3A_656 = arith.andi %sub3A_646, %and3A_655 : vector<16xi32>
      %add3A_657 = arith.constant 25000 : i32
      %add3A_658 = vector.broadcast %add3A_657 : i32 to vector<16xi32>
      %add3A_659 = arith.addi %add3A_658, %and3A_656 : vector<16xi32>
      %select_n3A_660 = arith.select %and3A_653, %sub3A_646, %add3A_659 : vector<16xi1>, vector<16xi32>
      %mul3A_661 = arith.constant 16 : i32
      %mul3A_662 = arith.muli %scan3A_637, %mul3A_661 : i32
      %swap3A_663 = arith.constant 1 : i32
      %swap3A_664 = arith.index_cast %swap3A_663 : i32 to index
      %swap3A_665 = arith.index_cast %mul3A_662 : i32 to index
      %swap3A_666 = tpu.vector_load %arg8[%swap3A_664, %swap3A_665] {strides = array<i32>} : memref<8x128xi32, #tpu.memory_space<vmem>>, vector<1x16xi32>,
      %swap3A_667 = vector.shape_cast %swap3A_666 : vector<1x16xi32> to vector<16xi32>
      %swap3A_668 = vector.shape_cast %select_n3A_660 : vector<16xi32> to vector<1x16xi32>
      tpu.vector_store %arg8[%swap3A_664, %swap3A_665], %swap3A_668 {strides = array<i32>} : memref<8x128xi32, #tpu.memory_space<vmem>>, vector<1x16xi32>,
      %scan3A_669 = arith.constant 0 : i32
      %scan3A_670 = arith.constant 6 : i32
      %mul3A_671 = arith.constant 16 : i32
      %mul3A_672 = arith.muli %scan3A_670, %mul3A_671 : i32
      %get3A_673 = arith.constant 1 : i32
      %get3A_674 = arith.index_cast %get3A_673 : i32 to index
      %get3A_675 = arith.index_cast %mul3A_672 : i32 to index
      %get3A_676 = tpu.vector_load %arg6[%get3A_674, %get3A_675] {strides = array<i32>} : memref<8x128xi32, #tpu.memory_space<vmem>>, vector<1x16xi32>,
      %get3A_677 = vector.shape_cast %get3A_676 : vector<1x16xi32> to vector<16xi32>
      %sub3A_678 = vector.broadcast %mul3A_0 : i32 to vector<16xi32>
      %sub3A_679 = arith.subi %get3A_677, %sub3A_678 : vector<16xi32>
      %ge3A_680 = arith.constant 0 : i32
      %ge3A_681 = vector.broadcast %ge3A_680 : i32 to vector<16xi32>
      %ge3A_682 = arith.cmpi sge, %sub3A_679, %ge3A_681 : vector<16xi32>
      %lt3A_683 = arith.constant 25000 : i32
      %lt3A_684 = vector.broadcast %lt3A_683 : i32 to vector<16xi32>
      %lt3A_685 = arith.cmpi slt, %sub3A_679, %lt3A_684 : vector<16xi32>
      %and3A_686 = arith.andi %ge3A_682, %lt3A_685 : vector<16xi1>
      %and3A_687 = arith.constant 127 : i32
      %and3A_688 = vector.broadcast %and3A_687 : i32 to vector<16xi32>
      %and3A_689 = arith.andi %sub3A_679, %and3A_688 : vector<16xi32>
      %add3A_690 = arith.constant 25000 : i32
      %add3A_691 = vector.broadcast %add3A_690 : i32 to vector<16xi32>
      %add3A_692 = arith.addi %add3A_691, %and3A_689 : vector<16xi32>
      %select_n3A_693 = arith.select %and3A_686, %sub3A_679, %add3A_692 : vector<16xi1>, vector<16xi32>
      %mul3A_694 = arith.constant 16 : i32
      %mul3A_695 = arith.muli %scan3A_670, %mul3A_694 : i32
      %swap3A_696 = arith.constant 1 : i32
      %swap3A_697 = arith.index_cast %swap3A_696 : i32 to index
      %swap3A_698 = arith.index_cast %mul3A_695 : i32 to index
      %swap3A_699 = tpu.vector_load %arg8[%swap3A_697, %swap3A_698] {strides = array<i32>} : memref<8x128xi32, #tpu.memory_space<vmem>>, vector<1x16xi32>,
      %swap3A_700 = vector.shape_cast %swap3A_699 : vector<1x16xi32> to vector<16xi32>
      %swap3A_701 = vector.shape_cast %select_n3A_693 : vector<16xi32> to vector<1x16xi32>
      tpu.vector_store %arg8[%swap3A_697, %swap3A_698], %swap3A_701 {strides = array<i32>} : memref<8x128xi32, #tpu.memory_space<vmem>>, vector<1x16xi32>,
      %scan3A_702 = arith.constant 0 : i32
      %scan3A_703 = arith.constant 7 : i32
      %mul3A_704 = arith.constant 16 : i32
      %mul3A_705 = arith.muli %scan3A_703, %mul3A_704 : i32
      %get3A_706 = arith.constant 1 : i32
      %get3A_707 = arith.index_cast %get3A_706 : i32 to index
      %get3A_708 = arith.index_cast %mul3A_705 : i32 to index
      %get3A_709 = tpu.vector_load %arg6[%get3A_707, %get3A_708] {strides = array<i32>} : memref<8x128xi32, #tpu.memory_space<vmem>>, vector<1x16xi32>,
      %get3A_710 = vector.shape_cast %get3A_709 : vector<1x16xi32> to vector<16xi32>
      %sub3A_711 = vector.broadcast %mul3A_0 : i32 to vector<16xi32>
      %sub3A_712 = arith.subi %get3A_710, %sub3A_711 : vector<16xi32>
      %ge3A_713 = arith.constant 0 : i32
      %ge3A_714 = vector.broadcast %ge3A_713 : i32 to vector<16xi32>
      %ge3A_715 = arith.cmpi sge, %sub3A_712, %ge3A_714 : vector<16xi32>
      %lt3A_716 = arith.constant 25000 : i32
      %lt3A_717 = vector.broadcast %lt3A_716 : i32 to vector<16xi32>
      %lt3A_718 = arith.cmpi slt, %sub3A_712, %lt3A_717 : vector<16xi32>
      %and3A_719 = arith.andi %ge3A_715, %lt3A_718 : vector<16xi1>
      %and3A_720 = arith.constant 127 : i32
      %and3A_721 = vector.broadcast %and3A_720 : i32 to vector<16xi32>
      %and3A_722 = arith.andi %sub3A_712, %and3A_721 : vector<16xi32>
      %add3A_723 = arith.constant 25000 : i32
      %add3A_724 = vector.broadcast %add3A_723 : i32 to vector<16xi32>
      %add3A_725 = arith.addi %add3A_724, %and3A_722 : vector<16xi32>
      %select_n3A_726 = arith.select %and3A_719, %sub3A_712, %add3A_725 : vector<16xi1>, vector<16xi32>
      %mul3A_727 = arith.constant 16 : i32
      %mul3A_728 = arith.muli %scan3A_703, %mul3A_727 : i32
      %swap3A_729 = arith.constant 1 : i32
      %swap3A_730 = arith.index_cast %swap3A_729 : i32 to index
      %swap3A_731 = arith.index_cast %mul3A_728 : i32 to index
      %swap3A_732 = tpu.vector_load %arg8[%swap3A_730, %swap3A_731] {strides = array<i32>} : memref<8x128xi32, #tpu.memory_space<vmem>>, vector<1x16xi32>,
      %swap3A_733 = vector.shape_cast %swap3A_732 : vector<1x16xi32> to vector<16xi32>
      %swap3A_734 = vector.shape_cast %select_n3A_726 : vector<16xi32> to vector<1x16xi32>
      tpu.vector_store %arg8[%swap3A_730, %swap3A_731], %swap3A_734 {strides = array<i32>} : memref<8x128xi32, #tpu.memory_space<vmem>>, vector<1x16xi32>,
      %scan3A_735 = arith.constant 0 : i32
      %scan3A_736 = arith.constant 8 : i32
      %dma_start3A_737 = arith.constant 1 : i32
      %dma_start3A_738 = arith.constant 0 : i32
      %dma_start3A_739 = tpu.memref_slice %arg8[%dma_start3A_737, %dma_start3A_738] : memref<8x128xi32, #tpu.memory_space<vmem>> -> memref<1x128xi32, #tpu.memory_space<vmem>>
      %dma_start3A_740 = tpu.memref_squeeze %dma_start3A_739 : memref<1x128xi32, #tpu.memory_space<vmem>> -> memref<128xi32, #tpu.memory_space<vmem>>
      %dma_start3A_741 = arith.constant 0 : i32
      %dma_start3A_742 = arith.constant 0 : i32
      %dma_start3A_743 = tpu.memref_slice %arg11[%dma_start3A_741, %dma_start3A_742] : memref<25152x16xf32, #tpu.memory_space<vmem_shared>> -> memref<25152x16xf32, #tpu.memory_space<vmem_shared>>
      tpu.enqueue_indirect_dma source(%arg9 : memref<128x16xf32, #tpu.memory_space<vmem>>) target(%dma_start3A_743 : memref<25152x16xf32, #tpu.memory_space<vmem_shared>>) offsets(%dma_start3A_740 : memref<128xi32, #tpu.memory_space<vmem>>) semaphore(%arg14 : memref<!tpu.dma_semaphore, #tpu.memory_space<semaphore_mem>>) {add = true}
      %scan3A_744 = arith.constant 0 : i32
      %scan3A_745 = arith.constant 0 : i32
      %mul3A_746 = arith.constant 16 : i32
      %mul3A_747 = arith.muli %scan3A_745, %mul3A_746 : i32
      %get3A_748 = arith.constant 2 : i32
      %get3A_749 = arith.index_cast %get3A_748 : i32 to index
      %get3A_750 = arith.index_cast %mul3A_747 : i32 to index
      %get3A_751 = tpu.vector_load %arg6[%get3A_749, %get3A_750] {strides = array<i32>} : memref<8x128xi32, #tpu.memory_space<vmem>>, vector<1x16xi32>,
      %get3A_752 = vector.shape_cast %get3A_751 : vector<1x16xi32> to vector<16xi32>
      %sub3A_753 = vector.broadcast %mul3A_0 : i32 to vector<16xi32>
      %sub3A_754 = arith.subi %get3A_752, %sub3A_753 : vector<16xi32>
      %ge3A_755 = arith.constant 0 : i32
      %ge3A_756 = vector.broadcast %ge3A_755 : i32 to vector<16xi32>
      %ge3A_757 = arith.cmpi sge, %sub3A_754, %ge3A_756 : vector<16xi32>
      %lt3A_758 = arith.constant 25000 : i32
      %lt3A_759 = vector.broadcast %lt3A_758 : i32 to vector<16xi32>
      %lt3A_760 = arith.cmpi slt, %sub3A_754, %lt3A_759 : vector<16xi32>
      %and3A_761 = arith.andi %ge3A_757, %lt3A_760 : vector<16xi1>
      %and3A_762 = arith.constant 127 : i32
      %and3A_763 = vector.broadcast %and3A_762 : i32 to vector<16xi32>
      %and3A_764 = arith.andi %sub3A_754, %and3A_763 : vector<16xi32>
      %add3A_765 = arith.constant 25000 : i32
      %add3A_766 = vector.broadcast %add3A_765 : i32 to vector<16xi32>
      %add3A_767 = arith.addi %add3A_766, %and3A_764 : vector<16xi32>
      %select_n3A_768 = arith.select %and3A_761, %sub3A_754, %add3A_767 : vector<16xi1>, vector<16xi32>
      %mul3A_769 = arith.constant 16 : i32
      %mul3A_770 = arith.muli %scan3A_745, %mul3A_769 : i32
      %swap3A_771 = arith.constant 2 : i32
      %swap3A_772 = arith.index_cast %swap3A_771 : i32 to index
      %swap3A_773 = arith.index_cast %mul3A_770 : i32 to index
      %swap3A_774 = tpu.vector_load %arg8[%swap3A_772, %swap3A_773] {strides = array<i32>} : memref<8x128xi32, #tpu.memory_space<vmem>>, vector<1x16xi32>,
      %swap3A_775 = vector.shape_cast %swap3A_774 : vector<1x16xi32> to vector<16xi32>
      %swap3A_776 = vector.shape_cast %select_n3A_768 : vector<16xi32> to vector<1x16xi32>
      tpu.vector_store %arg8[%swap3A_772, %swap3A_773], %swap3A_776 {strides = array<i32>} : memref<8x128xi32, #tpu.memory_space<vmem>>, vector<1x16xi32>,
      %scan3A_777 = arith.constant 0 : i32
      %scan3A_778 = arith.constant 1 : i32
      %mul3A_779 = arith.constant 16 : i32
      %mul3A_780 = arith.muli %scan3A_778, %mul3A_779 : i32
      %get3A_781 = arith.constant 2 : i32
      %get3A_782 = arith.index_cast %get3A_781 : i32 to index
      %get3A_783 = arith.index_cast %mul3A_780 : i32 to index
      %get3A_784 = tpu.vector_load %arg6[%get3A_782, %get3A_783] {strides = array<i32>} : memref<8x128xi32, #tpu.memory_space<vmem>>, vector<1x16xi32>,
      %get3A_785 = vector.shape_cast %get3A_784 : vector<1x16xi32> to vector<16xi32>
      %sub3A_786 = vector.broadcast %mul3A_0 : i32 to vector<16xi32>
      %sub3A_787 = arith.subi %get3A_785, %sub3A_786 : vector<16xi32>
      %ge3A_788 = arith.constant 0 : i32
      %ge3A_789 = vector.broadcast %ge3A_788 : i32 to vector<16xi32>
      %ge3A_790 = arith.cmpi sge, %sub3A_787, %ge3A_789 : vector<16xi32>
      %lt3A_791 = arith.constant 25000 : i32
      %lt3A_792 = vector.broadcast %lt3A_791 : i32 to vector<16xi32>
      %lt3A_793 = arith.cmpi slt, %sub3A_787, %lt3A_792 : vector<16xi32>
      %and3A_794 = arith.andi %ge3A_790, %lt3A_793 : vector<16xi1>
      %and3A_795 = arith.constant 127 : i32
      %and3A_796 = vector.broadcast %and3A_795 : i32 to vector<16xi32>
      %and3A_797 = arith.andi %sub3A_787, %and3A_796 : vector<16xi32>
      %add3A_798 = arith.constant 25000 : i32
      %add3A_799 = vector.broadcast %add3A_798 : i32 to vector<16xi32>
      %add3A_800 = arith.addi %add3A_799, %and3A_797 : vector<16xi32>
      %select_n3A_801 = arith.select %and3A_794, %sub3A_787, %add3A_800 : vector<16xi1>, vector<16xi32>
      %mul3A_802 = arith.constant 16 : i32
      %mul3A_803 = arith.muli %scan3A_778, %mul3A_802 : i32
      %swap3A_804 = arith.constant 2 : i32
      %swap3A_805 = arith.index_cast %swap3A_804 : i32 to index
      %swap3A_806 = arith.index_cast %mul3A_803 : i32 to index
      %swap3A_807 = tpu.vector_load %arg8[%swap3A_805, %swap3A_806] {strides = array<i32>} : memref<8x128xi32, #tpu.memory_space<vmem>>, vector<1x16xi32>,
      %swap3A_808 = vector.shape_cast %swap3A_807 : vector<1x16xi32> to vector<16xi32>
      %swap3A_809 = vector.shape_cast %select_n3A_801 : vector<16xi32> to vector<1x16xi32>
      tpu.vector_store %arg8[%swap3A_805, %swap3A_806], %swap3A_809 {strides = array<i32>} : memref<8x128xi32, #tpu.memory_space<vmem>>, vector<1x16xi32>,
      %scan3A_810 = arith.constant 0 : i32
      %scan3A_811 = arith.constant 2 : i32
      %mul3A_812 = arith.constant 16 : i32
      %mul3A_813 = arith.muli %scan3A_811, %mul3A_812 : i32
      %get3A_814 = arith.constant 2 : i32
      %get3A_815 = arith.index_cast %get3A_814 : i32 to index
      %get3A_816 = arith.index_cast %mul3A_813 : i32 to index
      %get3A_817 = tpu.vector_load %arg6[%get3A_815, %get3A_816] {strides = array<i32>} : memref<8x128xi32, #tpu.memory_space<vmem>>, vector<1x16xi32>,
      %get3A_818 = vector.shape_cast %get3A_817 : vector<1x16xi32> to vector<16xi32>
      %sub3A_819 = vector.broadcast %mul3A_0 : i32 to vector<16xi32>
      %sub3A_820 = arith.subi %get3A_818, %sub3A_819 : vector<16xi32>
      %ge3A_821 = arith.constant 0 : i32
      %ge3A_822 = vector.broadcast %ge3A_821 : i32 to vector<16xi32>
      %ge3A_823 = arith.cmpi sge, %sub3A_820, %ge3A_822 : vector<16xi32>
      %lt3A_824 = arith.constant 25000 : i32
      %lt3A_825 = vector.broadcast %lt3A_824 : i32 to vector<16xi32>
      %lt3A_826 = arith.cmpi slt, %sub3A_820, %lt3A_825 : vector<16xi32>
      %and3A_827 = arith.andi %ge3A_823, %lt3A_826 : vector<16xi1>
      %and3A_828 = arith.constant 127 : i32
      %and3A_829 = vector.broadcast %and3A_828 : i32 to vector<16xi32>
      %and3A_830 = arith.andi %sub3A_820, %and3A_829 : vector<16xi32>
      %add3A_831 = arith.constant 25000 : i32
      %add3A_832 = vector.broadcast %add3A_831 : i32 to vector<16xi32>
      %add3A_833 = arith.addi %add3A_832, %and3A_830 : vector<16xi32>
      %select_n3A_834 = arith.select %and3A_827, %sub3A_820, %add3A_833 : vector<16xi1>, vector<16xi32>
      %mul3A_835 = arith.constant 16 : i32
      %mul3A_836 = arith.muli %scan3A_811, %mul3A_835 : i32
      %swap3A_837 = arith.constant 2 : i32
      %swap3A_838 = arith.index_cast %swap3A_837 : i32 to index
      %swap3A_839 = arith.index_cast %mul3A_836 : i32 to index
      %swap3A_840 = tpu.vector_load %arg8[%swap3A_838, %swap3A_839] {strides = array<i32>} : memref<8x128xi32, #tpu.memory_space<vmem>>, vector<1x16xi32>,
      %swap3A_841 = vector.shape_cast %swap3A_840 : vector<1x16xi32> to vector<16xi32>
      %swap3A_842 = vector.shape_cast %select_n3A_834 : vector<16xi32> to vector<1x16xi32>
      tpu.vector_store %arg8[%swap3A_838, %swap3A_839], %swap3A_842 {strides = array<i32>} : memref<8x128xi32, #tpu.memory_space<vmem>>, vector<1x16xi32>,
      %scan3A_843 = arith.constant 0 : i32
      %scan3A_844 = arith.constant 3 : i32
      %mul3A_845 = arith.constant 16 : i32
      %mul3A_846 = arith.muli %scan3A_844, %mul3A_845 : i32
      %get3A_847 = arith.constant 2 : i32
      %get3A_848 = arith.index_cast %get3A_847 : i32 to index
      %get3A_849 = arith.index_cast %mul3A_846 : i32 to index
      %get3A_850 = tpu.vector_load %arg6[%get3A_848, %get3A_849] {strides = array<i32>} : memref<8x128xi32, #tpu.memory_space<vmem>>, vector<1x16xi32>,
      %get3A_851 = vector.shape_cast %get3A_850 : vector<1x16xi32> to vector<16xi32>
      %sub3A_852 = vector.broadcast %mul3A_0 : i32 to vector<16xi32>
      %sub3A_853 = arith.subi %get3A_851, %sub3A_852 : vector<16xi32>
      %ge3A_854 = arith.constant 0 : i32
      %ge3A_855 = vector.broadcast %ge3A_854 : i32 to vector<16xi32>
      %ge3A_856 = arith.cmpi sge, %sub3A_853, %ge3A_855 : vector<16xi32>
      %lt3A_857 = arith.constant 25000 : i32
      %lt3A_858 = vector.broadcast %lt3A_857 : i32 to vector<16xi32>
      %lt3A_859 = arith.cmpi slt, %sub3A_853, %lt3A_858 : vector<16xi32>
      %and3A_860 = arith.andi %ge3A_856, %lt3A_859 : vector<16xi1>
      %and3A_861 = arith.constant 127 : i32
      %and3A_862 = vector.broadcast %and3A_861 : i32 to vector<16xi32>
      %and3A_863 = arith.andi %sub3A_853, %and3A_862 : vector<16xi32>
      %add3A_864 = arith.constant 25000 : i32
      %add3A_865 = vector.broadcast %add3A_864 : i32 to vector<16xi32>
      %add3A_866 = arith.addi %add3A_865, %and3A_863 : vector<16xi32>
      %select_n3A_867 = arith.select %and3A_860, %sub3A_853, %add3A_866 : vector<16xi1>, vector<16xi32>
      %mul3A_868 = arith.constant 16 : i32
      %mul3A_869 = arith.muli %scan3A_844, %mul3A_868 : i32
      %swap3A_870 = arith.constant 2 : i32
      %swap3A_871 = arith.index_cast %swap3A_870 : i32 to index
      %swap3A_872 = arith.index_cast %mul3A_869 : i32 to index
      %swap3A_873 = tpu.vector_load %arg8[%swap3A_871, %swap3A_872] {strides = array<i32>} : memref<8x128xi32, #tpu.memory_space<vmem>>, vector<1x16xi32>,
      %swap3A_874 = vector.shape_cast %swap3A_873 : vector<1x16xi32> to vector<16xi32>
      %swap3A_875 = vector.shape_cast %select_n3A_867 : vector<16xi32> to vector<1x16xi32>
      tpu.vector_store %arg8[%swap3A_871, %swap3A_872], %swap3A_875 {strides = array<i32>} : memref<8x128xi32, #tpu.memory_space<vmem>>, vector<1x16xi32>,
      %scan3A_876 = arith.constant 0 : i32
      %scan3A_877 = arith.constant 4 : i32
      %mul3A_878 = arith.constant 16 : i32
      %mul3A_879 = arith.muli %scan3A_877, %mul3A_878 : i32
      %get3A_880 = arith.constant 2 : i32
      %get3A_881 = arith.index_cast %get3A_880 : i32 to index
      %get3A_882 = arith.index_cast %mul3A_879 : i32 to index
      %get3A_883 = tpu.vector_load %arg6[%get3A_881, %get3A_882] {strides = array<i32>} : memref<8x128xi32, #tpu.memory_space<vmem>>, vector<1x16xi32>,
      %get3A_884 = vector.shape_cast %get3A_883 : vector<1x16xi32> to vector<16xi32>
      %sub3A_885 = vector.broadcast %mul3A_0 : i32 to vector<16xi32>
      %sub3A_886 = arith.subi %get3A_884, %sub3A_885 : vector<16xi32>
      %ge3A_887 = arith.constant 0 : i32
      %ge3A_888 = vector.broadcast %ge3A_887 : i32 to vector<16xi32>
      %ge3A_889 = arith.cmpi sge, %sub3A_886, %ge3A_888 : vector<16xi32>
      %lt3A_890 = arith.constant 25000 : i32
      %lt3A_891 = vector.broadcast %lt3A_890 : i32 to vector<16xi32>
      %lt3A_892 = arith.cmpi slt, %sub3A_886, %lt3A_891 : vector<16xi32>
      %and3A_893 = arith.andi %ge3A_889, %lt3A_892 : vector<16xi1>
      %and3A_894 = arith.constant 127 : i32
      %and3A_895 = vector.broadcast %and3A_894 : i32 to vector<16xi32>
      %and3A_896 = arith.andi %sub3A_886, %and3A_895 : vector<16xi32>
      %add3A_897 = arith.constant 25000 : i32
      %add3A_898 = vector.broadcast %add3A_897 : i32 to vector<16xi32>
      %add3A_899 = arith.addi %add3A_898, %and3A_896 : vector<16xi32>
      %select_n3A_900 = arith.select %and3A_893, %sub3A_886, %add3A_899 : vector<16xi1>, vector<16xi32>
      %mul3A_901 = arith.constant 16 : i32
      %mul3A_902 = arith.muli %scan3A_877, %mul3A_901 : i32
      %swap3A_903 = arith.constant 2 : i32
      %swap3A_904 = arith.index_cast %swap3A_903 : i32 to index
      %swap3A_905 = arith.index_cast %mul3A_902 : i32 to index
      %swap3A_906 = tpu.vector_load %arg8[%swap3A_904, %swap3A_905] {strides = array<i32>} : memref<8x128xi32, #tpu.memory_space<vmem>>, vector<1x16xi32>,
      %swap3A_907 = vector.shape_cast %swap3A_906 : vector<1x16xi32> to vector<16xi32>
      %swap3A_908 = vector.shape_cast %select_n3A_900 : vector<16xi32> to vector<1x16xi32>
      tpu.vector_store %arg8[%swap3A_904, %swap3A_905], %swap3A_908 {strides = array<i32>} : memref<8x128xi32, #tpu.memory_space<vmem>>, vector<1x16xi32>,
      %scan3A_909 = arith.constant 0 : i32
      %scan3A_910 = arith.constant 5 : i32
      %mul3A_911 = arith.constant 16 : i32
      %mul3A_912 = arith.muli %scan3A_910, %mul3A_911 : i32
      %get3A_913 = arith.constant 2 : i32
      %get3A_914 = arith.index_cast %get3A_913 : i32 to index
      %get3A_915 = arith.index_cast %mul3A_912 : i32 to index
      %get3A_916 = tpu.vector_load %arg6[%get3A_914, %get3A_915] {strides = array<i32>} : memref<8x128xi32, #tpu.memory_space<vmem>>, vector<1x16xi32>,
      %get3A_917 = vector.shape_cast %get3A_916 : vector<1x16xi32> to vector<16xi32>
      %sub3A_918 = vector.broadcast %mul3A_0 : i32 to vector<16xi32>
      %sub3A_919 = arith.subi %get3A_917, %sub3A_918 : vector<16xi32>
      %ge3A_920 = arith.constant 0 : i32
      %ge3A_921 = vector.broadcast %ge3A_920 : i32 to vector<16xi32>
      %ge3A_922 = arith.cmpi sge, %sub3A_919, %ge3A_921 : vector<16xi32>
      %lt3A_923 = arith.constant 25000 : i32
      %lt3A_924 = vector.broadcast %lt3A_923 : i32 to vector<16xi32>
      %lt3A_925 = arith.cmpi slt, %sub3A_919, %lt3A_924 : vector<16xi32>
      %and3A_926 = arith.andi %ge3A_922, %lt3A_925 : vector<16xi1>
      %and3A_927 = arith.constant 127 : i32
      %and3A_928 = vector.broadcast %and3A_927 : i32 to vector<16xi32>
      %and3A_929 = arith.andi %sub3A_919, %and3A_928 : vector<16xi32>
      %add3A_930 = arith.constant 25000 : i32
      %add3A_931 = vector.broadcast %add3A_930 : i32 to vector<16xi32>
      %add3A_932 = arith.addi %add3A_931, %and3A_929 : vector<16xi32>
      %select_n3A_933 = arith.select %and3A_926, %sub3A_919, %add3A_932 : vector<16xi1>, vector<16xi32>
      %mul3A_934 = arith.constant 16 : i32
      %mul3A_935 = arith.muli %scan3A_910, %mul3A_934 : i32
      %swap3A_936 = arith.constant 2 : i32
      %swap3A_937 = arith.index_cast %swap3A_936 : i32 to index
      %swap3A_938 = arith.index_cast %mul3A_935 : i32 to index
      %swap3A_939 = tpu.vector_load %arg8[%swap3A_937, %swap3A_938] {strides = array<i32>} : memref<8x128xi32, #tpu.memory_space<vmem>>, vector<1x16xi32>,
      %swap3A_940 = vector.shape_cast %swap3A_939 : vector<1x16xi32> to vector<16xi32>
      %swap3A_941 = vector.shape_cast %select_n3A_933 : vector<16xi32> to vector<1x16xi32>
      tpu.vector_store %arg8[%swap3A_937, %swap3A_938], %swap3A_941 {strides = array<i32>} : memref<8x128xi32, #tpu.memory_space<vmem>>, vector<1x16xi32>,
      %scan3A_942 = arith.constant 0 : i32
      %scan3A_943 = arith.constant 6 : i32
      %mul3A_944 = arith.constant 16 : i32
      %mul3A_945 = arith.muli %scan3A_943, %mul3A_944 : i32
      %get3A_946 = arith.constant 2 : i32
      %get3A_947 = arith.index_cast %get3A_946 : i32 to index
      %get3A_948 = arith.index_cast %mul3A_945 : i32 to index
      %get3A_949 = tpu.vector_load %arg6[%get3A_947, %get3A_948] {strides = array<i32>} : memref<8x128xi32, #tpu.memory_space<vmem>>, vector<1x16xi32>,
      %get3A_950 = vector.shape_cast %get3A_949 : vector<1x16xi32> to vector<16xi32>
      %sub3A_951 = vector.broadcast %mul3A_0 : i32 to vector<16xi32>
      %sub3A_952 = arith.subi %get3A_950, %sub3A_951 : vector<16xi32>
      %ge3A_953 = arith.constant 0 : i32
      %ge3A_954 = vector.broadcast %ge3A_953 : i32 to vector<16xi32>
      %ge3A_955 = arith.cmpi sge, %sub3A_952, %ge3A_954 : vector<16xi32>
      %lt3A_956 = arith.constant 25000 : i32
      %lt3A_957 = vector.broadcast %lt3A_956 : i32 to vector<16xi32>
      %lt3A_958 = arith.cmpi slt, %sub3A_952, %lt3A_957 : vector<16xi32>
      %and3A_959 = arith.andi %ge3A_955, %lt3A_958 : vector<16xi1>
      %and3A_960 = arith.constant 127 : i32
      %and3A_961 = vector.broadcast %and3A_960 : i32 to vector<16xi32>
      %and3A_962 = arith.andi %sub3A_952, %and3A_961 : vector<16xi32>
      %add3A_963 = arith.constant 25000 : i32
      %add3A_964 = vector.broadcast %add3A_963 : i32 to vector<16xi32>
      %add3A_965 = arith.addi %add3A_964, %and3A_962 : vector<16xi32>
      %select_n3A_966 = arith.select %and3A_959, %sub3A_952, %add3A_965 : vector<16xi1>, vector<16xi32>
      %mul3A_967 = arith.constant 16 : i32
      %mul3A_968 = arith.muli %scan3A_943, %mul3A_967 : i32
      %swap3A_969 = arith.constant 2 : i32
      %swap3A_970 = arith.index_cast %swap3A_969 : i32 to index
      %swap3A_971 = arith.index_cast %mul3A_968 : i32 to index
      %swap3A_972 = tpu.vector_load %arg8[%swap3A_970, %swap3A_971] {strides = array<i32>} : memref<8x128xi32, #tpu.memory_space<vmem>>, vector<1x16xi32>,
      %swap3A_973 = vector.shape_cast %swap3A_972 : vector<1x16xi32> to vector<16xi32>
      %swap3A_974 = vector.shape_cast %select_n3A_966 : vector<16xi32> to vector<1x16xi32>
      tpu.vector_store %arg8[%swap3A_970, %swap3A_971], %swap3A_974 {strides = array<i32>} : memref<8x128xi32, #tpu.memory_space<vmem>>, vector<1x16xi32>,
      %scan3A_975 = arith.constant 0 : i32
      %scan3A_976 = arith.constant 7 : i32
      %mul3A_977 = arith.constant 16 : i32
      %mul3A_978 = arith.muli %scan3A_976, %mul3A_977 : i32
      %get3A_979 = arith.constant 2 : i32
      %get3A_980 = arith.index_cast %get3A_979 : i32 to index
      %get3A_981 = arith.index_cast %mul3A_978 : i32 to index
      %get3A_982 = tpu.vector_load %arg6[%get3A_980, %get3A_981] {strides = array<i32>} : memref<8x128xi32, #tpu.memory_space<vmem>>, vector<1x16xi32>,
      %get3A_983 = vector.shape_cast %get3A_982 : vector<1x16xi32> to vector<16xi32>
      %sub3A_984 = vector.broadcast %mul3A_0 : i32 to vector<16xi32>
      %sub3A_985 = arith.subi %get3A_983, %sub3A_984 : vector<16xi32>
      %ge3A_986 = arith.constant 0 : i32
      %ge3A_987 = vector.broadcast %ge3A_986 : i32 to vector<16xi32>
      %ge3A_988 = arith.cmpi sge, %sub3A_985, %ge3A_987 : vector<16xi32>
      %lt3A_989 = arith.constant 25000 : i32
      %lt3A_990 = vector.broadcast %lt3A_989 : i32 to vector<16xi32>
      %lt3A_991 = arith.cmpi slt, %sub3A_985, %lt3A_990 : vector<16xi32>
      %and3A_992 = arith.andi %ge3A_988, %lt3A_991 : vector<16xi1>
      %and3A_993 = arith.constant 127 : i32
      %and3A_994 = vector.broadcast %and3A_993 : i32 to vector<16xi32>
      %and3A_995 = arith.andi %sub3A_985, %and3A_994 : vector<16xi32>
      %add3A_996 = arith.constant 25000 : i32
      %add3A_997 = vector.broadcast %add3A_996 : i32 to vector<16xi32>
      %add3A_998 = arith.addi %add3A_997, %and3A_995 : vector<16xi32>
      %select_n3A_999 = arith.select %and3A_992, %sub3A_985, %add3A_998 : vector<16xi1>, vector<16xi32>
      %mul3A_1000 = arith.constant 16 : i32
      %mul3A_1001 = arith.muli %scan3A_976, %mul3A_1000 : i32
      %swap3A_1002 = arith.constant 2 : i32
      %swap3A_1003 = arith.index_cast %swap3A_1002 : i32 to index
      %swap3A_1004 = arith.index_cast %mul3A_1001 : i32 to index
      %swap3A_1005 = tpu.vector_load %arg8[%swap3A_1003, %swap3A_1004] {strides = array<i32>} : memref<8x128xi32, #tpu.memory_space<vmem>>, vector<1x16xi32>,
      %swap3A_1006 = vector.shape_cast %swap3A_1005 : vector<1x16xi32> to vector<16xi32>
      %swap3A_1007 = vector.shape_cast %select_n3A_999 : vector<16xi32> to vector<1x16xi32>
      tpu.vector_store %arg8[%swap3A_1003, %swap3A_1004], %swap3A_1007 {strides = array<i32>} : memref<8x128xi32, #tpu.memory_space<vmem>>, vector<1x16xi32>,
      %scan3A_1008 = arith.constant 0 : i32
      %scan3A_1009 = arith.constant 8 : i32
      %dma_start3A_1010 = arith.constant 2 : i32
      %dma_start3A_1011 = arith.constant 0 : i32
      %dma_start3A_1012 = tpu.memref_slice %arg8[%dma_start3A_1010, %dma_start3A_1011] : memref<8x128xi32, #tpu.memory_space<vmem>> -> memref<1x128xi32, #tpu.memory_space<vmem>>
      %dma_start3A_1013 = tpu.memref_squeeze %dma_start3A_1012 : memref<1x128xi32, #tpu.memory_space<vmem>> -> memref<128xi32, #tpu.memory_space<vmem>>
      %dma_start3A_1014 = arith.constant 0 : i32
      %dma_start3A_1015 = arith.constant 0 : i32
      %dma_start3A_1016 = tpu.memref_slice %arg11[%dma_start3A_1014, %dma_start3A_1015] : memref<25152x16xf32, #tpu.memory_space<vmem_shared>> -> memref<25152x16xf32, #tpu.memory_space<vmem_shared>>
      tpu.enqueue_indirect_dma source(%arg9 : memref<128x16xf32, #tpu.memory_space<vmem>>) target(%dma_start3A_1016 : memref<25152x16xf32, #tpu.memory_space<vmem_shared>>) offsets(%dma_start3A_1013 : memref<128xi32, #tpu.memory_space<vmem>>) semaphore(%arg14 : memref<!tpu.dma_semaphore, #tpu.memory_space<semaphore_mem>>) {add = true}
      %scan3A_1017 = arith.constant 0 : i32
      %scan3A_1018 = arith.constant 0 : i32
      %mul3A_1019 = arith.constant 16 : i32
      %mul3A_1020 = arith.muli %scan3A_1018, %mul3A_1019 : i32
      %get3A_1021 = arith.constant 3 : i32
      %get3A_1022 = arith.index_cast %get3A_1021 : i32 to index
      %get3A_1023 = arith.index_cast %mul3A_1020 : i32 to index
      %get3A_1024 = tpu.vector_load %arg6[%get3A_1022, %get3A_1023] {strides = array<i32>} : memref<8x128xi32, #tpu.memory_space<vmem>>, vector<1x16xi32>,
      %get3A_1025 = vector.shape_cast %get3A_1024 : vector<1x16xi32> to vector<16xi32>
      %sub3A_1026 = vector.broadcast %mul3A_0 : i32 to vector<16xi32>
      %sub3A_1027 = arith.subi %get3A_1025, %sub3A_1026 : vector<16xi32>
      %ge3A_1028 = arith.constant 0 : i32
      %ge3A_1029 = vector.broadcast %ge3A_1028 : i32 to vector<16xi32>
      %ge3A_1030 = arith.cmpi sge, %sub3A_1027, %ge3A_1029 : vector<16xi32>
      %lt3A_1031 = arith.constant 25000 : i32
      %lt3A_1032 = vector.broadcast %lt3A_1031 : i32 to vector<16xi32>
      %lt3A_1033 = arith.cmpi slt, %sub3A_1027, %lt3A_1032 : vector<16xi32>
      %and3A_1034 = arith.andi %ge3A_1030, %lt3A_1033 : vector<16xi1>
      %and3A_1035 = arith.constant 127 : i32
      %and3A_1036 = vector.broadcast %and3A_1035 : i32 to vector<16xi32>
      %and3A_1037 = arith.andi %sub3A_1027, %and3A_1036 : vector<16xi32>
      %add3A_1038 = arith.constant 25000 : i32
      %add3A_1039 = vector.broadcast %add3A_1038 : i32 to vector<16xi32>
      %add3A_1040 = arith.addi %add3A_1039, %and3A_1037 : vector<16xi32>
      %select_n3A_1041 = arith.select %and3A_1034, %sub3A_1027, %add3A_1040 : vector<16xi1>, vector<16xi32>
      %mul3A_1042 = arith.constant 16 : i32
      %mul3A_1043 = arith.muli %scan3A_1018, %mul3A_1042 : i32
      %swap3A_1044 = arith.constant 3 : i32
      %swap3A_1045 = arith.index_cast %swap3A_1044 : i32 to index
      %swap3A_1046 = arith.index_cast %mul3A_1043 : i32 to index
      %swap3A_1047 = tpu.vector_load %arg8[%swap3A_1045, %swap3A_1046] {strides = array<i32>} : memref<8x128xi32, #tpu.memory_space<vmem>>, vector<1x16xi32>,
      %swap3A_1048 = vector.shape_cast %swap3A_1047 : vector<1x16xi32> to vector<16xi32>
      %swap3A_1049 = vector.shape_cast %select_n3A_1041 : vector<16xi32> to vector<1x16xi32>
      tpu.vector_store %arg8[%swap3A_1045, %swap3A_1046], %swap3A_1049 {strides = array<i32>} : memref<8x128xi32, #tpu.memory_space<vmem>>, vector<1x16xi32>,
      %scan3A_1050 = arith.constant 0 : i32
      %scan3A_1051 = arith.constant 1 : i32
      %mul3A_1052 = arith.constant 16 : i32
      %mul3A_1053 = arith.muli %scan3A_1051, %mul3A_1052 : i32
      %get3A_1054 = arith.constant 3 : i32
      %get3A_1055 = arith.index_cast %get3A_1054 : i32 to index
      %get3A_1056 = arith.index_cast %mul3A_1053 : i32 to index
      %get3A_1057 = tpu.vector_load %arg6[%get3A_1055, %get3A_1056] {strides = array<i32>} : memref<8x128xi32, #tpu.memory_space<vmem>>, vector<1x16xi32>,
      %get3A_1058 = vector.shape_cast %get3A_1057 : vector<1x16xi32> to vector<16xi32>
      %sub3A_1059 = vector.broadcast %mul3A_0 : i32 to vector<16xi32>
      %sub3A_1060 = arith.subi %get3A_1058, %sub3A_1059 : vector<16xi32>
      %ge3A_1061 = arith.constant 0 : i32
      %ge3A_1062 = vector.broadcast %ge3A_1061 : i32 to vector<16xi32>
      %ge3A_1063 = arith.cmpi sge, %sub3A_1060, %ge3A_1062 : vector<16xi32>
      %lt3A_1064 = arith.constant 25000 : i32
      %lt3A_1065 = vector.broadcast %lt3A_1064 : i32 to vector<16xi32>
      %lt3A_1066 = arith.cmpi slt, %sub3A_1060, %lt3A_1065 : vector<16xi32>
      %and3A_1067 = arith.andi %ge3A_1063, %lt3A_1066 : vector<16xi1>
      %and3A_1068 = arith.constant 127 : i32
      %and3A_1069 = vector.broadcast %and3A_1068 : i32 to vector<16xi32>
      %and3A_1070 = arith.andi %sub3A_1060, %and3A_1069 : vector<16xi32>
      %add3A_1071 = arith.constant 25000 : i32
      %add3A_1072 = vector.broadcast %add3A_1071 : i32 to vector<16xi32>
      %add3A_1073 = arith.addi %add3A_1072, %and3A_1070 : vector<16xi32>
      %select_n3A_1074 = arith.select %and3A_1067, %sub3A_1060, %add3A_1073 : vector<16xi1>, vector<16xi32>
      %mul3A_1075 = arith.constant 16 : i32
      %mul3A_1076 = arith.muli %scan3A_1051, %mul3A_1075 : i32
      %swap3A_1077 = arith.constant 3 : i32
      %swap3A_1078 = arith.index_cast %swap3A_1077 : i32 to index
      %swap3A_1079 = arith.index_cast %mul3A_1076 : i32 to index
      %swap3A_1080 = tpu.vector_load %arg8[%swap3A_1078, %swap3A_1079] {strides = array<i32>} : memref<8x128xi32, #tpu.memory_space<vmem>>, vector<1x16xi32>,
      %swap3A_1081 = vector.shape_cast %swap3A_1080 : vector<1x16xi32> to vector<16xi32>
      %swap3A_1082 = vector.shape_cast %select_n3A_1074 : vector<16xi32> to vector<1x16xi32>
      tpu.vector_store %arg8[%swap3A_1078, %swap3A_1079], %swap3A_1082 {strides = array<i32>} : memref<8x128xi32, #tpu.memory_space<vmem>>, vector<1x16xi32>,
      %scan3A_1083 = arith.constant 0 : i32
      %scan3A_1084 = arith.constant 2 : i32
      %mul3A_1085 = arith.constant 16 : i32
      %mul3A_1086 = arith.muli %scan3A_1084, %mul3A_1085 : i32
      %get3A_1087 = arith.constant 3 : i32
      %get3A_1088 = arith.index_cast %get3A_1087 : i32 to index
      %get3A_1089 = arith.index_cast %mul3A_1086 : i32 to index
      %get3A_1090 = tpu.vector_load %arg6[%get3A_1088, %get3A_1089] {strides = array<i32>} : memref<8x128xi32, #tpu.memory_space<vmem>>, vector<1x16xi32>,
      %get3A_1091 = vector.shape_cast %get3A_1090 : vector<1x16xi32> to vector<16xi32>
      %sub3A_1092 = vector.broadcast %mul3A_0 : i32 to vector<16xi32>
      %sub3A_1093 = arith.subi %get3A_1091, %sub3A_1092 : vector<16xi32>
      %ge3A_1094 = arith.constant 0 : i32
      %ge3A_1095 = vector.broadcast %ge3A_1094 : i32 to vector<16xi32>
      %ge3A_1096 = arith.cmpi sge, %sub3A_1093, %ge3A_1095 : vector<16xi32>
      %lt3A_1097 = arith.constant 25000 : i32
      %lt3A_1098 = vector.broadcast %lt3A_1097 : i32 to vector<16xi32>
      %lt3A_1099 = arith.cmpi slt, %sub3A_1093, %lt3A_1098 : vector<16xi32>
      %and3A_1100 = arith.andi %ge3A_1096, %lt3A_1099 : vector<16xi1>
      %and3A_1101 = arith.constant 127 : i32
      %and3A_1102 = vector.broadcast %and3A_1101 : i32 to vector<16xi32>
      %and3A_1103 = arith.andi %sub3A_1093, %and3A_1102 : vector<16xi32>
      %add3A_1104 = arith.constant 25000 : i32
      %add3A_1105 = vector.broadcast %add3A_1104 : i32 to vector<16xi32>
      %add3A_1106 = arith.addi %add3A_1105, %and3A_1103 : vector<16xi32>
      %select_n3A_1107 = arith.select %and3A_1100, %sub3A_1093, %add3A_1106 : vector<16xi1>, vector<16xi32>
      %mul3A_1108 = arith.constant 16 : i32
      %mul3A_1109 = arith.muli %scan3A_1084, %mul3A_1108 : i32
      %swap3A_1110 = arith.constant 3 : i32
      %swap3A_1111 = arith.index_cast %swap3A_1110 : i32 to index
      %swap3A_1112 = arith.index_cast %mul3A_1109 : i32 to index
      %swap3A_1113 = tpu.vector_load %arg8[%swap3A_1111, %swap3A_1112] {strides = array<i32>} : memref<8x128xi32, #tpu.memory_space<vmem>>, vector<1x16xi32>,
      %swap3A_1114 = vector.shape_cast %swap3A_1113 : vector<1x16xi32> to vector<16xi32>
      %swap3A_1115 = vector.shape_cast %select_n3A_1107 : vector<16xi32> to vector<1x16xi32>
      tpu.vector_store %arg8[%swap3A_1111, %swap3A_1112], %swap3A_1115 {strides = array<i32>} : memref<8x128xi32, #tpu.memory_space<vmem>>, vector<1x16xi32>,
      %scan3A_1116 = arith.constant 0 : i32
      %scan3A_1117 = arith.constant 3 : i32
      %mul3A_1118 = arith.constant 16 : i32
      %mul3A_1119 = arith.muli %scan3A_1117, %mul3A_1118 : i32
      %get3A_1120 = arith.constant 3 : i32
      %get3A_1121 = arith.index_cast %get3A_1120 : i32 to index
      %get3A_1122 = arith.index_cast %mul3A_1119 : i32 to index
      %get3A_1123 = tpu.vector_load %arg6[%get3A_1121, %get3A_1122] {strides = array<i32>} : memref<8x128xi32, #tpu.memory_space<vmem>>, vector<1x16xi32>,
      %get3A_1124 = vector.shape_cast %get3A_1123 : vector<1x16xi32> to vector<16xi32>
      %sub3A_1125 = vector.broadcast %mul3A_0 : i32 to vector<16xi32>
      %sub3A_1126 = arith.subi %get3A_1124, %sub3A_1125 : vector<16xi32>
      %ge3A_1127 = arith.constant 0 : i32
      %ge3A_1128 = vector.broadcast %ge3A_1127 : i32 to vector<16xi32>
      %ge3A_1129 = arith.cmpi sge, %sub3A_1126, %ge3A_1128 : vector<16xi32>
      %lt3A_1130 = arith.constant 25000 : i32
      %lt3A_1131 = vector.broadcast %lt3A_1130 : i32 to vector<16xi32>
      %lt3A_1132 = arith.cmpi slt, %sub3A_1126, %lt3A_1131 : vector<16xi32>
      %and3A_1133 = arith.andi %ge3A_1129, %lt3A_1132 : vector<16xi1>
      %and3A_1134 = arith.constant 127 : i32
      %and3A_1135 = vector.broadcast %and3A_1134 : i32 to vector<16xi32>
      %and3A_1136 = arith.andi %sub3A_1126, %and3A_1135 : vector<16xi32>
      %add3A_1137 = arith.constant 25000 : i32
      %add3A_1138 = vector.broadcast %add3A_1137 : i32 to vector<16xi32>
      %add3A_1139 = arith.addi %add3A_1138, %and3A_1136 : vector<16xi32>
      %select_n3A_1140 = arith.select %and3A_1133, %sub3A_1126, %add3A_1139 : vector<16xi1>, vector<16xi32>
      %mul3A_1141 = arith.constant 16 : i32
      %mul3A_1142 = arith.muli %scan3A_1117, %mul3A_1141 : i32
      %swap3A_1143 = arith.constant 3 : i32
      %swap3A_1144 = arith.index_cast %swap3A_1143 : i32 to index
      %swap3A_1145 = arith.index_cast %mul3A_1142 : i32 to index
      %swap3A_1146 = tpu.vector_load %arg8[%swap3A_1144, %swap3A_1145] {strides = array<i32>} : memref<8x128xi32, #tpu.memory_space<vmem>>, vector<1x16xi32>,
      %swap3A_1147 = vector.shape_cast %swap3A_1146 : vector<1x16xi32> to vector<16xi32>
      %swap3A_1148 = vector.shape_cast %select_n3A_1140 : vector<16xi32> to vector<1x16xi32>
      tpu.vector_store %arg8[%swap3A_1144, %swap3A_1145], %swap3A_1148 {strides = array<i32>} : memref<8x128xi32, #tpu.memory_space<vmem>>, vector<1x16xi32>,
      %scan3A_1149 = arith.constant 0 : i32
      %scan3A_1150 = arith.constant 4 : i32
      %mul3A_1151 = arith.constant 16 : i32
      %mul3A_1152 = arith.muli %scan3A_1150, %mul3A_1151 : i32
      %get3A_1153 = arith.constant 3 : i32
      %get3A_1154 = arith.index_cast %get3A_1153 : i32 to index
      %get3A_1155 = arith.index_cast %mul3A_1152 : i32 to index
      %get3A_1156 = tpu.vector_load %arg6[%get3A_1154, %get3A_1155] {strides = array<i32>} : memref<8x128xi32, #tpu.memory_space<vmem>>, vector<1x16xi32>,
      %get3A_1157 = vector.shape_cast %get3A_1156 : vector<1x16xi32> to vector<16xi32>
      %sub3A_1158 = vector.broadcast %mul3A_0 : i32 to vector<16xi32>
      %sub3A_1159 = arith.subi %get3A_1157, %sub3A_1158 : vector<16xi32>
      %ge3A_1160 = arith.constant 0 : i32
      %ge3A_1161 = vector.broadcast %ge3A_1160 : i32 to vector<16xi32>
      %ge3A_1162 = arith.cmpi sge, %sub3A_1159, %ge3A_1161 : vector<16xi32>
      %lt3A_1163 = arith.constant 25000 : i32
      %lt3A_1164 = vector.broadcast %lt3A_1163 : i32 to vector<16xi32>
      %lt3A_1165 = arith.cmpi slt, %sub3A_1159, %lt3A_1164 : vector<16xi32>
      %and3A_1166 = arith.andi %ge3A_1162, %lt3A_1165 : vector<16xi1>
      %and3A_1167 = arith.constant 127 : i32
      %and3A_1168 = vector.broadcast %and3A_1167 : i32 to vector<16xi32>
      %and3A_1169 = arith.andi %sub3A_1159, %and3A_1168 : vector<16xi32>
      %add3A_1170 = arith.constant 25000 : i32
      %add3A_1171 = vector.broadcast %add3A_1170 : i32 to vector<16xi32>
      %add3A_1172 = arith.addi %add3A_1171, %and3A_1169 : vector<16xi32>
      %select_n3A_1173 = arith.select %and3A_1166, %sub3A_1159, %add3A_1172 : vector<16xi1>, vector<16xi32>
      %mul3A_1174 = arith.constant 16 : i32
      %mul3A_1175 = arith.muli %scan3A_1150, %mul3A_1174 : i32
      %swap3A_1176 = arith.constant 3 : i32
      %swap3A_1177 = arith.index_cast %swap3A_1176 : i32 to index
      %swap3A_1178 = arith.index_cast %mul3A_1175 : i32 to index
      %swap3A_1179 = tpu.vector_load %arg8[%swap3A_1177, %swap3A_1178] {strides = array<i32>} : memref<8x128xi32, #tpu.memory_space<vmem>>, vector<1x16xi32>,
      %swap3A_1180 = vector.shape_cast %swap3A_1179 : vector<1x16xi32> to vector<16xi32>
      %swap3A_1181 = vector.shape_cast %select_n3A_1173 : vector<16xi32> to vector<1x16xi32>
      tpu.vector_store %arg8[%swap3A_1177, %swap3A_1178], %swap3A_1181 {strides = array<i32>} : memref<8x128xi32, #tpu.memory_space<vmem>>, vector<1x16xi32>,
      %scan3A_1182 = arith.constant 0 : i32
      %scan3A_1183 = arith.constant 5 : i32
      %mul3A_1184 = arith.constant 16 : i32
      %mul3A_1185 = arith.muli %scan3A_1183, %mul3A_1184 : i32
      %get3A_1186 = arith.constant 3 : i32
      %get3A_1187 = arith.index_cast %get3A_1186 : i32 to index
      %get3A_1188 = arith.index_cast %mul3A_1185 : i32 to index
      %get3A_1189 = tpu.vector_load %arg6[%get3A_1187, %get3A_1188] {strides = array<i32>} : memref<8x128xi32, #tpu.memory_space<vmem>>, vector<1x16xi32>,
      %get3A_1190 = vector.shape_cast %get3A_1189 : vector<1x16xi32> to vector<16xi32>
      %sub3A_1191 = vector.broadcast %mul3A_0 : i32 to vector<16xi32>
      %sub3A_1192 = arith.subi %get3A_1190, %sub3A_1191 : vector<16xi32>
      %ge3A_1193 = arith.constant 0 : i32
      %ge3A_1194 = vector.broadcast %ge3A_1193 : i32 to vector<16xi32>
      %ge3A_1195 = arith.cmpi sge, %sub3A_1192, %ge3A_1194 : vector<16xi32>
      %lt3A_1196 = arith.constant 25000 : i32
      %lt3A_1197 = vector.broadcast %lt3A_1196 : i32 to vector<16xi32>
      %lt3A_1198 = arith.cmpi slt, %sub3A_1192, %lt3A_1197 : vector<16xi32>
      %and3A_1199 = arith.andi %ge3A_1195, %lt3A_1198 : vector<16xi1>
      %and3A_1200 = arith.constant 127 : i32
      %and3A_1201 = vector.broadcast %and3A_1200 : i32 to vector<16xi32>
      %and3A_1202 = arith.andi %sub3A_1192, %and3A_1201 : vector<16xi32>
      %add3A_1203 = arith.constant 25000 : i32
      %add3A_1204 = vector.broadcast %add3A_1203 : i32 to vector<16xi32>
      %add3A_1205 = arith.addi %add3A_1204, %and3A_1202 : vector<16xi32>
      %select_n3A_1206 = arith.select %and3A_1199, %sub3A_1192, %add3A_1205 : vector<16xi1>, vector<16xi32>
      %mul3A_1207 = arith.constant 16 : i32
      %mul3A_1208 = arith.muli %scan3A_1183, %mul3A_1207 : i32
      %swap3A_1209 = arith.constant 3 : i32
      %swap3A_1210 = arith.index_cast %swap3A_1209 : i32 to index
      %swap3A_1211 = arith.index_cast %mul3A_1208 : i32 to index
      %swap3A_1212 = tpu.vector_load %arg8[%swap3A_1210, %swap3A_1211] {strides = array<i32>} : memref<8x128xi32, #tpu.memory_space<vmem>>, vector<1x16xi32>,
      %swap3A_1213 = vector.shape_cast %swap3A_1212 : vector<1x16xi32> to vector<16xi32>
      %swap3A_1214 = vector.shape_cast %select_n3A_1206 : vector<16xi32> to vector<1x16xi32>
      tpu.vector_store %arg8[%swap3A_1210, %swap3A_1211], %swap3A_1214 {strides = array<i32>} : memref<8x128xi32, #tpu.memory_space<vmem>>, vector<1x16xi32>,
      %scan3A_1215 = arith.constant 0 : i32
      %scan3A_1216 = arith.constant 6 : i32
      %mul3A_1217 = arith.constant 16 : i32
      %mul3A_1218 = arith.muli %scan3A_1216, %mul3A_1217 : i32
      %get3A_1219 = arith.constant 3 : i32
      %get3A_1220 = arith.index_cast %get3A_1219 : i32 to index
      %get3A_1221 = arith.index_cast %mul3A_1218 : i32 to index
      %get3A_1222 = tpu.vector_load %arg6[%get3A_1220, %get3A_1221] {strides = array<i32>} : memref<8x128xi32, #tpu.memory_space<vmem>>, vector<1x16xi32>,
      %get3A_1223 = vector.shape_cast %get3A_1222 : vector<1x16xi32> to vector<16xi32>
      %sub3A_1224 = vector.broadcast %mul3A_0 : i32 to vector<16xi32>
      %sub3A_1225 = arith.subi %get3A_1223, %sub3A_1224 : vector<16xi32>
      %ge3A_1226 = arith.constant 0 : i32
      %ge3A_1227 = vector.broadcast %ge3A_1226 : i32 to vector<16xi32>
      %ge3A_1228 = arith.cmpi sge, %sub3A_1225, %ge3A_1227 : vector<16xi32>
      %lt3A_1229 = arith.constant 25000 : i32
      %lt3A_1230 = vector.broadcast %lt3A_1229 : i32 to vector<16xi32>
      %lt3A_1231 = arith.cmpi slt, %sub3A_1225, %lt3A_1230 : vector<16xi32>
      %and3A_1232 = arith.andi %ge3A_1228, %lt3A_1231 : vector<16xi1>
      %and3A_1233 = arith.constant 127 : i32
      %and3A_1234 = vector.broadcast %and3A_1233 : i32 to vector<16xi32>
      %and3A_1235 = arith.andi %sub3A_1225, %and3A_1234 : vector<16xi32>
      %add3A_1236 = arith.constant 25000 : i32
      %add3A_1237 = vector.broadcast %add3A_1236 : i32 to vector<16xi32>
      %add3A_1238 = arith.addi %add3A_1237, %and3A_1235 : vector<16xi32>
      %select_n3A_1239 = arith.select %and3A_1232, %sub3A_1225, %add3A_1238 : vector<16xi1>, vector<16xi32>
      %mul3A_1240 = arith.constant 16 : i32
      %mul3A_1241 = arith.muli %scan3A_1216, %mul3A_1240 : i32
      %swap3A_1242 = arith.constant 3 : i32
      %swap3A_1243 = arith.index_cast %swap3A_1242 : i32 to index
      %swap3A_1244 = arith.index_cast %mul3A_1241 : i32 to index
      %swap3A_1245 = tpu.vector_load %arg8[%swap3A_1243, %swap3A_1244] {strides = array<i32>} : memref<8x128xi32, #tpu.memory_space<vmem>>, vector<1x16xi32>,
      %swap3A_1246 = vector.shape_cast %swap3A_1245 : vector<1x16xi32> to vector<16xi32>
      %swap3A_1247 = vector.shape_cast %select_n3A_1239 : vector<16xi32> to vector<1x16xi32>
      tpu.vector_store %arg8[%swap3A_1243, %swap3A_1244], %swap3A_1247 {strides = array<i32>} : memref<8x128xi32, #tpu.memory_space<vmem>>, vector<1x16xi32>,
      %scan3A_1248 = arith.constant 0 : i32
      %scan3A_1249 = arith.constant 7 : i32
      %mul3A_1250 = arith.constant 16 : i32
      %mul3A_1251 = arith.muli %scan3A_1249, %mul3A_1250 : i32
      %get3A_1252 = arith.constant 3 : i32
      %get3A_1253 = arith.index_cast %get3A_1252 : i32 to index
      %get3A_1254 = arith.index_cast %mul3A_1251 : i32 to index
      %get3A_1255 = tpu.vector_load %arg6[%get3A_1253, %get3A_1254] {strides = array<i32>} : memref<8x128xi32, #tpu.memory_space<vmem>>, vector<1x16xi32>,
      %get3A_1256 = vector.shape_cast %get3A_1255 : vector<1x16xi32> to vector<16xi32>
      %sub3A_1257 = vector.broadcast %mul3A_0 : i32 to vector<16xi32>
      %sub3A_1258 = arith.subi %get3A_1256, %sub3A_1257 : vector<16xi32>
      %ge3A_1259 = arith.constant 0 : i32
      %ge3A_1260 = vector.broadcast %ge3A_1259 : i32 to vector<16xi32>
      %ge3A_1261 = arith.cmpi sge, %sub3A_1258, %ge3A_1260 : vector<16xi32>
      %lt3A_1262 = arith.constant 25000 : i32
      %lt3A_1263 = vector.broadcast %lt3A_1262 : i32 to vector<16xi32>
      %lt3A_1264 = arith.cmpi slt, %sub3A_1258, %lt3A_1263 : vector<16xi32>
      %and3A_1265 = arith.andi %ge3A_1261, %lt3A_1264 : vector<16xi1>
      %and3A_1266 = arith.constant 127 : i32
      %and3A_1267 = vector.broadcast %and3A_1266 : i32 to vector<16xi32>
      %and3A_1268 = arith.andi %sub3A_1258, %and3A_1267 : vector<16xi32>
      %add3A_1269 = arith.constant 25000 : i32
      %add3A_1270 = vector.broadcast %add3A_1269 : i32 to vector<16xi32>
      %add3A_1271 = arith.addi %add3A_1270, %and3A_1268 : vector<16xi32>
      %select_n3A_1272 = arith.select %and3A_1265, %sub3A_1258, %add3A_1271 : vector<16xi1>, vector<16xi32>
      %mul3A_1273 = arith.constant 16 : i32
      %mul3A_1274 = arith.muli %scan3A_1249, %mul3A_1273 : i32
      %swap3A_1275 = arith.constant 3 : i32
      %swap3A_1276 = arith.index_cast %swap3A_1275 : i32 to index
      %swap3A_1277 = arith.index_cast %mul3A_1274 : i32 to index
      %swap3A_1278 = tpu.vector_load %arg8[%swap3A_1276, %swap3A_1277] {strides = array<i32>} : memref<8x128xi32, #tpu.memory_space<vmem>>, vector<1x16xi32>,
      %swap3A_1279 = vector.shape_cast %swap3A_1278 : vector<1x16xi32> to vector<16xi32>
      %swap3A_1280 = vector.shape_cast %select_n3A_1272 : vector<16xi32> to vector<1x16xi32>
      tpu.vector_store %arg8[%swap3A_1276, %swap3A_1277], %swap3A_1280 {strides = array<i32>} : memref<8x128xi32, #tpu.memory_space<vmem>>, vector<1x16xi32>,
      %scan3A_1281 = arith.constant 0 : i32
      %scan3A_1282 = arith.constant 8 : i32
      %dma_start3A_1283 = arith.constant 3 : i32
      %dma_start3A_1284 = arith.constant 0 : i32
      %dma_start3A_1285 = tpu.memref_slice %arg8[%dma_start3A_1283, %dma_start3A_1284] : memref<8x128xi32, #tpu.memory_space<vmem>> -> memref<1x128xi32, #tpu.memory_space<vmem>>
      %dma_start3A_1286 = tpu.memref_squeeze %dma_start3A_1285 : memref<1x128xi32, #tpu.memory_space<vmem>> -> memref<128xi32, #tpu.memory_space<vmem>>
      %dma_start3A_1287 = arith.constant 0 : i32
      %dma_start3A_1288 = arith.constant 0 : i32
      %dma_start3A_1289 = tpu.memref_slice %arg11[%dma_start3A_1287, %dma_start3A_1288] : memref<25152x16xf32, #tpu.memory_space<vmem_shared>> -> memref<25152x16xf32, #tpu.memory_space<vmem_shared>>
      tpu.enqueue_indirect_dma source(%arg9 : memref<128x16xf32, #tpu.memory_space<vmem>>) target(%dma_start3A_1289 : memref<25152x16xf32, #tpu.memory_space<vmem_shared>>) offsets(%dma_start3A_1286 : memref<128xi32, #tpu.memory_space<vmem>>) semaphore(%arg14 : memref<!tpu.dma_semaphore, #tpu.memory_space<semaphore_mem>>) {add = true}
      %scan3A_1290 = arith.constant 0 : i32
      %scan3A_1291 = arith.constant 0 : i32
      %mul3A_1292 = arith.constant 16 : i32
      %mul3A_1293 = arith.muli %scan3A_1291, %mul3A_1292 : i32
      %get3A_1294 = arith.constant 4 : i32
      %get3A_1295 = arith.index_cast %get3A_1294 : i32 to index
      %get3A_1296 = arith.index_cast %mul3A_1293 : i32 to index
      %get3A_1297 = tpu.vector_load %arg6[%get3A_1295, %get3A_1296] {strides = array<i32>} : memref<8x128xi32, #tpu.memory_space<vmem>>, vector<1x16xi32>,
      %get3A_1298 = vector.shape_cast %get3A_1297 : vector<1x16xi32> to vector<16xi32>
      %sub3A_1299 = vector.broadcast %mul3A_0 : i32 to vector<16xi32>
      %sub3A_1300 = arith.subi %get3A_1298, %sub3A_1299 : vector<16xi32>
      %ge3A_1301 = arith.constant 0 : i32
      %ge3A_1302 = vector.broadcast %ge3A_1301 : i32 to vector<16xi32>
      %ge3A_1303 = arith.cmpi sge, %sub3A_1300, %ge3A_1302 : vector<16xi32>
      %lt3A_1304 = arith.constant 25000 : i32
      %lt3A_1305 = vector.broadcast %lt3A_1304 : i32 to vector<16xi32>
      %lt3A_1306 = arith.cmpi slt, %sub3A_1300, %lt3A_1305 : vector<16xi32>
      %and3A_1307 = arith.andi %ge3A_1303, %lt3A_1306 : vector<16xi1>
      %and3A_1308 = arith.constant 127 : i32
      %and3A_1309 = vector.broadcast %and3A_1308 : i32 to vector<16xi32>
      %and3A_1310 = arith.andi %sub3A_1300, %and3A_1309 : vector<16xi32>
      %add3A_1311 = arith.constant 25000 : i32
      %add3A_1312 = vector.broadcast %add3A_1311 : i32 to vector<16xi32>
      %add3A_1313 = arith.addi %add3A_1312, %and3A_1310 : vector<16xi32>
      %select_n3A_1314 = arith.select %and3A_1307, %sub3A_1300, %add3A_1313 : vector<16xi1>, vector<16xi32>
      %mul3A_1315 = arith.constant 16 : i32
      %mul3A_1316 = arith.muli %scan3A_1291, %mul3A_1315 : i32
      %swap3A_1317 = arith.constant 4 : i32
      %swap3A_1318 = arith.index_cast %swap3A_1317 : i32 to index
      %swap3A_1319 = arith.index_cast %mul3A_1316 : i32 to index
      %swap3A_1320 = tpu.vector_load %arg8[%swap3A_1318, %swap3A_1319] {strides = array<i32>} : memref<8x128xi32, #tpu.memory_space<vmem>>, vector<1x16xi32>,
      %swap3A_1321 = vector.shape_cast %swap3A_1320 : vector<1x16xi32> to vector<16xi32>
      %swap3A_1322 = vector.shape_cast %select_n3A_1314 : vector<16xi32> to vector<1x16xi32>
      tpu.vector_store %arg8[%swap3A_1318, %swap3A_1319], %swap3A_1322 {strides = array<i32>} : memref<8x128xi32, #tpu.memory_space<vmem>>, vector<1x16xi32>,
      %scan3A_1323 = arith.constant 0 : i32
      %scan3A_1324 = arith.constant 1 : i32
      %mul3A_1325 = arith.constant 16 : i32
      %mul3A_1326 = arith.muli %scan3A_1324, %mul3A_1325 : i32
      %get3A_1327 = arith.constant 4 : i32
      %get3A_1328 = arith.index_cast %get3A_1327 : i32 to index
      %get3A_1329 = arith.index_cast %mul3A_1326 : i32 to index
      %get3A_1330 = tpu.vector_load %arg6[%get3A_1328, %get3A_1329] {strides = array<i32>} : memref<8x128xi32, #tpu.memory_space<vmem>>, vector<1x16xi32>,
      %get3A_1331 = vector.shape_cast %get3A_1330 : vector<1x16xi32> to vector<16xi32>
      %sub3A_1332 = vector.broadcast %mul3A_0 : i32 to vector<16xi32>
      %sub3A_1333 = arith.subi %get3A_1331, %sub3A_1332 : vector<16xi32>
      %ge3A_1334 = arith.constant 0 : i32
      %ge3A_1335 = vector.broadcast %ge3A_1334 : i32 to vector<16xi32>
      %ge3A_1336 = arith.cmpi sge, %sub3A_1333, %ge3A_1335 : vector<16xi32>
      %lt3A_1337 = arith.constant 25000 : i32
      %lt3A_1338 = vector.broadcast %lt3A_1337 : i32 to vector<16xi32>
      %lt3A_1339 = arith.cmpi slt, %sub3A_1333, %lt3A_1338 : vector<16xi32>
      %and3A_1340 = arith.andi %ge3A_1336, %lt3A_1339 : vector<16xi1>
      %and3A_1341 = arith.constant 127 : i32
      %and3A_1342 = vector.broadcast %and3A_1341 : i32 to vector<16xi32>
      %and3A_1343 = arith.andi %sub3A_1333, %and3A_1342 : vector<16xi32>
      %add3A_1344 = arith.constant 25000 : i32
      %add3A_1345 = vector.broadcast %add3A_1344 : i32 to vector<16xi32>
      %add3A_1346 = arith.addi %add3A_1345, %and3A_1343 : vector<16xi32>
      %select_n3A_1347 = arith.select %and3A_1340, %sub3A_1333, %add3A_1346 : vector<16xi1>, vector<16xi32>
      %mul3A_1348 = arith.constant 16 : i32
      %mul3A_1349 = arith.muli %scan3A_1324, %mul3A_1348 : i32
      %swap3A_1350 = arith.constant 4 : i32
      %swap3A_1351 = arith.index_cast %swap3A_1350 : i32 to index
      %swap3A_1352 = arith.index_cast %mul3A_1349 : i32 to index
      %swap3A_1353 = tpu.vector_load %arg8[%swap3A_1351, %swap3A_1352] {strides = array<i32>} : memref<8x128xi32, #tpu.memory_space<vmem>>, vector<1x16xi32>,
      %swap3A_1354 = vector.shape_cast %swap3A_1353 : vector<1x16xi32> to vector<16xi32>
      %swap3A_1355 = vector.shape_cast %select_n3A_1347 : vector<16xi32> to vector<1x16xi32>
      tpu.vector_store %arg8[%swap3A_1351, %swap3A_1352], %swap3A_1355 {strides = array<i32>} : memref<8x128xi32, #tpu.memory_space<vmem>>, vector<1x16xi32>,
      %scan3A_1356 = arith.constant 0 : i32
      %scan3A_1357 = arith.constant 2 : i32
      %mul3A_1358 = arith.constant 16 : i32
      %mul3A_1359 = arith.muli %scan3A_1357, %mul3A_1358 : i32
      %get3A_1360 = arith.constant 4 : i32
      %get3A_1361 = arith.index_cast %get3A_1360 : i32 to index
      %get3A_1362 = arith.index_cast %mul3A_1359 : i32 to index
      %get3A_1363 = tpu.vector_load %arg6[%get3A_1361, %get3A_1362] {strides = array<i32>} : memref<8x128xi32, #tpu.memory_space<vmem>>, vector<1x16xi32>,
      %get3A_1364 = vector.shape_cast %get3A_1363 : vector<1x16xi32> to vector<16xi32>
      %sub3A_1365 = vector.broadcast %mul3A_0 : i32 to vector<16xi32>
      %sub3A_1366 = arith.subi %get3A_1364, %sub3A_1365 : vector<16xi32>
      %ge3A_1367 = arith.constant 0 : i32
      %ge3A_1368 = vector.broadcast %ge3A_1367 : i32 to vector<16xi32>
      %ge3A_1369 = arith.cmpi sge, %sub3A_1366, %ge3A_1368 : vector<16xi32>
      %lt3A_1370 = arith.constant 25000 : i32
      %lt3A_1371 = vector.broadcast %lt3A_1370 : i32 to vector<16xi32>
      %lt3A_1372 = arith.cmpi slt, %sub3A_1366, %lt3A_1371 : vector<16xi32>
      %and3A_1373 = arith.andi %ge3A_1369, %lt3A_1372 : vector<16xi1>
      %and3A_1374 = arith.constant 127 : i32
      %and3A_1375 = vector.broadcast %and3A_1374 : i32 to vector<16xi32>
      %and3A_1376 = arith.andi %sub3A_1366, %and3A_1375 : vector<16xi32>
      %add3A_1377 = arith.constant 25000 : i32
      %add3A_1378 = vector.broadcast %add3A_1377 : i32 to vector<16xi32>
      %add3A_1379 = arith.addi %add3A_1378, %and3A_1376 : vector<16xi32>
      %select_n3A_1380 = arith.select %and3A_1373, %sub3A_1366, %add3A_1379 : vector<16xi1>, vector<16xi32>
      %mul3A_1381 = arith.constant 16 : i32
      %mul3A_1382 = arith.muli %scan3A_1357, %mul3A_1381 : i32
      %swap3A_1383 = arith.constant 4 : i32
      %swap3A_1384 = arith.index_cast %swap3A_1383 : i32 to index
      %swap3A_1385 = arith.index_cast %mul3A_1382 : i32 to index
      %swap3A_1386 = tpu.vector_load %arg8[%swap3A_1384, %swap3A_1385] {strides = array<i32>} : memref<8x128xi32, #tpu.memory_space<vmem>>, vector<1x16xi32>,
      %swap3A_1387 = vector.shape_cast %swap3A_1386 : vector<1x16xi32> to vector<16xi32>
      %swap3A_1388 = vector.shape_cast %select_n3A_1380 : vector<16xi32> to vector<1x16xi32>
      tpu.vector_store %arg8[%swap3A_1384, %swap3A_1385], %swap3A_1388 {strides = array<i32>} : memref<8x128xi32, #tpu.memory_space<vmem>>, vector<1x16xi32>,
      %scan3A_1389 = arith.constant 0 : i32
      %scan3A_1390 = arith.constant 3 : i32
      %mul3A_1391 = arith.constant 16 : i32
      %mul3A_1392 = arith.muli %scan3A_1390, %mul3A_1391 : i32
      %get3A_1393 = arith.constant 4 : i32
      %get3A_1394 = arith.index_cast %get3A_1393 : i32 to index
      %get3A_1395 = arith.index_cast %mul3A_1392 : i32 to index
      %get3A_1396 = tpu.vector_load %arg6[%get3A_1394, %get3A_1395] {strides = array<i32>} : memref<8x128xi32, #tpu.memory_space<vmem>>, vector<1x16xi32>,
      %get3A_1397 = vector.shape_cast %get3A_1396 : vector<1x16xi32> to vector<16xi32>
      %sub3A_1398 = vector.broadcast %mul3A_0 : i32 to vector<16xi32>
      %sub3A_1399 = arith.subi %get3A_1397, %sub3A_1398 : vector<16xi32>
      %ge3A_1400 = arith.constant 0 : i32
      %ge3A_1401 = vector.broadcast %ge3A_1400 : i32 to vector<16xi32>
      %ge3A_1402 = arith.cmpi sge, %sub3A_1399, %ge3A_1401 : vector<16xi32>
      %lt3A_1403 = arith.constant 25000 : i32
      %lt3A_1404 = vector.broadcast %lt3A_1403 : i32 to vector<16xi32>
      %lt3A_1405 = arith.cmpi slt, %sub3A_1399, %lt3A_1404 : vector<16xi32>
      %and3A_1406 = arith.andi %ge3A_1402, %lt3A_1405 : vector<16xi1>
      %and3A_1407 = arith.constant 127 : i32
      %and3A_1408 = vector.broadcast %and3A_1407 : i32 to vector<16xi32>
      %and3A_1409 = arith.andi %sub3A_1399, %and3A_1408 : vector<16xi32>
      %add3A_1410 = arith.constant 25000 : i32
      %add3A_1411 = vector.broadcast %add3A_1410 : i32 to vector<16xi32>
      %add3A_1412 = arith.addi %add3A_1411, %and3A_1409 : vector<16xi32>
      %select_n3A_1413 = arith.select %and3A_1406, %sub3A_1399, %add3A_1412 : vector<16xi1>, vector<16xi32>
      %mul3A_1414 = arith.constant 16 : i32
      %mul3A_1415 = arith.muli %scan3A_1390, %mul3A_1414 : i32
      %swap3A_1416 = arith.constant 4 : i32
      %swap3A_1417 = arith.index_cast %swap3A_1416 : i32 to index
      %swap3A_1418 = arith.index_cast %mul3A_1415 : i32 to index
      %swap3A_1419 = tpu.vector_load %arg8[%swap3A_1417, %swap3A_1418] {strides = array<i32>} : memref<8x128xi32, #tpu.memory_space<vmem>>, vector<1x16xi32>,
      %swap3A_1420 = vector.shape_cast %swap3A_1419 : vector<1x16xi32> to vector<16xi32>
      %swap3A_1421 = vector.shape_cast %select_n3A_1413 : vector<16xi32> to vector<1x16xi32>
      tpu.vector_store %arg8[%swap3A_1417, %swap3A_1418], %swap3A_1421 {strides = array<i32>} : memref<8x128xi32, #tpu.memory_space<vmem>>, vector<1x16xi32>,
      %scan3A_1422 = arith.constant 0 : i32
      %scan3A_1423 = arith.constant 4 : i32
      %mul3A_1424 = arith.constant 16 : i32
      %mul3A_1425 = arith.muli %scan3A_1423, %mul3A_1424 : i32
      %get3A_1426 = arith.constant 4 : i32
      %get3A_1427 = arith.index_cast %get3A_1426 : i32 to index
      %get3A_1428 = arith.index_cast %mul3A_1425 : i32 to index
      %get3A_1429 = tpu.vector_load %arg6[%get3A_1427, %get3A_1428] {strides = array<i32>} : memref<8x128xi32, #tpu.memory_space<vmem>>, vector<1x16xi32>,
      %get3A_1430 = vector.shape_cast %get3A_1429 : vector<1x16xi32> to vector<16xi32>
      %sub3A_1431 = vector.broadcast %mul3A_0 : i32 to vector<16xi32>
      %sub3A_1432 = arith.subi %get3A_1430, %sub3A_1431 : vector<16xi32>
      %ge3A_1433 = arith.constant 0 : i32
      %ge3A_1434 = vector.broadcast %ge3A_1433 : i32 to vector<16xi32>
      %ge3A_1435 = arith.cmpi sge, %sub3A_1432, %ge3A_1434 : vector<16xi32>
      %lt3A_1436 = arith.constant 25000 : i32
      %lt3A_1437 = vector.broadcast %lt3A_1436 : i32 to vector<16xi32>
      %lt3A_1438 = arith.cmpi slt, %sub3A_1432, %lt3A_1437 : vector<16xi32>
      %and3A_1439 = arith.andi %ge3A_1435, %lt3A_1438 : vector<16xi1>
      %and3A_1440 = arith.constant 127 : i32
      %and3A_1441 = vector.broadcast %and3A_1440 : i32 to vector<16xi32>
      %and3A_1442 = arith.andi %sub3A_1432, %and3A_1441 : vector<16xi32>
      %add3A_1443 = arith.constant 25000 : i32
      %add3A_1444 = vector.broadcast %add3A_1443 : i32 to vector<16xi32>
      %add3A_1445 = arith.addi %add3A_1444, %and3A_1442 : vector<16xi32>
      %select_n3A_1446 = arith.select %and3A_1439, %sub3A_1432, %add3A_1445 : vector<16xi1>, vector<16xi32>
      %mul3A_1447 = arith.constant 16 : i32
      %mul3A_1448 = arith.muli %scan3A_1423, %mul3A_1447 : i32
      %swap3A_1449 = arith.constant 4 : i32
      %swap3A_1450 = arith.index_cast %swap3A_1449 : i32 to index
      %swap3A_1451 = arith.index_cast %mul3A_1448 : i32 to index
      %swap3A_1452 = tpu.vector_load %arg8[%swap3A_1450, %swap3A_1451] {strides = array<i32>} : memref<8x128xi32, #tpu.memory_space<vmem>>, vector<1x16xi32>,
      %swap3A_1453 = vector.shape_cast %swap3A_1452 : vector<1x16xi32> to vector<16xi32>
      %swap3A_1454 = vector.shape_cast %select_n3A_1446 : vector<16xi32> to vector<1x16xi32>
      tpu.vector_store %arg8[%swap3A_1450, %swap3A_1451], %swap3A_1454 {strides = array<i32>} : memref<8x128xi32, #tpu.memory_space<vmem>>, vector<1x16xi32>,
      %scan3A_1455 = arith.constant 0 : i32
      %scan3A_1456 = arith.constant 5 : i32
      %mul3A_1457 = arith.constant 16 : i32
      %mul3A_1458 = arith.muli %scan3A_1456, %mul3A_1457 : i32
      %get3A_1459 = arith.constant 4 : i32
      %get3A_1460 = arith.index_cast %get3A_1459 : i32 to index
      %get3A_1461 = arith.index_cast %mul3A_1458 : i32 to index
      %get3A_1462 = tpu.vector_load %arg6[%get3A_1460, %get3A_1461] {strides = array<i32>} : memref<8x128xi32, #tpu.memory_space<vmem>>, vector<1x16xi32>,
      %get3A_1463 = vector.shape_cast %get3A_1462 : vector<1x16xi32> to vector<16xi32>
      %sub3A_1464 = vector.broadcast %mul3A_0 : i32 to vector<16xi32>
      %sub3A_1465 = arith.subi %get3A_1463, %sub3A_1464 : vector<16xi32>
      %ge3A_1466 = arith.constant 0 : i32
      %ge3A_1467 = vector.broadcast %ge3A_1466 : i32 to vector<16xi32>
      %ge3A_1468 = arith.cmpi sge, %sub3A_1465, %ge3A_1467 : vector<16xi32>
      %lt3A_1469 = arith.constant 25000 : i32
      %lt3A_1470 = vector.broadcast %lt3A_1469 : i32 to vector<16xi32>
      %lt3A_1471 = arith.cmpi slt, %sub3A_1465, %lt3A_1470 : vector<16xi32>
      %and3A_1472 = arith.andi %ge3A_1468, %lt3A_1471 : vector<16xi1>
      %and3A_1473 = arith.constant 127 : i32
      %and3A_1474 = vector.broadcast %and3A_1473 : i32 to vector<16xi32>
      %and3A_1475 = arith.andi %sub3A_1465, %and3A_1474 : vector<16xi32>
      %add3A_1476 = arith.constant 25000 : i32
      %add3A_1477 = vector.broadcast %add3A_1476 : i32 to vector<16xi32>
      %add3A_1478 = arith.addi %add3A_1477, %and3A_1475 : vector<16xi32>
      %select_n3A_1479 = arith.select %and3A_1472, %sub3A_1465, %add3A_1478 : vector<16xi1>, vector<16xi32>
      %mul3A_1480 = arith.constant 16 : i32
      %mul3A_1481 = arith.muli %scan3A_1456, %mul3A_1480 : i32
      %swap3A_1482 = arith.constant 4 : i32
      %swap3A_1483 = arith.index_cast %swap3A_1482 : i32 to index
      %swap3A_1484 = arith.index_cast %mul3A_1481 : i32 to index
      %swap3A_1485 = tpu.vector_load %arg8[%swap3A_1483, %swap3A_1484] {strides = array<i32>} : memref<8x128xi32, #tpu.memory_space<vmem>>, vector<1x16xi32>,
      %swap3A_1486 = vector.shape_cast %swap3A_1485 : vector<1x16xi32> to vector<16xi32>
      %swap3A_1487 = vector.shape_cast %select_n3A_1479 : vector<16xi32> to vector<1x16xi32>
      tpu.vector_store %arg8[%swap3A_1483, %swap3A_1484], %swap3A_1487 {strides = array<i32>} : memref<8x128xi32, #tpu.memory_space<vmem>>, vector<1x16xi32>,
      %scan3A_1488 = arith.constant 0 : i32
      %scan3A_1489 = arith.constant 6 : i32
      %mul3A_1490 = arith.constant 16 : i32
      %mul3A_1491 = arith.muli %scan3A_1489, %mul3A_1490 : i32
      %get3A_1492 = arith.constant 4 : i32
      %get3A_1493 = arith.index_cast %get3A_1492 : i32 to index
      %get3A_1494 = arith.index_cast %mul3A_1491 : i32 to index
      %get3A_1495 = tpu.vector_load %arg6[%get3A_1493, %get3A_1494] {strides = array<i32>} : memref<8x128xi32, #tpu.memory_space<vmem>>, vector<1x16xi32>,
      %get3A_1496 = vector.shape_cast %get3A_1495 : vector<1x16xi32> to vector<16xi32>
      %sub3A_1497 = vector.broadcast %mul3A_0 : i32 to vector<16xi32>
      %sub3A_1498 = arith.subi %get3A_1496, %sub3A_1497 : vector<16xi32>
      %ge3A_1499 = arith.constant 0 : i32
      %ge3A_1500 = vector.broadcast %ge3A_1499 : i32 to vector<16xi32>
      %ge3A_1501 = arith.cmpi sge, %sub3A_1498, %ge3A_1500 : vector<16xi32>
      %lt3A_1502 = arith.constant 25000 : i32
      %lt3A_1503 = vector.broadcast %lt3A_1502 : i32 to vector<16xi32>
      %lt3A_1504 = arith.cmpi slt, %sub3A_1498, %lt3A_1503 : vector<16xi32>
      %and3A_1505 = arith.andi %ge3A_1501, %lt3A_1504 : vector<16xi1>
      %and3A_1506 = arith.constant 127 : i32
      %and3A_1507 = vector.broadcast %and3A_1506 : i32 to vector<16xi32>
      %and3A_1508 = arith.andi %sub3A_1498, %and3A_1507 : vector<16xi32>
      %add3A_1509 = arith.constant 25000 : i32
      %add3A_1510 = vector.broadcast %add3A_1509 : i32 to vector<16xi32>
      %add3A_1511 = arith.addi %add3A_1510, %and3A_1508 : vector<16xi32>
      %select_n3A_1512 = arith.select %and3A_1505, %sub3A_1498, %add3A_1511 : vector<16xi1>, vector<16xi32>
      %mul3A_1513 = arith.constant 16 : i32
      %mul3A_1514 = arith.muli %scan3A_1489, %mul3A_1513 : i32
      %swap3A_1515 = arith.constant 4 : i32
      %swap3A_1516 = arith.index_cast %swap3A_1515 : i32 to index
      %swap3A_1517 = arith.index_cast %mul3A_1514 : i32 to index
      %swap3A_1518 = tpu.vector_load %arg8[%swap3A_1516, %swap3A_1517] {strides = array<i32>} : memref<8x128xi32, #tpu.memory_space<vmem>>, vector<1x16xi32>,
      %swap3A_1519 = vector.shape_cast %swap3A_1518 : vector<1x16xi32> to vector<16xi32>
      %swap3A_1520 = vector.shape_cast %select_n3A_1512 : vector<16xi32> to vector<1x16xi32>
      tpu.vector_store %arg8[%swap3A_1516, %swap3A_1517], %swap3A_1520 {strides = array<i32>} : memref<8x128xi32, #tpu.memory_space<vmem>>, vector<1x16xi32>,
      %scan3A_1521 = arith.constant 0 : i32
      %scan3A_1522 = arith.constant 7 : i32
      %mul3A_1523 = arith.constant 16 : i32
      %mul3A_1524 = arith.muli %scan3A_1522, %mul3A_1523 : i32
      %get3A_1525 = arith.constant 4 : i32
      %get3A_1526 = arith.index_cast %get3A_1525 : i32 to index
      %get3A_1527 = arith.index_cast %mul3A_1524 : i32 to index
      %get3A_1528 = tpu.vector_load %arg6[%get3A_1526, %get3A_1527] {strides = array<i32>} : memref<8x128xi32, #tpu.memory_space<vmem>>, vector<1x16xi32>,
      %get3A_1529 = vector.shape_cast %get3A_1528 : vector<1x16xi32> to vector<16xi32>
      %sub3A_1530 = vector.broadcast %mul3A_0 : i32 to vector<16xi32>
      %sub3A_1531 = arith.subi %get3A_1529, %sub3A_1530 : vector<16xi32>
      %ge3A_1532 = arith.constant 0 : i32
      %ge3A_1533 = vector.broadcast %ge3A_1532 : i32 to vector<16xi32>
      %ge3A_1534 = arith.cmpi sge, %sub3A_1531, %ge3A_1533 : vector<16xi32>
      %lt3A_1535 = arith.constant 25000 : i32
      %lt3A_1536 = vector.broadcast %lt3A_1535 : i32 to vector<16xi32>
      %lt3A_1537 = arith.cmpi slt, %sub3A_1531, %lt3A_1536 : vector<16xi32>
      %and3A_1538 = arith.andi %ge3A_1534, %lt3A_1537 : vector<16xi1>
      %and3A_1539 = arith.constant 127 : i32
      %and3A_1540 = vector.broadcast %and3A_1539 : i32 to vector<16xi32>
      %and3A_1541 = arith.andi %sub3A_1531, %and3A_1540 : vector<16xi32>
      %add3A_1542 = arith.constant 25000 : i32
      %add3A_1543 = vector.broadcast %add3A_1542 : i32 to vector<16xi32>
      %add3A_1544 = arith.addi %add3A_1543, %and3A_1541 : vector<16xi32>
      %select_n3A_1545 = arith.select %and3A_1538, %sub3A_1531, %add3A_1544 : vector<16xi1>, vector<16xi32>
      %mul3A_1546 = arith.constant 16 : i32
      %mul3A_1547 = arith.muli %scan3A_1522, %mul3A_1546 : i32
      %swap3A_1548 = arith.constant 4 : i32
      %swap3A_1549 = arith.index_cast %swap3A_1548 : i32 to index
      %swap3A_1550 = arith.index_cast %mul3A_1547 : i32 to index
      %swap3A_1551 = tpu.vector_load %arg8[%swap3A_1549, %swap3A_1550] {strides = array<i32>} : memref<8x128xi32, #tpu.memory_space<vmem>>, vector<1x16xi32>,
      %swap3A_1552 = vector.shape_cast %swap3A_1551 : vector<1x16xi32> to vector<16xi32>
      %swap3A_1553 = vector.shape_cast %select_n3A_1545 : vector<16xi32> to vector<1x16xi32>
      tpu.vector_store %arg8[%swap3A_1549, %swap3A_1550], %swap3A_1553 {strides = array<i32>} : memref<8x128xi32, #tpu.memory_space<vmem>>, vector<1x16xi32>,
      %scan3A_1554 = arith.constant 0 : i32
      %scan3A_1555 = arith.constant 8 : i32
      %dma_start3A_1556 = arith.constant 4 : i32
      %dma_start3A_1557 = arith.constant 0 : i32
      %dma_start3A_1558 = tpu.memref_slice %arg8[%dma_start3A_1556, %dma_start3A_1557] : memref<8x128xi32, #tpu.memory_space<vmem>> -> memref<1x128xi32, #tpu.memory_space<vmem>>
      %dma_start3A_1559 = tpu.memref_squeeze %dma_start3A_1558 : memref<1x128xi32, #tpu.memory_space<vmem>> -> memref<128xi32, #tpu.memory_space<vmem>>
      %dma_start3A_1560 = arith.constant 0 : i32
      %dma_start3A_1561 = arith.constant 0 : i32
      %dma_start3A_1562 = tpu.memref_slice %arg11[%dma_start3A_1560, %dma_start3A_1561] : memref<25152x16xf32, #tpu.memory_space<vmem_shared>> -> memref<25152x16xf32, #tpu.memory_space<vmem_shared>>
      tpu.enqueue_indirect_dma source(%arg9 : memref<128x16xf32, #tpu.memory_space<vmem>>) target(%dma_start3A_1562 : memref<25152x16xf32, #tpu.memory_space<vmem_shared>>) offsets(%dma_start3A_1559 : memref<128xi32, #tpu.memory_space<vmem>>) semaphore(%arg14 : memref<!tpu.dma_semaphore, #tpu.memory_space<semaphore_mem>>) {add = true}
      %scan3A_1563 = arith.constant 0 : i32
      %scan3A_1564 = arith.constant 0 : i32
      %mul3A_1565 = arith.constant 16 : i32
      %mul3A_1566 = arith.muli %scan3A_1564, %mul3A_1565 : i32
      %get3A_1567 = arith.constant 5 : i32
      %get3A_1568 = arith.index_cast %get3A_1567 : i32 to index
      %get3A_1569 = arith.index_cast %mul3A_1566 : i32 to index
      %get3A_1570 = tpu.vector_load %arg6[%get3A_1568, %get3A_1569] {strides = array<i32>} : memref<8x128xi32, #tpu.memory_space<vmem>>, vector<1x16xi32>,
      %get3A_1571 = vector.shape_cast %get3A_1570 : vector<1x16xi32> to vector<16xi32>
      %sub3A_1572 = vector.broadcast %mul3A_0 : i32 to vector<16xi32>
      %sub3A_1573 = arith.subi %get3A_1571, %sub3A_1572 : vector<16xi32>
      %ge3A_1574 = arith.constant 0 : i32
      %ge3A_1575 = vector.broadcast %ge3A_1574 : i32 to vector<16xi32>
      %ge3A_1576 = arith.cmpi sge, %sub3A_1573, %ge3A_1575 : vector<16xi32>
      %lt3A_1577 = arith.constant 25000 : i32
      %lt3A_1578 = vector.broadcast %lt3A_1577 : i32 to vector<16xi32>
      %lt3A_1579 = arith.cmpi slt, %sub3A_1573, %lt3A_1578 : vector<16xi32>
      %and3A_1580 = arith.andi %ge3A_1576, %lt3A_1579 : vector<16xi1>
      %and3A_1581 = arith.constant 127 : i32
      %and3A_1582 = vector.broadcast %and3A_1581 : i32 to vector<16xi32>
      %and3A_1583 = arith.andi %sub3A_1573, %and3A_1582 : vector<16xi32>
      %add3A_1584 = arith.constant 25000 : i32
      %add3A_1585 = vector.broadcast %add3A_1584 : i32 to vector<16xi32>
      %add3A_1586 = arith.addi %add3A_1585, %and3A_1583 : vector<16xi32>
      %select_n3A_1587 = arith.select %and3A_1580, %sub3A_1573, %add3A_1586 : vector<16xi1>, vector<16xi32>
      %mul3A_1588 = arith.constant 16 : i32
      %mul3A_1589 = arith.muli %scan3A_1564, %mul3A_1588 : i32
      %swap3A_1590 = arith.constant 5 : i32
      %swap3A_1591 = arith.index_cast %swap3A_1590 : i32 to index
      %swap3A_1592 = arith.index_cast %mul3A_1589 : i32 to index
      %swap3A_1593 = tpu.vector_load %arg8[%swap3A_1591, %swap3A_1592] {strides = array<i32>} : memref<8x128xi32, #tpu.memory_space<vmem>>, vector<1x16xi32>,
      %swap3A_1594 = vector.shape_cast %swap3A_1593 : vector<1x16xi32> to vector<16xi32>
      %swap3A_1595 = vector.shape_cast %select_n3A_1587 : vector<16xi32> to vector<1x16xi32>
      tpu.vector_store %arg8[%swap3A_1591, %swap3A_1592], %swap3A_1595 {strides = array<i32>} : memref<8x128xi32, #tpu.memory_space<vmem>>, vector<1x16xi32>,
      %scan3A_1596 = arith.constant 0 : i32
      %scan3A_1597 = arith.constant 1 : i32
      %mul3A_1598 = arith.constant 16 : i32
      %mul3A_1599 = arith.muli %scan3A_1597, %mul3A_1598 : i32
      %get3A_1600 = arith.constant 5 : i32
      %get3A_1601 = arith.index_cast %get3A_1600 : i32 to index
      %get3A_1602 = arith.index_cast %mul3A_1599 : i32 to index
      %get3A_1603 = tpu.vector_load %arg6[%get3A_1601, %get3A_1602] {strides = array<i32>} : memref<8x128xi32, #tpu.memory_space<vmem>>, vector<1x16xi32>,
      %get3A_1604 = vector.shape_cast %get3A_1603 : vector<1x16xi32> to vector<16xi32>
      %sub3A_1605 = vector.broadcast %mul3A_0 : i32 to vector<16xi32>
      %sub3A_1606 = arith.subi %get3A_1604, %sub3A_1605 : vector<16xi32>
      %ge3A_1607 = arith.constant 0 : i32
      %ge3A_1608 = vector.broadcast %ge3A_1607 : i32 to vector<16xi32>
      %ge3A_1609 = arith.cmpi sge, %sub3A_1606, %ge3A_1608 : vector<16xi32>
      %lt3A_1610 = arith.constant 25000 : i32
      %lt3A_1611 = vector.broadcast %lt3A_1610 : i32 to vector<16xi32>
      %lt3A_1612 = arith.cmpi slt, %sub3A_1606, %lt3A_1611 : vector<16xi32>
      %and3A_1613 = arith.andi %ge3A_1609, %lt3A_1612 : vector<16xi1>
      %and3A_1614 = arith.constant 127 : i32
      %and3A_1615 = vector.broadcast %and3A_1614 : i32 to vector<16xi32>
      %and3A_1616 = arith.andi %sub3A_1606, %and3A_1615 : vector<16xi32>
      %add3A_1617 = arith.constant 25000 : i32
      %add3A_1618 = vector.broadcast %add3A_1617 : i32 to vector<16xi32>
      %add3A_1619 = arith.addi %add3A_1618, %and3A_1616 : vector<16xi32>
      %select_n3A_1620 = arith.select %and3A_1613, %sub3A_1606, %add3A_1619 : vector<16xi1>, vector<16xi32>
      %mul3A_1621 = arith.constant 16 : i32
      %mul3A_1622 = arith.muli %scan3A_1597, %mul3A_1621 : i32
      %swap3A_1623 = arith.constant 5 : i32
      %swap3A_1624 = arith.index_cast %swap3A_1623 : i32 to index
      %swap3A_1625 = arith.index_cast %mul3A_1622 : i32 to index
      %swap3A_1626 = tpu.vector_load %arg8[%swap3A_1624, %swap3A_1625] {strides = array<i32>} : memref<8x128xi32, #tpu.memory_space<vmem>>, vector<1x16xi32>,
      %swap3A_1627 = vector.shape_cast %swap3A_1626 : vector<1x16xi32> to vector<16xi32>
      %swap3A_1628 = vector.shape_cast %select_n3A_1620 : vector<16xi32> to vector<1x16xi32>
      tpu.vector_store %arg8[%swap3A_1624, %swap3A_1625], %swap3A_1628 {strides = array<i32>} : memref<8x128xi32, #tpu.memory_space<vmem>>, vector<1x16xi32>,
      %scan3A_1629 = arith.constant 0 : i32
      %scan3A_1630 = arith.constant 2 : i32
      %mul3A_1631 = arith.constant 16 : i32
      %mul3A_1632 = arith.muli %scan3A_1630, %mul3A_1631 : i32
      %get3A_1633 = arith.constant 5 : i32
      %get3A_1634 = arith.index_cast %get3A_1633 : i32 to index
      %get3A_1635 = arith.index_cast %mul3A_1632 : i32 to index
      %get3A_1636 = tpu.vector_load %arg6[%get3A_1634, %get3A_1635] {strides = array<i32>} : memref<8x128xi32, #tpu.memory_space<vmem>>, vector<1x16xi32>,
      %get3A_1637 = vector.shape_cast %get3A_1636 : vector<1x16xi32> to vector<16xi32>
      %sub3A_1638 = vector.broadcast %mul3A_0 : i32 to vector<16xi32>
      %sub3A_1639 = arith.subi %get3A_1637, %sub3A_1638 : vector<16xi32>
      %ge3A_1640 = arith.constant 0 : i32
      %ge3A_1641 = vector.broadcast %ge3A_1640 : i32 to vector<16xi32>
      %ge3A_1642 = arith.cmpi sge, %sub3A_1639, %ge3A_1641 : vector<16xi32>
      %lt3A_1643 = arith.constant 25000 : i32
      %lt3A_1644 = vector.broadcast %lt3A_1643 : i32 to vector<16xi32>
      %lt3A_1645 = arith.cmpi slt, %sub3A_1639, %lt3A_1644 : vector<16xi32>
      %and3A_1646 = arith.andi %ge3A_1642, %lt3A_1645 : vector<16xi1>
      %and3A_1647 = arith.constant 127 : i32
      %and3A_1648 = vector.broadcast %and3A_1647 : i32 to vector<16xi32>
      %and3A_1649 = arith.andi %sub3A_1639, %and3A_1648 : vector<16xi32>
      %add3A_1650 = arith.constant 25000 : i32
      %add3A_1651 = vector.broadcast %add3A_1650 : i32 to vector<16xi32>
      %add3A_1652 = arith.addi %add3A_1651, %and3A_1649 : vector<16xi32>
      %select_n3A_1653 = arith.select %and3A_1646, %sub3A_1639, %add3A_1652 : vector<16xi1>, vector<16xi32>
      %mul3A_1654 = arith.constant 16 : i32
      %mul3A_1655 = arith.muli %scan3A_1630, %mul3A_1654 : i32
      %swap3A_1656 = arith.constant 5 : i32
      %swap3A_1657 = arith.index_cast %swap3A_1656 : i32 to index
      %swap3A_1658 = arith.index_cast %mul3A_1655 : i32 to index
      %swap3A_1659 = tpu.vector_load %arg8[%swap3A_1657, %swap3A_1658] {strides = array<i32>} : memref<8x128xi32, #tpu.memory_space<vmem>>, vector<1x16xi32>,
      %swap3A_1660 = vector.shape_cast %swap3A_1659 : vector<1x16xi32> to vector<16xi32>
      %swap3A_1661 = vector.shape_cast %select_n3A_1653 : vector<16xi32> to vector<1x16xi32>
      tpu.vector_store %arg8[%swap3A_1657, %swap3A_1658], %swap3A_1661 {strides = array<i32>} : memref<8x128xi32, #tpu.memory_space<vmem>>, vector<1x16xi32>,
      %scan3A_1662 = arith.constant 0 : i32
      %scan3A_1663 = arith.constant 3 : i32
      %mul3A_1664 = arith.constant 16 : i32
      %mul3A_1665 = arith.muli %scan3A_1663, %mul3A_1664 : i32
      %get3A_1666 = arith.constant 5 : i32
      %get3A_1667 = arith.index_cast %get3A_1666 : i32 to index
      %get3A_1668 = arith.index_cast %mul3A_1665 : i32 to index
      %get3A_1669 = tpu.vector_load %arg6[%get3A_1667, %get3A_1668] {strides = array<i32>} : memref<8x128xi32, #tpu.memory_space<vmem>>, vector<1x16xi32>,
      %get3A_1670 = vector.shape_cast %get3A_1669 : vector<1x16xi32> to vector<16xi32>
      %sub3A_1671 = vector.broadcast %mul3A_0 : i32 to vector<16xi32>
      %sub3A_1672 = arith.subi %get3A_1670, %sub3A_1671 : vector<16xi32>
      %ge3A_1673 = arith.constant 0 : i32
      %ge3A_1674 = vector.broadcast %ge3A_1673 : i32 to vector<16xi32>
      %ge3A_1675 = arith.cmpi sge, %sub3A_1672, %ge3A_1674 : vector<16xi32>
      %lt3A_1676 = arith.constant 25000 : i32
      %lt3A_1677 = vector.broadcast %lt3A_1676 : i32 to vector<16xi32>
      %lt3A_1678 = arith.cmpi slt, %sub3A_1672, %lt3A_1677 : vector<16xi32>
      %and3A_1679 = arith.andi %ge3A_1675, %lt3A_1678 : vector<16xi1>
      %and3A_1680 = arith.constant 127 : i32
      %and3A_1681 = vector.broadcast %and3A_1680 : i32 to vector<16xi32>
      %and3A_1682 = arith.andi %sub3A_1672, %and3A_1681 : vector<16xi32>
      %add3A_1683 = arith.constant 25000 : i32
      %add3A_1684 = vector.broadcast %add3A_1683 : i32 to vector<16xi32>
      %add3A_1685 = arith.addi %add3A_1684, %and3A_1682 : vector<16xi32>
      %select_n3A_1686 = arith.select %and3A_1679, %sub3A_1672, %add3A_1685 : vector<16xi1>, vector<16xi32>
      %mul3A_1687 = arith.constant 16 : i32
      %mul3A_1688 = arith.muli %scan3A_1663, %mul3A_1687 : i32
      %swap3A_1689 = arith.constant 5 : i32
      %swap3A_1690 = arith.index_cast %swap3A_1689 : i32 to index
      %swap3A_1691 = arith.index_cast %mul3A_1688 : i32 to index
      %swap3A_1692 = tpu.vector_load %arg8[%swap3A_1690, %swap3A_1691] {strides = array<i32>} : memref<8x128xi32, #tpu.memory_space<vmem>>, vector<1x16xi32>,
      %swap3A_1693 = vector.shape_cast %swap3A_1692 : vector<1x16xi32> to vector<16xi32>
      %swap3A_1694 = vector.shape_cast %select_n3A_1686 : vector<16xi32> to vector<1x16xi32>
      tpu.vector_store %arg8[%swap3A_1690, %swap3A_1691], %swap3A_1694 {strides = array<i32>} : memref<8x128xi32, #tpu.memory_space<vmem>>, vector<1x16xi32>,
      %scan3A_1695 = arith.constant 0 : i32
      %scan3A_1696 = arith.constant 4 : i32
      %mul3A_1697 = arith.constant 16 : i32
      %mul3A_1698 = arith.muli %scan3A_1696, %mul3A_1697 : i32
      %get3A_1699 = arith.constant 5 : i32
      %get3A_1700 = arith.index_cast %get3A_1699 : i32 to index
      %get3A_1701 = arith.index_cast %mul3A_1698 : i32 to index
      %get3A_1702 = tpu.vector_load %arg6[%get3A_1700, %get3A_1701] {strides = array<i32>} : memref<8x128xi32, #tpu.memory_space<vmem>>, vector<1x16xi32>,
      %get3A_1703 = vector.shape_cast %get3A_1702 : vector<1x16xi32> to vector<16xi32>
      %sub3A_1704 = vector.broadcast %mul3A_0 : i32 to vector<16xi32>
      %sub3A_1705 = arith.subi %get3A_1703, %sub3A_1704 : vector<16xi32>
      %ge3A_1706 = arith.constant 0 : i32
      %ge3A_1707 = vector.broadcast %ge3A_1706 : i32 to vector<16xi32>
      %ge3A_1708 = arith.cmpi sge, %sub3A_1705, %ge3A_1707 : vector<16xi32>
      %lt3A_1709 = arith.constant 25000 : i32
      %lt3A_1710 = vector.broadcast %lt3A_1709 : i32 to vector<16xi32>
      %lt3A_1711 = arith.cmpi slt, %sub3A_1705, %lt3A_1710 : vector<16xi32>
      %and3A_1712 = arith.andi %ge3A_1708, %lt3A_1711 : vector<16xi1>
      %and3A_1713 = arith.constant 127 : i32
      %and3A_1714 = vector.broadcast %and3A_1713 : i32 to vector<16xi32>
      %and3A_1715 = arith.andi %sub3A_1705, %and3A_1714 : vector<16xi32>
      %add3A_1716 = arith.constant 25000 : i32
      %add3A_1717 = vector.broadcast %add3A_1716 : i32 to vector<16xi32>
      %add3A_1718 = arith.addi %add3A_1717, %and3A_1715 : vector<16xi32>
      %select_n3A_1719 = arith.select %and3A_1712, %sub3A_1705, %add3A_1718 : vector<16xi1>, vector<16xi32>
      %mul3A_1720 = arith.constant 16 : i32
      %mul3A_1721 = arith.muli %scan3A_1696, %mul3A_1720 : i32
      %swap3A_1722 = arith.constant 5 : i32
      %swap3A_1723 = arith.index_cast %swap3A_1722 : i32 to index
      %swap3A_1724 = arith.index_cast %mul3A_1721 : i32 to index
      %swap3A_1725 = tpu.vector_load %arg8[%swap3A_1723, %swap3A_1724] {strides = array<i32>} : memref<8x128xi32, #tpu.memory_space<vmem>>, vector<1x16xi32>,
      %swap3A_1726 = vector.shape_cast %swap3A_1725 : vector<1x16xi32> to vector<16xi32>
      %swap3A_1727 = vector.shape_cast %select_n3A_1719 : vector<16xi32> to vector<1x16xi32>
      tpu.vector_store %arg8[%swap3A_1723, %swap3A_1724], %swap3A_1727 {strides = array<i32>} : memref<8x128xi32, #tpu.memory_space<vmem>>, vector<1x16xi32>,
      %scan3A_1728 = arith.constant 0 : i32
      %scan3A_1729 = arith.constant 5 : i32
      %mul3A_1730 = arith.constant 16 : i32
      %mul3A_1731 = arith.muli %scan3A_1729, %mul3A_1730 : i32
      %get3A_1732 = arith.constant 5 : i32
      %get3A_1733 = arith.index_cast %get3A_1732 : i32 to index
      %get3A_1734 = arith.index_cast %mul3A_1731 : i32 to index
      %get3A_1735 = tpu.vector_load %arg6[%get3A_1733, %get3A_1734] {strides = array<i32>} : memref<8x128xi32, #tpu.memory_space<vmem>>, vector<1x16xi32>,
      %get3A_1736 = vector.shape_cast %get3A_1735 : vector<1x16xi32> to vector<16xi32>
      %sub3A_1737 = vector.broadcast %mul3A_0 : i32 to vector<16xi32>
      %sub3A_1738 = arith.subi %get3A_1736, %sub3A_1737 : vector<16xi32>
      %ge3A_1739 = arith.constant 0 : i32
      %ge3A_1740 = vector.broadcast %ge3A_1739 : i32 to vector<16xi32>
      %ge3A_1741 = arith.cmpi sge, %sub3A_1738, %ge3A_1740 : vector<16xi32>
      %lt3A_1742 = arith.constant 25000 : i32
      %lt3A_1743 = vector.broadcast %lt3A_1742 : i32 to vector<16xi32>
      %lt3A_1744 = arith.cmpi slt, %sub3A_1738, %lt3A_1743 : vector<16xi32>
      %and3A_1745 = arith.andi %ge3A_1741, %lt3A_1744 : vector<16xi1>
      %and3A_1746 = arith.constant 127 : i32
      %and3A_1747 = vector.broadcast %and3A_1746 : i32 to vector<16xi32>
      %and3A_1748 = arith.andi %sub3A_1738, %and3A_1747 : vector<16xi32>
      %add3A_1749 = arith.constant 25000 : i32
      %add3A_1750 = vector.broadcast %add3A_1749 : i32 to vector<16xi32>
      %add3A_1751 = arith.addi %add3A_1750, %and3A_1748 : vector<16xi32>
      %select_n3A_1752 = arith.select %and3A_1745, %sub3A_1738, %add3A_1751 : vector<16xi1>, vector<16xi32>
      %mul3A_1753 = arith.constant 16 : i32
      %mul3A_1754 = arith.muli %scan3A_1729, %mul3A_1753 : i32
      %swap3A_1755 = arith.constant 5 : i32
      %swap3A_1756 = arith.index_cast %swap3A_1755 : i32 to index
      %swap3A_1757 = arith.index_cast %mul3A_1754 : i32 to index
      %swap3A_1758 = tpu.vector_load %arg8[%swap3A_1756, %swap3A_1757] {strides = array<i32>} : memref<8x128xi32, #tpu.memory_space<vmem>>, vector<1x16xi32>,
      %swap3A_1759 = vector.shape_cast %swap3A_1758 : vector<1x16xi32> to vector<16xi32>
      %swap3A_1760 = vector.shape_cast %select_n3A_1752 : vector<16xi32> to vector<1x16xi32>
      tpu.vector_store %arg8[%swap3A_1756, %swap3A_1757], %swap3A_1760 {strides = array<i32>} : memref<8x128xi32, #tpu.memory_space<vmem>>, vector<1x16xi32>,
      %scan3A_1761 = arith.constant 0 : i32
      %scan3A_1762 = arith.constant 6 : i32
      %mul3A_1763 = arith.constant 16 : i32
      %mul3A_1764 = arith.muli %scan3A_1762, %mul3A_1763 : i32
      %get3A_1765 = arith.constant 5 : i32
      %get3A_1766 = arith.index_cast %get3A_1765 : i32 to index
      %get3A_1767 = arith.index_cast %mul3A_1764 : i32 to index
      %get3A_1768 = tpu.vector_load %arg6[%get3A_1766, %get3A_1767] {strides = array<i32>} : memref<8x128xi32, #tpu.memory_space<vmem>>, vector<1x16xi32>,
      %get3A_1769 = vector.shape_cast %get3A_1768 : vector<1x16xi32> to vector<16xi32>
      %sub3A_1770 = vector.broadcast %mul3A_0 : i32 to vector<16xi32>
      %sub3A_1771 = arith.subi %get3A_1769, %sub3A_1770 : vector<16xi32>
      %ge3A_1772 = arith.constant 0 : i32
      %ge3A_1773 = vector.broadcast %ge3A_1772 : i32 to vector<16xi32>
      %ge3A_1774 = arith.cmpi sge, %sub3A_1771, %ge3A_1773 : vector<16xi32>
      %lt3A_1775 = arith.constant 25000 : i32
      %lt3A_1776 = vector.broadcast %lt3A_1775 : i32 to vector<16xi32>
      %lt3A_1777 = arith.cmpi slt, %sub3A_1771, %lt3A_1776 : vector<16xi32>
      %and3A_1778 = arith.andi %ge3A_1774, %lt3A_1777 : vector<16xi1>
      %and3A_1779 = arith.constant 127 : i32
      %and3A_1780 = vector.broadcast %and3A_1779 : i32 to vector<16xi32>
      %and3A_1781 = arith.andi %sub3A_1771, %and3A_1780 : vector<16xi32>
      %add3A_1782 = arith.constant 25000 : i32
      %add3A_1783 = vector.broadcast %add3A_1782 : i32 to vector<16xi32>
      %add3A_1784 = arith.addi %add3A_1783, %and3A_1781 : vector<16xi32>
      %select_n3A_1785 = arith.select %and3A_1778, %sub3A_1771, %add3A_1784 : vector<16xi1>, vector<16xi32>
      %mul3A_1786 = arith.constant 16 : i32
      %mul3A_1787 = arith.muli %scan3A_1762, %mul3A_1786 : i32
      %swap3A_1788 = arith.constant 5 : i32
      %swap3A_1789 = arith.index_cast %swap3A_1788 : i32 to index
      %swap3A_1790 = arith.index_cast %mul3A_1787 : i32 to index
      %swap3A_1791 = tpu.vector_load %arg8[%swap3A_1789, %swap3A_1790] {strides = array<i32>} : memref<8x128xi32, #tpu.memory_space<vmem>>, vector<1x16xi32>,
      %swap3A_1792 = vector.shape_cast %swap3A_1791 : vector<1x16xi32> to vector<16xi32>
      %swap3A_1793 = vector.shape_cast %select_n3A_1785 : vector<16xi32> to vector<1x16xi32>
      tpu.vector_store %arg8[%swap3A_1789, %swap3A_1790], %swap3A_1793 {strides = array<i32>} : memref<8x128xi32, #tpu.memory_space<vmem>>, vector<1x16xi32>,
      %scan3A_1794 = arith.constant 0 : i32
      %scan3A_1795 = arith.constant 7 : i32
      %mul3A_1796 = arith.constant 16 : i32
      %mul3A_1797 = arith.muli %scan3A_1795, %mul3A_1796 : i32
      %get3A_1798 = arith.constant 5 : i32
      %get3A_1799 = arith.index_cast %get3A_1798 : i32 to index
      %get3A_1800 = arith.index_cast %mul3A_1797 : i32 to index
      %get3A_1801 = tpu.vector_load %arg6[%get3A_1799, %get3A_1800] {strides = array<i32>} : memref<8x128xi32, #tpu.memory_space<vmem>>, vector<1x16xi32>,
      %get3A_1802 = vector.shape_cast %get3A_1801 : vector<1x16xi32> to vector<16xi32>
      %sub3A_1803 = vector.broadcast %mul3A_0 : i32 to vector<16xi32>
      %sub3A_1804 = arith.subi %get3A_1802, %sub3A_1803 : vector<16xi32>
      %ge3A_1805 = arith.constant 0 : i32
      %ge3A_1806 = vector.broadcast %ge3A_1805 : i32 to vector<16xi32>
      %ge3A_1807 = arith.cmpi sge, %sub3A_1804, %ge3A_1806 : vector<16xi32>
      %lt3A_1808 = arith.constant 25000 : i32
      %lt3A_1809 = vector.broadcast %lt3A_1808 : i32 to vector<16xi32>
      %lt3A_1810 = arith.cmpi slt, %sub3A_1804, %lt3A_1809 : vector<16xi32>
      %and3A_1811 = arith.andi %ge3A_1807, %lt3A_1810 : vector<16xi1>
      %and3A_1812 = arith.constant 127 : i32
      %and3A_1813 = vector.broadcast %and3A_1812 : i32 to vector<16xi32>
      %and3A_1814 = arith.andi %sub3A_1804, %and3A_1813 : vector<16xi32>
      %add3A_1815 = arith.constant 25000 : i32
      %add3A_1816 = vector.broadcast %add3A_1815 : i32 to vector<16xi32>
      %add3A_1817 = arith.addi %add3A_1816, %and3A_1814 : vector<16xi32>
      %select_n3A_1818 = arith.select %and3A_1811, %sub3A_1804, %add3A_1817 : vector<16xi1>, vector<16xi32>
      %mul3A_1819 = arith.constant 16 : i32
      %mul3A_1820 = arith.muli %scan3A_1795, %mul3A_1819 : i32
      %swap3A_1821 = arith.constant 5 : i32
      %swap3A_1822 = arith.index_cast %swap3A_1821 : i32 to index
      %swap3A_1823 = arith.index_cast %mul3A_1820 : i32 to index
      %swap3A_1824 = tpu.vector_load %arg8[%swap3A_1822, %swap3A_1823] {strides = array<i32>} : memref<8x128xi32, #tpu.memory_space<vmem>>, vector<1x16xi32>,
      %swap3A_1825 = vector.shape_cast %swap3A_1824 : vector<1x16xi32> to vector<16xi32>
      %swap3A_1826 = vector.shape_cast %select_n3A_1818 : vector<16xi32> to vector<1x16xi32>
      tpu.vector_store %arg8[%swap3A_1822, %swap3A_1823], %swap3A_1826 {strides = array<i32>} : memref<8x128xi32, #tpu.memory_space<vmem>>, vector<1x16xi32>,
      %scan3A_1827 = arith.constant 0 : i32
      %scan3A_1828 = arith.constant 8 : i32
      %dma_start3A_1829 = arith.constant 5 : i32
      %dma_start3A_1830 = arith.constant 0 : i32
      %dma_start3A_1831 = tpu.memref_slice %arg8[%dma_start3A_1829, %dma_start3A_1830] : memref<8x128xi32, #tpu.memory_space<vmem>> -> memref<1x128xi32, #tpu.memory_space<vmem>>
      %dma_start3A_1832 = tpu.memref_squeeze %dma_start3A_1831 : memref<1x128xi32, #tpu.memory_space<vmem>> -> memref<128xi32, #tpu.memory_space<vmem>>
      %dma_start3A_1833 = arith.constant 0 : i32
      %dma_start3A_1834 = arith.constant 0 : i32
      %dma_start3A_1835 = tpu.memref_slice %arg11[%dma_start3A_1833, %dma_start3A_1834] : memref<25152x16xf32, #tpu.memory_space<vmem_shared>> -> memref<25152x16xf32, #tpu.memory_space<vmem_shared>>
      tpu.enqueue_indirect_dma source(%arg9 : memref<128x16xf32, #tpu.memory_space<vmem>>) target(%dma_start3A_1835 : memref<25152x16xf32, #tpu.memory_space<vmem_shared>>) offsets(%dma_start3A_1832 : memref<128xi32, #tpu.memory_space<vmem>>) semaphore(%arg14 : memref<!tpu.dma_semaphore, #tpu.memory_space<semaphore_mem>>) {add = true}
      %scan3A_1836 = arith.constant 0 : i32
      %scan3A_1837 = arith.constant 0 : i32
      %mul3A_1838 = arith.constant 16 : i32
      %mul3A_1839 = arith.muli %scan3A_1837, %mul3A_1838 : i32
      %get3A_1840 = arith.constant 6 : i32
      %get3A_1841 = arith.index_cast %get3A_1840 : i32 to index
      %get3A_1842 = arith.index_cast %mul3A_1839 : i32 to index
      %get3A_1843 = tpu.vector_load %arg6[%get3A_1841, %get3A_1842] {strides = array<i32>} : memref<8x128xi32, #tpu.memory_space<vmem>>, vector<1x16xi32>,
      %get3A_1844 = vector.shape_cast %get3A_1843 : vector<1x16xi32> to vector<16xi32>
      %sub3A_1845 = vector.broadcast %mul3A_0 : i32 to vector<16xi32>
      %sub3A_1846 = arith.subi %get3A_1844, %sub3A_1845 : vector<16xi32>
      %ge3A_1847 = arith.constant 0 : i32
      %ge3A_1848 = vector.broadcast %ge3A_1847 : i32 to vector<16xi32>
      %ge3A_1849 = arith.cmpi sge, %sub3A_1846, %ge3A_1848 : vector<16xi32>
      %lt3A_1850 = arith.constant 25000 : i32
      %lt3A_1851 = vector.broadcast %lt3A_1850 : i32 to vector<16xi32>
      %lt3A_1852 = arith.cmpi slt, %sub3A_1846, %lt3A_1851 : vector<16xi32>
      %and3A_1853 = arith.andi %ge3A_1849, %lt3A_1852 : vector<16xi1>
      %and3A_1854 = arith.constant 127 : i32
      %and3A_1855 = vector.broadcast %and3A_1854 : i32 to vector<16xi32>
      %and3A_1856 = arith.andi %sub3A_1846, %and3A_1855 : vector<16xi32>
      %add3A_1857 = arith.constant 25000 : i32
      %add3A_1858 = vector.broadcast %add3A_1857 : i32 to vector<16xi32>
      %add3A_1859 = arith.addi %add3A_1858, %and3A_1856 : vector<16xi32>
      %select_n3A_1860 = arith.select %and3A_1853, %sub3A_1846, %add3A_1859 : vector<16xi1>, vector<16xi32>
      %mul3A_1861 = arith.constant 16 : i32
      %mul3A_1862 = arith.muli %scan3A_1837, %mul3A_1861 : i32
      %swap3A_1863 = arith.constant 6 : i32
      %swap3A_1864 = arith.index_cast %swap3A_1863 : i32 to index
      %swap3A_1865 = arith.index_cast %mul3A_1862 : i32 to index
      %swap3A_1866 = tpu.vector_load %arg8[%swap3A_1864, %swap3A_1865] {strides = array<i32>} : memref<8x128xi32, #tpu.memory_space<vmem>>, vector<1x16xi32>,
      %swap3A_1867 = vector.shape_cast %swap3A_1866 : vector<1x16xi32> to vector<16xi32>
      %swap3A_1868 = vector.shape_cast %select_n3A_1860 : vector<16xi32> to vector<1x16xi32>
      tpu.vector_store %arg8[%swap3A_1864, %swap3A_1865], %swap3A_1868 {strides = array<i32>} : memref<8x128xi32, #tpu.memory_space<vmem>>, vector<1x16xi32>,
      %scan3A_1869 = arith.constant 0 : i32
      %scan3A_1870 = arith.constant 1 : i32
      %mul3A_1871 = arith.constant 16 : i32
      %mul3A_1872 = arith.muli %scan3A_1870, %mul3A_1871 : i32
      %get3A_1873 = arith.constant 6 : i32
      %get3A_1874 = arith.index_cast %get3A_1873 : i32 to index
      %get3A_1875 = arith.index_cast %mul3A_1872 : i32 to index
      %get3A_1876 = tpu.vector_load %arg6[%get3A_1874, %get3A_1875] {strides = array<i32>} : memref<8x128xi32, #tpu.memory_space<vmem>>, vector<1x16xi32>,
      %get3A_1877 = vector.shape_cast %get3A_1876 : vector<1x16xi32> to vector<16xi32>
      %sub3A_1878 = vector.broadcast %mul3A_0 : i32 to vector<16xi32>
      %sub3A_1879 = arith.subi %get3A_1877, %sub3A_1878 : vector<16xi32>
      %ge3A_1880 = arith.constant 0 : i32
      %ge3A_1881 = vector.broadcast %ge3A_1880 : i32 to vector<16xi32>
      %ge3A_1882 = arith.cmpi sge, %sub3A_1879, %ge3A_1881 : vector<16xi32>
      %lt3A_1883 = arith.constant 25000 : i32
      %lt3A_1884 = vector.broadcast %lt3A_1883 : i32 to vector<16xi32>
      %lt3A_1885 = arith.cmpi slt, %sub3A_1879, %lt3A_1884 : vector<16xi32>
      %and3A_1886 = arith.andi %ge3A_1882, %lt3A_1885 : vector<16xi1>
      %and3A_1887 = arith.constant 127 : i32
      %and3A_1888 = vector.broadcast %and3A_1887 : i32 to vector<16xi32>
      %and3A_1889 = arith.andi %sub3A_1879, %and3A_1888 : vector<16xi32>
      %add3A_1890 = arith.constant 25000 : i32
      %add3A_1891 = vector.broadcast %add3A_1890 : i32 to vector<16xi32>
      %add3A_1892 = arith.addi %add3A_1891, %and3A_1889 : vector<16xi32>
      %select_n3A_1893 = arith.select %and3A_1886, %sub3A_1879, %add3A_1892 : vector<16xi1>, vector<16xi32>
      %mul3A_1894 = arith.constant 16 : i32
      %mul3A_1895 = arith.muli %scan3A_1870, %mul3A_1894 : i32
      %swap3A_1896 = arith.constant 6 : i32
      %swap3A_1897 = arith.index_cast %swap3A_1896 : i32 to index
      %swap3A_1898 = arith.index_cast %mul3A_1895 : i32 to index
      %swap3A_1899 = tpu.vector_load %arg8[%swap3A_1897, %swap3A_1898] {strides = array<i32>} : memref<8x128xi32, #tpu.memory_space<vmem>>, vector<1x16xi32>,
      %swap3A_1900 = vector.shape_cast %swap3A_1899 : vector<1x16xi32> to vector<16xi32>
      %swap3A_1901 = vector.shape_cast %select_n3A_1893 : vector<16xi32> to vector<1x16xi32>
      tpu.vector_store %arg8[%swap3A_1897, %swap3A_1898], %swap3A_1901 {strides = array<i32>} : memref<8x128xi32, #tpu.memory_space<vmem>>, vector<1x16xi32>,
      %scan3A_1902 = arith.constant 0 : i32
      %scan3A_1903 = arith.constant 2 : i32
      %mul3A_1904 = arith.constant 16 : i32
      %mul3A_1905 = arith.muli %scan3A_1903, %mul3A_1904 : i32
      %get3A_1906 = arith.constant 6 : i32
      %get3A_1907 = arith.index_cast %get3A_1906 : i32 to index
      %get3A_1908 = arith.index_cast %mul3A_1905 : i32 to index
      %get3A_1909 = tpu.vector_load %arg6[%get3A_1907, %get3A_1908] {strides = array<i32>} : memref<8x128xi32, #tpu.memory_space<vmem>>, vector<1x16xi32>,
      %get3A_1910 = vector.shape_cast %get3A_1909 : vector<1x16xi32> to vector<16xi32>
      %sub3A_1911 = vector.broadcast %mul3A_0 : i32 to vector<16xi32>
      %sub3A_1912 = arith.subi %get3A_1910, %sub3A_1911 : vector<16xi32>
      %ge3A_1913 = arith.constant 0 : i32
      %ge3A_1914 = vector.broadcast %ge3A_1913 : i32 to vector<16xi32>
      %ge3A_1915 = arith.cmpi sge, %sub3A_1912, %ge3A_1914 : vector<16xi32>
      %lt3A_1916 = arith.constant 25000 : i32
      %lt3A_1917 = vector.broadcast %lt3A_1916 : i32 to vector<16xi32>
      %lt3A_1918 = arith.cmpi slt, %sub3A_1912, %lt3A_1917 : vector<16xi32>
      %and3A_1919 = arith.andi %ge3A_1915, %lt3A_1918 : vector<16xi1>
      %and3A_1920 = arith.constant 127 : i32
      %and3A_1921 = vector.broadcast %and3A_1920 : i32 to vector<16xi32>
      %and3A_1922 = arith.andi %sub3A_1912, %and3A_1921 : vector<16xi32>
      %add3A_1923 = arith.constant 25000 : i32
      %add3A_1924 = vector.broadcast %add3A_1923 : i32 to vector<16xi32>
      %add3A_1925 = arith.addi %add3A_1924, %and3A_1922 : vector<16xi32>
      %select_n3A_1926 = arith.select %and3A_1919, %sub3A_1912, %add3A_1925 : vector<16xi1>, vector<16xi32>
      %mul3A_1927 = arith.constant 16 : i32
      %mul3A_1928 = arith.muli %scan3A_1903, %mul3A_1927 : i32
      %swap3A_1929 = arith.constant 6 : i32
      %swap3A_1930 = arith.index_cast %swap3A_1929 : i32 to index
      %swap3A_1931 = arith.index_cast %mul3A_1928 : i32 to index
      %swap3A_1932 = tpu.vector_load %arg8[%swap3A_1930, %swap3A_1931] {strides = array<i32>} : memref<8x128xi32, #tpu.memory_space<vmem>>, vector<1x16xi32>,
      %swap3A_1933 = vector.shape_cast %swap3A_1932 : vector<1x16xi32> to vector<16xi32>
      %swap3A_1934 = vector.shape_cast %select_n3A_1926 : vector<16xi32> to vector<1x16xi32>
      tpu.vector_store %arg8[%swap3A_1930, %swap3A_1931], %swap3A_1934 {strides = array<i32>} : memref<8x128xi32, #tpu.memory_space<vmem>>, vector<1x16xi32>,
      %scan3A_1935 = arith.constant 0 : i32
      %scan3A_1936 = arith.constant 3 : i32
      %mul3A_1937 = arith.constant 16 : i32
      %mul3A_1938 = arith.muli %scan3A_1936, %mul3A_1937 : i32
      %get3A_1939 = arith.constant 6 : i32
      %get3A_1940 = arith.index_cast %get3A_1939 : i32 to index
      %get3A_1941 = arith.index_cast %mul3A_1938 : i32 to index
      %get3A_1942 = tpu.vector_load %arg6[%get3A_1940, %get3A_1941] {strides = array<i32>} : memref<8x128xi32, #tpu.memory_space<vmem>>, vector<1x16xi32>,
      %get3A_1943 = vector.shape_cast %get3A_1942 : vector<1x16xi32> to vector<16xi32>
      %sub3A_1944 = vector.broadcast %mul3A_0 : i32 to vector<16xi32>
      %sub3A_1945 = arith.subi %get3A_1943, %sub3A_1944 : vector<16xi32>
      %ge3A_1946 = arith.constant 0 : i32
      %ge3A_1947 = vector.broadcast %ge3A_1946 : i32 to vector<16xi32>
      %ge3A_1948 = arith.cmpi sge, %sub3A_1945, %ge3A_1947 : vector<16xi32>
      %lt3A_1949 = arith.constant 25000 : i32
      %lt3A_1950 = vector.broadcast %lt3A_1949 : i32 to vector<16xi32>
      %lt3A_1951 = arith.cmpi slt, %sub3A_1945, %lt3A_1950 : vector<16xi32>
      %and3A_1952 = arith.andi %ge3A_1948, %lt3A_1951 : vector<16xi1>
      %and3A_1953 = arith.constant 127 : i32
      %and3A_1954 = vector.broadcast %and3A_1953 : i32 to vector<16xi32>
      %and3A_1955 = arith.andi %sub3A_1945, %and3A_1954 : vector<16xi32>
      %add3A_1956 = arith.constant 25000 : i32
      %add3A_1957 = vector.broadcast %add3A_1956 : i32 to vector<16xi32>
      %add3A_1958 = arith.addi %add3A_1957, %and3A_1955 : vector<16xi32>
      %select_n3A_1959 = arith.select %and3A_1952, %sub3A_1945, %add3A_1958 : vector<16xi1>, vector<16xi32>
      %mul3A_1960 = arith.constant 16 : i32
      %mul3A_1961 = arith.muli %scan3A_1936, %mul3A_1960 : i32
      %swap3A_1962 = arith.constant 6 : i32
      %swap3A_1963 = arith.index_cast %swap3A_1962 : i32 to index
      %swap3A_1964 = arith.index_cast %mul3A_1961 : i32 to index
      %swap3A_1965 = tpu.vector_load %arg8[%swap3A_1963, %swap3A_1964] {strides = array<i32>} : memref<8x128xi32, #tpu.memory_space<vmem>>, vector<1x16xi32>,
      %swap3A_1966 = vector.shape_cast %swap3A_1965 : vector<1x16xi32> to vector<16xi32>
      %swap3A_1967 = vector.shape_cast %select_n3A_1959 : vector<16xi32> to vector<1x16xi32>
      tpu.vector_store %arg8[%swap3A_1963, %swap3A_1964], %swap3A_1967 {strides = array<i32>} : memref<8x128xi32, #tpu.memory_space<vmem>>, vector<1x16xi32>,
      %scan3A_1968 = arith.constant 0 : i32
      %scan3A_1969 = arith.constant 4 : i32
      %mul3A_1970 = arith.constant 16 : i32
      %mul3A_1971 = arith.muli %scan3A_1969, %mul3A_1970 : i32
      %get3A_1972 = arith.constant 6 : i32
      %get3A_1973 = arith.index_cast %get3A_1972 : i32 to index
      %get3A_1974 = arith.index_cast %mul3A_1971 : i32 to index
      %get3A_1975 = tpu.vector_load %arg6[%get3A_1973, %get3A_1974] {strides = array<i32>} : memref<8x128xi32, #tpu.memory_space<vmem>>, vector<1x16xi32>,
      %get3A_1976 = vector.shape_cast %get3A_1975 : vector<1x16xi32> to vector<16xi32>
      %sub3A_1977 = vector.broadcast %mul3A_0 : i32 to vector<16xi32>
      %sub3A_1978 = arith.subi %get3A_1976, %sub3A_1977 : vector<16xi32>
      %ge3A_1979 = arith.constant 0 : i32
      %ge3A_1980 = vector.broadcast %ge3A_1979 : i32 to vector<16xi32>
      %ge3A_1981 = arith.cmpi sge, %sub3A_1978, %ge3A_1980 : vector<16xi32>
      %lt3A_1982 = arith.constant 25000 : i32
      %lt3A_1983 = vector.broadcast %lt3A_1982 : i32 to vector<16xi32>
      %lt3A_1984 = arith.cmpi slt, %sub3A_1978, %lt3A_1983 : vector<16xi32>
      %and3A_1985 = arith.andi %ge3A_1981, %lt3A_1984 : vector<16xi1>
      %and3A_1986 = arith.constant 127 : i32
      %and3A_1987 = vector.broadcast %and3A_1986 : i32 to vector<16xi32>
      %and3A_1988 = arith.andi %sub3A_1978, %and3A_1987 : vector<16xi32>
      %add3A_1989 = arith.constant 25000 : i32
      %add3A_1990 = vector.broadcast %add3A_1989 : i32 to vector<16xi32>
      %add3A_1991 = arith.addi %add3A_1990, %and3A_1988 : vector<16xi32>
      %select_n3A_1992 = arith.select %and3A_1985, %sub3A_1978, %add3A_1991 : vector<16xi1>, vector<16xi32>
      %mul3A_1993 = arith.constant 16 : i32
      %mul3A_1994 = arith.muli %scan3A_1969, %mul3A_1993 : i32
      %swap3A_1995 = arith.constant 6 : i32
      %swap3A_1996 = arith.index_cast %swap3A_1995 : i32 to index
      %swap3A_1997 = arith.index_cast %mul3A_1994 : i32 to index
      %swap3A_1998 = tpu.vector_load %arg8[%swap3A_1996, %swap3A_1997] {strides = array<i32>} : memref<8x128xi32, #tpu.memory_space<vmem>>, vector<1x16xi32>,
      %swap3A_1999 = vector.shape_cast %swap3A_1998 : vector<1x16xi32> to vector<16xi32>
      %swap3A_2000 = vector.shape_cast %select_n3A_1992 : vector<16xi32> to vector<1x16xi32>
      tpu.vector_store %arg8[%swap3A_1996, %swap3A_1997], %swap3A_2000 {strides = array<i32>} : memref<8x128xi32, #tpu.memory_space<vmem>>, vector<1x16xi32>,
      %scan3A_2001 = arith.constant 0 : i32
      %scan3A_2002 = arith.constant 5 : i32
      %mul3A_2003 = arith.constant 16 : i32
      %mul3A_2004 = arith.muli %scan3A_2002, %mul3A_2003 : i32
      %get3A_2005 = arith.constant 6 : i32
      %get3A_2006 = arith.index_cast %get3A_2005 : i32 to index
      %get3A_2007 = arith.index_cast %mul3A_2004 : i32 to index
      %get3A_2008 = tpu.vector_load %arg6[%get3A_2006, %get3A_2007] {strides = array<i32>} : memref<8x128xi32, #tpu.memory_space<vmem>>, vector<1x16xi32>,
      %get3A_2009 = vector.shape_cast %get3A_2008 : vector<1x16xi32> to vector<16xi32>
      %sub3A_2010 = vector.broadcast %mul3A_0 : i32 to vector<16xi32>
      %sub3A_2011 = arith.subi %get3A_2009, %sub3A_2010 : vector<16xi32>
      %ge3A_2012 = arith.constant 0 : i32
      %ge3A_2013 = vector.broadcast %ge3A_2012 : i32 to vector<16xi32>
      %ge3A_2014 = arith.cmpi sge, %sub3A_2011, %ge3A_2013 : vector<16xi32>
      %lt3A_2015 = arith.constant 25000 : i32
      %lt3A_2016 = vector.broadcast %lt3A_2015 : i32 to vector<16xi32>
      %lt3A_2017 = arith.cmpi slt, %sub3A_2011, %lt3A_2016 : vector<16xi32>
      %and3A_2018 = arith.andi %ge3A_2014, %lt3A_2017 : vector<16xi1>
      %and3A_2019 = arith.constant 127 : i32
      %and3A_2020 = vector.broadcast %and3A_2019 : i32 to vector<16xi32>
      %and3A_2021 = arith.andi %sub3A_2011, %and3A_2020 : vector<16xi32>
      %add3A_2022 = arith.constant 25000 : i32
      %add3A_2023 = vector.broadcast %add3A_2022 : i32 to vector<16xi32>
      %add3A_2024 = arith.addi %add3A_2023, %and3A_2021 : vector<16xi32>
      %select_n3A_2025 = arith.select %and3A_2018, %sub3A_2011, %add3A_2024 : vector<16xi1>, vector<16xi32>
      %mul3A_2026 = arith.constant 16 : i32
      %mul3A_2027 = arith.muli %scan3A_2002, %mul3A_2026 : i32
      %swap3A_2028 = arith.constant 6 : i32
      %swap3A_2029 = arith.index_cast %swap3A_2028 : i32 to index
      %swap3A_2030 = arith.index_cast %mul3A_2027 : i32 to index
      %swap3A_2031 = tpu.vector_load %arg8[%swap3A_2029, %swap3A_2030] {strides = array<i32>} : memref<8x128xi32, #tpu.memory_space<vmem>>, vector<1x16xi32>,
      %swap3A_2032 = vector.shape_cast %swap3A_2031 : vector<1x16xi32> to vector<16xi32>
      %swap3A_2033 = vector.shape_cast %select_n3A_2025 : vector<16xi32> to vector<1x16xi32>
      tpu.vector_store %arg8[%swap3A_2029, %swap3A_2030], %swap3A_2033 {strides = array<i32>} : memref<8x128xi32, #tpu.memory_space<vmem>>, vector<1x16xi32>,
      %scan3A_2034 = arith.constant 0 : i32
      %scan3A_2035 = arith.constant 6 : i32
      %mul3A_2036 = arith.constant 16 : i32
      %mul3A_2037 = arith.muli %scan3A_2035, %mul3A_2036 : i32
      %get3A_2038 = arith.constant 6 : i32
      %get3A_2039 = arith.index_cast %get3A_2038 : i32 to index
      %get3A_2040 = arith.index_cast %mul3A_2037 : i32 to index
      %get3A_2041 = tpu.vector_load %arg6[%get3A_2039, %get3A_2040] {strides = array<i32>} : memref<8x128xi32, #tpu.memory_space<vmem>>, vector<1x16xi32>,
      %get3A_2042 = vector.shape_cast %get3A_2041 : vector<1x16xi32> to vector<16xi32>
      %sub3A_2043 = vector.broadcast %mul3A_0 : i32 to vector<16xi32>
      %sub3A_2044 = arith.subi %get3A_2042, %sub3A_2043 : vector<16xi32>
      %ge3A_2045 = arith.constant 0 : i32
      %ge3A_2046 = vector.broadcast %ge3A_2045 : i32 to vector<16xi32>
      %ge3A_2047 = arith.cmpi sge, %sub3A_2044, %ge3A_2046 : vector<16xi32>
      %lt3A_2048 = arith.constant 25000 : i32
      %lt3A_2049 = vector.broadcast %lt3A_2048 : i32 to vector<16xi32>
      %lt3A_2050 = arith.cmpi slt, %sub3A_2044, %lt3A_2049 : vector<16xi32>
      %and3A_2051 = arith.andi %ge3A_2047, %lt3A_2050 : vector<16xi1>
      %and3A_2052 = arith.constant 127 : i32
      %and3A_2053 = vector.broadcast %and3A_2052 : i32 to vector<16xi32>
      %and3A_2054 = arith.andi %sub3A_2044, %and3A_2053 : vector<16xi32>
      %add3A_2055 = arith.constant 25000 : i32
      %add3A_2056 = vector.broadcast %add3A_2055 : i32 to vector<16xi32>
      %add3A_2057 = arith.addi %add3A_2056, %and3A_2054 : vector<16xi32>
      %select_n3A_2058 = arith.select %and3A_2051, %sub3A_2044, %add3A_2057 : vector<16xi1>, vector<16xi32>
      %mul3A_2059 = arith.constant 16 : i32
      %mul3A_2060 = arith.muli %scan3A_2035, %mul3A_2059 : i32
      %swap3A_2061 = arith.constant 6 : i32
      %swap3A_2062 = arith.index_cast %swap3A_2061 : i32 to index
      %swap3A_2063 = arith.index_cast %mul3A_2060 : i32 to index
      %swap3A_2064 = tpu.vector_load %arg8[%swap3A_2062, %swap3A_2063] {strides = array<i32>} : memref<8x128xi32, #tpu.memory_space<vmem>>, vector<1x16xi32>,
      %swap3A_2065 = vector.shape_cast %swap3A_2064 : vector<1x16xi32> to vector<16xi32>
      %swap3A_2066 = vector.shape_cast %select_n3A_2058 : vector<16xi32> to vector<1x16xi32>
      tpu.vector_store %arg8[%swap3A_2062, %swap3A_2063], %swap3A_2066 {strides = array<i32>} : memref<8x128xi32, #tpu.memory_space<vmem>>, vector<1x16xi32>,
      %scan3A_2067 = arith.constant 0 : i32
      %scan3A_2068 = arith.constant 7 : i32
      %mul3A_2069 = arith.constant 16 : i32
      %mul3A_2070 = arith.muli %scan3A_2068, %mul3A_2069 : i32
      %get3A_2071 = arith.constant 6 : i32
      %get3A_2072 = arith.index_cast %get3A_2071 : i32 to index
      %get3A_2073 = arith.index_cast %mul3A_2070 : i32 to index
      %get3A_2074 = tpu.vector_load %arg6[%get3A_2072, %get3A_2073] {strides = array<i32>} : memref<8x128xi32, #tpu.memory_space<vmem>>, vector<1x16xi32>,
      %get3A_2075 = vector.shape_cast %get3A_2074 : vector<1x16xi32> to vector<16xi32>
      %sub3A_2076 = vector.broadcast %mul3A_0 : i32 to vector<16xi32>
      %sub3A_2077 = arith.subi %get3A_2075, %sub3A_2076 : vector<16xi32>
      %ge3A_2078 = arith.constant 0 : i32
      %ge3A_2079 = vector.broadcast %ge3A_2078 : i32 to vector<16xi32>
      %ge3A_2080 = arith.cmpi sge, %sub3A_2077, %ge3A_2079 : vector<16xi32>
      %lt3A_2081 = arith.constant 25000 : i32
      %lt3A_2082 = vector.broadcast %lt3A_2081 : i32 to vector<16xi32>
      %lt3A_2083 = arith.cmpi slt, %sub3A_2077, %lt3A_2082 : vector<16xi32>
      %and3A_2084 = arith.andi %ge3A_2080, %lt3A_2083 : vector<16xi1>
      %and3A_2085 = arith.constant 127 : i32
      %and3A_2086 = vector.broadcast %and3A_2085 : i32 to vector<16xi32>
      %and3A_2087 = arith.andi %sub3A_2077, %and3A_2086 : vector<16xi32>
      %add3A_2088 = arith.constant 25000 : i32
      %add3A_2089 = vector.broadcast %add3A_2088 : i32 to vector<16xi32>
      %add3A_2090 = arith.addi %add3A_2089, %and3A_2087 : vector<16xi32>
      %select_n3A_2091 = arith.select %and3A_2084, %sub3A_2077, %add3A_2090 : vector<16xi1>, vector<16xi32>
      %mul3A_2092 = arith.constant 16 : i32
      %mul3A_2093 = arith.muli %scan3A_2068, %mul3A_2092 : i32
      %swap3A_2094 = arith.constant 6 : i32
      %swap3A_2095 = arith.index_cast %swap3A_2094 : i32 to index
      %swap3A_2096 = arith.index_cast %mul3A_2093 : i32 to index
      %swap3A_2097 = tpu.vector_load %arg8[%swap3A_2095, %swap3A_2096] {strides = array<i32>} : memref<8x128xi32, #tpu.memory_space<vmem>>, vector<1x16xi32>,
      %swap3A_2098 = vector.shape_cast %swap3A_2097 : vector<1x16xi32> to vector<16xi32>
      %swap3A_2099 = vector.shape_cast %select_n3A_2091 : vector<16xi32> to vector<1x16xi32>
      tpu.vector_store %arg8[%swap3A_2095, %swap3A_2096], %swap3A_2099 {strides = array<i32>} : memref<8x128xi32, #tpu.memory_space<vmem>>, vector<1x16xi32>,
      %scan3A_2100 = arith.constant 0 : i32
      %scan3A_2101 = arith.constant 8 : i32
      %dma_start3A_2102 = arith.constant 6 : i32
      %dma_start3A_2103 = arith.constant 0 : i32
      %dma_start3A_2104 = tpu.memref_slice %arg8[%dma_start3A_2102, %dma_start3A_2103] : memref<8x128xi32, #tpu.memory_space<vmem>> -> memref<1x128xi32, #tpu.memory_space<vmem>>
      %dma_start3A_2105 = tpu.memref_squeeze %dma_start3A_2104 : memref<1x128xi32, #tpu.memory_space<vmem>> -> memref<128xi32, #tpu.memory_space<vmem>>
      %dma_start3A_2106 = arith.constant 0 : i32
      %dma_start3A_2107 = arith.constant 0 : i32
      %dma_start3A_2108 = tpu.memref_slice %arg11[%dma_start3A_2106, %dma_start3A_2107] : memref<25152x16xf32, #tpu.memory_space<vmem_shared>> -> memref<25152x16xf32, #tpu.memory_space<vmem_shared>>
      tpu.enqueue_indirect_dma source(%arg9 : memref<128x16xf32, #tpu.memory_space<vmem>>) target(%dma_start3A_2108 : memref<25152x16xf32, #tpu.memory_space<vmem_shared>>) offsets(%dma_start3A_2105 : memref<128xi32, #tpu.memory_space<vmem>>) semaphore(%arg14 : memref<!tpu.dma_semaphore, #tpu.memory_space<semaphore_mem>>) {add = true}
      %scan3A_2109 = arith.constant 0 : i32
      %scan3A_2110 = arith.constant 0 : i32
      %mul3A_2111 = arith.constant 16 : i32
      %mul3A_2112 = arith.muli %scan3A_2110, %mul3A_2111 : i32
      %get3A_2113 = arith.constant 7 : i32
      %get3A_2114 = arith.index_cast %get3A_2113 : i32 to index
      %get3A_2115 = arith.index_cast %mul3A_2112 : i32 to index
      %get3A_2116 = tpu.vector_load %arg6[%get3A_2114, %get3A_2115] {strides = array<i32>} : memref<8x128xi32, #tpu.memory_space<vmem>>, vector<1x16xi32>,
      %get3A_2117 = vector.shape_cast %get3A_2116 : vector<1x16xi32> to vector<16xi32>
      %sub3A_2118 = vector.broadcast %mul3A_0 : i32 to vector<16xi32>
      %sub3A_2119 = arith.subi %get3A_2117, %sub3A_2118 : vector<16xi32>
      %ge3A_2120 = arith.constant 0 : i32
      %ge3A_2121 = vector.broadcast %ge3A_2120 : i32 to vector<16xi32>
      %ge3A_2122 = arith.cmpi sge, %sub3A_2119, %ge3A_2121 : vector<16xi32>
      %lt3A_2123 = arith.constant 25000 : i32
      %lt3A_2124 = vector.broadcast %lt3A_2123 : i32 to vector<16xi32>
      %lt3A_2125 = arith.cmpi slt, %sub3A_2119, %lt3A_2124 : vector<16xi32>
      %and3A_2126 = arith.andi %ge3A_2122, %lt3A_2125 : vector<16xi1>
      %and3A_2127 = arith.constant 127 : i32
      %and3A_2128 = vector.broadcast %and3A_2127 : i32 to vector<16xi32>
      %and3A_2129 = arith.andi %sub3A_2119, %and3A_2128 : vector<16xi32>
      %add3A_2130 = arith.constant 25000 : i32
      %add3A_2131 = vector.broadcast %add3A_2130 : i32 to vector<16xi32>
      %add3A_2132 = arith.addi %add3A_2131, %and3A_2129 : vector<16xi32>
      %select_n3A_2133 = arith.select %and3A_2126, %sub3A_2119, %add3A_2132 : vector<16xi1>, vector<16xi32>
      %mul3A_2134 = arith.constant 16 : i32
      %mul3A_2135 = arith.muli %scan3A_2110, %mul3A_2134 : i32
      %swap3A_2136 = arith.constant 7 : i32
      %swap3A_2137 = arith.index_cast %swap3A_2136 : i32 to index
      %swap3A_2138 = arith.index_cast %mul3A_2135 : i32 to index
      %swap3A_2139 = tpu.vector_load %arg8[%swap3A_2137, %swap3A_2138] {strides = array<i32>} : memref<8x128xi32, #tpu.memory_space<vmem>>, vector<1x16xi32>,
      %swap3A_2140 = vector.shape_cast %swap3A_2139 : vector<1x16xi32> to vector<16xi32>
      %swap3A_2141 = vector.shape_cast %select_n3A_2133 : vector<16xi32> to vector<1x16xi32>
      tpu.vector_store %arg8[%swap3A_2137, %swap3A_2138], %swap3A_2141 {strides = array<i32>} : memref<8x128xi32, #tpu.memory_space<vmem>>, vector<1x16xi32>,
      %scan3A_2142 = arith.constant 0 : i32
      %scan3A_2143 = arith.constant 1 : i32
      %mul3A_2144 = arith.constant 16 : i32
      %mul3A_2145 = arith.muli %scan3A_2143, %mul3A_2144 : i32
      %get3A_2146 = arith.constant 7 : i32
      %get3A_2147 = arith.index_cast %get3A_2146 : i32 to index
      %get3A_2148 = arith.index_cast %mul3A_2145 : i32 to index
      %get3A_2149 = tpu.vector_load %arg6[%get3A_2147, %get3A_2148] {strides = array<i32>} : memref<8x128xi32, #tpu.memory_space<vmem>>, vector<1x16xi32>,
      %get3A_2150 = vector.shape_cast %get3A_2149 : vector<1x16xi32> to vector<16xi32>
      %sub3A_2151 = vector.broadcast %mul3A_0 : i32 to vector<16xi32>
      %sub3A_2152 = arith.subi %get3A_2150, %sub3A_2151 : vector<16xi32>
      %ge3A_2153 = arith.constant 0 : i32
      %ge3A_2154 = vector.broadcast %ge3A_2153 : i32 to vector<16xi32>
      %ge3A_2155 = arith.cmpi sge, %sub3A_2152, %ge3A_2154 : vector<16xi32>
      %lt3A_2156 = arith.constant 25000 : i32
      %lt3A_2157 = vector.broadcast %lt3A_2156 : i32 to vector<16xi32>
      %lt3A_2158 = arith.cmpi slt, %sub3A_2152, %lt3A_2157 : vector<16xi32>
      %and3A_2159 = arith.andi %ge3A_2155, %lt3A_2158 : vector<16xi1>
      %and3A_2160 = arith.constant 127 : i32
      %and3A_2161 = vector.broadcast %and3A_2160 : i32 to vector<16xi32>
      %and3A_2162 = arith.andi %sub3A_2152, %and3A_2161 : vector<16xi32>
      %add3A_2163 = arith.constant 25000 : i32
      %add3A_2164 = vector.broadcast %add3A_2163 : i32 to vector<16xi32>
      %add3A_2165 = arith.addi %add3A_2164, %and3A_2162 : vector<16xi32>
      %select_n3A_2166 = arith.select %and3A_2159, %sub3A_2152, %add3A_2165 : vector<16xi1>, vector<16xi32>
      %mul3A_2167 = arith.constant 16 : i32
      %mul3A_2168 = arith.muli %scan3A_2143, %mul3A_2167 : i32
      %swap3A_2169 = arith.constant 7 : i32
      %swap3A_2170 = arith.index_cast %swap3A_2169 : i32 to index
      %swap3A_2171 = arith.index_cast %mul3A_2168 : i32 to index
      %swap3A_2172 = tpu.vector_load %arg8[%swap3A_2170, %swap3A_2171] {strides = array<i32>} : memref<8x128xi32, #tpu.memory_space<vmem>>, vector<1x16xi32>,
      %swap3A_2173 = vector.shape_cast %swap3A_2172 : vector<1x16xi32> to vector<16xi32>
      %swap3A_2174 = vector.shape_cast %select_n3A_2166 : vector<16xi32> to vector<1x16xi32>
      tpu.vector_store %arg8[%swap3A_2170, %swap3A_2171], %swap3A_2174 {strides = array<i32>} : memref<8x128xi32, #tpu.memory_space<vmem>>, vector<1x16xi32>,
      %scan3A_2175 = arith.constant 0 : i32
      %scan3A_2176 = arith.constant 2 : i32
      %mul3A_2177 = arith.constant 16 : i32
      %mul3A_2178 = arith.muli %scan3A_2176, %mul3A_2177 : i32
      %get3A_2179 = arith.constant 7 : i32
      %get3A_2180 = arith.index_cast %get3A_2179 : i32 to index
      %get3A_2181 = arith.index_cast %mul3A_2178 : i32 to index
      %get3A_2182 = tpu.vector_load %arg6[%get3A_2180, %get3A_2181] {strides = array<i32>} : memref<8x128xi32, #tpu.memory_space<vmem>>, vector<1x16xi32>,
      %get3A_2183 = vector.shape_cast %get3A_2182 : vector<1x16xi32> to vector<16xi32>
      %sub3A_2184 = vector.broadcast %mul3A_0 : i32 to vector<16xi32>
      %sub3A_2185 = arith.subi %get3A_2183, %sub3A_2184 : vector<16xi32>
      %ge3A_2186 = arith.constant 0 : i32
      %ge3A_2187 = vector.broadcast %ge3A_2186 : i32 to vector<16xi32>
      %ge3A_2188 = arith.cmpi sge, %sub3A_2185, %ge3A_2187 : vector<16xi32>
      %lt3A_2189 = arith.constant 25000 : i32
      %lt3A_2190 = vector.broadcast %lt3A_2189 : i32 to vector<16xi32>
      %lt3A_2191 = arith.cmpi slt, %sub3A_2185, %lt3A_2190 : vector<16xi32>
      %and3A_2192 = arith.andi %ge3A_2188, %lt3A_2191 : vector<16xi1>
      %and3A_2193 = arith.constant 127 : i32
      %and3A_2194 = vector.broadcast %and3A_2193 : i32 to vector<16xi32>
      %and3A_2195 = arith.andi %sub3A_2185, %and3A_2194 : vector<16xi32>
      %add3A_2196 = arith.constant 25000 : i32
      %add3A_2197 = vector.broadcast %add3A_2196 : i32 to vector<16xi32>
      %add3A_2198 = arith.addi %add3A_2197, %and3A_2195 : vector<16xi32>
      %select_n3A_2199 = arith.select %and3A_2192, %sub3A_2185, %add3A_2198 : vector<16xi1>, vector<16xi32>
      %mul3A_2200 = arith.constant 16 : i32
      %mul3A_2201 = arith.muli %scan3A_2176, %mul3A_2200 : i32
      %swap3A_2202 = arith.constant 7 : i32
      %swap3A_2203 = arith.index_cast %swap3A_2202 : i32 to index
      %swap3A_2204 = arith.index_cast %mul3A_2201 : i32 to index
      %swap3A_2205 = tpu.vector_load %arg8[%swap3A_2203, %swap3A_2204] {strides = array<i32>} : memref<8x128xi32, #tpu.memory_space<vmem>>, vector<1x16xi32>,
      %swap3A_2206 = vector.shape_cast %swap3A_2205 : vector<1x16xi32> to vector<16xi32>
      %swap3A_2207 = vector.shape_cast %select_n3A_2199 : vector<16xi32> to vector<1x16xi32>
      tpu.vector_store %arg8[%swap3A_2203, %swap3A_2204], %swap3A_2207 {strides = array<i32>} : memref<8x128xi32, #tpu.memory_space<vmem>>, vector<1x16xi32>,
      %scan3A_2208 = arith.constant 0 : i32
      %scan3A_2209 = arith.constant 3 : i32
      %mul3A_2210 = arith.constant 16 : i32
      %mul3A_2211 = arith.muli %scan3A_2209, %mul3A_2210 : i32
      %get3A_2212 = arith.constant 7 : i32
      %get3A_2213 = arith.index_cast %get3A_2212 : i32 to index
      %get3A_2214 = arith.index_cast %mul3A_2211 : i32 to index
      %get3A_2215 = tpu.vector_load %arg6[%get3A_2213, %get3A_2214] {strides = array<i32>} : memref<8x128xi32, #tpu.memory_space<vmem>>, vector<1x16xi32>,
      %get3A_2216 = vector.shape_cast %get3A_2215 : vector<1x16xi32> to vector<16xi32>
      %sub3A_2217 = vector.broadcast %mul3A_0 : i32 to vector<16xi32>
      %sub3A_2218 = arith.subi %get3A_2216, %sub3A_2217 : vector<16xi32>
      %ge3A_2219 = arith.constant 0 : i32
      %ge3A_2220 = vector.broadcast %ge3A_2219 : i32 to vector<16xi32>
      %ge3A_2221 = arith.cmpi sge, %sub3A_2218, %ge3A_2220 : vector<16xi32>
      %lt3A_2222 = arith.constant 25000 : i32
      %lt3A_2223 = vector.broadcast %lt3A_2222 : i32 to vector<16xi32>
      %lt3A_2224 = arith.cmpi slt, %sub3A_2218, %lt3A_2223 : vector<16xi32>
      %and3A_2225 = arith.andi %ge3A_2221, %lt3A_2224 : vector<16xi1>
      %and3A_2226 = arith.constant 127 : i32
      %and3A_2227 = vector.broadcast %and3A_2226 : i32 to vector<16xi32>
      %and3A_2228 = arith.andi %sub3A_2218, %and3A_2227 : vector<16xi32>
      %add3A_2229 = arith.constant 25000 : i32
      %add3A_2230 = vector.broadcast %add3A_2229 : i32 to vector<16xi32>
      %add3A_2231 = arith.addi %add3A_2230, %and3A_2228 : vector<16xi32>
      %select_n3A_2232 = arith.select %and3A_2225, %sub3A_2218, %add3A_2231 : vector<16xi1>, vector<16xi32>
      %mul3A_2233 = arith.constant 16 : i32
      %mul3A_2234 = arith.muli %scan3A_2209, %mul3A_2233 : i32
      %swap3A_2235 = arith.constant 7 : i32
      %swap3A_2236 = arith.index_cast %swap3A_2235 : i32 to index
      %swap3A_2237 = arith.index_cast %mul3A_2234 : i32 to index
      %swap3A_2238 = tpu.vector_load %arg8[%swap3A_2236, %swap3A_2237] {strides = array<i32>} : memref<8x128xi32, #tpu.memory_space<vmem>>, vector<1x16xi32>,
      %swap3A_2239 = vector.shape_cast %swap3A_2238 : vector<1x16xi32> to vector<16xi32>
      %swap3A_2240 = vector.shape_cast %select_n3A_2232 : vector<16xi32> to vector<1x16xi32>
      tpu.vector_store %arg8[%swap3A_2236, %swap3A_2237], %swap3A_2240 {strides = array<i32>} : memref<8x128xi32, #tpu.memory_space<vmem>>, vector<1x16xi32>,
      %scan3A_2241 = arith.constant 0 : i32
      %scan3A_2242 = arith.constant 4 : i32
      %mul3A_2243 = arith.constant 16 : i32
      %mul3A_2244 = arith.muli %scan3A_2242, %mul3A_2243 : i32
      %get3A_2245 = arith.constant 7 : i32
      %get3A_2246 = arith.index_cast %get3A_2245 : i32 to index
      %get3A_2247 = arith.index_cast %mul3A_2244 : i32 to index
      %get3A_2248 = tpu.vector_load %arg6[%get3A_2246, %get3A_2247] {strides = array<i32>} : memref<8x128xi32, #tpu.memory_space<vmem>>, vector<1x16xi32>,
      %get3A_2249 = vector.shape_cast %get3A_2248 : vector<1x16xi32> to vector<16xi32>
      %sub3A_2250 = vector.broadcast %mul3A_0 : i32 to vector<16xi32>
      %sub3A_2251 = arith.subi %get3A_2249, %sub3A_2250 : vector<16xi32>
      %ge3A_2252 = arith.constant 0 : i32
      %ge3A_2253 = vector.broadcast %ge3A_2252 : i32 to vector<16xi32>
      %ge3A_2254 = arith.cmpi sge, %sub3A_2251, %ge3A_2253 : vector<16xi32>
      %lt3A_2255 = arith.constant 25000 : i32
      %lt3A_2256 = vector.broadcast %lt3A_2255 : i32 to vector<16xi32>
      %lt3A_2257 = arith.cmpi slt, %sub3A_2251, %lt3A_2256 : vector<16xi32>
      %and3A_2258 = arith.andi %ge3A_2254, %lt3A_2257 : vector<16xi1>
      %and3A_2259 = arith.constant 127 : i32
      %and3A_2260 = vector.broadcast %and3A_2259 : i32 to vector<16xi32>
      %and3A_2261 = arith.andi %sub3A_2251, %and3A_2260 : vector<16xi32>
      %add3A_2262 = arith.constant 25000 : i32
      %add3A_2263 = vector.broadcast %add3A_2262 : i32 to vector<16xi32>
      %add3A_2264 = arith.addi %add3A_2263, %and3A_2261 : vector<16xi32>
      %select_n3A_2265 = arith.select %and3A_2258, %sub3A_2251, %add3A_2264 : vector<16xi1>, vector<16xi32>
      %mul3A_2266 = arith.constant 16 : i32
      %mul3A_2267 = arith.muli %scan3A_2242, %mul3A_2266 : i32
      %swap3A_2268 = arith.constant 7 : i32
      %swap3A_2269 = arith.index_cast %swap3A_2268 : i32 to index
      %swap3A_2270 = arith.index_cast %mul3A_2267 : i32 to index
      %swap3A_2271 = tpu.vector_load %arg8[%swap3A_2269, %swap3A_2270] {strides = array<i32>} : memref<8x128xi32, #tpu.memory_space<vmem>>, vector<1x16xi32>,
      %swap3A_2272 = vector.shape_cast %swap3A_2271 : vector<1x16xi32> to vector<16xi32>
      %swap3A_2273 = vector.shape_cast %select_n3A_2265 : vector<16xi32> to vector<1x16xi32>
      tpu.vector_store %arg8[%swap3A_2269, %swap3A_2270], %swap3A_2273 {strides = array<i32>} : memref<8x128xi32, #tpu.memory_space<vmem>>, vector<1x16xi32>,
      %scan3A_2274 = arith.constant 0 : i32
      %scan3A_2275 = arith.constant 5 : i32
      %mul3A_2276 = arith.constant 16 : i32
      %mul3A_2277 = arith.muli %scan3A_2275, %mul3A_2276 : i32
      %get3A_2278 = arith.constant 7 : i32
      %get3A_2279 = arith.index_cast %get3A_2278 : i32 to index
      %get3A_2280 = arith.index_cast %mul3A_2277 : i32 to index
      %get3A_2281 = tpu.vector_load %arg6[%get3A_2279, %get3A_2280] {strides = array<i32>} : memref<8x128xi32, #tpu.memory_space<vmem>>, vector<1x16xi32>,
      %get3A_2282 = vector.shape_cast %get3A_2281 : vector<1x16xi32> to vector<16xi32>
      %sub3A_2283 = vector.broadcast %mul3A_0 : i32 to vector<16xi32>
      %sub3A_2284 = arith.subi %get3A_2282, %sub3A_2283 : vector<16xi32>
      %ge3A_2285 = arith.constant 0 : i32
      %ge3A_2286 = vector.broadcast %ge3A_2285 : i32 to vector<16xi32>
      %ge3A_2287 = arith.cmpi sge, %sub3A_2284, %ge3A_2286 : vector<16xi32>
      %lt3A_2288 = arith.constant 25000 : i32
      %lt3A_2289 = vector.broadcast %lt3A_2288 : i32 to vector<16xi32>
      %lt3A_2290 = arith.cmpi slt, %sub3A_2284, %lt3A_2289 : vector<16xi32>
      %and3A_2291 = arith.andi %ge3A_2287, %lt3A_2290 : vector<16xi1>
      %and3A_2292 = arith.constant 127 : i32
      %and3A_2293 = vector.broadcast %and3A_2292 : i32 to vector<16xi32>
      %and3A_2294 = arith.andi %sub3A_2284, %and3A_2293 : vector<16xi32>
      %add3A_2295 = arith.constant 25000 : i32
      %add3A_2296 = vector.broadcast %add3A_2295 : i32 to vector<16xi32>
      %add3A_2297 = arith.addi %add3A_2296, %and3A_2294 : vector<16xi32>
      %select_n3A_2298 = arith.select %and3A_2291, %sub3A_2284, %add3A_2297 : vector<16xi1>, vector<16xi32>
      %mul3A_2299 = arith.constant 16 : i32
      %mul3A_2300 = arith.muli %scan3A_2275, %mul3A_2299 : i32
      %swap3A_2301 = arith.constant 7 : i32
      %swap3A_2302 = arith.index_cast %swap3A_2301 : i32 to index
      %swap3A_2303 = arith.index_cast %mul3A_2300 : i32 to index
      %swap3A_2304 = tpu.vector_load %arg8[%swap3A_2302, %swap3A_2303] {strides = array<i32>} : memref<8x128xi32, #tpu.memory_space<vmem>>, vector<1x16xi32>,
      %swap3A_2305 = vector.shape_cast %swap3A_2304 : vector<1x16xi32> to vector<16xi32>
      %swap3A_2306 = vector.shape_cast %select_n3A_2298 : vector<16xi32> to vector<1x16xi32>
      tpu.vector_store %arg8[%swap3A_2302, %swap3A_2303], %swap3A_2306 {strides = array<i32>} : memref<8x128xi32, #tpu.memory_space<vmem>>, vector<1x16xi32>,
      %scan3A_2307 = arith.constant 0 : i32
      %scan3A_2308 = arith.constant 6 : i32
      %mul3A_2309 = arith.constant 16 : i32
      %mul3A_2310 = arith.muli %scan3A_2308, %mul3A_2309 : i32
      %get3A_2311 = arith.constant 7 : i32
      %get3A_2312 = arith.index_cast %get3A_2311 : i32 to index
      %get3A_2313 = arith.index_cast %mul3A_2310 : i32 to index
      %get3A_2314 = tpu.vector_load %arg6[%get3A_2312, %get3A_2313] {strides = array<i32>} : memref<8x128xi32, #tpu.memory_space<vmem>>, vector<1x16xi32>,
      %get3A_2315 = vector.shape_cast %get3A_2314 : vector<1x16xi32> to vector<16xi32>
      %sub3A_2316 = vector.broadcast %mul3A_0 : i32 to vector<16xi32>
      %sub3A_2317 = arith.subi %get3A_2315, %sub3A_2316 : vector<16xi32>
      %ge3A_2318 = arith.constant 0 : i32
      %ge3A_2319 = vector.broadcast %ge3A_2318 : i32 to vector<16xi32>
      %ge3A_2320 = arith.cmpi sge, %sub3A_2317, %ge3A_2319 : vector<16xi32>
      %lt3A_2321 = arith.constant 25000 : i32
      %lt3A_2322 = vector.broadcast %lt3A_2321 : i32 to vector<16xi32>
      %lt3A_2323 = arith.cmpi slt, %sub3A_2317, %lt3A_2322 : vector<16xi32>
      %and3A_2324 = arith.andi %ge3A_2320, %lt3A_2323 : vector<16xi1>
      %and3A_2325 = arith.constant 127 : i32
      %and3A_2326 = vector.broadcast %and3A_2325 : i32 to vector<16xi32>
      %and3A_2327 = arith.andi %sub3A_2317, %and3A_2326 : vector<16xi32>
      %add3A_2328 = arith.constant 25000 : i32
      %add3A_2329 = vector.broadcast %add3A_2328 : i32 to vector<16xi32>
      %add3A_2330 = arith.addi %add3A_2329, %and3A_2327 : vector<16xi32>
      %select_n3A_2331 = arith.select %and3A_2324, %sub3A_2317, %add3A_2330 : vector<16xi1>, vector<16xi32>
      %mul3A_2332 = arith.constant 16 : i32
      %mul3A_2333 = arith.muli %scan3A_2308, %mul3A_2332 : i32
      %swap3A_2334 = arith.constant 7 : i32
      %swap3A_2335 = arith.index_cast %swap3A_2334 : i32 to index
      %swap3A_2336 = arith.index_cast %mul3A_2333 : i32 to index
      %swap3A_2337 = tpu.vector_load %arg8[%swap3A_2335, %swap3A_2336] {strides = array<i32>} : memref<8x128xi32, #tpu.memory_space<vmem>>, vector<1x16xi32>,
      %swap3A_2338 = vector.shape_cast %swap3A_2337 : vector<1x16xi32> to vector<16xi32>
      %swap3A_2339 = vector.shape_cast %select_n3A_2331 : vector<16xi32> to vector<1x16xi32>
      tpu.vector_store %arg8[%swap3A_2335, %swap3A_2336], %swap3A_2339 {strides = array<i32>} : memref<8x128xi32, #tpu.memory_space<vmem>>, vector<1x16xi32>,
      %scan3A_2340 = arith.constant 0 : i32
      %scan3A_2341 = arith.constant 7 : i32
      %mul3A_2342 = arith.constant 16 : i32
      %mul3A_2343 = arith.muli %scan3A_2341, %mul3A_2342 : i32
      %get3A_2344 = arith.constant 7 : i32
      %get3A_2345 = arith.index_cast %get3A_2344 : i32 to index
      %get3A_2346 = arith.index_cast %mul3A_2343 : i32 to index
      %get3A_2347 = tpu.vector_load %arg6[%get3A_2345, %get3A_2346] {strides = array<i32>} : memref<8x128xi32, #tpu.memory_space<vmem>>, vector<1x16xi32>,
      %get3A_2348 = vector.shape_cast %get3A_2347 : vector<1x16xi32> to vector<16xi32>
      %sub3A_2349 = vector.broadcast %mul3A_0 : i32 to vector<16xi32>
      %sub3A_2350 = arith.subi %get3A_2348, %sub3A_2349 : vector<16xi32>
      %ge3A_2351 = arith.constant 0 : i32
      %ge3A_2352 = vector.broadcast %ge3A_2351 : i32 to vector<16xi32>
      %ge3A_2353 = arith.cmpi sge, %sub3A_2350, %ge3A_2352 : vector<16xi32>
      %lt3A_2354 = arith.constant 25000 : i32
      %lt3A_2355 = vector.broadcast %lt3A_2354 : i32 to vector<16xi32>
      %lt3A_2356 = arith.cmpi slt, %sub3A_2350, %lt3A_2355 : vector<16xi32>
      %and3A_2357 = arith.andi %ge3A_2353, %lt3A_2356 : vector<16xi1>
      %and3A_2358 = arith.constant 127 : i32
      %and3A_2359 = vector.broadcast %and3A_2358 : i32 to vector<16xi32>
      %and3A_2360 = arith.andi %sub3A_2350, %and3A_2359 : vector<16xi32>
      %add3A_2361 = arith.constant 25000 : i32
      %add3A_2362 = vector.broadcast %add3A_2361 : i32 to vector<16xi32>
      %add3A_2363 = arith.addi %add3A_2362, %and3A_2360 : vector<16xi32>
      %select_n3A_2364 = arith.select %and3A_2357, %sub3A_2350, %add3A_2363 : vector<16xi1>, vector<16xi32>
      %mul3A_2365 = arith.constant 16 : i32
      %mul3A_2366 = arith.muli %scan3A_2341, %mul3A_2365 : i32
      %swap3A_2367 = arith.constant 7 : i32
      %swap3A_2368 = arith.index_cast %swap3A_2367 : i32 to index
      %swap3A_2369 = arith.index_cast %mul3A_2366 : i32 to index
      %swap3A_2370 = tpu.vector_load %arg8[%swap3A_2368, %swap3A_2369] {strides = array<i32>} : memref<8x128xi32, #tpu.memory_space<vmem>>, vector<1x16xi32>,
      %swap3A_2371 = vector.shape_cast %swap3A_2370 : vector<1x16xi32> to vector<16xi32>
      %swap3A_2372 = vector.shape_cast %select_n3A_2364 : vector<16xi32> to vector<1x16xi32>
      tpu.vector_store %arg8[%swap3A_2368, %swap3A_2369], %swap3A_2372 {strides = array<i32>} : memref<8x128xi32, #tpu.memory_space<vmem>>, vector<1x16xi32>,
      %scan3A_2373 = arith.constant 0 : i32
      %scan3A_2374 = arith.constant 8 : i32
      %dma_start3A_2375 = arith.constant 7 : i32
      %dma_start3A_2376 = arith.constant 0 : i32
      %dma_start3A_2377 = tpu.memref_slice %arg8[%dma_start3A_2375, %dma_start3A_2376] : memref<8x128xi32, #tpu.memory_space<vmem>> -> memref<1x128xi32, #tpu.memory_space<vmem>>
      %dma_start3A_2378 = tpu.memref_squeeze %dma_start3A_2377 : memref<1x128xi32, #tpu.memory_space<vmem>> -> memref<128xi32, #tpu.memory_space<vmem>>
      %dma_start3A_2379 = arith.constant 0 : i32
      %dma_start3A_2380 = arith.constant 0 : i32
      %dma_start3A_2381 = tpu.memref_slice %arg11[%dma_start3A_2379, %dma_start3A_2380] : memref<25152x16xf32, #tpu.memory_space<vmem_shared>> -> memref<25152x16xf32, #tpu.memory_space<vmem_shared>>
      tpu.enqueue_indirect_dma source(%arg9 : memref<128x16xf32, #tpu.memory_space<vmem>>) target(%dma_start3A_2381 : memref<25152x16xf32, #tpu.memory_space<vmem_shared>>) offsets(%dma_start3A_2378 : memref<128xi32, #tpu.memory_space<vmem>>) semaphore(%arg14 : memref<!tpu.dma_semaphore, #tpu.memory_space<semaphore_mem>>) {add = true}
      %dma_wait3A_2382 = arith.constant 0 : i32
      %dma_wait3A_2383 = arith.constant 0 : i32
      %dma_wait3A_2384 = tpu.memref_slice %arg8[%dma_wait3A_2382, %dma_wait3A_2383] : memref<8x128xi32, #tpu.memory_space<vmem>> -> memref<1x128xi32, #tpu.memory_space<vmem>>
      %dma_wait3A_2385 = tpu.memref_squeeze %dma_wait3A_2384 : memref<1x128xi32, #tpu.memory_space<vmem>> -> memref<128xi32, #tpu.memory_space<vmem>>
      %dma_wait3A_2386 = arith.constant 0 : i32
      %dma_wait3A_2387 = arith.constant 0 : i32
      %dma_wait3A_2388 = tpu.memref_slice %arg11[%dma_wait3A_2386, %dma_wait3A_2387] : memref<25152x16xf32, #tpu.memory_space<vmem_shared>> -> memref<25152x16xf32, #tpu.memory_space<vmem_shared>>
      tpu.wait_indirect_dma semaphore(%arg14 : memref<!tpu.dma_semaphore, #tpu.memory_space<semaphore_mem>>) src(%arg9 : memref<128x16xf32, #tpu.memory_space<vmem>>) dst(%dma_wait3A_2388 : memref<25152x16xf32, #tpu.memory_space<vmem_shared>>)
      %dma_wait3A_2389 = arith.constant 1 : i32
      %dma_wait3A_2390 = arith.constant 0 : i32
      %dma_wait3A_2391 = tpu.memref_slice %arg8[%dma_wait3A_2389, %dma_wait3A_2390] : memref<8x128xi32, #tpu.memory_space<vmem>> -> memref<1x128xi32, #tpu.memory_space<vmem>>
      %dma_wait3A_2392 = tpu.memref_squeeze %dma_wait3A_2391 : memref<1x128xi32, #tpu.memory_space<vmem>> -> memref<128xi32, #tpu.memory_space<vmem>>
      %dma_wait3A_2393 = arith.constant 0 : i32
      %dma_wait3A_2394 = arith.constant 0 : i32
      %dma_wait3A_2395 = tpu.memref_slice %arg11[%dma_wait3A_2393, %dma_wait3A_2394] : memref<25152x16xf32, #tpu.memory_space<vmem_shared>> -> memref<25152x16xf32, #tpu.memory_space<vmem_shared>>
      tpu.wait_indirect_dma semaphore(%arg14 : memref<!tpu.dma_semaphore, #tpu.memory_space<semaphore_mem>>) src(%arg9 : memref<128x16xf32, #tpu.memory_space<vmem>>) dst(%dma_wait3A_2395 : memref<25152x16xf32, #tpu.memory_space<vmem_shared>>)
      %dma_wait3A_2396 = arith.constant 2 : i32
      %dma_wait3A_2397 = arith.constant 0 : i32
      %dma_wait3A_2398 = tpu.memref_slice %arg8[%dma_wait3A_2396, %dma_wait3A_2397] : memref<8x128xi32, #tpu.memory_space<vmem>> -> memref<1x128xi32, #tpu.memory_space<vmem>>
      %dma_wait3A_2399 = tpu.memref_squeeze %dma_wait3A_2398 : memref<1x128xi32, #tpu.memory_space<vmem>> -> memref<128xi32, #tpu.memory_space<vmem>>
      %dma_wait3A_2400 = arith.constant 0 : i32
      %dma_wait3A_2401 = arith.constant 0 : i32
      %dma_wait3A_2402 = tpu.memref_slice %arg11[%dma_wait3A_2400, %dma_wait3A_2401] : memref<25152x16xf32, #tpu.memory_space<vmem_shared>> -> memref<25152x16xf32, #tpu.memory_space<vmem_shared>>
      tpu.wait_indirect_dma semaphore(%arg14 : memref<!tpu.dma_semaphore, #tpu.memory_space<semaphore_mem>>) src(%arg9 : memref<128x16xf32, #tpu.memory_space<vmem>>) dst(%dma_wait3A_2402 : memref<25152x16xf32, #tpu.memory_space<vmem_shared>>)
      %dma_wait3A_2403 = arith.constant 3 : i32
      %dma_wait3A_2404 = arith.constant 0 : i32
      %dma_wait3A_2405 = tpu.memref_slice %arg8[%dma_wait3A_2403, %dma_wait3A_2404] : memref<8x128xi32, #tpu.memory_space<vmem>> -> memref<1x128xi32, #tpu.memory_space<vmem>>
      %dma_wait3A_2406 = tpu.memref_squeeze %dma_wait3A_2405 : memref<1x128xi32, #tpu.memory_space<vmem>> -> memref<128xi32, #tpu.memory_space<vmem>>
      %dma_wait3A_2407 = arith.constant 0 : i32
      %dma_wait3A_2408 = arith.constant 0 : i32
      %dma_wait3A_2409 = tpu.memref_slice %arg11[%dma_wait3A_2407, %dma_wait3A_2408] : memref<25152x16xf32, #tpu.memory_space<vmem_shared>> -> memref<25152x16xf32, #tpu.memory_space<vmem_shared>>
      tpu.wait_indirect_dma semaphore(%arg14 : memref<!tpu.dma_semaphore, #tpu.memory_space<semaphore_mem>>) src(%arg9 : memref<128x16xf32, #tpu.memory_space<vmem>>) dst(%dma_wait3A_2409 : memref<25152x16xf32, #tpu.memory_space<vmem_shared>>)
      %dma_wait3A_2410 = arith.constant 4 : i32
      %dma_wait3A_2411 = arith.constant 0 : i32
      %dma_wait3A_2412 = tpu.memref_slice %arg8[%dma_wait3A_2410, %dma_wait3A_2411] : memref<8x128xi32, #tpu.memory_space<vmem>> -> memref<1x128xi32, #tpu.memory_space<vmem>>
      %dma_wait3A_2413 = tpu.memref_squeeze %dma_wait3A_2412 : memref<1x128xi32, #tpu.memory_space<vmem>> -> memref<128xi32, #tpu.memory_space<vmem>>
      %dma_wait3A_2414 = arith.constant 0 : i32
      %dma_wait3A_2415 = arith.constant 0 : i32
      %dma_wait3A_2416 = tpu.memref_slice %arg11[%dma_wait3A_2414, %dma_wait3A_2415] : memref<25152x16xf32, #tpu.memory_space<vmem_shared>> -> memref<25152x16xf32, #tpu.memory_space<vmem_shared>>
      tpu.wait_indirect_dma semaphore(%arg14 : memref<!tpu.dma_semaphore, #tpu.memory_space<semaphore_mem>>) src(%arg9 : memref<128x16xf32, #tpu.memory_space<vmem>>) dst(%dma_wait3A_2416 : memref<25152x16xf32, #tpu.memory_space<vmem_shared>>)
      %dma_wait3A_2417 = arith.constant 5 : i32
      %dma_wait3A_2418 = arith.constant 0 : i32
      %dma_wait3A_2419 = tpu.memref_slice %arg8[%dma_wait3A_2417, %dma_wait3A_2418] : memref<8x128xi32, #tpu.memory_space<vmem>> -> memref<1x128xi32, #tpu.memory_space<vmem>>
      %dma_wait3A_2420 = tpu.memref_squeeze %dma_wait3A_2419 : memref<1x128xi32, #tpu.memory_space<vmem>> -> memref<128xi32, #tpu.memory_space<vmem>>
      %dma_wait3A_2421 = arith.constant 0 : i32
      %dma_wait3A_2422 = arith.constant 0 : i32
      %dma_wait3A_2423 = tpu.memref_slice %arg11[%dma_wait3A_2421, %dma_wait3A_2422] : memref<25152x16xf32, #tpu.memory_space<vmem_shared>> -> memref<25152x16xf32, #tpu.memory_space<vmem_shared>>
      tpu.wait_indirect_dma semaphore(%arg14 : memref<!tpu.dma_semaphore, #tpu.memory_space<semaphore_mem>>) src(%arg9 : memref<128x16xf32, #tpu.memory_space<vmem>>) dst(%dma_wait3A_2423 : memref<25152x16xf32, #tpu.memory_space<vmem_shared>>)
      %dma_wait3A_2424 = arith.constant 6 : i32
      %dma_wait3A_2425 = arith.constant 0 : i32
      %dma_wait3A_2426 = tpu.memref_slice %arg8[%dma_wait3A_2424, %dma_wait3A_2425] : memref<8x128xi32, #tpu.memory_space<vmem>> -> memref<1x128xi32, #tpu.memory_space<vmem>>
      %dma_wait3A_2427 = tpu.memref_squeeze %dma_wait3A_2426 : memref<1x128xi32, #tpu.memory_space<vmem>> -> memref<128xi32, #tpu.memory_space<vmem>>
      %dma_wait3A_2428 = arith.constant 0 : i32
      %dma_wait3A_2429 = arith.constant 0 : i32
      %dma_wait3A_2430 = tpu.memref_slice %arg11[%dma_wait3A_2428, %dma_wait3A_2429] : memref<25152x16xf32, #tpu.memory_space<vmem_shared>> -> memref<25152x16xf32, #tpu.memory_space<vmem_shared>>
      tpu.wait_indirect_dma semaphore(%arg14 : memref<!tpu.dma_semaphore, #tpu.memory_space<semaphore_mem>>) src(%arg9 : memref<128x16xf32, #tpu.memory_space<vmem>>) dst(%dma_wait3A_2430 : memref<25152x16xf32, #tpu.memory_space<vmem_shared>>)
      %dma_wait3A_2431 = arith.constant 7 : i32
      %dma_wait3A_2432 = arith.constant 0 : i32
      %dma_wait3A_2433 = tpu.memref_slice %arg8[%dma_wait3A_2431, %dma_wait3A_2432] : memref<8x128xi32, #tpu.memory_space<vmem>> -> memref<1x128xi32, #tpu.memory_space<vmem>>
      %dma_wait3A_2434 = tpu.memref_squeeze %dma_wait3A_2433 : memref<1x128xi32, #tpu.memory_space<vmem>> -> memref<128xi32, #tpu.memory_space<vmem>>
      %dma_wait3A_2435 = arith.constant 0 : i32
      %dma_wait3A_2436 = arith.constant 0 : i32
      %dma_wait3A_2437 = tpu.memref_slice %arg11[%dma_wait3A_2435, %dma_wait3A_2436] : memref<25152x16xf32, #tpu.memory_space<vmem_shared>> -> memref<25152x16xf32, #tpu.memory_space<vmem_shared>>
      tpu.wait_indirect_dma semaphore(%arg14 : memref<!tpu.dma_semaphore, #tpu.memory_space<semaphore_mem>>) src(%arg9 : memref<128x16xf32, #tpu.memory_space<vmem>>) dst(%dma_wait3A_2437 : memref<25152x16xf32, #tpu.memory_space<vmem_shared>>)
      %scan3A_2438 = arith.constant 0 : i32
      scf.yield %scan3A_2438 : i32
    }
    %scan3A_20 = arith.constant 49 : i32
    %scan3A_21 = arith.constant 0 : i32
    %scan3A_22 = arith.constant 0 : i32
    %scan3A_23 = arith.constant 49 : i32
    %scan3A_24 = arith.addi %scan3A_22, %scan3A_23 : i32
    %scan3A_25 = arith.constant 1 : i32
    %scan3A_26 = scf.for %scan3A_39 = %scan3A_22 to %scan3A_24 step %scan3A_25 iter_args(%scan3A_40 = %scan3A_21) -> (i32)  : i32 {
      %mul3A_41 = arith.constant 50176 : i32
      %mul3A_42 = arith.muli %arg1, %mul3A_41 : i32
      %mul3A_43 = arith.constant 1024 : i32
      %mul3A_44 = arith.muli %scan3A_39, %mul3A_43 : i32
      %add3A_45 = arith.addi %mul3A_42, %mul3A_44 : i32
      %add3A_46 = arith.constant 0 : i32
      %add3A_47 = arith.addi %add3A_45, %add3A_46 : i32
      %dma_start3A = arith.constant 0 : i32
      %dma_start3A_48 = arith.constant 0 : i32
      %dma_start3A_49 = tpu.memref_slice %arg6[%dma_start3A, %dma_start3A_48] : memref<8x128xi32, #tpu.memory_space<vmem>> -> memref<1x128xi32, #tpu.memory_space<vmem>>
      %dma_start3A_50 = tpu.memref_squeeze %dma_start3A_49 : memref<1x128xi32, #tpu.memory_space<vmem>> -> memref<128xi32, #tpu.memory_space<vmem>>
      %dma_start3A_51 = tpu.memref_slice %arg2[%add3A_47] : memref<802816xi32, #tpu.memory_space<hbm>> -> memref<128xi32, #tpu.memory_space<hbm>>
      %dma_start3A_52 = arith.constant 0 : i32
      %dma_start3A_53 = tpu.memref_slice %arg6[%dma_start3A, %dma_start3A_52] : memref<8x128xi32, #tpu.memory_space<vmem>> -> memref<1x128xi32, #tpu.memory_space<vmem>>
      %dma_start3A_54 = tpu.memref_squeeze %dma_start3A_53 : memref<1x128xi32, #tpu.memory_space<vmem>> -> memref<128xi32, #tpu.memory_space<vmem>>
      %dma_start3A_55 = tpu.memref_slice %arg2[%add3A_47] : memref<802816xi32, #tpu.memory_space<hbm>> -> memref<128xi32, #tpu.memory_space<hbm>>
      tpu.enqueue_dma source(%dma_start3A_55 : memref<128xi32, #tpu.memory_space<hbm>>) target(%dma_start3A_54 : memref<128xi32, #tpu.memory_space<vmem>>) target_semaphore(%arg13 : memref<!tpu.dma_semaphore, #tpu.memory_space<semaphore_mem>>)
      %add3A_56 = arith.constant 128 : i32
      %add3A_57 = arith.addi %add3A_45, %add3A_56 : i32
      %dma_start3A_58 = arith.constant 1 : i32
      %dma_start3A_59 = arith.constant 0 : i32
      %dma_start3A_60 = tpu.memref_slice %arg6[%dma_start3A_58, %dma_start3A_59] : memref<8x128xi32, #tpu.memory_space<vmem>> -> memref<1x128xi32, #tpu.memory_space<vmem>>
      %dma_start3A_61 = tpu.memref_squeeze %dma_start3A_60 : memref<1x128xi32, #tpu.memory_space<vmem>> -> memref<128xi32, #tpu.memory_space<vmem>>
      %dma_start3A_62 = tpu.memref_slice %arg2[%add3A_57] : memref<802816xi32, #tpu.memory_space<hbm>> -> memref<128xi32, #tpu.memory_space<hbm>>
      %dma_start3A_63 = arith.constant 0 : i32
      %dma_start3A_64 = tpu.memref_slice %arg6[%dma_start3A_58, %dma_start3A_63] : memref<8x128xi32, #tpu.memory_space<vmem>> -> memref<1x128xi32, #tpu.memory_space<vmem>>
      %dma_start3A_65 = tpu.memref_squeeze %dma_start3A_64 : memref<1x128xi32, #tpu.memory_space<vmem>> -> memref<128xi32, #tpu.memory_space<vmem>>
      %dma_start3A_66 = tpu.memref_slice %arg2[%add3A_57] : memref<802816xi32, #tpu.memory_space<hbm>> -> memref<128xi32, #tpu.memory_space<hbm>>
      tpu.enqueue_dma source(%dma_start3A_66 : memref<128xi32, #tpu.memory_space<hbm>>) target(%dma_start3A_65 : memref<128xi32, #tpu.memory_space<vmem>>) target_semaphore(%arg13 : memref<!tpu.dma_semaphore, #tpu.memory_space<semaphore_mem>>)
      %add3A_67 = arith.constant 256 : i32
      %add3A_68 = arith.addi %add3A_45, %add3A_67 : i32
      %dma_start3A_69 = arith.constant 2 : i32
      %dma_start3A_70 = arith.constant 0 : i32
      %dma_start3A_71 = tpu.memref_slice %arg6[%dma_start3A_69, %dma_start3A_70] : memref<8x128xi32, #tpu.memory_space<vmem>> -> memref<1x128xi32, #tpu.memory_space<vmem>>
      %dma_start3A_72 = tpu.memref_squeeze %dma_start3A_71 : memref<1x128xi32, #tpu.memory_space<vmem>> -> memref<128xi32, #tpu.memory_space<vmem>>
      %dma_start3A_73 = tpu.memref_slice %arg2[%add3A_68] : memref<802816xi32, #tpu.memory_space<hbm>> -> memref<128xi32, #tpu.memory_space<hbm>>
      %dma_start3A_74 = arith.constant 0 : i32
      %dma_start3A_75 = tpu.memref_slice %arg6[%dma_start3A_69, %dma_start3A_74] : memref<8x128xi32, #tpu.memory_space<vmem>> -> memref<1x128xi32, #tpu.memory_space<vmem>>
      %dma_start3A_76 = tpu.memref_squeeze %dma_start3A_75 : memref<1x128xi32, #tpu.memory_space<vmem>> -> memref<128xi32, #tpu.memory_space<vmem>>
      %dma_start3A_77 = tpu.memref_slice %arg2[%add3A_68] : memref<802816xi32, #tpu.memory_space<hbm>> -> memref<128xi32, #tpu.memory_space<hbm>>
      tpu.enqueue_dma source(%dma_start3A_77 : memref<128xi32, #tpu.memory_space<hbm>>) target(%dma_start3A_76 : memref<128xi32, #tpu.memory_space<vmem>>) target_semaphore(%arg13 : memref<!tpu.dma_semaphore, #tpu.memory_space<semaphore_mem>>)
      %add3A_78 = arith.constant 384 : i32
      %add3A_79 = arith.addi %add3A_45, %add3A_78 : i32
      %dma_start3A_80 = arith.constant 3 : i32
      %dma_start3A_81 = arith.constant 0 : i32
      %dma_start3A_82 = tpu.memref_slice %arg6[%dma_start3A_80, %dma_start3A_81] : memref<8x128xi32, #tpu.memory_space<vmem>> -> memref<1x128xi32, #tpu.memory_space<vmem>>
      %dma_start3A_83 = tpu.memref_squeeze %dma_start3A_82 : memref<1x128xi32, #tpu.memory_space<vmem>> -> memref<128xi32, #tpu.memory_space<vmem>>
      %dma_start3A_84 = tpu.memref_slice %arg2[%add3A_79] : memref<802816xi32, #tpu.memory_space<hbm>> -> memref<128xi32, #tpu.memory_space<hbm>>
      %dma_start3A_85 = arith.constant 0 : i32
      %dma_start3A_86 = tpu.memref_slice %arg6[%dma_start3A_80, %dma_start3A_85] : memref<8x128xi32, #tpu.memory_space<vmem>> -> memref<1x128xi32, #tpu.memory_space<vmem>>
      %dma_start3A_87 = tpu.memref_squeeze %dma_start3A_86 : memref<1x128xi32, #tpu.memory_space<vmem>> -> memref<128xi32, #tpu.memory_space<vmem>>
      %dma_start3A_88 = tpu.memref_slice %arg2[%add3A_79] : memref<802816xi32, #tpu.memory_space<hbm>> -> memref<128xi32, #tpu.memory_space<hbm>>
      tpu.enqueue_dma source(%dma_start3A_88 : memref<128xi32, #tpu.memory_space<hbm>>) target(%dma_start3A_87 : memref<128xi32, #tpu.memory_space<vmem>>) target_semaphore(%arg13 : memref<!tpu.dma_semaphore, #tpu.memory_space<semaphore_mem>>)
      %add3A_89 = arith.constant 512 : i32
      %add3A_90 = arith.addi %add3A_45, %add3A_89 : i32
      %dma_start3A_91 = arith.constant 4 : i32
      %dma_start3A_92 = arith.constant 0 : i32
      %dma_start3A_93 = tpu.memref_slice %arg6[%dma_start3A_91, %dma_start3A_92] : memref<8x128xi32, #tpu.memory_space<vmem>> -> memref<1x128xi32, #tpu.memory_space<vmem>>
      %dma_start3A_94 = tpu.memref_squeeze %dma_start3A_93 : memref<1x128xi32, #tpu.memory_space<vmem>> -> memref<128xi32, #tpu.memory_space<vmem>>
      %dma_start3A_95 = tpu.memref_slice %arg2[%add3A_90] : memref<802816xi32, #tpu.memory_space<hbm>> -> memref<128xi32, #tpu.memory_space<hbm>>
      %dma_start3A_96 = arith.constant 0 : i32
      %dma_start3A_97 = tpu.memref_slice %arg6[%dma_start3A_91, %dma_start3A_96] : memref<8x128xi32, #tpu.memory_space<vmem>> -> memref<1x128xi32, #tpu.memory_space<vmem>>
      %dma_start3A_98 = tpu.memref_squeeze %dma_start3A_97 : memref<1x128xi32, #tpu.memory_space<vmem>> -> memref<128xi32, #tpu.memory_space<vmem>>
      %dma_start3A_99 = tpu.memref_slice %arg2[%add3A_90] : memref<802816xi32, #tpu.memory_space<hbm>> -> memref<128xi32, #tpu.memory_space<hbm>>
      tpu.enqueue_dma source(%dma_start3A_99 : memref<128xi32, #tpu.memory_space<hbm>>) target(%dma_start3A_98 : memref<128xi32, #tpu.memory_space<vmem>>) target_semaphore(%arg13 : memref<!tpu.dma_semaphore, #tpu.memory_space<semaphore_mem>>)
      %add3A_100 = arith.constant 640 : i32
      %add3A_101 = arith.addi %add3A_45, %add3A_100 : i32
      %dma_start3A_102 = arith.constant 5 : i32
      %dma_start3A_103 = arith.constant 0 : i32
      %dma_start3A_104 = tpu.memref_slice %arg6[%dma_start3A_102, %dma_start3A_103] : memref<8x128xi32, #tpu.memory_space<vmem>> -> memref<1x128xi32, #tpu.memory_space<vmem>>
      %dma_start3A_105 = tpu.memref_squeeze %dma_start3A_104 : memref<1x128xi32, #tpu.memory_space<vmem>> -> memref<128xi32, #tpu.memory_space<vmem>>
      %dma_start3A_106 = tpu.memref_slice %arg2[%add3A_101] : memref<802816xi32, #tpu.memory_space<hbm>> -> memref<128xi32, #tpu.memory_space<hbm>>
      %dma_start3A_107 = arith.constant 0 : i32
      %dma_start3A_108 = tpu.memref_slice %arg6[%dma_start3A_102, %dma_start3A_107] : memref<8x128xi32, #tpu.memory_space<vmem>> -> memref<1x128xi32, #tpu.memory_space<vmem>>
      %dma_start3A_109 = tpu.memref_squeeze %dma_start3A_108 : memref<1x128xi32, #tpu.memory_space<vmem>> -> memref<128xi32, #tpu.memory_space<vmem>>
      %dma_start3A_110 = tpu.memref_slice %arg2[%add3A_101] : memref<802816xi32, #tpu.memory_space<hbm>> -> memref<128xi32, #tpu.memory_space<hbm>>
      tpu.enqueue_dma source(%dma_start3A_110 : memref<128xi32, #tpu.memory_space<hbm>>) target(%dma_start3A_109 : memref<128xi32, #tpu.memory_space<vmem>>) target_semaphore(%arg13 : memref<!tpu.dma_semaphore, #tpu.memory_space<semaphore_mem>>)
      %add3A_111 = arith.constant 768 : i32
      %add3A_112 = arith.addi %add3A_45, %add3A_111 : i32
      %dma_start3A_113 = arith.constant 6 : i32
      %dma_start3A_114 = arith.constant 0 : i32
      %dma_start3A_115 = tpu.memref_slice %arg6[%dma_start3A_113, %dma_start3A_114] : memref<8x128xi32, #tpu.memory_space<vmem>> -> memref<1x128xi32, #tpu.memory_space<vmem>>
      %dma_start3A_116 = tpu.memref_squeeze %dma_start3A_115 : memref<1x128xi32, #tpu.memory_space<vmem>> -> memref<128xi32, #tpu.memory_space<vmem>>
      %dma_start3A_117 = tpu.memref_slice %arg2[%add3A_112] : memref<802816xi32, #tpu.memory_space<hbm>> -> memref<128xi32, #tpu.memory_space<hbm>>
      %dma_start3A_118 = arith.constant 0 : i32
      %dma_start3A_119 = tpu.memref_slice %arg6[%dma_start3A_113, %dma_start3A_118] : memref<8x128xi32, #tpu.memory_space<vmem>> -> memref<1x128xi32, #tpu.memory_space<vmem>>
      %dma_start3A_120 = tpu.memref_squeeze %dma_start3A_119 : memref<1x128xi32, #tpu.memory_space<vmem>> -> memref<128xi32, #tpu.memory_space<vmem>>
      %dma_start3A_121 = tpu.memref_slice %arg2[%add3A_112] : memref<802816xi32, #tpu.memory_space<hbm>> -> memref<128xi32, #tpu.memory_space<hbm>>
      tpu.enqueue_dma source(%dma_start3A_121 : memref<128xi32, #tpu.memory_space<hbm>>) target(%dma_start3A_120 : memref<128xi32, #tpu.memory_space<vmem>>) target_semaphore(%arg13 : memref<!tpu.dma_semaphore, #tpu.memory_space<semaphore_mem>>)
      %add3A_122 = arith.constant 896 : i32
      %add3A_123 = arith.addi %add3A_45, %add3A_122 : i32
      %dma_start3A_124 = arith.constant 7 : i32
      %dma_start3A_125 = arith.constant 0 : i32
      %dma_start3A_126 = tpu.memref_slice %arg6[%dma_start3A_124, %dma_start3A_125] : memref<8x128xi32, #tpu.memory_space<vmem>> -> memref<1x128xi32, #tpu.memory_space<vmem>>
      %dma_start3A_127 = tpu.memref_squeeze %dma_start3A_126 : memref<1x128xi32, #tpu.memory_space<vmem>> -> memref<128xi32, #tpu.memory_space<vmem>>
      %dma_start3A_128 = tpu.memref_slice %arg2[%add3A_123] : memref<802816xi32, #tpu.memory_space<hbm>> -> memref<128xi32, #tpu.memory_space<hbm>>
      %dma_start3A_129 = arith.constant 0 : i32
      %dma_start3A_130 = tpu.memref_slice %arg6[%dma_start3A_124, %dma_start3A_129] : memref<8x128xi32, #tpu.memory_space<vmem>> -> memref<1x128xi32, #tpu.memory_space<vmem>>
      %dma_start3A_131 = tpu.memref_squeeze %dma_start3A_130 : memref<1x128xi32, #tpu.memory_space<vmem>> -> memref<128xi32, #tpu.memory_space<vmem>>
      %dma_start3A_132 = tpu.memref_slice %arg2[%add3A_123] : memref<802816xi32, #tpu.memory_space<hbm>> -> memref<128xi32, #tpu.memory_space<hbm>>
      tpu.enqueue_dma source(%dma_start3A_132 : memref<128xi32, #tpu.memory_space<hbm>>) target(%dma_start3A_131 : memref<128xi32, #tpu.memory_space<vmem>>) target_semaphore(%arg13 : memref<!tpu.dma_semaphore, #tpu.memory_space<semaphore_mem>>)
      %dma_wait3A = arith.constant 0 : i32
      %dma_wait3A_133 = arith.constant 0 : i32
      %dma_wait3A_134 = tpu.memref_slice %arg6[%dma_wait3A, %dma_wait3A_133] : memref<8x128xi32, #tpu.memory_space<vmem>> -> memref<1x128xi32, #tpu.memory_space<vmem>>
      %dma_wait3A_135 = tpu.memref_squeeze %dma_wait3A_134 : memref<1x128xi32, #tpu.memory_space<vmem>> -> memref<128xi32, #tpu.memory_space<vmem>>
      %dma_wait3A_136 = tpu.memref_slice %arg2[%add3A_47] : memref<802816xi32, #tpu.memory_space<hbm>> -> memref<128xi32, #tpu.memory_space<hbm>>
      %dma_wait3A_137 = arith.constant 0 : i32
      %dma_wait3A_138 = tpu.memref_slice %arg6[%dma_wait3A, %dma_wait3A_137] : memref<8x128xi32, #tpu.memory_space<vmem>> -> memref<1x128xi32, #tpu.memory_space<vmem>>
      %dma_wait3A_139 = tpu.memref_squeeze %dma_wait3A_138 : memref<1x128xi32, #tpu.memory_space<vmem>> -> memref<128xi32, #tpu.memory_space<vmem>>
      %dma_wait3A_140 = tpu.memref_slice %arg2[%add3A_47] : memref<802816xi32, #tpu.memory_space<hbm>> -> memref<128xi32, #tpu.memory_space<hbm>>
      tpu.wait_dma2 semaphore(%arg13 : memref<!tpu.dma_semaphore, #tpu.memory_space<semaphore_mem>>) src(%dma_wait3A_140 : memref<128xi32, #tpu.memory_space<hbm>>) dst(%dma_wait3A_139 : memref<128xi32, #tpu.memory_space<vmem>>)
      %dma_wait3A_141 = arith.constant 1 : i32
      %dma_wait3A_142 = arith.constant 0 : i32
      %dma_wait3A_143 = tpu.memref_slice %arg6[%dma_wait3A_141, %dma_wait3A_142] : memref<8x128xi32, #tpu.memory_space<vmem>> -> memref<1x128xi32, #tpu.memory_space<vmem>>
      %dma_wait3A_144 = tpu.memref_squeeze %dma_wait3A_143 : memref<1x128xi32, #tpu.memory_space<vmem>> -> memref<128xi32, #tpu.memory_space<vmem>>
      %dma_wait3A_145 = tpu.memref_slice %arg2[%add3A_57] : memref<802816xi32, #tpu.memory_space<hbm>> -> memref<128xi32, #tpu.memory_space<hbm>>
      %dma_wait3A_146 = arith.constant 0 : i32
      %dma_wait3A_147 = tpu.memref_slice %arg6[%dma_wait3A_141, %dma_wait3A_146] : memref<8x128xi32, #tpu.memory_space<vmem>> -> memref<1x128xi32, #tpu.memory_space<vmem>>
      %dma_wait3A_148 = tpu.memref_squeeze %dma_wait3A_147 : memref<1x128xi32, #tpu.memory_space<vmem>> -> memref<128xi32, #tpu.memory_space<vmem>>
      %dma_wait3A_149 = tpu.memref_slice %arg2[%add3A_57] : memref<802816xi32, #tpu.memory_space<hbm>> -> memref<128xi32, #tpu.memory_space<hbm>>
      tpu.wait_dma2 semaphore(%arg13 : memref<!tpu.dma_semaphore, #tpu.memory_space<semaphore_mem>>) src(%dma_wait3A_149 : memref<128xi32, #tpu.memory_space<hbm>>) dst(%dma_wait3A_148 : memref<128xi32, #tpu.memory_space<vmem>>)
      %dma_wait3A_150 = arith.constant 2 : i32
      %dma_wait3A_151 = arith.constant 0 : i32
      %dma_wait3A_152 = tpu.memref_slice %arg6[%dma_wait3A_150, %dma_wait3A_151] : memref<8x128xi32, #tpu.memory_space<vmem>> -> memref<1x128xi32, #tpu.memory_space<vmem>>
      %dma_wait3A_153 = tpu.memref_squeeze %dma_wait3A_152 : memref<1x128xi32, #tpu.memory_space<vmem>> -> memref<128xi32, #tpu.memory_space<vmem>>
      %dma_wait3A_154 = tpu.memref_slice %arg2[%add3A_68] : memref<802816xi32, #tpu.memory_space<hbm>> -> memref<128xi32, #tpu.memory_space<hbm>>
      %dma_wait3A_155 = arith.constant 0 : i32
      %dma_wait3A_156 = tpu.memref_slice %arg6[%dma_wait3A_150, %dma_wait3A_155] : memref<8x128xi32, #tpu.memory_space<vmem>> -> memref<1x128xi32, #tpu.memory_space<vmem>>
      %dma_wait3A_157 = tpu.memref_squeeze %dma_wait3A_156 : memref<1x128xi32, #tpu.memory_space<vmem>> -> memref<128xi32, #tpu.memory_space<vmem>>
      %dma_wait3A_158 = tpu.memref_slice %arg2[%add3A_68] : memref<802816xi32, #tpu.memory_space<hbm>> -> memref<128xi32, #tpu.memory_space<hbm>>
      tpu.wait_dma2 semaphore(%arg13 : memref<!tpu.dma_semaphore, #tpu.memory_space<semaphore_mem>>) src(%dma_wait3A_158 : memref<128xi32, #tpu.memory_space<hbm>>) dst(%dma_wait3A_157 : memref<128xi32, #tpu.memory_space<vmem>>)
      %dma_wait3A_159 = arith.constant 3 : i32
      %dma_wait3A_160 = arith.constant 0 : i32
      %dma_wait3A_161 = tpu.memref_slice %arg6[%dma_wait3A_159, %dma_wait3A_160] : memref<8x128xi32, #tpu.memory_space<vmem>> -> memref<1x128xi32, #tpu.memory_space<vmem>>
      %dma_wait3A_162 = tpu.memref_squeeze %dma_wait3A_161 : memref<1x128xi32, #tpu.memory_space<vmem>> -> memref<128xi32, #tpu.memory_space<vmem>>
      %dma_wait3A_163 = tpu.memref_slice %arg2[%add3A_79] : memref<802816xi32, #tpu.memory_space<hbm>> -> memref<128xi32, #tpu.memory_space<hbm>>
      %dma_wait3A_164 = arith.constant 0 : i32
      %dma_wait3A_165 = tpu.memref_slice %arg6[%dma_wait3A_159, %dma_wait3A_164] : memref<8x128xi32, #tpu.memory_space<vmem>> -> memref<1x128xi32, #tpu.memory_space<vmem>>
      %dma_wait3A_166 = tpu.memref_squeeze %dma_wait3A_165 : memref<1x128xi32, #tpu.memory_space<vmem>> -> memref<128xi32, #tpu.memory_space<vmem>>
      %dma_wait3A_167 = tpu.memref_slice %arg2[%add3A_79] : memref<802816xi32, #tpu.memory_space<hbm>> -> memref<128xi32, #tpu.memory_space<hbm>>
      tpu.wait_dma2 semaphore(%arg13 : memref<!tpu.dma_semaphore, #tpu.memory_space<semaphore_mem>>) src(%dma_wait3A_167 : memref<128xi32, #tpu.memory_space<hbm>>) dst(%dma_wait3A_166 : memref<128xi32, #tpu.memory_space<vmem>>)
      %dma_wait3A_168 = arith.constant 4 : i32
      %dma_wait3A_169 = arith.constant 0 : i32
      %dma_wait3A_170 = tpu.memref_slice %arg6[%dma_wait3A_168, %dma_wait3A_169] : memref<8x128xi32, #tpu.memory_space<vmem>> -> memref<1x128xi32, #tpu.memory_space<vmem>>
      %dma_wait3A_171 = tpu.memref_squeeze %dma_wait3A_170 : memref<1x128xi32, #tpu.memory_space<vmem>> -> memref<128xi32, #tpu.memory_space<vmem>>
      %dma_wait3A_172 = tpu.memref_slice %arg2[%add3A_90] : memref<802816xi32, #tpu.memory_space<hbm>> -> memref<128xi32, #tpu.memory_space<hbm>>
      %dma_wait3A_173 = arith.constant 0 : i32
      %dma_wait3A_174 = tpu.memref_slice %arg6[%dma_wait3A_168, %dma_wait3A_173] : memref<8x128xi32, #tpu.memory_space<vmem>> -> memref<1x128xi32, #tpu.memory_space<vmem>>
      %dma_wait3A_175 = tpu.memref_squeeze %dma_wait3A_174 : memref<1x128xi32, #tpu.memory_space<vmem>> -> memref<128xi32, #tpu.memory_space<vmem>>
      %dma_wait3A_176 = tpu.memref_slice %arg2[%add3A_90] : memref<802816xi32, #tpu.memory_space<hbm>> -> memref<128xi32, #tpu.memory_space<hbm>>
      tpu.wait_dma2 semaphore(%arg13 : memref<!tpu.dma_semaphore, #tpu.memory_space<semaphore_mem>>) src(%dma_wait3A_176 : memref<128xi32, #tpu.memory_space<hbm>>) dst(%dma_wait3A_175 : memref<128xi32, #tpu.memory_space<vmem>>)
      %dma_wait3A_177 = arith.constant 5 : i32
      %dma_wait3A_178 = arith.constant 0 : i32
      %dma_wait3A_179 = tpu.memref_slice %arg6[%dma_wait3A_177, %dma_wait3A_178] : memref<8x128xi32, #tpu.memory_space<vmem>> -> memref<1x128xi32, #tpu.memory_space<vmem>>
      %dma_wait3A_180 = tpu.memref_squeeze %dma_wait3A_179 : memref<1x128xi32, #tpu.memory_space<vmem>> -> memref<128xi32, #tpu.memory_space<vmem>>
      %dma_wait3A_181 = tpu.memref_slice %arg2[%add3A_101] : memref<802816xi32, #tpu.memory_space<hbm>> -> memref<128xi32, #tpu.memory_space<hbm>>
      %dma_wait3A_182 = arith.constant 0 : i32
      %dma_wait3A_183 = tpu.memref_slice %arg6[%dma_wait3A_177, %dma_wait3A_182] : memref<8x128xi32, #tpu.memory_space<vmem>> -> memref<1x128xi32, #tpu.memory_space<vmem>>
      %dma_wait3A_184 = tpu.memref_squeeze %dma_wait3A_183 : memref<1x128xi32, #tpu.memory_space<vmem>> -> memref<128xi32, #tpu.memory_space<vmem>>
      %dma_wait3A_185 = tpu.memref_slice %arg2[%add3A_101] : memref<802816xi32, #tpu.memory_space<hbm>> -> memref<128xi32, #tpu.memory_space<hbm>>
      tpu.wait_dma2 semaphore(%arg13 : memref<!tpu.dma_semaphore, #tpu.memory_space<semaphore_mem>>) src(%dma_wait3A_185 : memref<128xi32, #tpu.memory_space<hbm>>) dst(%dma_wait3A_184 : memref<128xi32, #tpu.memory_space<vmem>>)
      %dma_wait3A_186 = arith.constant 6 : i32
      %dma_wait3A_187 = arith.constant 0 : i32
      %dma_wait3A_188 = tpu.memref_slice %arg6[%dma_wait3A_186, %dma_wait3A_187] : memref<8x128xi32, #tpu.memory_space<vmem>> -> memref<1x128xi32, #tpu.memory_space<vmem>>
      %dma_wait3A_189 = tpu.memref_squeeze %dma_wait3A_188 : memref<1x128xi32, #tpu.memory_space<vmem>> -> memref<128xi32, #tpu.memory_space<vmem>>
      %dma_wait3A_190 = tpu.memref_slice %arg2[%add3A_112] : memref<802816xi32, #tpu.memory_space<hbm>> -> memref<128xi32, #tpu.memory_space<hbm>>
      %dma_wait3A_191 = arith.constant 0 : i32
      %dma_wait3A_192 = tpu.memref_slice %arg6[%dma_wait3A_186, %dma_wait3A_191] : memref<8x128xi32, #tpu.memory_space<vmem>> -> memref<1x128xi32, #tpu.memory_space<vmem>>
      %dma_wait3A_193 = tpu.memref_squeeze %dma_wait3A_192 : memref<1x128xi32, #tpu.memory_space<vmem>> -> memref<128xi32, #tpu.memory_space<vmem>>
      %dma_wait3A_194 = tpu.memref_slice %arg2[%add3A_112] : memref<802816xi32, #tpu.memory_space<hbm>> -> memref<128xi32, #tpu.memory_space<hbm>>
      tpu.wait_dma2 semaphore(%arg13 : memref<!tpu.dma_semaphore, #tpu.memory_space<semaphore_mem>>) src(%dma_wait3A_194 : memref<128xi32, #tpu.memory_space<hbm>>) dst(%dma_wait3A_193 : memref<128xi32, #tpu.memory_space<vmem>>)
      %dma_wait3A_195 = arith.constant 7 : i32
      %dma_wait3A_196 = arith.constant 0 : i32
      %dma_wait3A_197 = tpu.memref_slice %arg6[%dma_wait3A_195, %dma_wait3A_196] : memref<8x128xi32, #tpu.memory_space<vmem>> -> memref<1x128xi32, #tpu.memory_space<vmem>>
      %dma_wait3A_198 = tpu.memref_squeeze %dma_wait3A_197 : memref<1x128xi32, #tpu.memory_space<vmem>> -> memref<128xi32, #tpu.memory_space<vmem>>
      %dma_wait3A_199 = tpu.memref_slice %arg2[%add3A_123] : memref<802816xi32, #tpu.memory_space<hbm>> -> memref<128xi32, #tpu.memory_space<hbm>>
      %dma_wait3A_200 = arith.constant 0 : i32
      %dma_wait3A_201 = tpu.memref_slice %arg6[%dma_wait3A_195, %dma_wait3A_200] : memref<8x128xi32, #tpu.memory_space<vmem>> -> memref<1x128xi32, #tpu.memory_space<vmem>>
      %dma_wait3A_202 = tpu.memref_squeeze %dma_wait3A_201 : memref<1x128xi32, #tpu.memory_space<vmem>> -> memref<128xi32, #tpu.memory_space<vmem>>
      %dma_wait3A_203 = tpu.memref_slice %arg2[%add3A_123] : memref<802816xi32, #tpu.memory_space<hbm>> -> memref<128xi32, #tpu.memory_space<hbm>>
      tpu.wait_dma2 semaphore(%arg13 : memref<!tpu.dma_semaphore, #tpu.memory_space<semaphore_mem>>) src(%dma_wait3A_203 : memref<128xi32, #tpu.memory_space<hbm>>) dst(%dma_wait3A_202 : memref<128xi32, #tpu.memory_space<vmem>>)
      %scan3A_204 = arith.constant 0 : i32
      %scan3A_205 = arith.constant 0 : i32
      %mul3A_206 = arith.constant 16 : i32
      %mul3A_207 = arith.muli %scan3A_205, %mul3A_206 : i32
      %get3A = arith.constant 0 : i32
      %get3A_208 = arith.index_cast %get3A : i32 to index
      %get3A_209 = arith.index_cast %mul3A_207 : i32 to index
      %get3A_210 = tpu.vector_load %arg6[%get3A_208, %get3A_209] {strides = array<i32>} : memref<8x128xi32, #tpu.memory_space<vmem>>, vector<1x16xi32>,
      %get3A_211 = vector.shape_cast %get3A_210 : vector<1x16xi32> to vector<16xi32>
      %sub3A = vector.broadcast %mul3A_0 : i32 to vector<16xi32>
      %sub3A_212 = arith.subi %get3A_211, %sub3A : vector<16xi32>
      %ge3A = arith.constant 0 : i32
      %ge3A_213 = vector.broadcast %ge3A : i32 to vector<16xi32>
      %ge3A_214 = arith.cmpi sge, %sub3A_212, %ge3A_213 : vector<16xi32>
      %lt3A_215 = arith.constant 25000 : i32
      %lt3A_216 = vector.broadcast %lt3A_215 : i32 to vector<16xi32>
      %lt3A_217 = arith.cmpi slt, %sub3A_212, %lt3A_216 : vector<16xi32>
      %and3A = arith.andi %ge3A_214, %lt3A_217 : vector<16xi1>
      %and3A_218 = arith.constant 127 : i32
      %and3A_219 = vector.broadcast %and3A_218 : i32 to vector<16xi32>
      %and3A_220 = arith.andi %sub3A_212, %and3A_219 : vector<16xi32>
      %add3A_221 = arith.constant 25000 : i32
      %add3A_222 = vector.broadcast %add3A_221 : i32 to vector<16xi32>
      %add3A_223 = arith.addi %add3A_222, %and3A_220 : vector<16xi32>
      %select_n3A = arith.select %and3A, %sub3A_212, %add3A_223 : vector<16xi1>, vector<16xi32>
      %mul3A_224 = arith.constant 16 : i32
      %mul3A_225 = arith.muli %scan3A_205, %mul3A_224 : i32
      %swap3A = arith.constant 0 : i32
      %swap3A_226 = arith.index_cast %swap3A : i32 to index
      %swap3A_227 = arith.index_cast %mul3A_225 : i32 to index
      %swap3A_228 = tpu.vector_load %arg8[%swap3A_226, %swap3A_227] {strides = array<i32>} : memref<8x128xi32, #tpu.memory_space<vmem>>, vector<1x16xi32>,
      %swap3A_229 = vector.shape_cast %swap3A_228 : vector<1x16xi32> to vector<16xi32>
      %swap3A_230 = vector.shape_cast %select_n3A : vector<16xi32> to vector<1x16xi32>
      tpu.vector_store %arg8[%swap3A_226, %swap3A_227], %swap3A_230 {strides = array<i32>} : memref<8x128xi32, #tpu.memory_space<vmem>>, vector<1x16xi32>,
      %scan3A_231 = arith.constant 0 : i32
      %scan3A_232 = arith.constant 1 : i32
      %mul3A_233 = arith.constant 16 : i32
      %mul3A_234 = arith.muli %scan3A_232, %mul3A_233 : i32
      %get3A_235 = arith.constant 0 : i32
      %get3A_236 = arith.index_cast %get3A_235 : i32 to index
      %get3A_237 = arith.index_cast %mul3A_234 : i32 to index
      %get3A_238 = tpu.vector_load %arg6[%get3A_236, %get3A_237] {strides = array<i32>} : memref<8x128xi32, #tpu.memory_space<vmem>>, vector<1x16xi32>,
      %get3A_239 = vector.shape_cast %get3A_238 : vector<1x16xi32> to vector<16xi32>
      %sub3A_240 = vector.broadcast %mul3A_0 : i32 to vector<16xi32>
      %sub3A_241 = arith.subi %get3A_239, %sub3A_240 : vector<16xi32>
      %ge3A_242 = arith.constant 0 : i32
      %ge3A_243 = vector.broadcast %ge3A_242 : i32 to vector<16xi32>
      %ge3A_244 = arith.cmpi sge, %sub3A_241, %ge3A_243 : vector<16xi32>
      %lt3A_245 = arith.constant 25000 : i32
      %lt3A_246 = vector.broadcast %lt3A_245 : i32 to vector<16xi32>
      %lt3A_247 = arith.cmpi slt, %sub3A_241, %lt3A_246 : vector<16xi32>
      %and3A_248 = arith.andi %ge3A_244, %lt3A_247 : vector<16xi1>
      %and3A_249 = arith.constant 127 : i32
      %and3A_250 = vector.broadcast %and3A_249 : i32 to vector<16xi32>
      %and3A_251 = arith.andi %sub3A_241, %and3A_250 : vector<16xi32>
      %add3A_252 = arith.constant 25000 : i32
      %add3A_253 = vector.broadcast %add3A_252 : i32 to vector<16xi32>
      %add3A_254 = arith.addi %add3A_253, %and3A_251 : vector<16xi32>
      %select_n3A_255 = arith.select %and3A_248, %sub3A_241, %add3A_254 : vector<16xi1>, vector<16xi32>
      %mul3A_256 = arith.constant 16 : i32
      %mul3A_257 = arith.muli %scan3A_232, %mul3A_256 : i32
      %swap3A_258 = arith.constant 0 : i32
      %swap3A_259 = arith.index_cast %swap3A_258 : i32 to index
      %swap3A_260 = arith.index_cast %mul3A_257 : i32 to index
      %swap3A_261 = tpu.vector_load %arg8[%swap3A_259, %swap3A_260] {strides = array<i32>} : memref<8x128xi32, #tpu.memory_space<vmem>>, vector<1x16xi32>,
      %swap3A_262 = vector.shape_cast %swap3A_261 : vector<1x16xi32> to vector<16xi32>
      %swap3A_263 = vector.shape_cast %select_n3A_255 : vector<16xi32> to vector<1x16xi32>
      tpu.vector_store %arg8[%swap3A_259, %swap3A_260], %swap3A_263 {strides = array<i32>} : memref<8x128xi32, #tpu.memory_space<vmem>>, vector<1x16xi32>,
      %scan3A_264 = arith.constant 0 : i32
      %scan3A_265 = arith.constant 2 : i32
      %mul3A_266 = arith.constant 16 : i32
      %mul3A_267 = arith.muli %scan3A_265, %mul3A_266 : i32
      %get3A_268 = arith.constant 0 : i32
      %get3A_269 = arith.index_cast %get3A_268 : i32 to index
      %get3A_270 = arith.index_cast %mul3A_267 : i32 to index
      %get3A_271 = tpu.vector_load %arg6[%get3A_269, %get3A_270] {strides = array<i32>} : memref<8x128xi32, #tpu.memory_space<vmem>>, vector<1x16xi32>,
      %get3A_272 = vector.shape_cast %get3A_271 : vector<1x16xi32> to vector<16xi32>
      %sub3A_273 = vector.broadcast %mul3A_0 : i32 to vector<16xi32>
      %sub3A_274 = arith.subi %get3A_272, %sub3A_273 : vector<16xi32>
      %ge3A_275 = arith.constant 0 : i32
      %ge3A_276 = vector.broadcast %ge3A_275 : i32 to vector<16xi32>
      %ge3A_277 = arith.cmpi sge, %sub3A_274, %ge3A_276 : vector<16xi32>
      %lt3A_278 = arith.constant 25000 : i32
      %lt3A_279 = vector.broadcast %lt3A_278 : i32 to vector<16xi32>
      %lt3A_280 = arith.cmpi slt, %sub3A_274, %lt3A_279 : vector<16xi32>
      %and3A_281 = arith.andi %ge3A_277, %lt3A_280 : vector<16xi1>
      %and3A_282 = arith.constant 127 : i32
      %and3A_283 = vector.broadcast %and3A_282 : i32 to vector<16xi32>
      %and3A_284 = arith.andi %sub3A_274, %and3A_283 : vector<16xi32>
      %add3A_285 = arith.constant 25000 : i32
      %add3A_286 = vector.broadcast %add3A_285 : i32 to vector<16xi32>
      %add3A_287 = arith.addi %add3A_286, %and3A_284 : vector<16xi32>
      %select_n3A_288 = arith.select %and3A_281, %sub3A_274, %add3A_287 : vector<16xi1>, vector<16xi32>
      %mul3A_289 = arith.constant 16 : i32
      %mul3A_290 = arith.muli %scan3A_265, %mul3A_289 : i32
      %swap3A_291 = arith.constant 0 : i32
      %swap3A_292 = arith.index_cast %swap3A_291 : i32 to index
      %swap3A_293 = arith.index_cast %mul3A_290 : i32 to index
      %swap3A_294 = tpu.vector_load %arg8[%swap3A_292, %swap3A_293] {strides = array<i32>} : memref<8x128xi32, #tpu.memory_space<vmem>>, vector<1x16xi32>,
      %swap3A_295 = vector.shape_cast %swap3A_294 : vector<1x16xi32> to vector<16xi32>
      %swap3A_296 = vector.shape_cast %select_n3A_288 : vector<16xi32> to vector<1x16xi32>
      tpu.vector_store %arg8[%swap3A_292, %swap3A_293], %swap3A_296 {strides = array<i32>} : memref<8x128xi32, #tpu.memory_space<vmem>>, vector<1x16xi32>,
      %scan3A_297 = arith.constant 0 : i32
      %scan3A_298 = arith.constant 3 : i32
      %mul3A_299 = arith.constant 16 : i32
      %mul3A_300 = arith.muli %scan3A_298, %mul3A_299 : i32
      %get3A_301 = arith.constant 0 : i32
      %get3A_302 = arith.index_cast %get3A_301 : i32 to index
      %get3A_303 = arith.index_cast %mul3A_300 : i32 to index
      %get3A_304 = tpu.vector_load %arg6[%get3A_302, %get3A_303] {strides = array<i32>} : memref<8x128xi32, #tpu.memory_space<vmem>>, vector<1x16xi32>,
      %get3A_305 = vector.shape_cast %get3A_304 : vector<1x16xi32> to vector<16xi32>
      %sub3A_306 = vector.broadcast %mul3A_0 : i32 to vector<16xi32>
      %sub3A_307 = arith.subi %get3A_305, %sub3A_306 : vector<16xi32>
      %ge3A_308 = arith.constant 0 : i32
      %ge3A_309 = vector.broadcast %ge3A_308 : i32 to vector<16xi32>
      %ge3A_310 = arith.cmpi sge, %sub3A_307, %ge3A_309 : vector<16xi32>
      %lt3A_311 = arith.constant 25000 : i32
      %lt3A_312 = vector.broadcast %lt3A_311 : i32 to vector<16xi32>
      %lt3A_313 = arith.cmpi slt, %sub3A_307, %lt3A_312 : vector<16xi32>
      %and3A_314 = arith.andi %ge3A_310, %lt3A_313 : vector<16xi1>
      %and3A_315 = arith.constant 127 : i32
      %and3A_316 = vector.broadcast %and3A_315 : i32 to vector<16xi32>
      %and3A_317 = arith.andi %sub3A_307, %and3A_316 : vector<16xi32>
      %add3A_318 = arith.constant 25000 : i32
      %add3A_319 = vector.broadcast %add3A_318 : i32 to vector<16xi32>
      %add3A_320 = arith.addi %add3A_319, %and3A_317 : vector<16xi32>
      %select_n3A_321 = arith.select %and3A_314, %sub3A_307, %add3A_320 : vector<16xi1>, vector<16xi32>
      %mul3A_322 = arith.constant 16 : i32
      %mul3A_323 = arith.muli %scan3A_298, %mul3A_322 : i32
      %swap3A_324 = arith.constant 0 : i32
      %swap3A_325 = arith.index_cast %swap3A_324 : i32 to index
      %swap3A_326 = arith.index_cast %mul3A_323 : i32 to index
      %swap3A_327 = tpu.vector_load %arg8[%swap3A_325, %swap3A_326] {strides = array<i32>} : memref<8x128xi32, #tpu.memory_space<vmem>>, vector<1x16xi32>,
      %swap3A_328 = vector.shape_cast %swap3A_327 : vector<1x16xi32> to vector<16xi32>
      %swap3A_329 = vector.shape_cast %select_n3A_321 : vector<16xi32> to vector<1x16xi32>
      tpu.vector_store %arg8[%swap3A_325, %swap3A_326], %swap3A_329 {strides = array<i32>} : memref<8x128xi32, #tpu.memory_space<vmem>>, vector<1x16xi32>,
      %scan3A_330 = arith.constant 0 : i32
      %scan3A_331 = arith.constant 4 : i32
      %mul3A_332 = arith.constant 16 : i32
      %mul3A_333 = arith.muli %scan3A_331, %mul3A_332 : i32
      %get3A_334 = arith.constant 0 : i32
      %get3A_335 = arith.index_cast %get3A_334 : i32 to index
      %get3A_336 = arith.index_cast %mul3A_333 : i32 to index
      %get3A_337 = tpu.vector_load %arg6[%get3A_335, %get3A_336] {strides = array<i32>} : memref<8x128xi32, #tpu.memory_space<vmem>>, vector<1x16xi32>,
      %get3A_338 = vector.shape_cast %get3A_337 : vector<1x16xi32> to vector<16xi32>
      %sub3A_339 = vector.broadcast %mul3A_0 : i32 to vector<16xi32>
      %sub3A_340 = arith.subi %get3A_338, %sub3A_339 : vector<16xi32>
      %ge3A_341 = arith.constant 0 : i32
      %ge3A_342 = vector.broadcast %ge3A_341 : i32 to vector<16xi32>
      %ge3A_343 = arith.cmpi sge, %sub3A_340, %ge3A_342 : vector<16xi32>
      %lt3A_344 = arith.constant 25000 : i32
      %lt3A_345 = vector.broadcast %lt3A_344 : i32 to vector<16xi32>
      %lt3A_346 = arith.cmpi slt, %sub3A_340, %lt3A_345 : vector<16xi32>
      %and3A_347 = arith.andi %ge3A_343, %lt3A_346 : vector<16xi1>
      %and3A_348 = arith.constant 127 : i32
      %and3A_349 = vector.broadcast %and3A_348 : i32 to vector<16xi32>
      %and3A_350 = arith.andi %sub3A_340, %and3A_349 : vector<16xi32>
      %add3A_351 = arith.constant 25000 : i32
      %add3A_352 = vector.broadcast %add3A_351 : i32 to vector<16xi32>
      %add3A_353 = arith.addi %add3A_352, %and3A_350 : vector<16xi32>
      %select_n3A_354 = arith.select %and3A_347, %sub3A_340, %add3A_353 : vector<16xi1>, vector<16xi32>
      %mul3A_355 = arith.constant 16 : i32
      %mul3A_356 = arith.muli %scan3A_331, %mul3A_355 : i32
      %swap3A_357 = arith.constant 0 : i32
      %swap3A_358 = arith.index_cast %swap3A_357 : i32 to index
      %swap3A_359 = arith.index_cast %mul3A_356 : i32 to index
      %swap3A_360 = tpu.vector_load %arg8[%swap3A_358, %swap3A_359] {strides = array<i32>} : memref<8x128xi32, #tpu.memory_space<vmem>>, vector<1x16xi32>,
      %swap3A_361 = vector.shape_cast %swap3A_360 : vector<1x16xi32> to vector<16xi32>
      %swap3A_362 = vector.shape_cast %select_n3A_354 : vector<16xi32> to vector<1x16xi32>
      tpu.vector_store %arg8[%swap3A_358, %swap3A_359], %swap3A_362 {strides = array<i32>} : memref<8x128xi32, #tpu.memory_space<vmem>>, vector<1x16xi32>,
      %scan3A_363 = arith.constant 0 : i32
      %scan3A_364 = arith.constant 5 : i32
      %mul3A_365 = arith.constant 16 : i32
      %mul3A_366 = arith.muli %scan3A_364, %mul3A_365 : i32
      %get3A_367 = arith.constant 0 : i32
      %get3A_368 = arith.index_cast %get3A_367 : i32 to index
      %get3A_369 = arith.index_cast %mul3A_366 : i32 to index
      %get3A_370 = tpu.vector_load %arg6[%get3A_368, %get3A_369] {strides = array<i32>} : memref<8x128xi32, #tpu.memory_space<vmem>>, vector<1x16xi32>,
      %get3A_371 = vector.shape_cast %get3A_370 : vector<1x16xi32> to vector<16xi32>
      %sub3A_372 = vector.broadcast %mul3A_0 : i32 to vector<16xi32>
      %sub3A_373 = arith.subi %get3A_371, %sub3A_372 : vector<16xi32>
      %ge3A_374 = arith.constant 0 : i32
      %ge3A_375 = vector.broadcast %ge3A_374 : i32 to vector<16xi32>
      %ge3A_376 = arith.cmpi sge, %sub3A_373, %ge3A_375 : vector<16xi32>
      %lt3A_377 = arith.constant 25000 : i32
      %lt3A_378 = vector.broadcast %lt3A_377 : i32 to vector<16xi32>
      %lt3A_379 = arith.cmpi slt, %sub3A_373, %lt3A_378 : vector<16xi32>
      %and3A_380 = arith.andi %ge3A_376, %lt3A_379 : vector<16xi1>
      %and3A_381 = arith.constant 127 : i32
      %and3A_382 = vector.broadcast %and3A_381 : i32 to vector<16xi32>
      %and3A_383 = arith.andi %sub3A_373, %and3A_382 : vector<16xi32>
      %add3A_384 = arith.constant 25000 : i32
      %add3A_385 = vector.broadcast %add3A_384 : i32 to vector<16xi32>
      %add3A_386 = arith.addi %add3A_385, %and3A_383 : vector<16xi32>
      %select_n3A_387 = arith.select %and3A_380, %sub3A_373, %add3A_386 : vector<16xi1>, vector<16xi32>
      %mul3A_388 = arith.constant 16 : i32
      %mul3A_389 = arith.muli %scan3A_364, %mul3A_388 : i32
      %swap3A_390 = arith.constant 0 : i32
      %swap3A_391 = arith.index_cast %swap3A_390 : i32 to index
      %swap3A_392 = arith.index_cast %mul3A_389 : i32 to index
      %swap3A_393 = tpu.vector_load %arg8[%swap3A_391, %swap3A_392] {strides = array<i32>} : memref<8x128xi32, #tpu.memory_space<vmem>>, vector<1x16xi32>,
      %swap3A_394 = vector.shape_cast %swap3A_393 : vector<1x16xi32> to vector<16xi32>
      %swap3A_395 = vector.shape_cast %select_n3A_387 : vector<16xi32> to vector<1x16xi32>
      tpu.vector_store %arg8[%swap3A_391, %swap3A_392], %swap3A_395 {strides = array<i32>} : memref<8x128xi32, #tpu.memory_space<vmem>>, vector<1x16xi32>,
      %scan3A_396 = arith.constant 0 : i32
      %scan3A_397 = arith.constant 6 : i32
      %mul3A_398 = arith.constant 16 : i32
      %mul3A_399 = arith.muli %scan3A_397, %mul3A_398 : i32
      %get3A_400 = arith.constant 0 : i32
      %get3A_401 = arith.index_cast %get3A_400 : i32 to index
      %get3A_402 = arith.index_cast %mul3A_399 : i32 to index
      %get3A_403 = tpu.vector_load %arg6[%get3A_401, %get3A_402] {strides = array<i32>} : memref<8x128xi32, #tpu.memory_space<vmem>>, vector<1x16xi32>,
      %get3A_404 = vector.shape_cast %get3A_403 : vector<1x16xi32> to vector<16xi32>
      %sub3A_405 = vector.broadcast %mul3A_0 : i32 to vector<16xi32>
      %sub3A_406 = arith.subi %get3A_404, %sub3A_405 : vector<16xi32>
      %ge3A_407 = arith.constant 0 : i32
      %ge3A_408 = vector.broadcast %ge3A_407 : i32 to vector<16xi32>
      %ge3A_409 = arith.cmpi sge, %sub3A_406, %ge3A_408 : vector<16xi32>
      %lt3A_410 = arith.constant 25000 : i32
      %lt3A_411 = vector.broadcast %lt3A_410 : i32 to vector<16xi32>
      %lt3A_412 = arith.cmpi slt, %sub3A_406, %lt3A_411 : vector<16xi32>
      %and3A_413 = arith.andi %ge3A_409, %lt3A_412 : vector<16xi1>
      %and3A_414 = arith.constant 127 : i32
      %and3A_415 = vector.broadcast %and3A_414 : i32 to vector<16xi32>
      %and3A_416 = arith.andi %sub3A_406, %and3A_415 : vector<16xi32>
      %add3A_417 = arith.constant 25000 : i32
      %add3A_418 = vector.broadcast %add3A_417 : i32 to vector<16xi32>
      %add3A_419 = arith.addi %add3A_418, %and3A_416 : vector<16xi32>
      %select_n3A_420 = arith.select %and3A_413, %sub3A_406, %add3A_419 : vector<16xi1>, vector<16xi32>
      %mul3A_421 = arith.constant 16 : i32
      %mul3A_422 = arith.muli %scan3A_397, %mul3A_421 : i32
      %swap3A_423 = arith.constant 0 : i32
      %swap3A_424 = arith.index_cast %swap3A_423 : i32 to index
      %swap3A_425 = arith.index_cast %mul3A_422 : i32 to index
      %swap3A_426 = tpu.vector_load %arg8[%swap3A_424, %swap3A_425] {strides = array<i32>} : memref<8x128xi32, #tpu.memory_space<vmem>>, vector<1x16xi32>,
      %swap3A_427 = vector.shape_cast %swap3A_426 : vector<1x16xi32> to vector<16xi32>
      %swap3A_428 = vector.shape_cast %select_n3A_420 : vector<16xi32> to vector<1x16xi32>
      tpu.vector_store %arg8[%swap3A_424, %swap3A_425], %swap3A_428 {strides = array<i32>} : memref<8x128xi32, #tpu.memory_space<vmem>>, vector<1x16xi32>,
      %scan3A_429 = arith.constant 0 : i32
      %scan3A_430 = arith.constant 7 : i32
      %mul3A_431 = arith.constant 16 : i32
      %mul3A_432 = arith.muli %scan3A_430, %mul3A_431 : i32
      %get3A_433 = arith.constant 0 : i32
      %get3A_434 = arith.index_cast %get3A_433 : i32 to index
      %get3A_435 = arith.index_cast %mul3A_432 : i32 to index
      %get3A_436 = tpu.vector_load %arg6[%get3A_434, %get3A_435] {strides = array<i32>} : memref<8x128xi32, #tpu.memory_space<vmem>>, vector<1x16xi32>,
      %get3A_437 = vector.shape_cast %get3A_436 : vector<1x16xi32> to vector<16xi32>
      %sub3A_438 = vector.broadcast %mul3A_0 : i32 to vector<16xi32>
      %sub3A_439 = arith.subi %get3A_437, %sub3A_438 : vector<16xi32>
      %ge3A_440 = arith.constant 0 : i32
      %ge3A_441 = vector.broadcast %ge3A_440 : i32 to vector<16xi32>
      %ge3A_442 = arith.cmpi sge, %sub3A_439, %ge3A_441 : vector<16xi32>
      %lt3A_443 = arith.constant 25000 : i32
      %lt3A_444 = vector.broadcast %lt3A_443 : i32 to vector<16xi32>
      %lt3A_445 = arith.cmpi slt, %sub3A_439, %lt3A_444 : vector<16xi32>
      %and3A_446 = arith.andi %ge3A_442, %lt3A_445 : vector<16xi1>
      %and3A_447 = arith.constant 127 : i32
      %and3A_448 = vector.broadcast %and3A_447 : i32 to vector<16xi32>
      %and3A_449 = arith.andi %sub3A_439, %and3A_448 : vector<16xi32>
      %add3A_450 = arith.constant 25000 : i32
      %add3A_451 = vector.broadcast %add3A_450 : i32 to vector<16xi32>
      %add3A_452 = arith.addi %add3A_451, %and3A_449 : vector<16xi32>
      %select_n3A_453 = arith.select %and3A_446, %sub3A_439, %add3A_452 : vector<16xi1>, vector<16xi32>
      %mul3A_454 = arith.constant 16 : i32
      %mul3A_455 = arith.muli %scan3A_430, %mul3A_454 : i32
      %swap3A_456 = arith.constant 0 : i32
      %swap3A_457 = arith.index_cast %swap3A_456 : i32 to index
      %swap3A_458 = arith.index_cast %mul3A_455 : i32 to index
      %swap3A_459 = tpu.vector_load %arg8[%swap3A_457, %swap3A_458] {strides = array<i32>} : memref<8x128xi32, #tpu.memory_space<vmem>>, vector<1x16xi32>,
      %swap3A_460 = vector.shape_cast %swap3A_459 : vector<1x16xi32> to vector<16xi32>
      %swap3A_461 = vector.shape_cast %select_n3A_453 : vector<16xi32> to vector<1x16xi32>
      tpu.vector_store %arg8[%swap3A_457, %swap3A_458], %swap3A_461 {strides = array<i32>} : memref<8x128xi32, #tpu.memory_space<vmem>>, vector<1x16xi32>,
      %scan3A_462 = arith.constant 0 : i32
      %scan3A_463 = arith.constant 8 : i32
      %dma_start3A_464 = arith.constant 0 : i32
      %dma_start3A_465 = arith.constant 0 : i32
      %dma_start3A_466 = tpu.memref_slice %arg8[%dma_start3A_464, %dma_start3A_465] : memref<8x128xi32, #tpu.memory_space<vmem>> -> memref<1x128xi32, #tpu.memory_space<vmem>>
      %dma_start3A_467 = tpu.memref_squeeze %dma_start3A_466 : memref<1x128xi32, #tpu.memory_space<vmem>> -> memref<128xi32, #tpu.memory_space<vmem>>
      %dma_start3A_468 = arith.constant 0 : i32
      %dma_start3A_469 = arith.constant 0 : i32
      %dma_start3A_470 = tpu.memref_slice %arg12[%dma_start3A_468, %dma_start3A_469] : memref<25152x16xf32, #tpu.memory_space<vmem_shared>> -> memref<25152x16xf32, #tpu.memory_space<vmem_shared>>
      tpu.enqueue_indirect_dma source(%arg9 : memref<128x16xf32, #tpu.memory_space<vmem>>) target(%dma_start3A_470 : memref<25152x16xf32, #tpu.memory_space<vmem_shared>>) offsets(%dma_start3A_467 : memref<128xi32, #tpu.memory_space<vmem>>) semaphore(%arg14 : memref<!tpu.dma_semaphore, #tpu.memory_space<semaphore_mem>>) {add = true}
      %scan3A_471 = arith.constant 0 : i32
      %scan3A_472 = arith.constant 0 : i32
      %mul3A_473 = arith.constant 16 : i32
      %mul3A_474 = arith.muli %scan3A_472, %mul3A_473 : i32
      %get3A_475 = arith.constant 1 : i32
      %get3A_476 = arith.index_cast %get3A_475 : i32 to index
      %get3A_477 = arith.index_cast %mul3A_474 : i32 to index
      %get3A_478 = tpu.vector_load %arg6[%get3A_476, %get3A_477] {strides = array<i32>} : memref<8x128xi32, #tpu.memory_space<vmem>>, vector<1x16xi32>,
      %get3A_479 = vector.shape_cast %get3A_478 : vector<1x16xi32> to vector<16xi32>
      %sub3A_480 = vector.broadcast %mul3A_0 : i32 to vector<16xi32>
      %sub3A_481 = arith.subi %get3A_479, %sub3A_480 : vector<16xi32>
      %ge3A_482 = arith.constant 0 : i32
      %ge3A_483 = vector.broadcast %ge3A_482 : i32 to vector<16xi32>
      %ge3A_484 = arith.cmpi sge, %sub3A_481, %ge3A_483 : vector<16xi32>
      %lt3A_485 = arith.constant 25000 : i32
      %lt3A_486 = vector.broadcast %lt3A_485 : i32 to vector<16xi32>
      %lt3A_487 = arith.cmpi slt, %sub3A_481, %lt3A_486 : vector<16xi32>
      %and3A_488 = arith.andi %ge3A_484, %lt3A_487 : vector<16xi1>
      %and3A_489 = arith.constant 127 : i32
      %and3A_490 = vector.broadcast %and3A_489 : i32 to vector<16xi32>
      %and3A_491 = arith.andi %sub3A_481, %and3A_490 : vector<16xi32>
      %add3A_492 = arith.constant 25000 : i32
      %add3A_493 = vector.broadcast %add3A_492 : i32 to vector<16xi32>
      %add3A_494 = arith.addi %add3A_493, %and3A_491 : vector<16xi32>
      %select_n3A_495 = arith.select %and3A_488, %sub3A_481, %add3A_494 : vector<16xi1>, vector<16xi32>
      %mul3A_496 = arith.constant 16 : i32
      %mul3A_497 = arith.muli %scan3A_472, %mul3A_496 : i32
      %swap3A_498 = arith.constant 1 : i32
      %swap3A_499 = arith.index_cast %swap3A_498 : i32 to index
      %swap3A_500 = arith.index_cast %mul3A_497 : i32 to index
      %swap3A_501 = tpu.vector_load %arg8[%swap3A_499, %swap3A_500] {strides = array<i32>} : memref<8x128xi32, #tpu.memory_space<vmem>>, vector<1x16xi32>,
      %swap3A_502 = vector.shape_cast %swap3A_501 : vector<1x16xi32> to vector<16xi32>
      %swap3A_503 = vector.shape_cast %select_n3A_495 : vector<16xi32> to vector<1x16xi32>
      tpu.vector_store %arg8[%swap3A_499, %swap3A_500], %swap3A_503 {strides = array<i32>} : memref<8x128xi32, #tpu.memory_space<vmem>>, vector<1x16xi32>,
      %scan3A_504 = arith.constant 0 : i32
      %scan3A_505 = arith.constant 1 : i32
      %mul3A_506 = arith.constant 16 : i32
      %mul3A_507 = arith.muli %scan3A_505, %mul3A_506 : i32
      %get3A_508 = arith.constant 1 : i32
      %get3A_509 = arith.index_cast %get3A_508 : i32 to index
      %get3A_510 = arith.index_cast %mul3A_507 : i32 to index
      %get3A_511 = tpu.vector_load %arg6[%get3A_509, %get3A_510] {strides = array<i32>} : memref<8x128xi32, #tpu.memory_space<vmem>>, vector<1x16xi32>,
      %get3A_512 = vector.shape_cast %get3A_511 : vector<1x16xi32> to vector<16xi32>
      %sub3A_513 = vector.broadcast %mul3A_0 : i32 to vector<16xi32>
      %sub3A_514 = arith.subi %get3A_512, %sub3A_513 : vector<16xi32>
      %ge3A_515 = arith.constant 0 : i32
      %ge3A_516 = vector.broadcast %ge3A_515 : i32 to vector<16xi32>
      %ge3A_517 = arith.cmpi sge, %sub3A_514, %ge3A_516 : vector<16xi32>
      %lt3A_518 = arith.constant 25000 : i32
      %lt3A_519 = vector.broadcast %lt3A_518 : i32 to vector<16xi32>
      %lt3A_520 = arith.cmpi slt, %sub3A_514, %lt3A_519 : vector<16xi32>
      %and3A_521 = arith.andi %ge3A_517, %lt3A_520 : vector<16xi1>
      %and3A_522 = arith.constant 127 : i32
      %and3A_523 = vector.broadcast %and3A_522 : i32 to vector<16xi32>
      %and3A_524 = arith.andi %sub3A_514, %and3A_523 : vector<16xi32>
      %add3A_525 = arith.constant 25000 : i32
      %add3A_526 = vector.broadcast %add3A_525 : i32 to vector<16xi32>
      %add3A_527 = arith.addi %add3A_526, %and3A_524 : vector<16xi32>
      %select_n3A_528 = arith.select %and3A_521, %sub3A_514, %add3A_527 : vector<16xi1>, vector<16xi32>
      %mul3A_529 = arith.constant 16 : i32
      %mul3A_530 = arith.muli %scan3A_505, %mul3A_529 : i32
      %swap3A_531 = arith.constant 1 : i32
      %swap3A_532 = arith.index_cast %swap3A_531 : i32 to index
      %swap3A_533 = arith.index_cast %mul3A_530 : i32 to index
      %swap3A_534 = tpu.vector_load %arg8[%swap3A_532, %swap3A_533] {strides = array<i32>} : memref<8x128xi32, #tpu.memory_space<vmem>>, vector<1x16xi32>,
      %swap3A_535 = vector.shape_cast %swap3A_534 : vector<1x16xi32> to vector<16xi32>
      %swap3A_536 = vector.shape_cast %select_n3A_528 : vector<16xi32> to vector<1x16xi32>
      tpu.vector_store %arg8[%swap3A_532, %swap3A_533], %swap3A_536 {strides = array<i32>} : memref<8x128xi32, #tpu.memory_space<vmem>>, vector<1x16xi32>,
      %scan3A_537 = arith.constant 0 : i32
      %scan3A_538 = arith.constant 2 : i32
      %mul3A_539 = arith.constant 16 : i32
      %mul3A_540 = arith.muli %scan3A_538, %mul3A_539 : i32
      %get3A_541 = arith.constant 1 : i32
      %get3A_542 = arith.index_cast %get3A_541 : i32 to index
      %get3A_543 = arith.index_cast %mul3A_540 : i32 to index
      %get3A_544 = tpu.vector_load %arg6[%get3A_542, %get3A_543] {strides = array<i32>} : memref<8x128xi32, #tpu.memory_space<vmem>>, vector<1x16xi32>,
      %get3A_545 = vector.shape_cast %get3A_544 : vector<1x16xi32> to vector<16xi32>
      %sub3A_546 = vector.broadcast %mul3A_0 : i32 to vector<16xi32>
      %sub3A_547 = arith.subi %get3A_545, %sub3A_546 : vector<16xi32>
      %ge3A_548 = arith.constant 0 : i32
      %ge3A_549 = vector.broadcast %ge3A_548 : i32 to vector<16xi32>
      %ge3A_550 = arith.cmpi sge, %sub3A_547, %ge3A_549 : vector<16xi32>
      %lt3A_551 = arith.constant 25000 : i32
      %lt3A_552 = vector.broadcast %lt3A_551 : i32 to vector<16xi32>
      %lt3A_553 = arith.cmpi slt, %sub3A_547, %lt3A_552 : vector<16xi32>
      %and3A_554 = arith.andi %ge3A_550, %lt3A_553 : vector<16xi1>
      %and3A_555 = arith.constant 127 : i32
      %and3A_556 = vector.broadcast %and3A_555 : i32 to vector<16xi32>
      %and3A_557 = arith.andi %sub3A_547, %and3A_556 : vector<16xi32>
      %add3A_558 = arith.constant 25000 : i32
      %add3A_559 = vector.broadcast %add3A_558 : i32 to vector<16xi32>
      %add3A_560 = arith.addi %add3A_559, %and3A_557 : vector<16xi32>
      %select_n3A_561 = arith.select %and3A_554, %sub3A_547, %add3A_560 : vector<16xi1>, vector<16xi32>
      %mul3A_562 = arith.constant 16 : i32
      %mul3A_563 = arith.muli %scan3A_538, %mul3A_562 : i32
      %swap3A_564 = arith.constant 1 : i32
      %swap3A_565 = arith.index_cast %swap3A_564 : i32 to index
      %swap3A_566 = arith.index_cast %mul3A_563 : i32 to index
      %swap3A_567 = tpu.vector_load %arg8[%swap3A_565, %swap3A_566] {strides = array<i32>} : memref<8x128xi32, #tpu.memory_space<vmem>>, vector<1x16xi32>,
      %swap3A_568 = vector.shape_cast %swap3A_567 : vector<1x16xi32> to vector<16xi32>
      %swap3A_569 = vector.shape_cast %select_n3A_561 : vector<16xi32> to vector<1x16xi32>
      tpu.vector_store %arg8[%swap3A_565, %swap3A_566], %swap3A_569 {strides = array<i32>} : memref<8x128xi32, #tpu.memory_space<vmem>>, vector<1x16xi32>,
      %scan3A_570 = arith.constant 0 : i32
      %scan3A_571 = arith.constant 3 : i32
      %mul3A_572 = arith.constant 16 : i32
      %mul3A_573 = arith.muli %scan3A_571, %mul3A_572 : i32
      %get3A_574 = arith.constant 1 : i32
      %get3A_575 = arith.index_cast %get3A_574 : i32 to index
      %get3A_576 = arith.index_cast %mul3A_573 : i32 to index
      %get3A_577 = tpu.vector_load %arg6[%get3A_575, %get3A_576] {strides = array<i32>} : memref<8x128xi32, #tpu.memory_space<vmem>>, vector<1x16xi32>,
      %get3A_578 = vector.shape_cast %get3A_577 : vector<1x16xi32> to vector<16xi32>
      %sub3A_579 = vector.broadcast %mul3A_0 : i32 to vector<16xi32>
      %sub3A_580 = arith.subi %get3A_578, %sub3A_579 : vector<16xi32>
      %ge3A_581 = arith.constant 0 : i32
      %ge3A_582 = vector.broadcast %ge3A_581 : i32 to vector<16xi32>
      %ge3A_583 = arith.cmpi sge, %sub3A_580, %ge3A_582 : vector<16xi32>
      %lt3A_584 = arith.constant 25000 : i32
      %lt3A_585 = vector.broadcast %lt3A_584 : i32 to vector<16xi32>
      %lt3A_586 = arith.cmpi slt, %sub3A_580, %lt3A_585 : vector<16xi32>
      %and3A_587 = arith.andi %ge3A_583, %lt3A_586 : vector<16xi1>
      %and3A_588 = arith.constant 127 : i32
      %and3A_589 = vector.broadcast %and3A_588 : i32 to vector<16xi32>
      %and3A_590 = arith.andi %sub3A_580, %and3A_589 : vector<16xi32>
      %add3A_591 = arith.constant 25000 : i32
      %add3A_592 = vector.broadcast %add3A_591 : i32 to vector<16xi32>
      %add3A_593 = arith.addi %add3A_592, %and3A_590 : vector<16xi32>
      %select_n3A_594 = arith.select %and3A_587, %sub3A_580, %add3A_593 : vector<16xi1>, vector<16xi32>
      %mul3A_595 = arith.constant 16 : i32
      %mul3A_596 = arith.muli %scan3A_571, %mul3A_595 : i32
      %swap3A_597 = arith.constant 1 : i32
      %swap3A_598 = arith.index_cast %swap3A_597 : i32 to index
      %swap3A_599 = arith.index_cast %mul3A_596 : i32 to index
      %swap3A_600 = tpu.vector_load %arg8[%swap3A_598, %swap3A_599] {strides = array<i32>} : memref<8x128xi32, #tpu.memory_space<vmem>>, vector<1x16xi32>,
      %swap3A_601 = vector.shape_cast %swap3A_600 : vector<1x16xi32> to vector<16xi32>
      %swap3A_602 = vector.shape_cast %select_n3A_594 : vector<16xi32> to vector<1x16xi32>
      tpu.vector_store %arg8[%swap3A_598, %swap3A_599], %swap3A_602 {strides = array<i32>} : memref<8x128xi32, #tpu.memory_space<vmem>>, vector<1x16xi32>,
      %scan3A_603 = arith.constant 0 : i32
      %scan3A_604 = arith.constant 4 : i32
      %mul3A_605 = arith.constant 16 : i32
      %mul3A_606 = arith.muli %scan3A_604, %mul3A_605 : i32
      %get3A_607 = arith.constant 1 : i32
      %get3A_608 = arith.index_cast %get3A_607 : i32 to index
      %get3A_609 = arith.index_cast %mul3A_606 : i32 to index
      %get3A_610 = tpu.vector_load %arg6[%get3A_608, %get3A_609] {strides = array<i32>} : memref<8x128xi32, #tpu.memory_space<vmem>>, vector<1x16xi32>,
      %get3A_611 = vector.shape_cast %get3A_610 : vector<1x16xi32> to vector<16xi32>
      %sub3A_612 = vector.broadcast %mul3A_0 : i32 to vector<16xi32>
      %sub3A_613 = arith.subi %get3A_611, %sub3A_612 : vector<16xi32>
      %ge3A_614 = arith.constant 0 : i32
      %ge3A_615 = vector.broadcast %ge3A_614 : i32 to vector<16xi32>
      %ge3A_616 = arith.cmpi sge, %sub3A_613, %ge3A_615 : vector<16xi32>
      %lt3A_617 = arith.constant 25000 : i32
      %lt3A_618 = vector.broadcast %lt3A_617 : i32 to vector<16xi32>
      %lt3A_619 = arith.cmpi slt, %sub3A_613, %lt3A_618 : vector<16xi32>
      %and3A_620 = arith.andi %ge3A_616, %lt3A_619 : vector<16xi1>
      %and3A_621 = arith.constant 127 : i32
      %and3A_622 = vector.broadcast %and3A_621 : i32 to vector<16xi32>
      %and3A_623 = arith.andi %sub3A_613, %and3A_622 : vector<16xi32>
      %add3A_624 = arith.constant 25000 : i32
      %add3A_625 = vector.broadcast %add3A_624 : i32 to vector<16xi32>
      %add3A_626 = arith.addi %add3A_625, %and3A_623 : vector<16xi32>
      %select_n3A_627 = arith.select %and3A_620, %sub3A_613, %add3A_626 : vector<16xi1>, vector<16xi32>
      %mul3A_628 = arith.constant 16 : i32
      %mul3A_629 = arith.muli %scan3A_604, %mul3A_628 : i32
      %swap3A_630 = arith.constant 1 : i32
      %swap3A_631 = arith.index_cast %swap3A_630 : i32 to index
      %swap3A_632 = arith.index_cast %mul3A_629 : i32 to index
      %swap3A_633 = tpu.vector_load %arg8[%swap3A_631, %swap3A_632] {strides = array<i32>} : memref<8x128xi32, #tpu.memory_space<vmem>>, vector<1x16xi32>,
      %swap3A_634 = vector.shape_cast %swap3A_633 : vector<1x16xi32> to vector<16xi32>
      %swap3A_635 = vector.shape_cast %select_n3A_627 : vector<16xi32> to vector<1x16xi32>
      tpu.vector_store %arg8[%swap3A_631, %swap3A_632], %swap3A_635 {strides = array<i32>} : memref<8x128xi32, #tpu.memory_space<vmem>>, vector<1x16xi32>,
      %scan3A_636 = arith.constant 0 : i32
      %scan3A_637 = arith.constant 5 : i32
      %mul3A_638 = arith.constant 16 : i32
      %mul3A_639 = arith.muli %scan3A_637, %mul3A_638 : i32
      %get3A_640 = arith.constant 1 : i32
      %get3A_641 = arith.index_cast %get3A_640 : i32 to index
      %get3A_642 = arith.index_cast %mul3A_639 : i32 to index
      %get3A_643 = tpu.vector_load %arg6[%get3A_641, %get3A_642] {strides = array<i32>} : memref<8x128xi32, #tpu.memory_space<vmem>>, vector<1x16xi32>,
      %get3A_644 = vector.shape_cast %get3A_643 : vector<1x16xi32> to vector<16xi32>
      %sub3A_645 = vector.broadcast %mul3A_0 : i32 to vector<16xi32>
      %sub3A_646 = arith.subi %get3A_644, %sub3A_645 : vector<16xi32>
      %ge3A_647 = arith.constant 0 : i32
      %ge3A_648 = vector.broadcast %ge3A_647 : i32 to vector<16xi32>
      %ge3A_649 = arith.cmpi sge, %sub3A_646, %ge3A_648 : vector<16xi32>
      %lt3A_650 = arith.constant 25000 : i32
      %lt3A_651 = vector.broadcast %lt3A_650 : i32 to vector<16xi32>
      %lt3A_652 = arith.cmpi slt, %sub3A_646, %lt3A_651 : vector<16xi32>
      %and3A_653 = arith.andi %ge3A_649, %lt3A_652 : vector<16xi1>
      %and3A_654 = arith.constant 127 : i32
      %and3A_655 = vector.broadcast %and3A_654 : i32 to vector<16xi32>
      %and3A_656 = arith.andi %sub3A_646, %and3A_655 : vector<16xi32>
      %add3A_657 = arith.constant 25000 : i32
      %add3A_658 = vector.broadcast %add3A_657 : i32 to vector<16xi32>
      %add3A_659 = arith.addi %add3A_658, %and3A_656 : vector<16xi32>
      %select_n3A_660 = arith.select %and3A_653, %sub3A_646, %add3A_659 : vector<16xi1>, vector<16xi32>
      %mul3A_661 = arith.constant 16 : i32
      %mul3A_662 = arith.muli %scan3A_637, %mul3A_661 : i32
      %swap3A_663 = arith.constant 1 : i32
      %swap3A_664 = arith.index_cast %swap3A_663 : i32 to index
      %swap3A_665 = arith.index_cast %mul3A_662 : i32 to index
      %swap3A_666 = tpu.vector_load %arg8[%swap3A_664, %swap3A_665] {strides = array<i32>} : memref<8x128xi32, #tpu.memory_space<vmem>>, vector<1x16xi32>,
      %swap3A_667 = vector.shape_cast %swap3A_666 : vector<1x16xi32> to vector<16xi32>
      %swap3A_668 = vector.shape_cast %select_n3A_660 : vector<16xi32> to vector<1x16xi32>
      tpu.vector_store %arg8[%swap3A_664, %swap3A_665], %swap3A_668 {strides = array<i32>} : memref<8x128xi32, #tpu.memory_space<vmem>>, vector<1x16xi32>,
      %scan3A_669 = arith.constant 0 : i32
      %scan3A_670 = arith.constant 6 : i32
      %mul3A_671 = arith.constant 16 : i32
      %mul3A_672 = arith.muli %scan3A_670, %mul3A_671 : i32
      %get3A_673 = arith.constant 1 : i32
      %get3A_674 = arith.index_cast %get3A_673 : i32 to index
      %get3A_675 = arith.index_cast %mul3A_672 : i32 to index
      %get3A_676 = tpu.vector_load %arg6[%get3A_674, %get3A_675] {strides = array<i32>} : memref<8x128xi32, #tpu.memory_space<vmem>>, vector<1x16xi32>,
      %get3A_677 = vector.shape_cast %get3A_676 : vector<1x16xi32> to vector<16xi32>
      %sub3A_678 = vector.broadcast %mul3A_0 : i32 to vector<16xi32>
      %sub3A_679 = arith.subi %get3A_677, %sub3A_678 : vector<16xi32>
      %ge3A_680 = arith.constant 0 : i32
      %ge3A_681 = vector.broadcast %ge3A_680 : i32 to vector<16xi32>
      %ge3A_682 = arith.cmpi sge, %sub3A_679, %ge3A_681 : vector<16xi32>
      %lt3A_683 = arith.constant 25000 : i32
      %lt3A_684 = vector.broadcast %lt3A_683 : i32 to vector<16xi32>
      %lt3A_685 = arith.cmpi slt, %sub3A_679, %lt3A_684 : vector<16xi32>
      %and3A_686 = arith.andi %ge3A_682, %lt3A_685 : vector<16xi1>
      %and3A_687 = arith.constant 127 : i32
      %and3A_688 = vector.broadcast %and3A_687 : i32 to vector<16xi32>
      %and3A_689 = arith.andi %sub3A_679, %and3A_688 : vector<16xi32>
      %add3A_690 = arith.constant 25000 : i32
      %add3A_691 = vector.broadcast %add3A_690 : i32 to vector<16xi32>
      %add3A_692 = arith.addi %add3A_691, %and3A_689 : vector<16xi32>
      %select_n3A_693 = arith.select %and3A_686, %sub3A_679, %add3A_692 : vector<16xi1>, vector<16xi32>
      %mul3A_694 = arith.constant 16 : i32
      %mul3A_695 = arith.muli %scan3A_670, %mul3A_694 : i32
      %swap3A_696 = arith.constant 1 : i32
      %swap3A_697 = arith.index_cast %swap3A_696 : i32 to index
      %swap3A_698 = arith.index_cast %mul3A_695 : i32 to index
      %swap3A_699 = tpu.vector_load %arg8[%swap3A_697, %swap3A_698] {strides = array<i32>} : memref<8x128xi32, #tpu.memory_space<vmem>>, vector<1x16xi32>,
      %swap3A_700 = vector.shape_cast %swap3A_699 : vector<1x16xi32> to vector<16xi32>
      %swap3A_701 = vector.shape_cast %select_n3A_693 : vector<16xi32> to vector<1x16xi32>
      tpu.vector_store %arg8[%swap3A_697, %swap3A_698], %swap3A_701 {strides = array<i32>} : memref<8x128xi32, #tpu.memory_space<vmem>>, vector<1x16xi32>,
      %scan3A_702 = arith.constant 0 : i32
      %scan3A_703 = arith.constant 7 : i32
      %mul3A_704 = arith.constant 16 : i32
      %mul3A_705 = arith.muli %scan3A_703, %mul3A_704 : i32
      %get3A_706 = arith.constant 1 : i32
      %get3A_707 = arith.index_cast %get3A_706 : i32 to index
      %get3A_708 = arith.index_cast %mul3A_705 : i32 to index
      %get3A_709 = tpu.vector_load %arg6[%get3A_707, %get3A_708] {strides = array<i32>} : memref<8x128xi32, #tpu.memory_space<vmem>>, vector<1x16xi32>,
      %get3A_710 = vector.shape_cast %get3A_709 : vector<1x16xi32> to vector<16xi32>
      %sub3A_711 = vector.broadcast %mul3A_0 : i32 to vector<16xi32>
      %sub3A_712 = arith.subi %get3A_710, %sub3A_711 : vector<16xi32>
      %ge3A_713 = arith.constant 0 : i32
      %ge3A_714 = vector.broadcast %ge3A_713 : i32 to vector<16xi32>
      %ge3A_715 = arith.cmpi sge, %sub3A_712, %ge3A_714 : vector<16xi32>
      %lt3A_716 = arith.constant 25000 : i32
      %lt3A_717 = vector.broadcast %lt3A_716 : i32 to vector<16xi32>
      %lt3A_718 = arith.cmpi slt, %sub3A_712, %lt3A_717 : vector<16xi32>
      %and3A_719 = arith.andi %ge3A_715, %lt3A_718 : vector<16xi1>
      %and3A_720 = arith.constant 127 : i32
      %and3A_721 = vector.broadcast %and3A_720 : i32 to vector<16xi32>
      %and3A_722 = arith.andi %sub3A_712, %and3A_721 : vector<16xi32>
      %add3A_723 = arith.constant 25000 : i32
      %add3A_724 = vector.broadcast %add3A_723 : i32 to vector<16xi32>
      %add3A_725 = arith.addi %add3A_724, %and3A_722 : vector<16xi32>
      %select_n3A_726 = arith.select %and3A_719, %sub3A_712, %add3A_725 : vector<16xi1>, vector<16xi32>
      %mul3A_727 = arith.constant 16 : i32
      %mul3A_728 = arith.muli %scan3A_703, %mul3A_727 : i32
      %swap3A_729 = arith.constant 1 : i32
      %swap3A_730 = arith.index_cast %swap3A_729 : i32 to index
      %swap3A_731 = arith.index_cast %mul3A_728 : i32 to index
      %swap3A_732 = tpu.vector_load %arg8[%swap3A_730, %swap3A_731] {strides = array<i32>} : memref<8x128xi32, #tpu.memory_space<vmem>>, vector<1x16xi32>,
      %swap3A_733 = vector.shape_cast %swap3A_732 : vector<1x16xi32> to vector<16xi32>
      %swap3A_734 = vector.shape_cast %select_n3A_726 : vector<16xi32> to vector<1x16xi32>
      tpu.vector_store %arg8[%swap3A_730, %swap3A_731], %swap3A_734 {strides = array<i32>} : memref<8x128xi32, #tpu.memory_space<vmem>>, vector<1x16xi32>,
      %scan3A_735 = arith.constant 0 : i32
      %scan3A_736 = arith.constant 8 : i32
      %dma_start3A_737 = arith.constant 1 : i32
      %dma_start3A_738 = arith.constant 0 : i32
      %dma_start3A_739 = tpu.memref_slice %arg8[%dma_start3A_737, %dma_start3A_738] : memref<8x128xi32, #tpu.memory_space<vmem>> -> memref<1x128xi32, #tpu.memory_space<vmem>>
      %dma_start3A_740 = tpu.memref_squeeze %dma_start3A_739 : memref<1x128xi32, #tpu.memory_space<vmem>> -> memref<128xi32, #tpu.memory_space<vmem>>
      %dma_start3A_741 = arith.constant 0 : i32
      %dma_start3A_742 = arith.constant 0 : i32
      %dma_start3A_743 = tpu.memref_slice %arg12[%dma_start3A_741, %dma_start3A_742] : memref<25152x16xf32, #tpu.memory_space<vmem_shared>> -> memref<25152x16xf32, #tpu.memory_space<vmem_shared>>
      tpu.enqueue_indirect_dma source(%arg9 : memref<128x16xf32, #tpu.memory_space<vmem>>) target(%dma_start3A_743 : memref<25152x16xf32, #tpu.memory_space<vmem_shared>>) offsets(%dma_start3A_740 : memref<128xi32, #tpu.memory_space<vmem>>) semaphore(%arg14 : memref<!tpu.dma_semaphore, #tpu.memory_space<semaphore_mem>>) {add = true}
      %scan3A_744 = arith.constant 0 : i32
      %scan3A_745 = arith.constant 0 : i32
      %mul3A_746 = arith.constant 16 : i32
      %mul3A_747 = arith.muli %scan3A_745, %mul3A_746 : i32
      %get3A_748 = arith.constant 2 : i32
      %get3A_749 = arith.index_cast %get3A_748 : i32 to index
      %get3A_750 = arith.index_cast %mul3A_747 : i32 to index
      %get3A_751 = tpu.vector_load %arg6[%get3A_749, %get3A_750] {strides = array<i32>} : memref<8x128xi32, #tpu.memory_space<vmem>>, vector<1x16xi32>,
      %get3A_752 = vector.shape_cast %get3A_751 : vector<1x16xi32> to vector<16xi32>
      %sub3A_753 = vector.broadcast %mul3A_0 : i32 to vector<16xi32>
      %sub3A_754 = arith.subi %get3A_752, %sub3A_753 : vector<16xi32>
      %ge3A_755 = arith.constant 0 : i32
      %ge3A_756 = vector.broadcast %ge3A_755 : i32 to vector<16xi32>
      %ge3A_757 = arith.cmpi sge, %sub3A_754, %ge3A_756 : vector<16xi32>
      %lt3A_758 = arith.constant 25000 : i32
      %lt3A_759 = vector.broadcast %lt3A_758 : i32 to vector<16xi32>
      %lt3A_760 = arith.cmpi slt, %sub3A_754, %lt3A_759 : vector<16xi32>
      %and3A_761 = arith.andi %ge3A_757, %lt3A_760 : vector<16xi1>
      %and3A_762 = arith.constant 127 : i32
      %and3A_763 = vector.broadcast %and3A_762 : i32 to vector<16xi32>
      %and3A_764 = arith.andi %sub3A_754, %and3A_763 : vector<16xi32>
      %add3A_765 = arith.constant 25000 : i32
      %add3A_766 = vector.broadcast %add3A_765 : i32 to vector<16xi32>
      %add3A_767 = arith.addi %add3A_766, %and3A_764 : vector<16xi32>
      %select_n3A_768 = arith.select %and3A_761, %sub3A_754, %add3A_767 : vector<16xi1>, vector<16xi32>
      %mul3A_769 = arith.constant 16 : i32
      %mul3A_770 = arith.muli %scan3A_745, %mul3A_769 : i32
      %swap3A_771 = arith.constant 2 : i32
      %swap3A_772 = arith.index_cast %swap3A_771 : i32 to index
      %swap3A_773 = arith.index_cast %mul3A_770 : i32 to index
      %swap3A_774 = tpu.vector_load %arg8[%swap3A_772, %swap3A_773] {strides = array<i32>} : memref<8x128xi32, #tpu.memory_space<vmem>>, vector<1x16xi32>,
      %swap3A_775 = vector.shape_cast %swap3A_774 : vector<1x16xi32> to vector<16xi32>
      %swap3A_776 = vector.shape_cast %select_n3A_768 : vector<16xi32> to vector<1x16xi32>
      tpu.vector_store %arg8[%swap3A_772, %swap3A_773], %swap3A_776 {strides = array<i32>} : memref<8x128xi32, #tpu.memory_space<vmem>>, vector<1x16xi32>,
      %scan3A_777 = arith.constant 0 : i32
      %scan3A_778 = arith.constant 1 : i32
      %mul3A_779 = arith.constant 16 : i32
      %mul3A_780 = arith.muli %scan3A_778, %mul3A_779 : i32
      %get3A_781 = arith.constant 2 : i32
      %get3A_782 = arith.index_cast %get3A_781 : i32 to index
      %get3A_783 = arith.index_cast %mul3A_780 : i32 to index
      %get3A_784 = tpu.vector_load %arg6[%get3A_782, %get3A_783] {strides = array<i32>} : memref<8x128xi32, #tpu.memory_space<vmem>>, vector<1x16xi32>,
      %get3A_785 = vector.shape_cast %get3A_784 : vector<1x16xi32> to vector<16xi32>
      %sub3A_786 = vector.broadcast %mul3A_0 : i32 to vector<16xi32>
      %sub3A_787 = arith.subi %get3A_785, %sub3A_786 : vector<16xi32>
      %ge3A_788 = arith.constant 0 : i32
      %ge3A_789 = vector.broadcast %ge3A_788 : i32 to vector<16xi32>
      %ge3A_790 = arith.cmpi sge, %sub3A_787, %ge3A_789 : vector<16xi32>
      %lt3A_791 = arith.constant 25000 : i32
      %lt3A_792 = vector.broadcast %lt3A_791 : i32 to vector<16xi32>
      %lt3A_793 = arith.cmpi slt, %sub3A_787, %lt3A_792 : vector<16xi32>
      %and3A_794 = arith.andi %ge3A_790, %lt3A_793 : vector<16xi1>
      %and3A_795 = arith.constant 127 : i32
      %and3A_796 = vector.broadcast %and3A_795 : i32 to vector<16xi32>
      %and3A_797 = arith.andi %sub3A_787, %and3A_796 : vector<16xi32>
      %add3A_798 = arith.constant 25000 : i32
      %add3A_799 = vector.broadcast %add3A_798 : i32 to vector<16xi32>
      %add3A_800 = arith.addi %add3A_799, %and3A_797 : vector<16xi32>
      %select_n3A_801 = arith.select %and3A_794, %sub3A_787, %add3A_800 : vector<16xi1>, vector<16xi32>
      %mul3A_802 = arith.constant 16 : i32
      %mul3A_803 = arith.muli %scan3A_778, %mul3A_802 : i32
      %swap3A_804 = arith.constant 2 : i32
      %swap3A_805 = arith.index_cast %swap3A_804 : i32 to index
      %swap3A_806 = arith.index_cast %mul3A_803 : i32 to index
      %swap3A_807 = tpu.vector_load %arg8[%swap3A_805, %swap3A_806] {strides = array<i32>} : memref<8x128xi32, #tpu.memory_space<vmem>>, vector<1x16xi32>,
      %swap3A_808 = vector.shape_cast %swap3A_807 : vector<1x16xi32> to vector<16xi32>
      %swap3A_809 = vector.shape_cast %select_n3A_801 : vector<16xi32> to vector<1x16xi32>
      tpu.vector_store %arg8[%swap3A_805, %swap3A_806], %swap3A_809 {strides = array<i32>} : memref<8x128xi32, #tpu.memory_space<vmem>>, vector<1x16xi32>,
      %scan3A_810 = arith.constant 0 : i32
      %scan3A_811 = arith.constant 2 : i32
      %mul3A_812 = arith.constant 16 : i32
      %mul3A_813 = arith.muli %scan3A_811, %mul3A_812 : i32
      %get3A_814 = arith.constant 2 : i32
      %get3A_815 = arith.index_cast %get3A_814 : i32 to index
      %get3A_816 = arith.index_cast %mul3A_813 : i32 to index
      %get3A_817 = tpu.vector_load %arg6[%get3A_815, %get3A_816] {strides = array<i32>} : memref<8x128xi32, #tpu.memory_space<vmem>>, vector<1x16xi32>,
      %get3A_818 = vector.shape_cast %get3A_817 : vector<1x16xi32> to vector<16xi32>
      %sub3A_819 = vector.broadcast %mul3A_0 : i32 to vector<16xi32>
      %sub3A_820 = arith.subi %get3A_818, %sub3A_819 : vector<16xi32>
      %ge3A_821 = arith.constant 0 : i32
      %ge3A_822 = vector.broadcast %ge3A_821 : i32 to vector<16xi32>
      %ge3A_823 = arith.cmpi sge, %sub3A_820, %ge3A_822 : vector<16xi32>
      %lt3A_824 = arith.constant 25000 : i32
      %lt3A_825 = vector.broadcast %lt3A_824 : i32 to vector<16xi32>
      %lt3A_826 = arith.cmpi slt, %sub3A_820, %lt3A_825 : vector<16xi32>
      %and3A_827 = arith.andi %ge3A_823, %lt3A_826 : vector<16xi1>
      %and3A_828 = arith.constant 127 : i32
      %and3A_829 = vector.broadcast %and3A_828 : i32 to vector<16xi32>
      %and3A_830 = arith.andi %sub3A_820, %and3A_829 : vector<16xi32>
      %add3A_831 = arith.constant 25000 : i32
      %add3A_832 = vector.broadcast %add3A_831 : i32 to vector<16xi32>
      %add3A_833 = arith.addi %add3A_832, %and3A_830 : vector<16xi32>
      %select_n3A_834 = arith.select %and3A_827, %sub3A_820, %add3A_833 : vector<16xi1>, vector<16xi32>
      %mul3A_835 = arith.constant 16 : i32
      %mul3A_836 = arith.muli %scan3A_811, %mul3A_835 : i32
      %swap3A_837 = arith.constant 2 : i32
      %swap3A_838 = arith.index_cast %swap3A_837 : i32 to index
      %swap3A_839 = arith.index_cast %mul3A_836 : i32 to index
      %swap3A_840 = tpu.vector_load %arg8[%swap3A_838, %swap3A_839] {strides = array<i32>} : memref<8x128xi32, #tpu.memory_space<vmem>>, vector<1x16xi32>,
      %swap3A_841 = vector.shape_cast %swap3A_840 : vector<1x16xi32> to vector<16xi32>
      %swap3A_842 = vector.shape_cast %select_n3A_834 : vector<16xi32> to vector<1x16xi32>
      tpu.vector_store %arg8[%swap3A_838, %swap3A_839], %swap3A_842 {strides = array<i32>} : memref<8x128xi32, #tpu.memory_space<vmem>>, vector<1x16xi32>,
      %scan3A_843 = arith.constant 0 : i32
      %scan3A_844 = arith.constant 3 : i32
      %mul3A_845 = arith.constant 16 : i32
      %mul3A_846 = arith.muli %scan3A_844, %mul3A_845 : i32
      %get3A_847 = arith.constant 2 : i32
      %get3A_848 = arith.index_cast %get3A_847 : i32 to index
      %get3A_849 = arith.index_cast %mul3A_846 : i32 to index
      %get3A_850 = tpu.vector_load %arg6[%get3A_848, %get3A_849] {strides = array<i32>} : memref<8x128xi32, #tpu.memory_space<vmem>>, vector<1x16xi32>,
      %get3A_851 = vector.shape_cast %get3A_850 : vector<1x16xi32> to vector<16xi32>
      %sub3A_852 = vector.broadcast %mul3A_0 : i32 to vector<16xi32>
      %sub3A_853 = arith.subi %get3A_851, %sub3A_852 : vector<16xi32>
      %ge3A_854 = arith.constant 0 : i32
      %ge3A_855 = vector.broadcast %ge3A_854 : i32 to vector<16xi32>
      %ge3A_856 = arith.cmpi sge, %sub3A_853, %ge3A_855 : vector<16xi32>
      %lt3A_857 = arith.constant 25000 : i32
      %lt3A_858 = vector.broadcast %lt3A_857 : i32 to vector<16xi32>
      %lt3A_859 = arith.cmpi slt, %sub3A_853, %lt3A_858 : vector<16xi32>
      %and3A_860 = arith.andi %ge3A_856, %lt3A_859 : vector<16xi1>
      %and3A_861 = arith.constant 127 : i32
      %and3A_862 = vector.broadcast %and3A_861 : i32 to vector<16xi32>
      %and3A_863 = arith.andi %sub3A_853, %and3A_862 : vector<16xi32>
      %add3A_864 = arith.constant 25000 : i32
      %add3A_865 = vector.broadcast %add3A_864 : i32 to vector<16xi32>
      %add3A_866 = arith.addi %add3A_865, %and3A_863 : vector<16xi32>
      %select_n3A_867 = arith.select %and3A_860, %sub3A_853, %add3A_866 : vector<16xi1>, vector<16xi32>
      %mul3A_868 = arith.constant 16 : i32
      %mul3A_869 = arith.muli %scan3A_844, %mul3A_868 : i32
      %swap3A_870 = arith.constant 2 : i32
      %swap3A_871 = arith.index_cast %swap3A_870 : i32 to index
      %swap3A_872 = arith.index_cast %mul3A_869 : i32 to index
      %swap3A_873 = tpu.vector_load %arg8[%swap3A_871, %swap3A_872] {strides = array<i32>} : memref<8x128xi32, #tpu.memory_space<vmem>>, vector<1x16xi32>,
      %swap3A_874 = vector.shape_cast %swap3A_873 : vector<1x16xi32> to vector<16xi32>
      %swap3A_875 = vector.shape_cast %select_n3A_867 : vector<16xi32> to vector<1x16xi32>
      tpu.vector_store %arg8[%swap3A_871, %swap3A_872], %swap3A_875 {strides = array<i32>} : memref<8x128xi32, #tpu.memory_space<vmem>>, vector<1x16xi32>,
      %scan3A_876 = arith.constant 0 : i32
      %scan3A_877 = arith.constant 4 : i32
      %mul3A_878 = arith.constant 16 : i32
      %mul3A_879 = arith.muli %scan3A_877, %mul3A_878 : i32
      %get3A_880 = arith.constant 2 : i32
      %get3A_881 = arith.index_cast %get3A_880 : i32 to index
      %get3A_882 = arith.index_cast %mul3A_879 : i32 to index
      %get3A_883 = tpu.vector_load %arg6[%get3A_881, %get3A_882] {strides = array<i32>} : memref<8x128xi32, #tpu.memory_space<vmem>>, vector<1x16xi32>,
      %get3A_884 = vector.shape_cast %get3A_883 : vector<1x16xi32> to vector<16xi32>
      %sub3A_885 = vector.broadcast %mul3A_0 : i32 to vector<16xi32>
      %sub3A_886 = arith.subi %get3A_884, %sub3A_885 : vector<16xi32>
      %ge3A_887 = arith.constant 0 : i32
      %ge3A_888 = vector.broadcast %ge3A_887 : i32 to vector<16xi32>
      %ge3A_889 = arith.cmpi sge, %sub3A_886, %ge3A_888 : vector<16xi32>
      %lt3A_890 = arith.constant 25000 : i32
      %lt3A_891 = vector.broadcast %lt3A_890 : i32 to vector<16xi32>
      %lt3A_892 = arith.cmpi slt, %sub3A_886, %lt3A_891 : vector<16xi32>
      %and3A_893 = arith.andi %ge3A_889, %lt3A_892 : vector<16xi1>
      %and3A_894 = arith.constant 127 : i32
      %and3A_895 = vector.broadcast %and3A_894 : i32 to vector<16xi32>
      %and3A_896 = arith.andi %sub3A_886, %and3A_895 : vector<16xi32>
      %add3A_897 = arith.constant 25000 : i32
      %add3A_898 = vector.broadcast %add3A_897 : i32 to vector<16xi32>
      %add3A_899 = arith.addi %add3A_898, %and3A_896 : vector<16xi32>
      %select_n3A_900 = arith.select %and3A_893, %sub3A_886, %add3A_899 : vector<16xi1>, vector<16xi32>
      %mul3A_901 = arith.constant 16 : i32
      %mul3A_902 = arith.muli %scan3A_877, %mul3A_901 : i32
      %swap3A_903 = arith.constant 2 : i32
      %swap3A_904 = arith.index_cast %swap3A_903 : i32 to index
      %swap3A_905 = arith.index_cast %mul3A_902 : i32 to index
      %swap3A_906 = tpu.vector_load %arg8[%swap3A_904, %swap3A_905] {strides = array<i32>} : memref<8x128xi32, #tpu.memory_space<vmem>>, vector<1x16xi32>,
      %swap3A_907 = vector.shape_cast %swap3A_906 : vector<1x16xi32> to vector<16xi32>
      %swap3A_908 = vector.shape_cast %select_n3A_900 : vector<16xi32> to vector<1x16xi32>
      tpu.vector_store %arg8[%swap3A_904, %swap3A_905], %swap3A_908 {strides = array<i32>} : memref<8x128xi32, #tpu.memory_space<vmem>>, vector<1x16xi32>,
      %scan3A_909 = arith.constant 0 : i32
      %scan3A_910 = arith.constant 5 : i32
      %mul3A_911 = arith.constant 16 : i32
      %mul3A_912 = arith.muli %scan3A_910, %mul3A_911 : i32
      %get3A_913 = arith.constant 2 : i32
      %get3A_914 = arith.index_cast %get3A_913 : i32 to index
      %get3A_915 = arith.index_cast %mul3A_912 : i32 to index
      %get3A_916 = tpu.vector_load %arg6[%get3A_914, %get3A_915] {strides = array<i32>} : memref<8x128xi32, #tpu.memory_space<vmem>>, vector<1x16xi32>,
      %get3A_917 = vector.shape_cast %get3A_916 : vector<1x16xi32> to vector<16xi32>
      %sub3A_918 = vector.broadcast %mul3A_0 : i32 to vector<16xi32>
      %sub3A_919 = arith.subi %get3A_917, %sub3A_918 : vector<16xi32>
      %ge3A_920 = arith.constant 0 : i32
      %ge3A_921 = vector.broadcast %ge3A_920 : i32 to vector<16xi32>
      %ge3A_922 = arith.cmpi sge, %sub3A_919, %ge3A_921 : vector<16xi32>
      %lt3A_923 = arith.constant 25000 : i32
      %lt3A_924 = vector.broadcast %lt3A_923 : i32 to vector<16xi32>
      %lt3A_925 = arith.cmpi slt, %sub3A_919, %lt3A_924 : vector<16xi32>
      %and3A_926 = arith.andi %ge3A_922, %lt3A_925 : vector<16xi1>
      %and3A_927 = arith.constant 127 : i32
      %and3A_928 = vector.broadcast %and3A_927 : i32 to vector<16xi32>
      %and3A_929 = arith.andi %sub3A_919, %and3A_928 : vector<16xi32>
      %add3A_930 = arith.constant 25000 : i32
      %add3A_931 = vector.broadcast %add3A_930 : i32 to vector<16xi32>
      %add3A_932 = arith.addi %add3A_931, %and3A_929 : vector<16xi32>
      %select_n3A_933 = arith.select %and3A_926, %sub3A_919, %add3A_932 : vector<16xi1>, vector<16xi32>
      %mul3A_934 = arith.constant 16 : i32
      %mul3A_935 = arith.muli %scan3A_910, %mul3A_934 : i32
      %swap3A_936 = arith.constant 2 : i32
      %swap3A_937 = arith.index_cast %swap3A_936 : i32 to index
      %swap3A_938 = arith.index_cast %mul3A_935 : i32 to index
      %swap3A_939 = tpu.vector_load %arg8[%swap3A_937, %swap3A_938] {strides = array<i32>} : memref<8x128xi32, #tpu.memory_space<vmem>>, vector<1x16xi32>,
      %swap3A_940 = vector.shape_cast %swap3A_939 : vector<1x16xi32> to vector<16xi32>
      %swap3A_941 = vector.shape_cast %select_n3A_933 : vector<16xi32> to vector<1x16xi32>
      tpu.vector_store %arg8[%swap3A_937, %swap3A_938], %swap3A_941 {strides = array<i32>} : memref<8x128xi32, #tpu.memory_space<vmem>>, vector<1x16xi32>,
      %scan3A_942 = arith.constant 0 : i32
      %scan3A_943 = arith.constant 6 : i32
      %mul3A_944 = arith.constant 16 : i32
      %mul3A_945 = arith.muli %scan3A_943, %mul3A_944 : i32
      %get3A_946 = arith.constant 2 : i32
      %get3A_947 = arith.index_cast %get3A_946 : i32 to index
      %get3A_948 = arith.index_cast %mul3A_945 : i32 to index
      %get3A_949 = tpu.vector_load %arg6[%get3A_947, %get3A_948] {strides = array<i32>} : memref<8x128xi32, #tpu.memory_space<vmem>>, vector<1x16xi32>,
      %get3A_950 = vector.shape_cast %get3A_949 : vector<1x16xi32> to vector<16xi32>
      %sub3A_951 = vector.broadcast %mul3A_0 : i32 to vector<16xi32>
      %sub3A_952 = arith.subi %get3A_950, %sub3A_951 : vector<16xi32>
      %ge3A_953 = arith.constant 0 : i32
      %ge3A_954 = vector.broadcast %ge3A_953 : i32 to vector<16xi32>
      %ge3A_955 = arith.cmpi sge, %sub3A_952, %ge3A_954 : vector<16xi32>
      %lt3A_956 = arith.constant 25000 : i32
      %lt3A_957 = vector.broadcast %lt3A_956 : i32 to vector<16xi32>
      %lt3A_958 = arith.cmpi slt, %sub3A_952, %lt3A_957 : vector<16xi32>
      %and3A_959 = arith.andi %ge3A_955, %lt3A_958 : vector<16xi1>
      %and3A_960 = arith.constant 127 : i32
      %and3A_961 = vector.broadcast %and3A_960 : i32 to vector<16xi32>
      %and3A_962 = arith.andi %sub3A_952, %and3A_961 : vector<16xi32>
      %add3A_963 = arith.constant 25000 : i32
      %add3A_964 = vector.broadcast %add3A_963 : i32 to vector<16xi32>
      %add3A_965 = arith.addi %add3A_964, %and3A_962 : vector<16xi32>
      %select_n3A_966 = arith.select %and3A_959, %sub3A_952, %add3A_965 : vector<16xi1>, vector<16xi32>
      %mul3A_967 = arith.constant 16 : i32
      %mul3A_968 = arith.muli %scan3A_943, %mul3A_967 : i32
      %swap3A_969 = arith.constant 2 : i32
      %swap3A_970 = arith.index_cast %swap3A_969 : i32 to index
      %swap3A_971 = arith.index_cast %mul3A_968 : i32 to index
      %swap3A_972 = tpu.vector_load %arg8[%swap3A_970, %swap3A_971] {strides = array<i32>} : memref<8x128xi32, #tpu.memory_space<vmem>>, vector<1x16xi32>,
      %swap3A_973 = vector.shape_cast %swap3A_972 : vector<1x16xi32> to vector<16xi32>
      %swap3A_974 = vector.shape_cast %select_n3A_966 : vector<16xi32> to vector<1x16xi32>
      tpu.vector_store %arg8[%swap3A_970, %swap3A_971], %swap3A_974 {strides = array<i32>} : memref<8x128xi32, #tpu.memory_space<vmem>>, vector<1x16xi32>,
      %scan3A_975 = arith.constant 0 : i32
      %scan3A_976 = arith.constant 7 : i32
      %mul3A_977 = arith.constant 16 : i32
      %mul3A_978 = arith.muli %scan3A_976, %mul3A_977 : i32
      %get3A_979 = arith.constant 2 : i32
      %get3A_980 = arith.index_cast %get3A_979 : i32 to index
      %get3A_981 = arith.index_cast %mul3A_978 : i32 to index
      %get3A_982 = tpu.vector_load %arg6[%get3A_980, %get3A_981] {strides = array<i32>} : memref<8x128xi32, #tpu.memory_space<vmem>>, vector<1x16xi32>,
      %get3A_983 = vector.shape_cast %get3A_982 : vector<1x16xi32> to vector<16xi32>
      %sub3A_984 = vector.broadcast %mul3A_0 : i32 to vector<16xi32>
      %sub3A_985 = arith.subi %get3A_983, %sub3A_984 : vector<16xi32>
      %ge3A_986 = arith.constant 0 : i32
      %ge3A_987 = vector.broadcast %ge3A_986 : i32 to vector<16xi32>
      %ge3A_988 = arith.cmpi sge, %sub3A_985, %ge3A_987 : vector<16xi32>
      %lt3A_989 = arith.constant 25000 : i32
      %lt3A_990 = vector.broadcast %lt3A_989 : i32 to vector<16xi32>
      %lt3A_991 = arith.cmpi slt, %sub3A_985, %lt3A_990 : vector<16xi32>
      %and3A_992 = arith.andi %ge3A_988, %lt3A_991 : vector<16xi1>
      %and3A_993 = arith.constant 127 : i32
      %and3A_994 = vector.broadcast %and3A_993 : i32 to vector<16xi32>
      %and3A_995 = arith.andi %sub3A_985, %and3A_994 : vector<16xi32>
      %add3A_996 = arith.constant 25000 : i32
      %add3A_997 = vector.broadcast %add3A_996 : i32 to vector<16xi32>
      %add3A_998 = arith.addi %add3A_997, %and3A_995 : vector<16xi32>
      %select_n3A_999 = arith.select %and3A_992, %sub3A_985, %add3A_998 : vector<16xi1>, vector<16xi32>
      %mul3A_1000 = arith.constant 16 : i32
      %mul3A_1001 = arith.muli %scan3A_976, %mul3A_1000 : i32
      %swap3A_1002 = arith.constant 2 : i32
      %swap3A_1003 = arith.index_cast %swap3A_1002 : i32 to index
      %swap3A_1004 = arith.index_cast %mul3A_1001 : i32 to index
      %swap3A_1005 = tpu.vector_load %arg8[%swap3A_1003, %swap3A_1004] {strides = array<i32>} : memref<8x128xi32, #tpu.memory_space<vmem>>, vector<1x16xi32>,
      %swap3A_1006 = vector.shape_cast %swap3A_1005 : vector<1x16xi32> to vector<16xi32>
      %swap3A_1007 = vector.shape_cast %select_n3A_999 : vector<16xi32> to vector<1x16xi32>
      tpu.vector_store %arg8[%swap3A_1003, %swap3A_1004], %swap3A_1007 {strides = array<i32>} : memref<8x128xi32, #tpu.memory_space<vmem>>, vector<1x16xi32>,
      %scan3A_1008 = arith.constant 0 : i32
      %scan3A_1009 = arith.constant 8 : i32
      %dma_start3A_1010 = arith.constant 2 : i32
      %dma_start3A_1011 = arith.constant 0 : i32
      %dma_start3A_1012 = tpu.memref_slice %arg8[%dma_start3A_1010, %dma_start3A_1011] : memref<8x128xi32, #tpu.memory_space<vmem>> -> memref<1x128xi32, #tpu.memory_space<vmem>>
      %dma_start3A_1013 = tpu.memref_squeeze %dma_start3A_1012 : memref<1x128xi32, #tpu.memory_space<vmem>> -> memref<128xi32, #tpu.memory_space<vmem>>
      %dma_start3A_1014 = arith.constant 0 : i32
      %dma_start3A_1015 = arith.constant 0 : i32
      %dma_start3A_1016 = tpu.memref_slice %arg12[%dma_start3A_1014, %dma_start3A_1015] : memref<25152x16xf32, #tpu.memory_space<vmem_shared>> -> memref<25152x16xf32, #tpu.memory_space<vmem_shared>>
      tpu.enqueue_indirect_dma source(%arg9 : memref<128x16xf32, #tpu.memory_space<vmem>>) target(%dma_start3A_1016 : memref<25152x16xf32, #tpu.memory_space<vmem_shared>>) offsets(%dma_start3A_1013 : memref<128xi32, #tpu.memory_space<vmem>>) semaphore(%arg14 : memref<!tpu.dma_semaphore, #tpu.memory_space<semaphore_mem>>) {add = true}
      %scan3A_1017 = arith.constant 0 : i32
      %scan3A_1018 = arith.constant 0 : i32
      %mul3A_1019 = arith.constant 16 : i32
      %mul3A_1020 = arith.muli %scan3A_1018, %mul3A_1019 : i32
      %get3A_1021 = arith.constant 3 : i32
      %get3A_1022 = arith.index_cast %get3A_1021 : i32 to index
      %get3A_1023 = arith.index_cast %mul3A_1020 : i32 to index
      %get3A_1024 = tpu.vector_load %arg6[%get3A_1022, %get3A_1023] {strides = array<i32>} : memref<8x128xi32, #tpu.memory_space<vmem>>, vector<1x16xi32>,
      %get3A_1025 = vector.shape_cast %get3A_1024 : vector<1x16xi32> to vector<16xi32>
      %sub3A_1026 = vector.broadcast %mul3A_0 : i32 to vector<16xi32>
      %sub3A_1027 = arith.subi %get3A_1025, %sub3A_1026 : vector<16xi32>
      %ge3A_1028 = arith.constant 0 : i32
      %ge3A_1029 = vector.broadcast %ge3A_1028 : i32 to vector<16xi32>
      %ge3A_1030 = arith.cmpi sge, %sub3A_1027, %ge3A_1029 : vector<16xi32>
      %lt3A_1031 = arith.constant 25000 : i32
      %lt3A_1032 = vector.broadcast %lt3A_1031 : i32 to vector<16xi32>
      %lt3A_1033 = arith.cmpi slt, %sub3A_1027, %lt3A_1032 : vector<16xi32>
      %and3A_1034 = arith.andi %ge3A_1030, %lt3A_1033 : vector<16xi1>
      %and3A_1035 = arith.constant 127 : i32
      %and3A_1036 = vector.broadcast %and3A_1035 : i32 to vector<16xi32>
      %and3A_1037 = arith.andi %sub3A_1027, %and3A_1036 : vector<16xi32>
      %add3A_1038 = arith.constant 25000 : i32
      %add3A_1039 = vector.broadcast %add3A_1038 : i32 to vector<16xi32>
      %add3A_1040 = arith.addi %add3A_1039, %and3A_1037 : vector<16xi32>
      %select_n3A_1041 = arith.select %and3A_1034, %sub3A_1027, %add3A_1040 : vector<16xi1>, vector<16xi32>
      %mul3A_1042 = arith.constant 16 : i32
      %mul3A_1043 = arith.muli %scan3A_1018, %mul3A_1042 : i32
      %swap3A_1044 = arith.constant 3 : i32
      %swap3A_1045 = arith.index_cast %swap3A_1044 : i32 to index
      %swap3A_1046 = arith.index_cast %mul3A_1043 : i32 to index
      %swap3A_1047 = tpu.vector_load %arg8[%swap3A_1045, %swap3A_1046] {strides = array<i32>} : memref<8x128xi32, #tpu.memory_space<vmem>>, vector<1x16xi32>,
      %swap3A_1048 = vector.shape_cast %swap3A_1047 : vector<1x16xi32> to vector<16xi32>
      %swap3A_1049 = vector.shape_cast %select_n3A_1041 : vector<16xi32> to vector<1x16xi32>
      tpu.vector_store %arg8[%swap3A_1045, %swap3A_1046], %swap3A_1049 {strides = array<i32>} : memref<8x128xi32, #tpu.memory_space<vmem>>, vector<1x16xi32>,
      %scan3A_1050 = arith.constant 0 : i32
      %scan3A_1051 = arith.constant 1 : i32
      %mul3A_1052 = arith.constant 16 : i32
      %mul3A_1053 = arith.muli %scan3A_1051, %mul3A_1052 : i32
      %get3A_1054 = arith.constant 3 : i32
      %get3A_1055 = arith.index_cast %get3A_1054 : i32 to index
      %get3A_1056 = arith.index_cast %mul3A_1053 : i32 to index
      %get3A_1057 = tpu.vector_load %arg6[%get3A_1055, %get3A_1056] {strides = array<i32>} : memref<8x128xi32, #tpu.memory_space<vmem>>, vector<1x16xi32>,
      %get3A_1058 = vector.shape_cast %get3A_1057 : vector<1x16xi32> to vector<16xi32>
      %sub3A_1059 = vector.broadcast %mul3A_0 : i32 to vector<16xi32>
      %sub3A_1060 = arith.subi %get3A_1058, %sub3A_1059 : vector<16xi32>
      %ge3A_1061 = arith.constant 0 : i32
      %ge3A_1062 = vector.broadcast %ge3A_1061 : i32 to vector<16xi32>
      %ge3A_1063 = arith.cmpi sge, %sub3A_1060, %ge3A_1062 : vector<16xi32>
      %lt3A_1064 = arith.constant 25000 : i32
      %lt3A_1065 = vector.broadcast %lt3A_1064 : i32 to vector<16xi32>
      %lt3A_1066 = arith.cmpi slt, %sub3A_1060, %lt3A_1065 : vector<16xi32>
      %and3A_1067 = arith.andi %ge3A_1063, %lt3A_1066 : vector<16xi1>
      %and3A_1068 = arith.constant 127 : i32
      %and3A_1069 = vector.broadcast %and3A_1068 : i32 to vector<16xi32>
      %and3A_1070 = arith.andi %sub3A_1060, %and3A_1069 : vector<16xi32>
      %add3A_1071 = arith.constant 25000 : i32
      %add3A_1072 = vector.broadcast %add3A_1071 : i32 to vector<16xi32>
      %add3A_1073 = arith.addi %add3A_1072, %and3A_1070 : vector<16xi32>
      %select_n3A_1074 = arith.select %and3A_1067, %sub3A_1060, %add3A_1073 : vector<16xi1>, vector<16xi32>
      %mul3A_1075 = arith.constant 16 : i32
      %mul3A_1076 = arith.muli %scan3A_1051, %mul3A_1075 : i32
      %swap3A_1077 = arith.constant 3 : i32
      %swap3A_1078 = arith.index_cast %swap3A_1077 : i32 to index
      %swap3A_1079 = arith.index_cast %mul3A_1076 : i32 to index
      %swap3A_1080 = tpu.vector_load %arg8[%swap3A_1078, %swap3A_1079] {strides = array<i32>} : memref<8x128xi32, #tpu.memory_space<vmem>>, vector<1x16xi32>,
      %swap3A_1081 = vector.shape_cast %swap3A_1080 : vector<1x16xi32> to vector<16xi32>
      %swap3A_1082 = vector.shape_cast %select_n3A_1074 : vector<16xi32> to vector<1x16xi32>
      tpu.vector_store %arg8[%swap3A_1078, %swap3A_1079], %swap3A_1082 {strides = array<i32>} : memref<8x128xi32, #tpu.memory_space<vmem>>, vector<1x16xi32>,
      %scan3A_1083 = arith.constant 0 : i32
      %scan3A_1084 = arith.constant 2 : i32
      %mul3A_1085 = arith.constant 16 : i32
      %mul3A_1086 = arith.muli %scan3A_1084, %mul3A_1085 : i32
      %get3A_1087 = arith.constant 3 : i32
      %get3A_1088 = arith.index_cast %get3A_1087 : i32 to index
      %get3A_1089 = arith.index_cast %mul3A_1086 : i32 to index
      %get3A_1090 = tpu.vector_load %arg6[%get3A_1088, %get3A_1089] {strides = array<i32>} : memref<8x128xi32, #tpu.memory_space<vmem>>, vector<1x16xi32>,
      %get3A_1091 = vector.shape_cast %get3A_1090 : vector<1x16xi32> to vector<16xi32>
      %sub3A_1092 = vector.broadcast %mul3A_0 : i32 to vector<16xi32>
      %sub3A_1093 = arith.subi %get3A_1091, %sub3A_1092 : vector<16xi32>
      %ge3A_1094 = arith.constant 0 : i32
      %ge3A_1095 = vector.broadcast %ge3A_1094 : i32 to vector<16xi32>
      %ge3A_1096 = arith.cmpi sge, %sub3A_1093, %ge3A_1095 : vector<16xi32>
      %lt3A_1097 = arith.constant 25000 : i32
      %lt3A_1098 = vector.broadcast %lt3A_1097 : i32 to vector<16xi32>
      %lt3A_1099 = arith.cmpi slt, %sub3A_1093, %lt3A_1098 : vector<16xi32>
      %and3A_1100 = arith.andi %ge3A_1096, %lt3A_1099 : vector<16xi1>
      %and3A_1101 = arith.constant 127 : i32
      %and3A_1102 = vector.broadcast %and3A_1101 : i32 to vector<16xi32>
      %and3A_1103 = arith.andi %sub3A_1093, %and3A_1102 : vector<16xi32>
      %add3A_1104 = arith.constant 25000 : i32
      %add3A_1105 = vector.broadcast %add3A_1104 : i32 to vector<16xi32>
      %add3A_1106 = arith.addi %add3A_1105, %and3A_1103 : vector<16xi32>
      %select_n3A_1107 = arith.select %and3A_1100, %sub3A_1093, %add3A_1106 : vector<16xi1>, vector<16xi32>
      %mul3A_1108 = arith.constant 16 : i32
      %mul3A_1109 = arith.muli %scan3A_1084, %mul3A_1108 : i32
      %swap3A_1110 = arith.constant 3 : i32
      %swap3A_1111 = arith.index_cast %swap3A_1110 : i32 to index
      %swap3A_1112 = arith.index_cast %mul3A_1109 : i32 to index
      %swap3A_1113 = tpu.vector_load %arg8[%swap3A_1111, %swap3A_1112] {strides = array<i32>} : memref<8x128xi32, #tpu.memory_space<vmem>>, vector<1x16xi32>,
      %swap3A_1114 = vector.shape_cast %swap3A_1113 : vector<1x16xi32> to vector<16xi32>
      %swap3A_1115 = vector.shape_cast %select_n3A_1107 : vector<16xi32> to vector<1x16xi32>
      tpu.vector_store %arg8[%swap3A_1111, %swap3A_1112], %swap3A_1115 {strides = array<i32>} : memref<8x128xi32, #tpu.memory_space<vmem>>, vector<1x16xi32>,
      %scan3A_1116 = arith.constant 0 : i32
      %scan3A_1117 = arith.constant 3 : i32
      %mul3A_1118 = arith.constant 16 : i32
      %mul3A_1119 = arith.muli %scan3A_1117, %mul3A_1118 : i32
      %get3A_1120 = arith.constant 3 : i32
      %get3A_1121 = arith.index_cast %get3A_1120 : i32 to index
      %get3A_1122 = arith.index_cast %mul3A_1119 : i32 to index
      %get3A_1123 = tpu.vector_load %arg6[%get3A_1121, %get3A_1122] {strides = array<i32>} : memref<8x128xi32, #tpu.memory_space<vmem>>, vector<1x16xi32>,
      %get3A_1124 = vector.shape_cast %get3A_1123 : vector<1x16xi32> to vector<16xi32>
      %sub3A_1125 = vector.broadcast %mul3A_0 : i32 to vector<16xi32>
      %sub3A_1126 = arith.subi %get3A_1124, %sub3A_1125 : vector<16xi32>
      %ge3A_1127 = arith.constant 0 : i32
      %ge3A_1128 = vector.broadcast %ge3A_1127 : i32 to vector<16xi32>
      %ge3A_1129 = arith.cmpi sge, %sub3A_1126, %ge3A_1128 : vector<16xi32>
      %lt3A_1130 = arith.constant 25000 : i32
      %lt3A_1131 = vector.broadcast %lt3A_1130 : i32 to vector<16xi32>
      %lt3A_1132 = arith.cmpi slt, %sub3A_1126, %lt3A_1131 : vector<16xi32>
      %and3A_1133 = arith.andi %ge3A_1129, %lt3A_1132 : vector<16xi1>
      %and3A_1134 = arith.constant 127 : i32
      %and3A_1135 = vector.broadcast %and3A_1134 : i32 to vector<16xi32>
      %and3A_1136 = arith.andi %sub3A_1126, %and3A_1135 : vector<16xi32>
      %add3A_1137 = arith.constant 25000 : i32
      %add3A_1138 = vector.broadcast %add3A_1137 : i32 to vector<16xi32>
      %add3A_1139 = arith.addi %add3A_1138, %and3A_1136 : vector<16xi32>
      %select_n3A_1140 = arith.select %and3A_1133, %sub3A_1126, %add3A_1139 : vector<16xi1>, vector<16xi32>
      %mul3A_1141 = arith.constant 16 : i32
      %mul3A_1142 = arith.muli %scan3A_1117, %mul3A_1141 : i32
      %swap3A_1143 = arith.constant 3 : i32
      %swap3A_1144 = arith.index_cast %swap3A_1143 : i32 to index
      %swap3A_1145 = arith.index_cast %mul3A_1142 : i32 to index
      %swap3A_1146 = tpu.vector_load %arg8[%swap3A_1144, %swap3A_1145] {strides = array<i32>} : memref<8x128xi32, #tpu.memory_space<vmem>>, vector<1x16xi32>,
      %swap3A_1147 = vector.shape_cast %swap3A_1146 : vector<1x16xi32> to vector<16xi32>
      %swap3A_1148 = vector.shape_cast %select_n3A_1140 : vector<16xi32> to vector<1x16xi32>
      tpu.vector_store %arg8[%swap3A_1144, %swap3A_1145], %swap3A_1148 {strides = array<i32>} : memref<8x128xi32, #tpu.memory_space<vmem>>, vector<1x16xi32>,
      %scan3A_1149 = arith.constant 0 : i32
      %scan3A_1150 = arith.constant 4 : i32
      %mul3A_1151 = arith.constant 16 : i32
      %mul3A_1152 = arith.muli %scan3A_1150, %mul3A_1151 : i32
      %get3A_1153 = arith.constant 3 : i32
      %get3A_1154 = arith.index_cast %get3A_1153 : i32 to index
      %get3A_1155 = arith.index_cast %mul3A_1152 : i32 to index
      %get3A_1156 = tpu.vector_load %arg6[%get3A_1154, %get3A_1155] {strides = array<i32>} : memref<8x128xi32, #tpu.memory_space<vmem>>, vector<1x16xi32>,
      %get3A_1157 = vector.shape_cast %get3A_1156 : vector<1x16xi32> to vector<16xi32>
      %sub3A_1158 = vector.broadcast %mul3A_0 : i32 to vector<16xi32>
      %sub3A_1159 = arith.subi %get3A_1157, %sub3A_1158 : vector<16xi32>
      %ge3A_1160 = arith.constant 0 : i32
      %ge3A_1161 = vector.broadcast %ge3A_1160 : i32 to vector<16xi32>
      %ge3A_1162 = arith.cmpi sge, %sub3A_1159, %ge3A_1161 : vector<16xi32>
      %lt3A_1163 = arith.constant 25000 : i32
      %lt3A_1164 = vector.broadcast %lt3A_1163 : i32 to vector<16xi32>
      %lt3A_1165 = arith.cmpi slt, %sub3A_1159, %lt3A_1164 : vector<16xi32>
      %and3A_1166 = arith.andi %ge3A_1162, %lt3A_1165 : vector<16xi1>
      %and3A_1167 = arith.constant 127 : i32
      %and3A_1168 = vector.broadcast %and3A_1167 : i32 to vector<16xi32>
      %and3A_1169 = arith.andi %sub3A_1159, %and3A_1168 : vector<16xi32>
      %add3A_1170 = arith.constant 25000 : i32
      %add3A_1171 = vector.broadcast %add3A_1170 : i32 to vector<16xi32>
      %add3A_1172 = arith.addi %add3A_1171, %and3A_1169 : vector<16xi32>
      %select_n3A_1173 = arith.select %and3A_1166, %sub3A_1159, %add3A_1172 : vector<16xi1>, vector<16xi32>
      %mul3A_1174 = arith.constant 16 : i32
      %mul3A_1175 = arith.muli %scan3A_1150, %mul3A_1174 : i32
      %swap3A_1176 = arith.constant 3 : i32
      %swap3A_1177 = arith.index_cast %swap3A_1176 : i32 to index
      %swap3A_1178 = arith.index_cast %mul3A_1175 : i32 to index
      %swap3A_1179 = tpu.vector_load %arg8[%swap3A_1177, %swap3A_1178] {strides = array<i32>} : memref<8x128xi32, #tpu.memory_space<vmem>>, vector<1x16xi32>,
      %swap3A_1180 = vector.shape_cast %swap3A_1179 : vector<1x16xi32> to vector<16xi32>
      %swap3A_1181 = vector.shape_cast %select_n3A_1173 : vector<16xi32> to vector<1x16xi32>
      tpu.vector_store %arg8[%swap3A_1177, %swap3A_1178], %swap3A_1181 {strides = array<i32>} : memref<8x128xi32, #tpu.memory_space<vmem>>, vector<1x16xi32>,
      %scan3A_1182 = arith.constant 0 : i32
      %scan3A_1183 = arith.constant 5 : i32
      %mul3A_1184 = arith.constant 16 : i32
      %mul3A_1185 = arith.muli %scan3A_1183, %mul3A_1184 : i32
      %get3A_1186 = arith.constant 3 : i32
      %get3A_1187 = arith.index_cast %get3A_1186 : i32 to index
      %get3A_1188 = arith.index_cast %mul3A_1185 : i32 to index
      %get3A_1189 = tpu.vector_load %arg6[%get3A_1187, %get3A_1188] {strides = array<i32>} : memref<8x128xi32, #tpu.memory_space<vmem>>, vector<1x16xi32>,
      %get3A_1190 = vector.shape_cast %get3A_1189 : vector<1x16xi32> to vector<16xi32>
      %sub3A_1191 = vector.broadcast %mul3A_0 : i32 to vector<16xi32>
      %sub3A_1192 = arith.subi %get3A_1190, %sub3A_1191 : vector<16xi32>
      %ge3A_1193 = arith.constant 0 : i32
      %ge3A_1194 = vector.broadcast %ge3A_1193 : i32 to vector<16xi32>
      %ge3A_1195 = arith.cmpi sge, %sub3A_1192, %ge3A_1194 : vector<16xi32>
      %lt3A_1196 = arith.constant 25000 : i32
      %lt3A_1197 = vector.broadcast %lt3A_1196 : i32 to vector<16xi32>
      %lt3A_1198 = arith.cmpi slt, %sub3A_1192, %lt3A_1197 : vector<16xi32>
      %and3A_1199 = arith.andi %ge3A_1195, %lt3A_1198 : vector<16xi1>
      %and3A_1200 = arith.constant 127 : i32
      %and3A_1201 = vector.broadcast %and3A_1200 : i32 to vector<16xi32>
      %and3A_1202 = arith.andi %sub3A_1192, %and3A_1201 : vector<16xi32>
      %add3A_1203 = arith.constant 25000 : i32
      %add3A_1204 = vector.broadcast %add3A_1203 : i32 to vector<16xi32>
      %add3A_1205 = arith.addi %add3A_1204, %and3A_1202 : vector<16xi32>
      %select_n3A_1206 = arith.select %and3A_1199, %sub3A_1192, %add3A_1205 : vector<16xi1>, vector<16xi32>
      %mul3A_1207 = arith.constant 16 : i32
      %mul3A_1208 = arith.muli %scan3A_1183, %mul3A_1207 : i32
      %swap3A_1209 = arith.constant 3 : i32
      %swap3A_1210 = arith.index_cast %swap3A_1209 : i32 to index
      %swap3A_1211 = arith.index_cast %mul3A_1208 : i32 to index
      %swap3A_1212 = tpu.vector_load %arg8[%swap3A_1210, %swap3A_1211] {strides = array<i32>} : memref<8x128xi32, #tpu.memory_space<vmem>>, vector<1x16xi32>,
      %swap3A_1213 = vector.shape_cast %swap3A_1212 : vector<1x16xi32> to vector<16xi32>
      %swap3A_1214 = vector.shape_cast %select_n3A_1206 : vector<16xi32> to vector<1x16xi32>
      tpu.vector_store %arg8[%swap3A_1210, %swap3A_1211], %swap3A_1214 {strides = array<i32>} : memref<8x128xi32, #tpu.memory_space<vmem>>, vector<1x16xi32>,
      %scan3A_1215 = arith.constant 0 : i32
      %scan3A_1216 = arith.constant 6 : i32
      %mul3A_1217 = arith.constant 16 : i32
      %mul3A_1218 = arith.muli %scan3A_1216, %mul3A_1217 : i32
      %get3A_1219 = arith.constant 3 : i32
      %get3A_1220 = arith.index_cast %get3A_1219 : i32 to index
      %get3A_1221 = arith.index_cast %mul3A_1218 : i32 to index
      %get3A_1222 = tpu.vector_load %arg6[%get3A_1220, %get3A_1221] {strides = array<i32>} : memref<8x128xi32, #tpu.memory_space<vmem>>, vector<1x16xi32>,
      %get3A_1223 = vector.shape_cast %get3A_1222 : vector<1x16xi32> to vector<16xi32>
      %sub3A_1224 = vector.broadcast %mul3A_0 : i32 to vector<16xi32>
      %sub3A_1225 = arith.subi %get3A_1223, %sub3A_1224 : vector<16xi32>
      %ge3A_1226 = arith.constant 0 : i32
      %ge3A_1227 = vector.broadcast %ge3A_1226 : i32 to vector<16xi32>
      %ge3A_1228 = arith.cmpi sge, %sub3A_1225, %ge3A_1227 : vector<16xi32>
      %lt3A_1229 = arith.constant 25000 : i32
      %lt3A_1230 = vector.broadcast %lt3A_1229 : i32 to vector<16xi32>
      %lt3A_1231 = arith.cmpi slt, %sub3A_1225, %lt3A_1230 : vector<16xi32>
      %and3A_1232 = arith.andi %ge3A_1228, %lt3A_1231 : vector<16xi1>
      %and3A_1233 = arith.constant 127 : i32
      %and3A_1234 = vector.broadcast %and3A_1233 : i32 to vector<16xi32>
      %and3A_1235 = arith.andi %sub3A_1225, %and3A_1234 : vector<16xi32>
      %add3A_1236 = arith.constant 25000 : i32
      %add3A_1237 = vector.broadcast %add3A_1236 : i32 to vector<16xi32>
      %add3A_1238 = arith.addi %add3A_1237, %and3A_1235 : vector<16xi32>
      %select_n3A_1239 = arith.select %and3A_1232, %sub3A_1225, %add3A_1238 : vector<16xi1>, vector<16xi32>
      %mul3A_1240 = arith.constant 16 : i32
      %mul3A_1241 = arith.muli %scan3A_1216, %mul3A_1240 : i32
      %swap3A_1242 = arith.constant 3 : i32
      %swap3A_1243 = arith.index_cast %swap3A_1242 : i32 to index
      %swap3A_1244 = arith.index_cast %mul3A_1241 : i32 to index
      %swap3A_1245 = tpu.vector_load %arg8[%swap3A_1243, %swap3A_1244] {strides = array<i32>} : memref<8x128xi32, #tpu.memory_space<vmem>>, vector<1x16xi32>,
      %swap3A_1246 = vector.shape_cast %swap3A_1245 : vector<1x16xi32> to vector<16xi32>
      %swap3A_1247 = vector.shape_cast %select_n3A_1239 : vector<16xi32> to vector<1x16xi32>
      tpu.vector_store %arg8[%swap3A_1243, %swap3A_1244], %swap3A_1247 {strides = array<i32>} : memref<8x128xi32, #tpu.memory_space<vmem>>, vector<1x16xi32>,
      %scan3A_1248 = arith.constant 0 : i32
      %scan3A_1249 = arith.constant 7 : i32
      %mul3A_1250 = arith.constant 16 : i32
      %mul3A_1251 = arith.muli %scan3A_1249, %mul3A_1250 : i32
      %get3A_1252 = arith.constant 3 : i32
      %get3A_1253 = arith.index_cast %get3A_1252 : i32 to index
      %get3A_1254 = arith.index_cast %mul3A_1251 : i32 to index
      %get3A_1255 = tpu.vector_load %arg6[%get3A_1253, %get3A_1254] {strides = array<i32>} : memref<8x128xi32, #tpu.memory_space<vmem>>, vector<1x16xi32>,
      %get3A_1256 = vector.shape_cast %get3A_1255 : vector<1x16xi32> to vector<16xi32>
      %sub3A_1257 = vector.broadcast %mul3A_0 : i32 to vector<16xi32>
      %sub3A_1258 = arith.subi %get3A_1256, %sub3A_1257 : vector<16xi32>
      %ge3A_1259 = arith.constant 0 : i32
      %ge3A_1260 = vector.broadcast %ge3A_1259 : i32 to vector<16xi32>
      %ge3A_1261 = arith.cmpi sge, %sub3A_1258, %ge3A_1260 : vector<16xi32>
      %lt3A_1262 = arith.constant 25000 : i32
      %lt3A_1263 = vector.broadcast %lt3A_1262 : i32 to vector<16xi32>
      %lt3A_1264 = arith.cmpi slt, %sub3A_1258, %lt3A_1263 : vector<16xi32>
      %and3A_1265 = arith.andi %ge3A_1261, %lt3A_1264 : vector<16xi1>
      %and3A_1266 = arith.constant 127 : i32
      %and3A_1267 = vector.broadcast %and3A_1266 : i32 to vector<16xi32>
      %and3A_1268 = arith.andi %sub3A_1258, %and3A_1267 : vector<16xi32>
      %add3A_1269 = arith.constant 25000 : i32
      %add3A_1270 = vector.broadcast %add3A_1269 : i32 to vector<16xi32>
      %add3A_1271 = arith.addi %add3A_1270, %and3A_1268 : vector<16xi32>
      %select_n3A_1272 = arith.select %and3A_1265, %sub3A_1258, %add3A_1271 : vector<16xi1>, vector<16xi32>
      %mul3A_1273 = arith.constant 16 : i32
      %mul3A_1274 = arith.muli %scan3A_1249, %mul3A_1273 : i32
      %swap3A_1275 = arith.constant 3 : i32
      %swap3A_1276 = arith.index_cast %swap3A_1275 : i32 to index
      %swap3A_1277 = arith.index_cast %mul3A_1274 : i32 to index
      %swap3A_1278 = tpu.vector_load %arg8[%swap3A_1276, %swap3A_1277] {strides = array<i32>} : memref<8x128xi32, #tpu.memory_space<vmem>>, vector<1x16xi32>,
      %swap3A_1279 = vector.shape_cast %swap3A_1278 : vector<1x16xi32> to vector<16xi32>
      %swap3A_1280 = vector.shape_cast %select_n3A_1272 : vector<16xi32> to vector<1x16xi32>
      tpu.vector_store %arg8[%swap3A_1276, %swap3A_1277], %swap3A_1280 {strides = array<i32>} : memref<8x128xi32, #tpu.memory_space<vmem>>, vector<1x16xi32>,
      %scan3A_1281 = arith.constant 0 : i32
      %scan3A_1282 = arith.constant 8 : i32
      %dma_start3A_1283 = arith.constant 3 : i32
      %dma_start3A_1284 = arith.constant 0 : i32
      %dma_start3A_1285 = tpu.memref_slice %arg8[%dma_start3A_1283, %dma_start3A_1284] : memref<8x128xi32, #tpu.memory_space<vmem>> -> memref<1x128xi32, #tpu.memory_space<vmem>>
      %dma_start3A_1286 = tpu.memref_squeeze %dma_start3A_1285 : memref<1x128xi32, #tpu.memory_space<vmem>> -> memref<128xi32, #tpu.memory_space<vmem>>
      %dma_start3A_1287 = arith.constant 0 : i32
      %dma_start3A_1288 = arith.constant 0 : i32
      %dma_start3A_1289 = tpu.memref_slice %arg12[%dma_start3A_1287, %dma_start3A_1288] : memref<25152x16xf32, #tpu.memory_space<vmem_shared>> -> memref<25152x16xf32, #tpu.memory_space<vmem_shared>>
      tpu.enqueue_indirect_dma source(%arg9 : memref<128x16xf32, #tpu.memory_space<vmem>>) target(%dma_start3A_1289 : memref<25152x16xf32, #tpu.memory_space<vmem_shared>>) offsets(%dma_start3A_1286 : memref<128xi32, #tpu.memory_space<vmem>>) semaphore(%arg14 : memref<!tpu.dma_semaphore, #tpu.memory_space<semaphore_mem>>) {add = true}
      %scan3A_1290 = arith.constant 0 : i32
      %scan3A_1291 = arith.constant 0 : i32
      %mul3A_1292 = arith.constant 16 : i32
      %mul3A_1293 = arith.muli %scan3A_1291, %mul3A_1292 : i32
      %get3A_1294 = arith.constant 4 : i32
      %get3A_1295 = arith.index_cast %get3A_1294 : i32 to index
      %get3A_1296 = arith.index_cast %mul3A_1293 : i32 to index
      %get3A_1297 = tpu.vector_load %arg6[%get3A_1295, %get3A_1296] {strides = array<i32>} : memref<8x128xi32, #tpu.memory_space<vmem>>, vector<1x16xi32>,
      %get3A_1298 = vector.shape_cast %get3A_1297 : vector<1x16xi32> to vector<16xi32>
      %sub3A_1299 = vector.broadcast %mul3A_0 : i32 to vector<16xi32>
      %sub3A_1300 = arith.subi %get3A_1298, %sub3A_1299 : vector<16xi32>
      %ge3A_1301 = arith.constant 0 : i32
      %ge3A_1302 = vector.broadcast %ge3A_1301 : i32 to vector<16xi32>
      %ge3A_1303 = arith.cmpi sge, %sub3A_1300, %ge3A_1302 : vector<16xi32>
      %lt3A_1304 = arith.constant 25000 : i32
      %lt3A_1305 = vector.broadcast %lt3A_1304 : i32 to vector<16xi32>
      %lt3A_1306 = arith.cmpi slt, %sub3A_1300, %lt3A_1305 : vector<16xi32>
      %and3A_1307 = arith.andi %ge3A_1303, %lt3A_1306 : vector<16xi1>
      %and3A_1308 = arith.constant 127 : i32
      %and3A_1309 = vector.broadcast %and3A_1308 : i32 to vector<16xi32>
      %and3A_1310 = arith.andi %sub3A_1300, %and3A_1309 : vector<16xi32>
      %add3A_1311 = arith.constant 25000 : i32
      %add3A_1312 = vector.broadcast %add3A_1311 : i32 to vector<16xi32>
      %add3A_1313 = arith.addi %add3A_1312, %and3A_1310 : vector<16xi32>
      %select_n3A_1314 = arith.select %and3A_1307, %sub3A_1300, %add3A_1313 : vector<16xi1>, vector<16xi32>
      %mul3A_1315 = arith.constant 16 : i32
      %mul3A_1316 = arith.muli %scan3A_1291, %mul3A_1315 : i32
      %swap3A_1317 = arith.constant 4 : i32
      %swap3A_1318 = arith.index_cast %swap3A_1317 : i32 to index
      %swap3A_1319 = arith.index_cast %mul3A_1316 : i32 to index
      %swap3A_1320 = tpu.vector_load %arg8[%swap3A_1318, %swap3A_1319] {strides = array<i32>} : memref<8x128xi32, #tpu.memory_space<vmem>>, vector<1x16xi32>,
      %swap3A_1321 = vector.shape_cast %swap3A_1320 : vector<1x16xi32> to vector<16xi32>
      %swap3A_1322 = vector.shape_cast %select_n3A_1314 : vector<16xi32> to vector<1x16xi32>
      tpu.vector_store %arg8[%swap3A_1318, %swap3A_1319], %swap3A_1322 {strides = array<i32>} : memref<8x128xi32, #tpu.memory_space<vmem>>, vector<1x16xi32>,
      %scan3A_1323 = arith.constant 0 : i32
      %scan3A_1324 = arith.constant 1 : i32
      %mul3A_1325 = arith.constant 16 : i32
      %mul3A_1326 = arith.muli %scan3A_1324, %mul3A_1325 : i32
      %get3A_1327 = arith.constant 4 : i32
      %get3A_1328 = arith.index_cast %get3A_1327 : i32 to index
      %get3A_1329 = arith.index_cast %mul3A_1326 : i32 to index
      %get3A_1330 = tpu.vector_load %arg6[%get3A_1328, %get3A_1329] {strides = array<i32>} : memref<8x128xi32, #tpu.memory_space<vmem>>, vector<1x16xi32>,
      %get3A_1331 = vector.shape_cast %get3A_1330 : vector<1x16xi32> to vector<16xi32>
      %sub3A_1332 = vector.broadcast %mul3A_0 : i32 to vector<16xi32>
      %sub3A_1333 = arith.subi %get3A_1331, %sub3A_1332 : vector<16xi32>
      %ge3A_1334 = arith.constant 0 : i32
      %ge3A_1335 = vector.broadcast %ge3A_1334 : i32 to vector<16xi32>
      %ge3A_1336 = arith.cmpi sge, %sub3A_1333, %ge3A_1335 : vector<16xi32>
      %lt3A_1337 = arith.constant 25000 : i32
      %lt3A_1338 = vector.broadcast %lt3A_1337 : i32 to vector<16xi32>
      %lt3A_1339 = arith.cmpi slt, %sub3A_1333, %lt3A_1338 : vector<16xi32>
      %and3A_1340 = arith.andi %ge3A_1336, %lt3A_1339 : vector<16xi1>
      %and3A_1341 = arith.constant 127 : i32
      %and3A_1342 = vector.broadcast %and3A_1341 : i32 to vector<16xi32>
      %and3A_1343 = arith.andi %sub3A_1333, %and3A_1342 : vector<16xi32>
      %add3A_1344 = arith.constant 25000 : i32
      %add3A_1345 = vector.broadcast %add3A_1344 : i32 to vector<16xi32>
      %add3A_1346 = arith.addi %add3A_1345, %and3A_1343 : vector<16xi32>
      %select_n3A_1347 = arith.select %and3A_1340, %sub3A_1333, %add3A_1346 : vector<16xi1>, vector<16xi32>
      %mul3A_1348 = arith.constant 16 : i32
      %mul3A_1349 = arith.muli %scan3A_1324, %mul3A_1348 : i32
      %swap3A_1350 = arith.constant 4 : i32
      %swap3A_1351 = arith.index_cast %swap3A_1350 : i32 to index
      %swap3A_1352 = arith.index_cast %mul3A_1349 : i32 to index
      %swap3A_1353 = tpu.vector_load %arg8[%swap3A_1351, %swap3A_1352] {strides = array<i32>} : memref<8x128xi32, #tpu.memory_space<vmem>>, vector<1x16xi32>,
      %swap3A_1354 = vector.shape_cast %swap3A_1353 : vector<1x16xi32> to vector<16xi32>
      %swap3A_1355 = vector.shape_cast %select_n3A_1347 : vector<16xi32> to vector<1x16xi32>
      tpu.vector_store %arg8[%swap3A_1351, %swap3A_1352], %swap3A_1355 {strides = array<i32>} : memref<8x128xi32, #tpu.memory_space<vmem>>, vector<1x16xi32>,
      %scan3A_1356 = arith.constant 0 : i32
      %scan3A_1357 = arith.constant 2 : i32
      %mul3A_1358 = arith.constant 16 : i32
      %mul3A_1359 = arith.muli %scan3A_1357, %mul3A_1358 : i32
      %get3A_1360 = arith.constant 4 : i32
      %get3A_1361 = arith.index_cast %get3A_1360 : i32 to index
      %get3A_1362 = arith.index_cast %mul3A_1359 : i32 to index
      %get3A_1363 = tpu.vector_load %arg6[%get3A_1361, %get3A_1362] {strides = array<i32>} : memref<8x128xi32, #tpu.memory_space<vmem>>, vector<1x16xi32>,
      %get3A_1364 = vector.shape_cast %get3A_1363 : vector<1x16xi32> to vector<16xi32>
      %sub3A_1365 = vector.broadcast %mul3A_0 : i32 to vector<16xi32>
      %sub3A_1366 = arith.subi %get3A_1364, %sub3A_1365 : vector<16xi32>
      %ge3A_1367 = arith.constant 0 : i32
      %ge3A_1368 = vector.broadcast %ge3A_1367 : i32 to vector<16xi32>
      %ge3A_1369 = arith.cmpi sge, %sub3A_1366, %ge3A_1368 : vector<16xi32>
      %lt3A_1370 = arith.constant 25000 : i32
      %lt3A_1371 = vector.broadcast %lt3A_1370 : i32 to vector<16xi32>
      %lt3A_1372 = arith.cmpi slt, %sub3A_1366, %lt3A_1371 : vector<16xi32>
      %and3A_1373 = arith.andi %ge3A_1369, %lt3A_1372 : vector<16xi1>
      %and3A_1374 = arith.constant 127 : i32
      %and3A_1375 = vector.broadcast %and3A_1374 : i32 to vector<16xi32>
      %and3A_1376 = arith.andi %sub3A_1366, %and3A_1375 : vector<16xi32>
      %add3A_1377 = arith.constant 25000 : i32
      %add3A_1378 = vector.broadcast %add3A_1377 : i32 to vector<16xi32>
      %add3A_1379 = arith.addi %add3A_1378, %and3A_1376 : vector<16xi32>
      %select_n3A_1380 = arith.select %and3A_1373, %sub3A_1366, %add3A_1379 : vector<16xi1>, vector<16xi32>
      %mul3A_1381 = arith.constant 16 : i32
      %mul3A_1382 = arith.muli %scan3A_1357, %mul3A_1381 : i32
      %swap3A_1383 = arith.constant 4 : i32
      %swap3A_1384 = arith.index_cast %swap3A_1383 : i32 to index
      %swap3A_1385 = arith.index_cast %mul3A_1382 : i32 to index
      %swap3A_1386 = tpu.vector_load %arg8[%swap3A_1384, %swap3A_1385] {strides = array<i32>} : memref<8x128xi32, #tpu.memory_space<vmem>>, vector<1x16xi32>,
      %swap3A_1387 = vector.shape_cast %swap3A_1386 : vector<1x16xi32> to vector<16xi32>
      %swap3A_1388 = vector.shape_cast %select_n3A_1380 : vector<16xi32> to vector<1x16xi32>
      tpu.vector_store %arg8[%swap3A_1384, %swap3A_1385], %swap3A_1388 {strides = array<i32>} : memref<8x128xi32, #tpu.memory_space<vmem>>, vector<1x16xi32>,
      %scan3A_1389 = arith.constant 0 : i32
      %scan3A_1390 = arith.constant 3 : i32
      %mul3A_1391 = arith.constant 16 : i32
      %mul3A_1392 = arith.muli %scan3A_1390, %mul3A_1391 : i32
      %get3A_1393 = arith.constant 4 : i32
      %get3A_1394 = arith.index_cast %get3A_1393 : i32 to index
      %get3A_1395 = arith.index_cast %mul3A_1392 : i32 to index
      %get3A_1396 = tpu.vector_load %arg6[%get3A_1394, %get3A_1395] {strides = array<i32>} : memref<8x128xi32, #tpu.memory_space<vmem>>, vector<1x16xi32>,
      %get3A_1397 = vector.shape_cast %get3A_1396 : vector<1x16xi32> to vector<16xi32>
      %sub3A_1398 = vector.broadcast %mul3A_0 : i32 to vector<16xi32>
      %sub3A_1399 = arith.subi %get3A_1397, %sub3A_1398 : vector<16xi32>
      %ge3A_1400 = arith.constant 0 : i32
      %ge3A_1401 = vector.broadcast %ge3A_1400 : i32 to vector<16xi32>
      %ge3A_1402 = arith.cmpi sge, %sub3A_1399, %ge3A_1401 : vector<16xi32>
      %lt3A_1403 = arith.constant 25000 : i32
      %lt3A_1404 = vector.broadcast %lt3A_1403 : i32 to vector<16xi32>
      %lt3A_1405 = arith.cmpi slt, %sub3A_1399, %lt3A_1404 : vector<16xi32>
      %and3A_1406 = arith.andi %ge3A_1402, %lt3A_1405 : vector<16xi1>
      %and3A_1407 = arith.constant 127 : i32
      %and3A_1408 = vector.broadcast %and3A_1407 : i32 to vector<16xi32>
      %and3A_1409 = arith.andi %sub3A_1399, %and3A_1408 : vector<16xi32>
      %add3A_1410 = arith.constant 25000 : i32
      %add3A_1411 = vector.broadcast %add3A_1410 : i32 to vector<16xi32>
      %add3A_1412 = arith.addi %add3A_1411, %and3A_1409 : vector<16xi32>
      %select_n3A_1413 = arith.select %and3A_1406, %sub3A_1399, %add3A_1412 : vector<16xi1>, vector<16xi32>
      %mul3A_1414 = arith.constant 16 : i32
      %mul3A_1415 = arith.muli %scan3A_1390, %mul3A_1414 : i32
      %swap3A_1416 = arith.constant 4 : i32
      %swap3A_1417 = arith.index_cast %swap3A_1416 : i32 to index
      %swap3A_1418 = arith.index_cast %mul3A_1415 : i32 to index
      %swap3A_1419 = tpu.vector_load %arg8[%swap3A_1417, %swap3A_1418] {strides = array<i32>} : memref<8x128xi32, #tpu.memory_space<vmem>>, vector<1x16xi32>,
      %swap3A_1420 = vector.shape_cast %swap3A_1419 : vector<1x16xi32> to vector<16xi32>
      %swap3A_1421 = vector.shape_cast %select_n3A_1413 : vector<16xi32> to vector<1x16xi32>
      tpu.vector_store %arg8[%swap3A_1417, %swap3A_1418], %swap3A_1421 {strides = array<i32>} : memref<8x128xi32, #tpu.memory_space<vmem>>, vector<1x16xi32>,
      %scan3A_1422 = arith.constant 0 : i32
      %scan3A_1423 = arith.constant 4 : i32
      %mul3A_1424 = arith.constant 16 : i32
      %mul3A_1425 = arith.muli %scan3A_1423, %mul3A_1424 : i32
      %get3A_1426 = arith.constant 4 : i32
      %get3A_1427 = arith.index_cast %get3A_1426 : i32 to index
      %get3A_1428 = arith.index_cast %mul3A_1425 : i32 to index
      %get3A_1429 = tpu.vector_load %arg6[%get3A_1427, %get3A_1428] {strides = array<i32>} : memref<8x128xi32, #tpu.memory_space<vmem>>, vector<1x16xi32>,
      %get3A_1430 = vector.shape_cast %get3A_1429 : vector<1x16xi32> to vector<16xi32>
      %sub3A_1431 = vector.broadcast %mul3A_0 : i32 to vector<16xi32>
      %sub3A_1432 = arith.subi %get3A_1430, %sub3A_1431 : vector<16xi32>
      %ge3A_1433 = arith.constant 0 : i32
      %ge3A_1434 = vector.broadcast %ge3A_1433 : i32 to vector<16xi32>
      %ge3A_1435 = arith.cmpi sge, %sub3A_1432, %ge3A_1434 : vector<16xi32>
      %lt3A_1436 = arith.constant 25000 : i32
      %lt3A_1437 = vector.broadcast %lt3A_1436 : i32 to vector<16xi32>
      %lt3A_1438 = arith.cmpi slt, %sub3A_1432, %lt3A_1437 : vector<16xi32>
      %and3A_1439 = arith.andi %ge3A_1435, %lt3A_1438 : vector<16xi1>
      %and3A_1440 = arith.constant 127 : i32
      %and3A_1441 = vector.broadcast %and3A_1440 : i32 to vector<16xi32>
      %and3A_1442 = arith.andi %sub3A_1432, %and3A_1441 : vector<16xi32>
      %add3A_1443 = arith.constant 25000 : i32
      %add3A_1444 = vector.broadcast %add3A_1443 : i32 to vector<16xi32>
      %add3A_1445 = arith.addi %add3A_1444, %and3A_1442 : vector<16xi32>
      %select_n3A_1446 = arith.select %and3A_1439, %sub3A_1432, %add3A_1445 : vector<16xi1>, vector<16xi32>
      %mul3A_1447 = arith.constant 16 : i32
      %mul3A_1448 = arith.muli %scan3A_1423, %mul3A_1447 : i32
      %swap3A_1449 = arith.constant 4 : i32
      %swap3A_1450 = arith.index_cast %swap3A_1449 : i32 to index
      %swap3A_1451 = arith.index_cast %mul3A_1448 : i32 to index
      %swap3A_1452 = tpu.vector_load %arg8[%swap3A_1450, %swap3A_1451] {strides = array<i32>} : memref<8x128xi32, #tpu.memory_space<vmem>>, vector<1x16xi32>,
      %swap3A_1453 = vector.shape_cast %swap3A_1452 : vector<1x16xi32> to vector<16xi32>
      %swap3A_1454 = vector.shape_cast %select_n3A_1446 : vector<16xi32> to vector<1x16xi32>
      tpu.vector_store %arg8[%swap3A_1450, %swap3A_1451], %swap3A_1454 {strides = array<i32>} : memref<8x128xi32, #tpu.memory_space<vmem>>, vector<1x16xi32>,
      %scan3A_1455 = arith.constant 0 : i32
      %scan3A_1456 = arith.constant 5 : i32
      %mul3A_1457 = arith.constant 16 : i32
      %mul3A_1458 = arith.muli %scan3A_1456, %mul3A_1457 : i32
      %get3A_1459 = arith.constant 4 : i32
      %get3A_1460 = arith.index_cast %get3A_1459 : i32 to index
      %get3A_1461 = arith.index_cast %mul3A_1458 : i32 to index
      %get3A_1462 = tpu.vector_load %arg6[%get3A_1460, %get3A_1461] {strides = array<i32>} : memref<8x128xi32, #tpu.memory_space<vmem>>, vector<1x16xi32>,
      %get3A_1463 = vector.shape_cast %get3A_1462 : vector<1x16xi32> to vector<16xi32>
      %sub3A_1464 = vector.broadcast %mul3A_0 : i32 to vector<16xi32>
      %sub3A_1465 = arith.subi %get3A_1463, %sub3A_1464 : vector<16xi32>
      %ge3A_1466 = arith.constant 0 : i32
      %ge3A_1467 = vector.broadcast %ge3A_1466 : i32 to vector<16xi32>
      %ge3A_1468 = arith.cmpi sge, %sub3A_1465, %ge3A_1467 : vector<16xi32>
      %lt3A_1469 = arith.constant 25000 : i32
      %lt3A_1470 = vector.broadcast %lt3A_1469 : i32 to vector<16xi32>
      %lt3A_1471 = arith.cmpi slt, %sub3A_1465, %lt3A_1470 : vector<16xi32>
      %and3A_1472 = arith.andi %ge3A_1468, %lt3A_1471 : vector<16xi1>
      %and3A_1473 = arith.constant 127 : i32
      %and3A_1474 = vector.broadcast %and3A_1473 : i32 to vector<16xi32>
      %and3A_1475 = arith.andi %sub3A_1465, %and3A_1474 : vector<16xi32>
      %add3A_1476 = arith.constant 25000 : i32
      %add3A_1477 = vector.broadcast %add3A_1476 : i32 to vector<16xi32>
      %add3A_1478 = arith.addi %add3A_1477, %and3A_1475 : vector<16xi32>
      %select_n3A_1479 = arith.select %and3A_1472, %sub3A_1465, %add3A_1478 : vector<16xi1>, vector<16xi32>
      %mul3A_1480 = arith.constant 16 : i32
      %mul3A_1481 = arith.muli %scan3A_1456, %mul3A_1480 : i32
      %swap3A_1482 = arith.constant 4 : i32
      %swap3A_1483 = arith.index_cast %swap3A_1482 : i32 to index
      %swap3A_1484 = arith.index_cast %mul3A_1481 : i32 to index
      %swap3A_1485 = tpu.vector_load %arg8[%swap3A_1483, %swap3A_1484] {strides = array<i32>} : memref<8x128xi32, #tpu.memory_space<vmem>>, vector<1x16xi32>,
      %swap3A_1486 = vector.shape_cast %swap3A_1485 : vector<1x16xi32> to vector<16xi32>
      %swap3A_1487 = vector.shape_cast %select_n3A_1479 : vector<16xi32> to vector<1x16xi32>
      tpu.vector_store %arg8[%swap3A_1483, %swap3A_1484], %swap3A_1487 {strides = array<i32>} : memref<8x128xi32, #tpu.memory_space<vmem>>, vector<1x16xi32>,
      %scan3A_1488 = arith.constant 0 : i32
      %scan3A_1489 = arith.constant 6 : i32
      %mul3A_1490 = arith.constant 16 : i32
      %mul3A_1491 = arith.muli %scan3A_1489, %mul3A_1490 : i32
      %get3A_1492 = arith.constant 4 : i32
      %get3A_1493 = arith.index_cast %get3A_1492 : i32 to index
      %get3A_1494 = arith.index_cast %mul3A_1491 : i32 to index
      %get3A_1495 = tpu.vector_load %arg6[%get3A_1493, %get3A_1494] {strides = array<i32>} : memref<8x128xi32, #tpu.memory_space<vmem>>, vector<1x16xi32>,
      %get3A_1496 = vector.shape_cast %get3A_1495 : vector<1x16xi32> to vector<16xi32>
      %sub3A_1497 = vector.broadcast %mul3A_0 : i32 to vector<16xi32>
      %sub3A_1498 = arith.subi %get3A_1496, %sub3A_1497 : vector<16xi32>
      %ge3A_1499 = arith.constant 0 : i32
      %ge3A_1500 = vector.broadcast %ge3A_1499 : i32 to vector<16xi32>
      %ge3A_1501 = arith.cmpi sge, %sub3A_1498, %ge3A_1500 : vector<16xi32>
      %lt3A_1502 = arith.constant 25000 : i32
      %lt3A_1503 = vector.broadcast %lt3A_1502 : i32 to vector<16xi32>
      %lt3A_1504 = arith.cmpi slt, %sub3A_1498, %lt3A_1503 : vector<16xi32>
      %and3A_1505 = arith.andi %ge3A_1501, %lt3A_1504 : vector<16xi1>
      %and3A_1506 = arith.constant 127 : i32
      %and3A_1507 = vector.broadcast %and3A_1506 : i32 to vector<16xi32>
      %and3A_1508 = arith.andi %sub3A_1498, %and3A_1507 : vector<16xi32>
      %add3A_1509 = arith.constant 25000 : i32
      %add3A_1510 = vector.broadcast %add3A_1509 : i32 to vector<16xi32>
      %add3A_1511 = arith.addi %add3A_1510, %and3A_1508 : vector<16xi32>
      %select_n3A_1512 = arith.select %and3A_1505, %sub3A_1498, %add3A_1511 : vector<16xi1>, vector<16xi32>
      %mul3A_1513 = arith.constant 16 : i32
      %mul3A_1514 = arith.muli %scan3A_1489, %mul3A_1513 : i32
      %swap3A_1515 = arith.constant 4 : i32
      %swap3A_1516 = arith.index_cast %swap3A_1515 : i32 to index
      %swap3A_1517 = arith.index_cast %mul3A_1514 : i32 to index
      %swap3A_1518 = tpu.vector_load %arg8[%swap3A_1516, %swap3A_1517] {strides = array<i32>} : memref<8x128xi32, #tpu.memory_space<vmem>>, vector<1x16xi32>,
      %swap3A_1519 = vector.shape_cast %swap3A_1518 : vector<1x16xi32> to vector<16xi32>
      %swap3A_1520 = vector.shape_cast %select_n3A_1512 : vector<16xi32> to vector<1x16xi32>
      tpu.vector_store %arg8[%swap3A_1516, %swap3A_1517], %swap3A_1520 {strides = array<i32>} : memref<8x128xi32, #tpu.memory_space<vmem>>, vector<1x16xi32>,
      %scan3A_1521 = arith.constant 0 : i32
      %scan3A_1522 = arith.constant 7 : i32
      %mul3A_1523 = arith.constant 16 : i32
      %mul3A_1524 = arith.muli %scan3A_1522, %mul3A_1523 : i32
      %get3A_1525 = arith.constant 4 : i32
      %get3A_1526 = arith.index_cast %get3A_1525 : i32 to index
      %get3A_1527 = arith.index_cast %mul3A_1524 : i32 to index
      %get3A_1528 = tpu.vector_load %arg6[%get3A_1526, %get3A_1527] {strides = array<i32>} : memref<8x128xi32, #tpu.memory_space<vmem>>, vector<1x16xi32>,
      %get3A_1529 = vector.shape_cast %get3A_1528 : vector<1x16xi32> to vector<16xi32>
      %sub3A_1530 = vector.broadcast %mul3A_0 : i32 to vector<16xi32>
      %sub3A_1531 = arith.subi %get3A_1529, %sub3A_1530 : vector<16xi32>
      %ge3A_1532 = arith.constant 0 : i32
      %ge3A_1533 = vector.broadcast %ge3A_1532 : i32 to vector<16xi32>
      %ge3A_1534 = arith.cmpi sge, %sub3A_1531, %ge3A_1533 : vector<16xi32>
      %lt3A_1535 = arith.constant 25000 : i32
      %lt3A_1536 = vector.broadcast %lt3A_1535 : i32 to vector<16xi32>
      %lt3A_1537 = arith.cmpi slt, %sub3A_1531, %lt3A_1536 : vector<16xi32>
      %and3A_1538 = arith.andi %ge3A_1534, %lt3A_1537 : vector<16xi1>
      %and3A_1539 = arith.constant 127 : i32
      %and3A_1540 = vector.broadcast %and3A_1539 : i32 to vector<16xi32>
      %and3A_1541 = arith.andi %sub3A_1531, %and3A_1540 : vector<16xi32>
      %add3A_1542 = arith.constant 25000 : i32
      %add3A_1543 = vector.broadcast %add3A_1542 : i32 to vector<16xi32>
      %add3A_1544 = arith.addi %add3A_1543, %and3A_1541 : vector<16xi32>
      %select_n3A_1545 = arith.select %and3A_1538, %sub3A_1531, %add3A_1544 : vector<16xi1>, vector<16xi32>
      %mul3A_1546 = arith.constant 16 : i32
      %mul3A_1547 = arith.muli %scan3A_1522, %mul3A_1546 : i32
      %swap3A_1548 = arith.constant 4 : i32
      %swap3A_1549 = arith.index_cast %swap3A_1548 : i32 to index
      %swap3A_1550 = arith.index_cast %mul3A_1547 : i32 to index
      %swap3A_1551 = tpu.vector_load %arg8[%swap3A_1549, %swap3A_1550] {strides = array<i32>} : memref<8x128xi32, #tpu.memory_space<vmem>>, vector<1x16xi32>,
      %swap3A_1552 = vector.shape_cast %swap3A_1551 : vector<1x16xi32> to vector<16xi32>
      %swap3A_1553 = vector.shape_cast %select_n3A_1545 : vector<16xi32> to vector<1x16xi32>
      tpu.vector_store %arg8[%swap3A_1549, %swap3A_1550], %swap3A_1553 {strides = array<i32>} : memref<8x128xi32, #tpu.memory_space<vmem>>, vector<1x16xi32>,
      %scan3A_1554 = arith.constant 0 : i32
      %scan3A_1555 = arith.constant 8 : i32
      %dma_start3A_1556 = arith.constant 4 : i32
      %dma_start3A_1557 = arith.constant 0 : i32
      %dma_start3A_1558 = tpu.memref_slice %arg8[%dma_start3A_1556, %dma_start3A_1557] : memref<8x128xi32, #tpu.memory_space<vmem>> -> memref<1x128xi32, #tpu.memory_space<vmem>>
      %dma_start3A_1559 = tpu.memref_squeeze %dma_start3A_1558 : memref<1x128xi32, #tpu.memory_space<vmem>> -> memref<128xi32, #tpu.memory_space<vmem>>
      %dma_start3A_1560 = arith.constant 0 : i32
      %dma_start3A_1561 = arith.constant 0 : i32
      %dma_start3A_1562 = tpu.memref_slice %arg12[%dma_start3A_1560, %dma_start3A_1561] : memref<25152x16xf32, #tpu.memory_space<vmem_shared>> -> memref<25152x16xf32, #tpu.memory_space<vmem_shared>>
      tpu.enqueue_indirect_dma source(%arg9 : memref<128x16xf32, #tpu.memory_space<vmem>>) target(%dma_start3A_1562 : memref<25152x16xf32, #tpu.memory_space<vmem_shared>>) offsets(%dma_start3A_1559 : memref<128xi32, #tpu.memory_space<vmem>>) semaphore(%arg14 : memref<!tpu.dma_semaphore, #tpu.memory_space<semaphore_mem>>) {add = true}
      %scan3A_1563 = arith.constant 0 : i32
      %scan3A_1564 = arith.constant 0 : i32
      %mul3A_1565 = arith.constant 16 : i32
      %mul3A_1566 = arith.muli %scan3A_1564, %mul3A_1565 : i32
      %get3A_1567 = arith.constant 5 : i32
      %get3A_1568 = arith.index_cast %get3A_1567 : i32 to index
      %get3A_1569 = arith.index_cast %mul3A_1566 : i32 to index
      %get3A_1570 = tpu.vector_load %arg6[%get3A_1568, %get3A_1569] {strides = array<i32>} : memref<8x128xi32, #tpu.memory_space<vmem>>, vector<1x16xi32>,
      %get3A_1571 = vector.shape_cast %get3A_1570 : vector<1x16xi32> to vector<16xi32>
      %sub3A_1572 = vector.broadcast %mul3A_0 : i32 to vector<16xi32>
      %sub3A_1573 = arith.subi %get3A_1571, %sub3A_1572 : vector<16xi32>
      %ge3A_1574 = arith.constant 0 : i32
      %ge3A_1575 = vector.broadcast %ge3A_1574 : i32 to vector<16xi32>
      %ge3A_1576 = arith.cmpi sge, %sub3A_1573, %ge3A_1575 : vector<16xi32>
      %lt3A_1577 = arith.constant 25000 : i32
      %lt3A_1578 = vector.broadcast %lt3A_1577 : i32 to vector<16xi32>
      %lt3A_1579 = arith.cmpi slt, %sub3A_1573, %lt3A_1578 : vector<16xi32>
      %and3A_1580 = arith.andi %ge3A_1576, %lt3A_1579 : vector<16xi1>
      %and3A_1581 = arith.constant 127 : i32
      %and3A_1582 = vector.broadcast %and3A_1581 : i32 to vector<16xi32>
      %and3A_1583 = arith.andi %sub3A_1573, %and3A_1582 : vector<16xi32>
      %add3A_1584 = arith.constant 25000 : i32
      %add3A_1585 = vector.broadcast %add3A_1584 : i32 to vector<16xi32>
      %add3A_1586 = arith.addi %add3A_1585, %and3A_1583 : vector<16xi32>
      %select_n3A_1587 = arith.select %and3A_1580, %sub3A_1573, %add3A_1586 : vector<16xi1>, vector<16xi32>
      %mul3A_1588 = arith.constant 16 : i32
      %mul3A_1589 = arith.muli %scan3A_1564, %mul3A_1588 : i32
      %swap3A_1590 = arith.constant 5 : i32
      %swap3A_1591 = arith.index_cast %swap3A_1590 : i32 to index
      %swap3A_1592 = arith.index_cast %mul3A_1589 : i32 to index
      %swap3A_1593 = tpu.vector_load %arg8[%swap3A_1591, %swap3A_1592] {strides = array<i32>} : memref<8x128xi32, #tpu.memory_space<vmem>>, vector<1x16xi32>,
      %swap3A_1594 = vector.shape_cast %swap3A_1593 : vector<1x16xi32> to vector<16xi32>
      %swap3A_1595 = vector.shape_cast %select_n3A_1587 : vector<16xi32> to vector<1x16xi32>
      tpu.vector_store %arg8[%swap3A_1591, %swap3A_1592], %swap3A_1595 {strides = array<i32>} : memref<8x128xi32, #tpu.memory_space<vmem>>, vector<1x16xi32>,
      %scan3A_1596 = arith.constant 0 : i32
      %scan3A_1597 = arith.constant 1 : i32
      %mul3A_1598 = arith.constant 16 : i32
      %mul3A_1599 = arith.muli %scan3A_1597, %mul3A_1598 : i32
      %get3A_1600 = arith.constant 5 : i32
      %get3A_1601 = arith.index_cast %get3A_1600 : i32 to index
      %get3A_1602 = arith.index_cast %mul3A_1599 : i32 to index
      %get3A_1603 = tpu.vector_load %arg6[%get3A_1601, %get3A_1602] {strides = array<i32>} : memref<8x128xi32, #tpu.memory_space<vmem>>, vector<1x16xi32>,
      %get3A_1604 = vector.shape_cast %get3A_1603 : vector<1x16xi32> to vector<16xi32>
      %sub3A_1605 = vector.broadcast %mul3A_0 : i32 to vector<16xi32>
      %sub3A_1606 = arith.subi %get3A_1604, %sub3A_1605 : vector<16xi32>
      %ge3A_1607 = arith.constant 0 : i32
      %ge3A_1608 = vector.broadcast %ge3A_1607 : i32 to vector<16xi32>
      %ge3A_1609 = arith.cmpi sge, %sub3A_1606, %ge3A_1608 : vector<16xi32>
      %lt3A_1610 = arith.constant 25000 : i32
      %lt3A_1611 = vector.broadcast %lt3A_1610 : i32 to vector<16xi32>
      %lt3A_1612 = arith.cmpi slt, %sub3A_1606, %lt3A_1611 : vector<16xi32>
      %and3A_1613 = arith.andi %ge3A_1609, %lt3A_1612 : vector<16xi1>
      %and3A_1614 = arith.constant 127 : i32
      %and3A_1615 = vector.broadcast %and3A_1614 : i32 to vector<16xi32>
      %and3A_1616 = arith.andi %sub3A_1606, %and3A_1615 : vector<16xi32>
      %add3A_1617 = arith.constant 25000 : i32
      %add3A_1618 = vector.broadcast %add3A_1617 : i32 to vector<16xi32>
      %add3A_1619 = arith.addi %add3A_1618, %and3A_1616 : vector<16xi32>
      %select_n3A_1620 = arith.select %and3A_1613, %sub3A_1606, %add3A_1619 : vector<16xi1>, vector<16xi32>
      %mul3A_1621 = arith.constant 16 : i32
      %mul3A_1622 = arith.muli %scan3A_1597, %mul3A_1621 : i32
      %swap3A_1623 = arith.constant 5 : i32
      %swap3A_1624 = arith.index_cast %swap3A_1623 : i32 to index
      %swap3A_1625 = arith.index_cast %mul3A_1622 : i32 to index
      %swap3A_1626 = tpu.vector_load %arg8[%swap3A_1624, %swap3A_1625] {strides = array<i32>} : memref<8x128xi32, #tpu.memory_space<vmem>>, vector<1x16xi32>,
      %swap3A_1627 = vector.shape_cast %swap3A_1626 : vector<1x16xi32> to vector<16xi32>
      %swap3A_1628 = vector.shape_cast %select_n3A_1620 : vector<16xi32> to vector<1x16xi32>
      tpu.vector_store %arg8[%swap3A_1624, %swap3A_1625], %swap3A_1628 {strides = array<i32>} : memref<8x128xi32, #tpu.memory_space<vmem>>, vector<1x16xi32>,
      %scan3A_1629 = arith.constant 0 : i32
      %scan3A_1630 = arith.constant 2 : i32
      %mul3A_1631 = arith.constant 16 : i32
      %mul3A_1632 = arith.muli %scan3A_1630, %mul3A_1631 : i32
      %get3A_1633 = arith.constant 5 : i32
      %get3A_1634 = arith.index_cast %get3A_1633 : i32 to index
      %get3A_1635 = arith.index_cast %mul3A_1632 : i32 to index
      %get3A_1636 = tpu.vector_load %arg6[%get3A_1634, %get3A_1635] {strides = array<i32>} : memref<8x128xi32, #tpu.memory_space<vmem>>, vector<1x16xi32>,
      %get3A_1637 = vector.shape_cast %get3A_1636 : vector<1x16xi32> to vector<16xi32>
      %sub3A_1638 = vector.broadcast %mul3A_0 : i32 to vector<16xi32>
      %sub3A_1639 = arith.subi %get3A_1637, %sub3A_1638 : vector<16xi32>
      %ge3A_1640 = arith.constant 0 : i32
      %ge3A_1641 = vector.broadcast %ge3A_1640 : i32 to vector<16xi32>
      %ge3A_1642 = arith.cmpi sge, %sub3A_1639, %ge3A_1641 : vector<16xi32>
      %lt3A_1643 = arith.constant 25000 : i32
      %lt3A_1644 = vector.broadcast %lt3A_1643 : i32 to vector<16xi32>
      %lt3A_1645 = arith.cmpi slt, %sub3A_1639, %lt3A_1644 : vector<16xi32>
      %and3A_1646 = arith.andi %ge3A_1642, %lt3A_1645 : vector<16xi1>
      %and3A_1647 = arith.constant 127 : i32
      %and3A_1648 = vector.broadcast %and3A_1647 : i32 to vector<16xi32>
      %and3A_1649 = arith.andi %sub3A_1639, %and3A_1648 : vector<16xi32>
      %add3A_1650 = arith.constant 25000 : i32
      %add3A_1651 = vector.broadcast %add3A_1650 : i32 to vector<16xi32>
      %add3A_1652 = arith.addi %add3A_1651, %and3A_1649 : vector<16xi32>
      %select_n3A_1653 = arith.select %and3A_1646, %sub3A_1639, %add3A_1652 : vector<16xi1>, vector<16xi32>
      %mul3A_1654 = arith.constant 16 : i32
      %mul3A_1655 = arith.muli %scan3A_1630, %mul3A_1654 : i32
      %swap3A_1656 = arith.constant 5 : i32
      %swap3A_1657 = arith.index_cast %swap3A_1656 : i32 to index
      %swap3A_1658 = arith.index_cast %mul3A_1655 : i32 to index
      %swap3A_1659 = tpu.vector_load %arg8[%swap3A_1657, %swap3A_1658] {strides = array<i32>} : memref<8x128xi32, #tpu.memory_space<vmem>>, vector<1x16xi32>,
      %swap3A_1660 = vector.shape_cast %swap3A_1659 : vector<1x16xi32> to vector<16xi32>
      %swap3A_1661 = vector.shape_cast %select_n3A_1653 : vector<16xi32> to vector<1x16xi32>
      tpu.vector_store %arg8[%swap3A_1657, %swap3A_1658], %swap3A_1661 {strides = array<i32>} : memref<8x128xi32, #tpu.memory_space<vmem>>, vector<1x16xi32>,
      %scan3A_1662 = arith.constant 0 : i32
      %scan3A_1663 = arith.constant 3 : i32
      %mul3A_1664 = arith.constant 16 : i32
      %mul3A_1665 = arith.muli %scan3A_1663, %mul3A_1664 : i32
      %get3A_1666 = arith.constant 5 : i32
      %get3A_1667 = arith.index_cast %get3A_1666 : i32 to index
      %get3A_1668 = arith.index_cast %mul3A_1665 : i32 to index
      %get3A_1669 = tpu.vector_load %arg6[%get3A_1667, %get3A_1668] {strides = array<i32>} : memref<8x128xi32, #tpu.memory_space<vmem>>, vector<1x16xi32>,
      %get3A_1670 = vector.shape_cast %get3A_1669 : vector<1x16xi32> to vector<16xi32>
      %sub3A_1671 = vector.broadcast %mul3A_0 : i32 to vector<16xi32>
      %sub3A_1672 = arith.subi %get3A_1670, %sub3A_1671 : vector<16xi32>
      %ge3A_1673 = arith.constant 0 : i32
      %ge3A_1674 = vector.broadcast %ge3A_1673 : i32 to vector<16xi32>
      %ge3A_1675 = arith.cmpi sge, %sub3A_1672, %ge3A_1674 : vector<16xi32>
      %lt3A_1676 = arith.constant 25000 : i32
      %lt3A_1677 = vector.broadcast %lt3A_1676 : i32 to vector<16xi32>
      %lt3A_1678 = arith.cmpi slt, %sub3A_1672, %lt3A_1677 : vector<16xi32>
      %and3A_1679 = arith.andi %ge3A_1675, %lt3A_1678 : vector<16xi1>
      %and3A_1680 = arith.constant 127 : i32
      %and3A_1681 = vector.broadcast %and3A_1680 : i32 to vector<16xi32>
      %and3A_1682 = arith.andi %sub3A_1672, %and3A_1681 : vector<16xi32>
      %add3A_1683 = arith.constant 25000 : i32
      %add3A_1684 = vector.broadcast %add3A_1683 : i32 to vector<16xi32>
      %add3A_1685 = arith.addi %add3A_1684, %and3A_1682 : vector<16xi32>
      %select_n3A_1686 = arith.select %and3A_1679, %sub3A_1672, %add3A_1685 : vector<16xi1>, vector<16xi32>
      %mul3A_1687 = arith.constant 16 : i32
      %mul3A_1688 = arith.muli %scan3A_1663, %mul3A_1687 : i32
      %swap3A_1689 = arith.constant 5 : i32
      %swap3A_1690 = arith.index_cast %swap3A_1689 : i32 to index
      %swap3A_1691 = arith.index_cast %mul3A_1688 : i32 to index
      %swap3A_1692 = tpu.vector_load %arg8[%swap3A_1690, %swap3A_1691] {strides = array<i32>} : memref<8x128xi32, #tpu.memory_space<vmem>>, vector<1x16xi32>,
      %swap3A_1693 = vector.shape_cast %swap3A_1692 : vector<1x16xi32> to vector<16xi32>
      %swap3A_1694 = vector.shape_cast %select_n3A_1686 : vector<16xi32> to vector<1x16xi32>
      tpu.vector_store %arg8[%swap3A_1690, %swap3A_1691], %swap3A_1694 {strides = array<i32>} : memref<8x128xi32, #tpu.memory_space<vmem>>, vector<1x16xi32>,
      %scan3A_1695 = arith.constant 0 : i32
      %scan3A_1696 = arith.constant 4 : i32
      %mul3A_1697 = arith.constant 16 : i32
      %mul3A_1698 = arith.muli %scan3A_1696, %mul3A_1697 : i32
      %get3A_1699 = arith.constant 5 : i32
      %get3A_1700 = arith.index_cast %get3A_1699 : i32 to index
      %get3A_1701 = arith.index_cast %mul3A_1698 : i32 to index
      %get3A_1702 = tpu.vector_load %arg6[%get3A_1700, %get3A_1701] {strides = array<i32>} : memref<8x128xi32, #tpu.memory_space<vmem>>, vector<1x16xi32>,
      %get3A_1703 = vector.shape_cast %get3A_1702 : vector<1x16xi32> to vector<16xi32>
      %sub3A_1704 = vector.broadcast %mul3A_0 : i32 to vector<16xi32>
      %sub3A_1705 = arith.subi %get3A_1703, %sub3A_1704 : vector<16xi32>
      %ge3A_1706 = arith.constant 0 : i32
      %ge3A_1707 = vector.broadcast %ge3A_1706 : i32 to vector<16xi32>
      %ge3A_1708 = arith.cmpi sge, %sub3A_1705, %ge3A_1707 : vector<16xi32>
      %lt3A_1709 = arith.constant 25000 : i32
      %lt3A_1710 = vector.broadcast %lt3A_1709 : i32 to vector<16xi32>
      %lt3A_1711 = arith.cmpi slt, %sub3A_1705, %lt3A_1710 : vector<16xi32>
      %and3A_1712 = arith.andi %ge3A_1708, %lt3A_1711 : vector<16xi1>
      %and3A_1713 = arith.constant 127 : i32
      %and3A_1714 = vector.broadcast %and3A_1713 : i32 to vector<16xi32>
      %and3A_1715 = arith.andi %sub3A_1705, %and3A_1714 : vector<16xi32>
      %add3A_1716 = arith.constant 25000 : i32
      %add3A_1717 = vector.broadcast %add3A_1716 : i32 to vector<16xi32>
      %add3A_1718 = arith.addi %add3A_1717, %and3A_1715 : vector<16xi32>
      %select_n3A_1719 = arith.select %and3A_1712, %sub3A_1705, %add3A_1718 : vector<16xi1>, vector<16xi32>
      %mul3A_1720 = arith.constant 16 : i32
      %mul3A_1721 = arith.muli %scan3A_1696, %mul3A_1720 : i32
      %swap3A_1722 = arith.constant 5 : i32
      %swap3A_1723 = arith.index_cast %swap3A_1722 : i32 to index
      %swap3A_1724 = arith.index_cast %mul3A_1721 : i32 to index
      %swap3A_1725 = tpu.vector_load %arg8[%swap3A_1723, %swap3A_1724] {strides = array<i32>} : memref<8x128xi32, #tpu.memory_space<vmem>>, vector<1x16xi32>,
      %swap3A_1726 = vector.shape_cast %swap3A_1725 : vector<1x16xi32> to vector<16xi32>
      %swap3A_1727 = vector.shape_cast %select_n3A_1719 : vector<16xi32> to vector<1x16xi32>
      tpu.vector_store %arg8[%swap3A_1723, %swap3A_1724], %swap3A_1727 {strides = array<i32>} : memref<8x128xi32, #tpu.memory_space<vmem>>, vector<1x16xi32>,
      %scan3A_1728 = arith.constant 0 : i32
      %scan3A_1729 = arith.constant 5 : i32
      %mul3A_1730 = arith.constant 16 : i32
      %mul3A_1731 = arith.muli %scan3A_1729, %mul3A_1730 : i32
      %get3A_1732 = arith.constant 5 : i32
      %get3A_1733 = arith.index_cast %get3A_1732 : i32 to index
      %get3A_1734 = arith.index_cast %mul3A_1731 : i32 to index
      %get3A_1735 = tpu.vector_load %arg6[%get3A_1733, %get3A_1734] {strides = array<i32>} : memref<8x128xi32, #tpu.memory_space<vmem>>, vector<1x16xi32>,
      %get3A_1736 = vector.shape_cast %get3A_1735 : vector<1x16xi32> to vector<16xi32>
      %sub3A_1737 = vector.broadcast %mul3A_0 : i32 to vector<16xi32>
      %sub3A_1738 = arith.subi %get3A_1736, %sub3A_1737 : vector<16xi32>
      %ge3A_1739 = arith.constant 0 : i32
      %ge3A_1740 = vector.broadcast %ge3A_1739 : i32 to vector<16xi32>
      %ge3A_1741 = arith.cmpi sge, %sub3A_1738, %ge3A_1740 : vector<16xi32>
      %lt3A_1742 = arith.constant 25000 : i32
      %lt3A_1743 = vector.broadcast %lt3A_1742 : i32 to vector<16xi32>
      %lt3A_1744 = arith.cmpi slt, %sub3A_1738, %lt3A_1743 : vector<16xi32>
      %and3A_1745 = arith.andi %ge3A_1741, %lt3A_1744 : vector<16xi1>
      %and3A_1746 = arith.constant 127 : i32
      %and3A_1747 = vector.broadcast %and3A_1746 : i32 to vector<16xi32>
      %and3A_1748 = arith.andi %sub3A_1738, %and3A_1747 : vector<16xi32>
      %add3A_1749 = arith.constant 25000 : i32
      %add3A_1750 = vector.broadcast %add3A_1749 : i32 to vector<16xi32>
      %add3A_1751 = arith.addi %add3A_1750, %and3A_1748 : vector<16xi32>
      %select_n3A_1752 = arith.select %and3A_1745, %sub3A_1738, %add3A_1751 : vector<16xi1>, vector<16xi32>
      %mul3A_1753 = arith.constant 16 : i32
      %mul3A_1754 = arith.muli %scan3A_1729, %mul3A_1753 : i32
      %swap3A_1755 = arith.constant 5 : i32
      %swap3A_1756 = arith.index_cast %swap3A_1755 : i32 to index
      %swap3A_1757 = arith.index_cast %mul3A_1754 : i32 to index
      %swap3A_1758 = tpu.vector_load %arg8[%swap3A_1756, %swap3A_1757] {strides = array<i32>} : memref<8x128xi32, #tpu.memory_space<vmem>>, vector<1x16xi32>,
      %swap3A_1759 = vector.shape_cast %swap3A_1758 : vector<1x16xi32> to vector<16xi32>
      %swap3A_1760 = vector.shape_cast %select_n3A_1752 : vector<16xi32> to vector<1x16xi32>
      tpu.vector_store %arg8[%swap3A_1756, %swap3A_1757], %swap3A_1760 {strides = array<i32>} : memref<8x128xi32, #tpu.memory_space<vmem>>, vector<1x16xi32>,
      %scan3A_1761 = arith.constant 0 : i32
      %scan3A_1762 = arith.constant 6 : i32
      %mul3A_1763 = arith.constant 16 : i32
      %mul3A_1764 = arith.muli %scan3A_1762, %mul3A_1763 : i32
      %get3A_1765 = arith.constant 5 : i32
      %get3A_1766 = arith.index_cast %get3A_1765 : i32 to index
      %get3A_1767 = arith.index_cast %mul3A_1764 : i32 to index
      %get3A_1768 = tpu.vector_load %arg6[%get3A_1766, %get3A_1767] {strides = array<i32>} : memref<8x128xi32, #tpu.memory_space<vmem>>, vector<1x16xi32>,
      %get3A_1769 = vector.shape_cast %get3A_1768 : vector<1x16xi32> to vector<16xi32>
      %sub3A_1770 = vector.broadcast %mul3A_0 : i32 to vector<16xi32>
      %sub3A_1771 = arith.subi %get3A_1769, %sub3A_1770 : vector<16xi32>
      %ge3A_1772 = arith.constant 0 : i32
      %ge3A_1773 = vector.broadcast %ge3A_1772 : i32 to vector<16xi32>
      %ge3A_1774 = arith.cmpi sge, %sub3A_1771, %ge3A_1773 : vector<16xi32>
      %lt3A_1775 = arith.constant 25000 : i32
      %lt3A_1776 = vector.broadcast %lt3A_1775 : i32 to vector<16xi32>
      %lt3A_1777 = arith.cmpi slt, %sub3A_1771, %lt3A_1776 : vector<16xi32>
      %and3A_1778 = arith.andi %ge3A_1774, %lt3A_1777 : vector<16xi1>
      %and3A_1779 = arith.constant 127 : i32
      %and3A_1780 = vector.broadcast %and3A_1779 : i32 to vector<16xi32>
      %and3A_1781 = arith.andi %sub3A_1771, %and3A_1780 : vector<16xi32>
      %add3A_1782 = arith.constant 25000 : i32
      %add3A_1783 = vector.broadcast %add3A_1782 : i32 to vector<16xi32>
      %add3A_1784 = arith.addi %add3A_1783, %and3A_1781 : vector<16xi32>
      %select_n3A_1785 = arith.select %and3A_1778, %sub3A_1771, %add3A_1784 : vector<16xi1>, vector<16xi32>
      %mul3A_1786 = arith.constant 16 : i32
      %mul3A_1787 = arith.muli %scan3A_1762, %mul3A_1786 : i32
      %swap3A_1788 = arith.constant 5 : i32
      %swap3A_1789 = arith.index_cast %swap3A_1788 : i32 to index
      %swap3A_1790 = arith.index_cast %mul3A_1787 : i32 to index
      %swap3A_1791 = tpu.vector_load %arg8[%swap3A_1789, %swap3A_1790] {strides = array<i32>} : memref<8x128xi32, #tpu.memory_space<vmem>>, vector<1x16xi32>,
      %swap3A_1792 = vector.shape_cast %swap3A_1791 : vector<1x16xi32> to vector<16xi32>
      %swap3A_1793 = vector.shape_cast %select_n3A_1785 : vector<16xi32> to vector<1x16xi32>
      tpu.vector_store %arg8[%swap3A_1789, %swap3A_1790], %swap3A_1793 {strides = array<i32>} : memref<8x128xi32, #tpu.memory_space<vmem>>, vector<1x16xi32>,
      %scan3A_1794 = arith.constant 0 : i32
      %scan3A_1795 = arith.constant 7 : i32
      %mul3A_1796 = arith.constant 16 : i32
      %mul3A_1797 = arith.muli %scan3A_1795, %mul3A_1796 : i32
      %get3A_1798 = arith.constant 5 : i32
      %get3A_1799 = arith.index_cast %get3A_1798 : i32 to index
      %get3A_1800 = arith.index_cast %mul3A_1797 : i32 to index
      %get3A_1801 = tpu.vector_load %arg6[%get3A_1799, %get3A_1800] {strides = array<i32>} : memref<8x128xi32, #tpu.memory_space<vmem>>, vector<1x16xi32>,
      %get3A_1802 = vector.shape_cast %get3A_1801 : vector<1x16xi32> to vector<16xi32>
      %sub3A_1803 = vector.broadcast %mul3A_0 : i32 to vector<16xi32>
      %sub3A_1804 = arith.subi %get3A_1802, %sub3A_1803 : vector<16xi32>
      %ge3A_1805 = arith.constant 0 : i32
      %ge3A_1806 = vector.broadcast %ge3A_1805 : i32 to vector<16xi32>
      %ge3A_1807 = arith.cmpi sge, %sub3A_1804, %ge3A_1806 : vector<16xi32>
      %lt3A_1808 = arith.constant 25000 : i32
      %lt3A_1809 = vector.broadcast %lt3A_1808 : i32 to vector<16xi32>
      %lt3A_1810 = arith.cmpi slt, %sub3A_1804, %lt3A_1809 : vector<16xi32>
      %and3A_1811 = arith.andi %ge3A_1807, %lt3A_1810 : vector<16xi1>
      %and3A_1812 = arith.constant 127 : i32
      %and3A_1813 = vector.broadcast %and3A_1812 : i32 to vector<16xi32>
      %and3A_1814 = arith.andi %sub3A_1804, %and3A_1813 : vector<16xi32>
      %add3A_1815 = arith.constant 25000 : i32
      %add3A_1816 = vector.broadcast %add3A_1815 : i32 to vector<16xi32>
      %add3A_1817 = arith.addi %add3A_1816, %and3A_1814 : vector<16xi32>
      %select_n3A_1818 = arith.select %and3A_1811, %sub3A_1804, %add3A_1817 : vector<16xi1>, vector<16xi32>
      %mul3A_1819 = arith.constant 16 : i32
      %mul3A_1820 = arith.muli %scan3A_1795, %mul3A_1819 : i32
      %swap3A_1821 = arith.constant 5 : i32
      %swap3A_1822 = arith.index_cast %swap3A_1821 : i32 to index
      %swap3A_1823 = arith.index_cast %mul3A_1820 : i32 to index
      %swap3A_1824 = tpu.vector_load %arg8[%swap3A_1822, %swap3A_1823] {strides = array<i32>} : memref<8x128xi32, #tpu.memory_space<vmem>>, vector<1x16xi32>,
      %swap3A_1825 = vector.shape_cast %swap3A_1824 : vector<1x16xi32> to vector<16xi32>
      %swap3A_1826 = vector.shape_cast %select_n3A_1818 : vector<16xi32> to vector<1x16xi32>
      tpu.vector_store %arg8[%swap3A_1822, %swap3A_1823], %swap3A_1826 {strides = array<i32>} : memref<8x128xi32, #tpu.memory_space<vmem>>, vector<1x16xi32>,
      %scan3A_1827 = arith.constant 0 : i32
      %scan3A_1828 = arith.constant 8 : i32
      %dma_start3A_1829 = arith.constant 5 : i32
      %dma_start3A_1830 = arith.constant 0 : i32
      %dma_start3A_1831 = tpu.memref_slice %arg8[%dma_start3A_1829, %dma_start3A_1830] : memref<8x128xi32, #tpu.memory_space<vmem>> -> memref<1x128xi32, #tpu.memory_space<vmem>>
      %dma_start3A_1832 = tpu.memref_squeeze %dma_start3A_1831 : memref<1x128xi32, #tpu.memory_space<vmem>> -> memref<128xi32, #tpu.memory_space<vmem>>
      %dma_start3A_1833 = arith.constant 0 : i32
      %dma_start3A_1834 = arith.constant 0 : i32
      %dma_start3A_1835 = tpu.memref_slice %arg12[%dma_start3A_1833, %dma_start3A_1834] : memref<25152x16xf32, #tpu.memory_space<vmem_shared>> -> memref<25152x16xf32, #tpu.memory_space<vmem_shared>>
      tpu.enqueue_indirect_dma source(%arg9 : memref<128x16xf32, #tpu.memory_space<vmem>>) target(%dma_start3A_1835 : memref<25152x16xf32, #tpu.memory_space<vmem_shared>>) offsets(%dma_start3A_1832 : memref<128xi32, #tpu.memory_space<vmem>>) semaphore(%arg14 : memref<!tpu.dma_semaphore, #tpu.memory_space<semaphore_mem>>) {add = true}
      %scan3A_1836 = arith.constant 0 : i32
      %scan3A_1837 = arith.constant 0 : i32
      %mul3A_1838 = arith.constant 16 : i32
      %mul3A_1839 = arith.muli %scan3A_1837, %mul3A_1838 : i32
      %get3A_1840 = arith.constant 6 : i32
      %get3A_1841 = arith.index_cast %get3A_1840 : i32 to index
      %get3A_1842 = arith.index_cast %mul3A_1839 : i32 to index
      %get3A_1843 = tpu.vector_load %arg6[%get3A_1841, %get3A_1842] {strides = array<i32>} : memref<8x128xi32, #tpu.memory_space<vmem>>, vector<1x16xi32>,
      %get3A_1844 = vector.shape_cast %get3A_1843 : vector<1x16xi32> to vector<16xi32>
      %sub3A_1845 = vector.broadcast %mul3A_0 : i32 to vector<16xi32>
      %sub3A_1846 = arith.subi %get3A_1844, %sub3A_1845 : vector<16xi32>
      %ge3A_1847 = arith.constant 0 : i32
      %ge3A_1848 = vector.broadcast %ge3A_1847 : i32 to vector<16xi32>
      %ge3A_1849 = arith.cmpi sge, %sub3A_1846, %ge3A_1848 : vector<16xi32>
      %lt3A_1850 = arith.constant 25000 : i32
      %lt3A_1851 = vector.broadcast %lt3A_1850 : i32 to vector<16xi32>
      %lt3A_1852 = arith.cmpi slt, %sub3A_1846, %lt3A_1851 : vector<16xi32>
      %and3A_1853 = arith.andi %ge3A_1849, %lt3A_1852 : vector<16xi1>
      %and3A_1854 = arith.constant 127 : i32
      %and3A_1855 = vector.broadcast %and3A_1854 : i32 to vector<16xi32>
      %and3A_1856 = arith.andi %sub3A_1846, %and3A_1855 : vector<16xi32>
      %add3A_1857 = arith.constant 25000 : i32
      %add3A_1858 = vector.broadcast %add3A_1857 : i32 to vector<16xi32>
      %add3A_1859 = arith.addi %add3A_1858, %and3A_1856 : vector<16xi32>
      %select_n3A_1860 = arith.select %and3A_1853, %sub3A_1846, %add3A_1859 : vector<16xi1>, vector<16xi32>
      %mul3A_1861 = arith.constant 16 : i32
      %mul3A_1862 = arith.muli %scan3A_1837, %mul3A_1861 : i32
      %swap3A_1863 = arith.constant 6 : i32
      %swap3A_1864 = arith.index_cast %swap3A_1863 : i32 to index
      %swap3A_1865 = arith.index_cast %mul3A_1862 : i32 to index
      %swap3A_1866 = tpu.vector_load %arg8[%swap3A_1864, %swap3A_1865] {strides = array<i32>} : memref<8x128xi32, #tpu.memory_space<vmem>>, vector<1x16xi32>,
      %swap3A_1867 = vector.shape_cast %swap3A_1866 : vector<1x16xi32> to vector<16xi32>
      %swap3A_1868 = vector.shape_cast %select_n3A_1860 : vector<16xi32> to vector<1x16xi32>
      tpu.vector_store %arg8[%swap3A_1864, %swap3A_1865], %swap3A_1868 {strides = array<i32>} : memref<8x128xi32, #tpu.memory_space<vmem>>, vector<1x16xi32>,
      %scan3A_1869 = arith.constant 0 : i32
      %scan3A_1870 = arith.constant 1 : i32
      %mul3A_1871 = arith.constant 16 : i32
      %mul3A_1872 = arith.muli %scan3A_1870, %mul3A_1871 : i32
      %get3A_1873 = arith.constant 6 : i32
      %get3A_1874 = arith.index_cast %get3A_1873 : i32 to index
      %get3A_1875 = arith.index_cast %mul3A_1872 : i32 to index
      %get3A_1876 = tpu.vector_load %arg6[%get3A_1874, %get3A_1875] {strides = array<i32>} : memref<8x128xi32, #tpu.memory_space<vmem>>, vector<1x16xi32>,
      %get3A_1877 = vector.shape_cast %get3A_1876 : vector<1x16xi32> to vector<16xi32>
      %sub3A_1878 = vector.broadcast %mul3A_0 : i32 to vector<16xi32>
      %sub3A_1879 = arith.subi %get3A_1877, %sub3A_1878 : vector<16xi32>
      %ge3A_1880 = arith.constant 0 : i32
      %ge3A_1881 = vector.broadcast %ge3A_1880 : i32 to vector<16xi32>
      %ge3A_1882 = arith.cmpi sge, %sub3A_1879, %ge3A_1881 : vector<16xi32>
      %lt3A_1883 = arith.constant 25000 : i32
      %lt3A_1884 = vector.broadcast %lt3A_1883 : i32 to vector<16xi32>
      %lt3A_1885 = arith.cmpi slt, %sub3A_1879, %lt3A_1884 : vector<16xi32>
      %and3A_1886 = arith.andi %ge3A_1882, %lt3A_1885 : vector<16xi1>
      %and3A_1887 = arith.constant 127 : i32
      %and3A_1888 = vector.broadcast %and3A_1887 : i32 to vector<16xi32>
      %and3A_1889 = arith.andi %sub3A_1879, %and3A_1888 : vector<16xi32>
      %add3A_1890 = arith.constant 25000 : i32
      %add3A_1891 = vector.broadcast %add3A_1890 : i32 to vector<16xi32>
      %add3A_1892 = arith.addi %add3A_1891, %and3A_1889 : vector<16xi32>
      %select_n3A_1893 = arith.select %and3A_1886, %sub3A_1879, %add3A_1892 : vector<16xi1>, vector<16xi32>
      %mul3A_1894 = arith.constant 16 : i32
      %mul3A_1895 = arith.muli %scan3A_1870, %mul3A_1894 : i32
      %swap3A_1896 = arith.constant 6 : i32
      %swap3A_1897 = arith.index_cast %swap3A_1896 : i32 to index
      %swap3A_1898 = arith.index_cast %mul3A_1895 : i32 to index
      %swap3A_1899 = tpu.vector_load %arg8[%swap3A_1897, %swap3A_1898] {strides = array<i32>} : memref<8x128xi32, #tpu.memory_space<vmem>>, vector<1x16xi32>,
      %swap3A_1900 = vector.shape_cast %swap3A_1899 : vector<1x16xi32> to vector<16xi32>
      %swap3A_1901 = vector.shape_cast %select_n3A_1893 : vector<16xi32> to vector<1x16xi32>
      tpu.vector_store %arg8[%swap3A_1897, %swap3A_1898], %swap3A_1901 {strides = array<i32>} : memref<8x128xi32, #tpu.memory_space<vmem>>, vector<1x16xi32>,
      %scan3A_1902 = arith.constant 0 : i32
      %scan3A_1903 = arith.constant 2 : i32
      %mul3A_1904 = arith.constant 16 : i32
      %mul3A_1905 = arith.muli %scan3A_1903, %mul3A_1904 : i32
      %get3A_1906 = arith.constant 6 : i32
      %get3A_1907 = arith.index_cast %get3A_1906 : i32 to index
      %get3A_1908 = arith.index_cast %mul3A_1905 : i32 to index
      %get3A_1909 = tpu.vector_load %arg6[%get3A_1907, %get3A_1908] {strides = array<i32>} : memref<8x128xi32, #tpu.memory_space<vmem>>, vector<1x16xi32>,
      %get3A_1910 = vector.shape_cast %get3A_1909 : vector<1x16xi32> to vector<16xi32>
      %sub3A_1911 = vector.broadcast %mul3A_0 : i32 to vector<16xi32>
      %sub3A_1912 = arith.subi %get3A_1910, %sub3A_1911 : vector<16xi32>
      %ge3A_1913 = arith.constant 0 : i32
      %ge3A_1914 = vector.broadcast %ge3A_1913 : i32 to vector<16xi32>
      %ge3A_1915 = arith.cmpi sge, %sub3A_1912, %ge3A_1914 : vector<16xi32>
      %lt3A_1916 = arith.constant 25000 : i32
      %lt3A_1917 = vector.broadcast %lt3A_1916 : i32 to vector<16xi32>
      %lt3A_1918 = arith.cmpi slt, %sub3A_1912, %lt3A_1917 : vector<16xi32>
      %and3A_1919 = arith.andi %ge3A_1915, %lt3A_1918 : vector<16xi1>
      %and3A_1920 = arith.constant 127 : i32
      %and3A_1921 = vector.broadcast %and3A_1920 : i32 to vector<16xi32>
      %and3A_1922 = arith.andi %sub3A_1912, %and3A_1921 : vector<16xi32>
      %add3A_1923 = arith.constant 25000 : i32
      %add3A_1924 = vector.broadcast %add3A_1923 : i32 to vector<16xi32>
      %add3A_1925 = arith.addi %add3A_1924, %and3A_1922 : vector<16xi32>
      %select_n3A_1926 = arith.select %and3A_1919, %sub3A_1912, %add3A_1925 : vector<16xi1>, vector<16xi32>
      %mul3A_1927 = arith.constant 16 : i32
      %mul3A_1928 = arith.muli %scan3A_1903, %mul3A_1927 : i32
      %swap3A_1929 = arith.constant 6 : i32
      %swap3A_1930 = arith.index_cast %swap3A_1929 : i32 to index
      %swap3A_1931 = arith.index_cast %mul3A_1928 : i32 to index
      %swap3A_1932 = tpu.vector_load %arg8[%swap3A_1930, %swap3A_1931] {strides = array<i32>} : memref<8x128xi32, #tpu.memory_space<vmem>>, vector<1x16xi32>,
      %swap3A_1933 = vector.shape_cast %swap3A_1932 : vector<1x16xi32> to vector<16xi32>
      %swap3A_1934 = vector.shape_cast %select_n3A_1926 : vector<16xi32> to vector<1x16xi32>
      tpu.vector_store %arg8[%swap3A_1930, %swap3A_1931], %swap3A_1934 {strides = array<i32>} : memref<8x128xi32, #tpu.memory_space<vmem>>, vector<1x16xi32>,
      %scan3A_1935 = arith.constant 0 : i32
      %scan3A_1936 = arith.constant 3 : i32
      %mul3A_1937 = arith.constant 16 : i32
      %mul3A_1938 = arith.muli %scan3A_1936, %mul3A_1937 : i32
      %get3A_1939 = arith.constant 6 : i32
      %get3A_1940 = arith.index_cast %get3A_1939 : i32 to index
      %get3A_1941 = arith.index_cast %mul3A_1938 : i32 to index
      %get3A_1942 = tpu.vector_load %arg6[%get3A_1940, %get3A_1941] {strides = array<i32>} : memref<8x128xi32, #tpu.memory_space<vmem>>, vector<1x16xi32>,
      %get3A_1943 = vector.shape_cast %get3A_1942 : vector<1x16xi32> to vector<16xi32>
      %sub3A_1944 = vector.broadcast %mul3A_0 : i32 to vector<16xi32>
      %sub3A_1945 = arith.subi %get3A_1943, %sub3A_1944 : vector<16xi32>
      %ge3A_1946 = arith.constant 0 : i32
      %ge3A_1947 = vector.broadcast %ge3A_1946 : i32 to vector<16xi32>
      %ge3A_1948 = arith.cmpi sge, %sub3A_1945, %ge3A_1947 : vector<16xi32>
      %lt3A_1949 = arith.constant 25000 : i32
      %lt3A_1950 = vector.broadcast %lt3A_1949 : i32 to vector<16xi32>
      %lt3A_1951 = arith.cmpi slt, %sub3A_1945, %lt3A_1950 : vector<16xi32>
      %and3A_1952 = arith.andi %ge3A_1948, %lt3A_1951 : vector<16xi1>
      %and3A_1953 = arith.constant 127 : i32
      %and3A_1954 = vector.broadcast %and3A_1953 : i32 to vector<16xi32>
      %and3A_1955 = arith.andi %sub3A_1945, %and3A_1954 : vector<16xi32>
      %add3A_1956 = arith.constant 25000 : i32
      %add3A_1957 = vector.broadcast %add3A_1956 : i32 to vector<16xi32>
      %add3A_1958 = arith.addi %add3A_1957, %and3A_1955 : vector<16xi32>
      %select_n3A_1959 = arith.select %and3A_1952, %sub3A_1945, %add3A_1958 : vector<16xi1>, vector<16xi32>
      %mul3A_1960 = arith.constant 16 : i32
      %mul3A_1961 = arith.muli %scan3A_1936, %mul3A_1960 : i32
      %swap3A_1962 = arith.constant 6 : i32
      %swap3A_1963 = arith.index_cast %swap3A_1962 : i32 to index
      %swap3A_1964 = arith.index_cast %mul3A_1961 : i32 to index
      %swap3A_1965 = tpu.vector_load %arg8[%swap3A_1963, %swap3A_1964] {strides = array<i32>} : memref<8x128xi32, #tpu.memory_space<vmem>>, vector<1x16xi32>,
      %swap3A_1966 = vector.shape_cast %swap3A_1965 : vector<1x16xi32> to vector<16xi32>
      %swap3A_1967 = vector.shape_cast %select_n3A_1959 : vector<16xi32> to vector<1x16xi32>
      tpu.vector_store %arg8[%swap3A_1963, %swap3A_1964], %swap3A_1967 {strides = array<i32>} : memref<8x128xi32, #tpu.memory_space<vmem>>, vector<1x16xi32>,
      %scan3A_1968 = arith.constant 0 : i32
      %scan3A_1969 = arith.constant 4 : i32
      %mul3A_1970 = arith.constant 16 : i32
      %mul3A_1971 = arith.muli %scan3A_1969, %mul3A_1970 : i32
      %get3A_1972 = arith.constant 6 : i32
      %get3A_1973 = arith.index_cast %get3A_1972 : i32 to index
      %get3A_1974 = arith.index_cast %mul3A_1971 : i32 to index
      %get3A_1975 = tpu.vector_load %arg6[%get3A_1973, %get3A_1974] {strides = array<i32>} : memref<8x128xi32, #tpu.memory_space<vmem>>, vector<1x16xi32>,
      %get3A_1976 = vector.shape_cast %get3A_1975 : vector<1x16xi32> to vector<16xi32>
      %sub3A_1977 = vector.broadcast %mul3A_0 : i32 to vector<16xi32>
      %sub3A_1978 = arith.subi %get3A_1976, %sub3A_1977 : vector<16xi32>
      %ge3A_1979 = arith.constant 0 : i32
      %ge3A_1980 = vector.broadcast %ge3A_1979 : i32 to vector<16xi32>
      %ge3A_1981 = arith.cmpi sge, %sub3A_1978, %ge3A_1980 : vector<16xi32>
      %lt3A_1982 = arith.constant 25000 : i32
      %lt3A_1983 = vector.broadcast %lt3A_1982 : i32 to vector<16xi32>
      %lt3A_1984 = arith.cmpi slt, %sub3A_1978, %lt3A_1983 : vector<16xi32>
      %and3A_1985 = arith.andi %ge3A_1981, %lt3A_1984 : vector<16xi1>
      %and3A_1986 = arith.constant 127 : i32
      %and3A_1987 = vector.broadcast %and3A_1986 : i32 to vector<16xi32>
      %and3A_1988 = arith.andi %sub3A_1978, %and3A_1987 : vector<16xi32>
      %add3A_1989 = arith.constant 25000 : i32
      %add3A_1990 = vector.broadcast %add3A_1989 : i32 to vector<16xi32>
      %add3A_1991 = arith.addi %add3A_1990, %and3A_1988 : vector<16xi32>
      %select_n3A_1992 = arith.select %and3A_1985, %sub3A_1978, %add3A_1991 : vector<16xi1>, vector<16xi32>
      %mul3A_1993 = arith.constant 16 : i32
      %mul3A_1994 = arith.muli %scan3A_1969, %mul3A_1993 : i32
      %swap3A_1995 = arith.constant 6 : i32
      %swap3A_1996 = arith.index_cast %swap3A_1995 : i32 to index
      %swap3A_1997 = arith.index_cast %mul3A_1994 : i32 to index
      %swap3A_1998 = tpu.vector_load %arg8[%swap3A_1996, %swap3A_1997] {strides = array<i32>} : memref<8x128xi32, #tpu.memory_space<vmem>>, vector<1x16xi32>,
      %swap3A_1999 = vector.shape_cast %swap3A_1998 : vector<1x16xi32> to vector<16xi32>
      %swap3A_2000 = vector.shape_cast %select_n3A_1992 : vector<16xi32> to vector<1x16xi32>
      tpu.vector_store %arg8[%swap3A_1996, %swap3A_1997], %swap3A_2000 {strides = array<i32>} : memref<8x128xi32, #tpu.memory_space<vmem>>, vector<1x16xi32>,
      %scan3A_2001 = arith.constant 0 : i32
      %scan3A_2002 = arith.constant 5 : i32
      %mul3A_2003 = arith.constant 16 : i32
      %mul3A_2004 = arith.muli %scan3A_2002, %mul3A_2003 : i32
      %get3A_2005 = arith.constant 6 : i32
      %get3A_2006 = arith.index_cast %get3A_2005 : i32 to index
      %get3A_2007 = arith.index_cast %mul3A_2004 : i32 to index
      %get3A_2008 = tpu.vector_load %arg6[%get3A_2006, %get3A_2007] {strides = array<i32>} : memref<8x128xi32, #tpu.memory_space<vmem>>, vector<1x16xi32>,
      %get3A_2009 = vector.shape_cast %get3A_2008 : vector<1x16xi32> to vector<16xi32>
      %sub3A_2010 = vector.broadcast %mul3A_0 : i32 to vector<16xi32>
      %sub3A_2011 = arith.subi %get3A_2009, %sub3A_2010 : vector<16xi32>
      %ge3A_2012 = arith.constant 0 : i32
      %ge3A_2013 = vector.broadcast %ge3A_2012 : i32 to vector<16xi32>
      %ge3A_2014 = arith.cmpi sge, %sub3A_2011, %ge3A_2013 : vector<16xi32>
      %lt3A_2015 = arith.constant 25000 : i32
      %lt3A_2016 = vector.broadcast %lt3A_2015 : i32 to vector<16xi32>
      %lt3A_2017 = arith.cmpi slt, %sub3A_2011, %lt3A_2016 : vector<16xi32>
      %and3A_2018 = arith.andi %ge3A_2014, %lt3A_2017 : vector<16xi1>
      %and3A_2019 = arith.constant 127 : i32
      %and3A_2020 = vector.broadcast %and3A_2019 : i32 to vector<16xi32>
      %and3A_2021 = arith.andi %sub3A_2011, %and3A_2020 : vector<16xi32>
      %add3A_2022 = arith.constant 25000 : i32
      %add3A_2023 = vector.broadcast %add3A_2022 : i32 to vector<16xi32>
      %add3A_2024 = arith.addi %add3A_2023, %and3A_2021 : vector<16xi32>
      %select_n3A_2025 = arith.select %and3A_2018, %sub3A_2011, %add3A_2024 : vector<16xi1>, vector<16xi32>
      %mul3A_2026 = arith.constant 16 : i32
      %mul3A_2027 = arith.muli %scan3A_2002, %mul3A_2026 : i32
      %swap3A_2028 = arith.constant 6 : i32
      %swap3A_2029 = arith.index_cast %swap3A_2028 : i32 to index
      %swap3A_2030 = arith.index_cast %mul3A_2027 : i32 to index
      %swap3A_2031 = tpu.vector_load %arg8[%swap3A_2029, %swap3A_2030] {strides = array<i32>} : memref<8x128xi32, #tpu.memory_space<vmem>>, vector<1x16xi32>,
      %swap3A_2032 = vector.shape_cast %swap3A_2031 : vector<1x16xi32> to vector<16xi32>
      %swap3A_2033 = vector.shape_cast %select_n3A_2025 : vector<16xi32> to vector<1x16xi32>
      tpu.vector_store %arg8[%swap3A_2029, %swap3A_2030], %swap3A_2033 {strides = array<i32>} : memref<8x128xi32, #tpu.memory_space<vmem>>, vector<1x16xi32>,
      %scan3A_2034 = arith.constant 0 : i32
      %scan3A_2035 = arith.constant 6 : i32
      %mul3A_2036 = arith.constant 16 : i32
      %mul3A_2037 = arith.muli %scan3A_2035, %mul3A_2036 : i32
      %get3A_2038 = arith.constant 6 : i32
      %get3A_2039 = arith.index_cast %get3A_2038 : i32 to index
      %get3A_2040 = arith.index_cast %mul3A_2037 : i32 to index
      %get3A_2041 = tpu.vector_load %arg6[%get3A_2039, %get3A_2040] {strides = array<i32>} : memref<8x128xi32, #tpu.memory_space<vmem>>, vector<1x16xi32>,
      %get3A_2042 = vector.shape_cast %get3A_2041 : vector<1x16xi32> to vector<16xi32>
      %sub3A_2043 = vector.broadcast %mul3A_0 : i32 to vector<16xi32>
      %sub3A_2044 = arith.subi %get3A_2042, %sub3A_2043 : vector<16xi32>
      %ge3A_2045 = arith.constant 0 : i32
      %ge3A_2046 = vector.broadcast %ge3A_2045 : i32 to vector<16xi32>
      %ge3A_2047 = arith.cmpi sge, %sub3A_2044, %ge3A_2046 : vector<16xi32>
      %lt3A_2048 = arith.constant 25000 : i32
      %lt3A_2049 = vector.broadcast %lt3A_2048 : i32 to vector<16xi32>
      %lt3A_2050 = arith.cmpi slt, %sub3A_2044, %lt3A_2049 : vector<16xi32>
      %and3A_2051 = arith.andi %ge3A_2047, %lt3A_2050 : vector<16xi1>
      %and3A_2052 = arith.constant 127 : i32
      %and3A_2053 = vector.broadcast %and3A_2052 : i32 to vector<16xi32>
      %and3A_2054 = arith.andi %sub3A_2044, %and3A_2053 : vector<16xi32>
      %add3A_2055 = arith.constant 25000 : i32
      %add3A_2056 = vector.broadcast %add3A_2055 : i32 to vector<16xi32>
      %add3A_2057 = arith.addi %add3A_2056, %and3A_2054 : vector<16xi32>
      %select_n3A_2058 = arith.select %and3A_2051, %sub3A_2044, %add3A_2057 : vector<16xi1>, vector<16xi32>
      %mul3A_2059 = arith.constant 16 : i32
      %mul3A_2060 = arith.muli %scan3A_2035, %mul3A_2059 : i32
      %swap3A_2061 = arith.constant 6 : i32
      %swap3A_2062 = arith.index_cast %swap3A_2061 : i32 to index
      %swap3A_2063 = arith.index_cast %mul3A_2060 : i32 to index
      %swap3A_2064 = tpu.vector_load %arg8[%swap3A_2062, %swap3A_2063] {strides = array<i32>} : memref<8x128xi32, #tpu.memory_space<vmem>>, vector<1x16xi32>,
      %swap3A_2065 = vector.shape_cast %swap3A_2064 : vector<1x16xi32> to vector<16xi32>
      %swap3A_2066 = vector.shape_cast %select_n3A_2058 : vector<16xi32> to vector<1x16xi32>
      tpu.vector_store %arg8[%swap3A_2062, %swap3A_2063], %swap3A_2066 {strides = array<i32>} : memref<8x128xi32, #tpu.memory_space<vmem>>, vector<1x16xi32>,
      %scan3A_2067 = arith.constant 0 : i32
      %scan3A_2068 = arith.constant 7 : i32
      %mul3A_2069 = arith.constant 16 : i32
      %mul3A_2070 = arith.muli %scan3A_2068, %mul3A_2069 : i32
      %get3A_2071 = arith.constant 6 : i32
      %get3A_2072 = arith.index_cast %get3A_2071 : i32 to index
      %get3A_2073 = arith.index_cast %mul3A_2070 : i32 to index
      %get3A_2074 = tpu.vector_load %arg6[%get3A_2072, %get3A_2073] {strides = array<i32>} : memref<8x128xi32, #tpu.memory_space<vmem>>, vector<1x16xi32>,
      %get3A_2075 = vector.shape_cast %get3A_2074 : vector<1x16xi32> to vector<16xi32>
      %sub3A_2076 = vector.broadcast %mul3A_0 : i32 to vector<16xi32>
      %sub3A_2077 = arith.subi %get3A_2075, %sub3A_2076 : vector<16xi32>
      %ge3A_2078 = arith.constant 0 : i32
      %ge3A_2079 = vector.broadcast %ge3A_2078 : i32 to vector<16xi32>
      %ge3A_2080 = arith.cmpi sge, %sub3A_2077, %ge3A_2079 : vector<16xi32>
      %lt3A_2081 = arith.constant 25000 : i32
      %lt3A_2082 = vector.broadcast %lt3A_2081 : i32 to vector<16xi32>
      %lt3A_2083 = arith.cmpi slt, %sub3A_2077, %lt3A_2082 : vector<16xi32>
      %and3A_2084 = arith.andi %ge3A_2080, %lt3A_2083 : vector<16xi1>
      %and3A_2085 = arith.constant 127 : i32
      %and3A_2086 = vector.broadcast %and3A_2085 : i32 to vector<16xi32>
      %and3A_2087 = arith.andi %sub3A_2077, %and3A_2086 : vector<16xi32>
      %add3A_2088 = arith.constant 25000 : i32
      %add3A_2089 = vector.broadcast %add3A_2088 : i32 to vector<16xi32>
      %add3A_2090 = arith.addi %add3A_2089, %and3A_2087 : vector<16xi32>
      %select_n3A_2091 = arith.select %and3A_2084, %sub3A_2077, %add3A_2090 : vector<16xi1>, vector<16xi32>
      %mul3A_2092 = arith.constant 16 : i32
      %mul3A_2093 = arith.muli %scan3A_2068, %mul3A_2092 : i32
      %swap3A_2094 = arith.constant 6 : i32
      %swap3A_2095 = arith.index_cast %swap3A_2094 : i32 to index
      %swap3A_2096 = arith.index_cast %mul3A_2093 : i32 to index
      %swap3A_2097 = tpu.vector_load %arg8[%swap3A_2095, %swap3A_2096] {strides = array<i32>} : memref<8x128xi32, #tpu.memory_space<vmem>>, vector<1x16xi32>,
      %swap3A_2098 = vector.shape_cast %swap3A_2097 : vector<1x16xi32> to vector<16xi32>
      %swap3A_2099 = vector.shape_cast %select_n3A_2091 : vector<16xi32> to vector<1x16xi32>
      tpu.vector_store %arg8[%swap3A_2095, %swap3A_2096], %swap3A_2099 {strides = array<i32>} : memref<8x128xi32, #tpu.memory_space<vmem>>, vector<1x16xi32>,
      %scan3A_2100 = arith.constant 0 : i32
      %scan3A_2101 = arith.constant 8 : i32
      %dma_start3A_2102 = arith.constant 6 : i32
      %dma_start3A_2103 = arith.constant 0 : i32
      %dma_start3A_2104 = tpu.memref_slice %arg8[%dma_start3A_2102, %dma_start3A_2103] : memref<8x128xi32, #tpu.memory_space<vmem>> -> memref<1x128xi32, #tpu.memory_space<vmem>>
      %dma_start3A_2105 = tpu.memref_squeeze %dma_start3A_2104 : memref<1x128xi32, #tpu.memory_space<vmem>> -> memref<128xi32, #tpu.memory_space<vmem>>
      %dma_start3A_2106 = arith.constant 0 : i32
      %dma_start3A_2107 = arith.constant 0 : i32
      %dma_start3A_2108 = tpu.memref_slice %arg12[%dma_start3A_2106, %dma_start3A_2107] : memref<25152x16xf32, #tpu.memory_space<vmem_shared>> -> memref<25152x16xf32, #tpu.memory_space<vmem_shared>>
      tpu.enqueue_indirect_dma source(%arg9 : memref<128x16xf32, #tpu.memory_space<vmem>>) target(%dma_start3A_2108 : memref<25152x16xf32, #tpu.memory_space<vmem_shared>>) offsets(%dma_start3A_2105 : memref<128xi32, #tpu.memory_space<vmem>>) semaphore(%arg14 : memref<!tpu.dma_semaphore, #tpu.memory_space<semaphore_mem>>) {add = true}
      %scan3A_2109 = arith.constant 0 : i32
      %scan3A_2110 = arith.constant 0 : i32
      %mul3A_2111 = arith.constant 16 : i32
      %mul3A_2112 = arith.muli %scan3A_2110, %mul3A_2111 : i32
      %get3A_2113 = arith.constant 7 : i32
      %get3A_2114 = arith.index_cast %get3A_2113 : i32 to index
      %get3A_2115 = arith.index_cast %mul3A_2112 : i32 to index
      %get3A_2116 = tpu.vector_load %arg6[%get3A_2114, %get3A_2115] {strides = array<i32>} : memref<8x128xi32, #tpu.memory_space<vmem>>, vector<1x16xi32>,
      %get3A_2117 = vector.shape_cast %get3A_2116 : vector<1x16xi32> to vector<16xi32>
      %sub3A_2118 = vector.broadcast %mul3A_0 : i32 to vector<16xi32>
      %sub3A_2119 = arith.subi %get3A_2117, %sub3A_2118 : vector<16xi32>
      %ge3A_2120 = arith.constant 0 : i32
      %ge3A_2121 = vector.broadcast %ge3A_2120 : i32 to vector<16xi32>
      %ge3A_2122 = arith.cmpi sge, %sub3A_2119, %ge3A_2121 : vector<16xi32>
      %lt3A_2123 = arith.constant 25000 : i32
      %lt3A_2124 = vector.broadcast %lt3A_2123 : i32 to vector<16xi32>
      %lt3A_2125 = arith.cmpi slt, %sub3A_2119, %lt3A_2124 : vector<16xi32>
      %and3A_2126 = arith.andi %ge3A_2122, %lt3A_2125 : vector<16xi1>
      %and3A_2127 = arith.constant 127 : i32
      %and3A_2128 = vector.broadcast %and3A_2127 : i32 to vector<16xi32>
      %and3A_2129 = arith.andi %sub3A_2119, %and3A_2128 : vector<16xi32>
      %add3A_2130 = arith.constant 25000 : i32
      %add3A_2131 = vector.broadcast %add3A_2130 : i32 to vector<16xi32>
      %add3A_2132 = arith.addi %add3A_2131, %and3A_2129 : vector<16xi32>
      %select_n3A_2133 = arith.select %and3A_2126, %sub3A_2119, %add3A_2132 : vector<16xi1>, vector<16xi32>
      %mul3A_2134 = arith.constant 16 : i32
      %mul3A_2135 = arith.muli %scan3A_2110, %mul3A_2134 : i32
      %swap3A_2136 = arith.constant 7 : i32
      %swap3A_2137 = arith.index_cast %swap3A_2136 : i32 to index
      %swap3A_2138 = arith.index_cast %mul3A_2135 : i32 to index
      %swap3A_2139 = tpu.vector_load %arg8[%swap3A_2137, %swap3A_2138] {strides = array<i32>} : memref<8x128xi32, #tpu.memory_space<vmem>>, vector<1x16xi32>,
      %swap3A_2140 = vector.shape_cast %swap3A_2139 : vector<1x16xi32> to vector<16xi32>
      %swap3A_2141 = vector.shape_cast %select_n3A_2133 : vector<16xi32> to vector<1x16xi32>
      tpu.vector_store %arg8[%swap3A_2137, %swap3A_2138], %swap3A_2141 {strides = array<i32>} : memref<8x128xi32, #tpu.memory_space<vmem>>, vector<1x16xi32>,
      %scan3A_2142 = arith.constant 0 : i32
      %scan3A_2143 = arith.constant 1 : i32
      %mul3A_2144 = arith.constant 16 : i32
      %mul3A_2145 = arith.muli %scan3A_2143, %mul3A_2144 : i32
      %get3A_2146 = arith.constant 7 : i32
      %get3A_2147 = arith.index_cast %get3A_2146 : i32 to index
      %get3A_2148 = arith.index_cast %mul3A_2145 : i32 to index
      %get3A_2149 = tpu.vector_load %arg6[%get3A_2147, %get3A_2148] {strides = array<i32>} : memref<8x128xi32, #tpu.memory_space<vmem>>, vector<1x16xi32>,
      %get3A_2150 = vector.shape_cast %get3A_2149 : vector<1x16xi32> to vector<16xi32>
      %sub3A_2151 = vector.broadcast %mul3A_0 : i32 to vector<16xi32>
      %sub3A_2152 = arith.subi %get3A_2150, %sub3A_2151 : vector<16xi32>
      %ge3A_2153 = arith.constant 0 : i32
      %ge3A_2154 = vector.broadcast %ge3A_2153 : i32 to vector<16xi32>
      %ge3A_2155 = arith.cmpi sge, %sub3A_2152, %ge3A_2154 : vector<16xi32>
      %lt3A_2156 = arith.constant 25000 : i32
      %lt3A_2157 = vector.broadcast %lt3A_2156 : i32 to vector<16xi32>
      %lt3A_2158 = arith.cmpi slt, %sub3A_2152, %lt3A_2157 : vector<16xi32>
      %and3A_2159 = arith.andi %ge3A_2155, %lt3A_2158 : vector<16xi1>
      %and3A_2160 = arith.constant 127 : i32
      %and3A_2161 = vector.broadcast %and3A_2160 : i32 to vector<16xi32>
      %and3A_2162 = arith.andi %sub3A_2152, %and3A_2161 : vector<16xi32>
      %add3A_2163 = arith.constant 25000 : i32
      %add3A_2164 = vector.broadcast %add3A_2163 : i32 to vector<16xi32>
      %add3A_2165 = arith.addi %add3A_2164, %and3A_2162 : vector<16xi32>
      %select_n3A_2166 = arith.select %and3A_2159, %sub3A_2152, %add3A_2165 : vector<16xi1>, vector<16xi32>
      %mul3A_2167 = arith.constant 16 : i32
      %mul3A_2168 = arith.muli %scan3A_2143, %mul3A_2167 : i32
      %swap3A_2169 = arith.constant 7 : i32
      %swap3A_2170 = arith.index_cast %swap3A_2169 : i32 to index
      %swap3A_2171 = arith.index_cast %mul3A_2168 : i32 to index
      %swap3A_2172 = tpu.vector_load %arg8[%swap3A_2170, %swap3A_2171] {strides = array<i32>} : memref<8x128xi32, #tpu.memory_space<vmem>>, vector<1x16xi32>,
      %swap3A_2173 = vector.shape_cast %swap3A_2172 : vector<1x16xi32> to vector<16xi32>
      %swap3A_2174 = vector.shape_cast %select_n3A_2166 : vector<16xi32> to vector<1x16xi32>
      tpu.vector_store %arg8[%swap3A_2170, %swap3A_2171], %swap3A_2174 {strides = array<i32>} : memref<8x128xi32, #tpu.memory_space<vmem>>, vector<1x16xi32>,
      %scan3A_2175 = arith.constant 0 : i32
      %scan3A_2176 = arith.constant 2 : i32
      %mul3A_2177 = arith.constant 16 : i32
      %mul3A_2178 = arith.muli %scan3A_2176, %mul3A_2177 : i32
      %get3A_2179 = arith.constant 7 : i32
      %get3A_2180 = arith.index_cast %get3A_2179 : i32 to index
      %get3A_2181 = arith.index_cast %mul3A_2178 : i32 to index
      %get3A_2182 = tpu.vector_load %arg6[%get3A_2180, %get3A_2181] {strides = array<i32>} : memref<8x128xi32, #tpu.memory_space<vmem>>, vector<1x16xi32>,
      %get3A_2183 = vector.shape_cast %get3A_2182 : vector<1x16xi32> to vector<16xi32>
      %sub3A_2184 = vector.broadcast %mul3A_0 : i32 to vector<16xi32>
      %sub3A_2185 = arith.subi %get3A_2183, %sub3A_2184 : vector<16xi32>
      %ge3A_2186 = arith.constant 0 : i32
      %ge3A_2187 = vector.broadcast %ge3A_2186 : i32 to vector<16xi32>
      %ge3A_2188 = arith.cmpi sge, %sub3A_2185, %ge3A_2187 : vector<16xi32>
      %lt3A_2189 = arith.constant 25000 : i32
      %lt3A_2190 = vector.broadcast %lt3A_2189 : i32 to vector<16xi32>
      %lt3A_2191 = arith.cmpi slt, %sub3A_2185, %lt3A_2190 : vector<16xi32>
      %and3A_2192 = arith.andi %ge3A_2188, %lt3A_2191 : vector<16xi1>
      %and3A_2193 = arith.constant 127 : i32
      %and3A_2194 = vector.broadcast %and3A_2193 : i32 to vector<16xi32>
      %and3A_2195 = arith.andi %sub3A_2185, %and3A_2194 : vector<16xi32>
      %add3A_2196 = arith.constant 25000 : i32
      %add3A_2197 = vector.broadcast %add3A_2196 : i32 to vector<16xi32>
      %add3A_2198 = arith.addi %add3A_2197, %and3A_2195 : vector<16xi32>
      %select_n3A_2199 = arith.select %and3A_2192, %sub3A_2185, %add3A_2198 : vector<16xi1>, vector<16xi32>
      %mul3A_2200 = arith.constant 16 : i32
      %mul3A_2201 = arith.muli %scan3A_2176, %mul3A_2200 : i32
      %swap3A_2202 = arith.constant 7 : i32
      %swap3A_2203 = arith.index_cast %swap3A_2202 : i32 to index
      %swap3A_2204 = arith.index_cast %mul3A_2201 : i32 to index
      %swap3A_2205 = tpu.vector_load %arg8[%swap3A_2203, %swap3A_2204] {strides = array<i32>} : memref<8x128xi32, #tpu.memory_space<vmem>>, vector<1x16xi32>,
      %swap3A_2206 = vector.shape_cast %swap3A_2205 : vector<1x16xi32> to vector<16xi32>
      %swap3A_2207 = vector.shape_cast %select_n3A_2199 : vector<16xi32> to vector<1x16xi32>
      tpu.vector_store %arg8[%swap3A_2203, %swap3A_2204], %swap3A_2207 {strides = array<i32>} : memref<8x128xi32, #tpu.memory_space<vmem>>, vector<1x16xi32>,
      %scan3A_2208 = arith.constant 0 : i32
      %scan3A_2209 = arith.constant 3 : i32
      %mul3A_2210 = arith.constant 16 : i32
      %mul3A_2211 = arith.muli %scan3A_2209, %mul3A_2210 : i32
      %get3A_2212 = arith.constant 7 : i32
      %get3A_2213 = arith.index_cast %get3A_2212 : i32 to index
      %get3A_2214 = arith.index_cast %mul3A_2211 : i32 to index
      %get3A_2215 = tpu.vector_load %arg6[%get3A_2213, %get3A_2214] {strides = array<i32>} : memref<8x128xi32, #tpu.memory_space<vmem>>, vector<1x16xi32>,
      %get3A_2216 = vector.shape_cast %get3A_2215 : vector<1x16xi32> to vector<16xi32>
      %sub3A_2217 = vector.broadcast %mul3A_0 : i32 to vector<16xi32>
      %sub3A_2218 = arith.subi %get3A_2216, %sub3A_2217 : vector<16xi32>
      %ge3A_2219 = arith.constant 0 : i32
      %ge3A_2220 = vector.broadcast %ge3A_2219 : i32 to vector<16xi32>
      %ge3A_2221 = arith.cmpi sge, %sub3A_2218, %ge3A_2220 : vector<16xi32>
      %lt3A_2222 = arith.constant 25000 : i32
      %lt3A_2223 = vector.broadcast %lt3A_2222 : i32 to vector<16xi32>
      %lt3A_2224 = arith.cmpi slt, %sub3A_2218, %lt3A_2223 : vector<16xi32>
      %and3A_2225 = arith.andi %ge3A_2221, %lt3A_2224 : vector<16xi1>
      %and3A_2226 = arith.constant 127 : i32
      %and3A_2227 = vector.broadcast %and3A_2226 : i32 to vector<16xi32>
      %and3A_2228 = arith.andi %sub3A_2218, %and3A_2227 : vector<16xi32>
      %add3A_2229 = arith.constant 25000 : i32
      %add3A_2230 = vector.broadcast %add3A_2229 : i32 to vector<16xi32>
      %add3A_2231 = arith.addi %add3A_2230, %and3A_2228 : vector<16xi32>
      %select_n3A_2232 = arith.select %and3A_2225, %sub3A_2218, %add3A_2231 : vector<16xi1>, vector<16xi32>
      %mul3A_2233 = arith.constant 16 : i32
      %mul3A_2234 = arith.muli %scan3A_2209, %mul3A_2233 : i32
      %swap3A_2235 = arith.constant 7 : i32
      %swap3A_2236 = arith.index_cast %swap3A_2235 : i32 to index
      %swap3A_2237 = arith.index_cast %mul3A_2234 : i32 to index
      %swap3A_2238 = tpu.vector_load %arg8[%swap3A_2236, %swap3A_2237] {strides = array<i32>} : memref<8x128xi32, #tpu.memory_space<vmem>>, vector<1x16xi32>,
      %swap3A_2239 = vector.shape_cast %swap3A_2238 : vector<1x16xi32> to vector<16xi32>
      %swap3A_2240 = vector.shape_cast %select_n3A_2232 : vector<16xi32> to vector<1x16xi32>
      tpu.vector_store %arg8[%swap3A_2236, %swap3A_2237], %swap3A_2240 {strides = array<i32>} : memref<8x128xi32, #tpu.memory_space<vmem>>, vector<1x16xi32>,
      %scan3A_2241 = arith.constant 0 : i32
      %scan3A_2242 = arith.constant 4 : i32
      %mul3A_2243 = arith.constant 16 : i32
      %mul3A_2244 = arith.muli %scan3A_2242, %mul3A_2243 : i32
      %get3A_2245 = arith.constant 7 : i32
      %get3A_2246 = arith.index_cast %get3A_2245 : i32 to index
      %get3A_2247 = arith.index_cast %mul3A_2244 : i32 to index
      %get3A_2248 = tpu.vector_load %arg6[%get3A_2246, %get3A_2247] {strides = array<i32>} : memref<8x128xi32, #tpu.memory_space<vmem>>, vector<1x16xi32>,
      %get3A_2249 = vector.shape_cast %get3A_2248 : vector<1x16xi32> to vector<16xi32>
      %sub3A_2250 = vector.broadcast %mul3A_0 : i32 to vector<16xi32>
      %sub3A_2251 = arith.subi %get3A_2249, %sub3A_2250 : vector<16xi32>
      %ge3A_2252 = arith.constant 0 : i32
      %ge3A_2253 = vector.broadcast %ge3A_2252 : i32 to vector<16xi32>
      %ge3A_2254 = arith.cmpi sge, %sub3A_2251, %ge3A_2253 : vector<16xi32>
      %lt3A_2255 = arith.constant 25000 : i32
      %lt3A_2256 = vector.broadcast %lt3A_2255 : i32 to vector<16xi32>
      %lt3A_2257 = arith.cmpi slt, %sub3A_2251, %lt3A_2256 : vector<16xi32>
      %and3A_2258 = arith.andi %ge3A_2254, %lt3A_2257 : vector<16xi1>
      %and3A_2259 = arith.constant 127 : i32
      %and3A_2260 = vector.broadcast %and3A_2259 : i32 to vector<16xi32>
      %and3A_2261 = arith.andi %sub3A_2251, %and3A_2260 : vector<16xi32>
      %add3A_2262 = arith.constant 25000 : i32
      %add3A_2263 = vector.broadcast %add3A_2262 : i32 to vector<16xi32>
      %add3A_2264 = arith.addi %add3A_2263, %and3A_2261 : vector<16xi32>
      %select_n3A_2265 = arith.select %and3A_2258, %sub3A_2251, %add3A_2264 : vector<16xi1>, vector<16xi32>
      %mul3A_2266 = arith.constant 16 : i32
      %mul3A_2267 = arith.muli %scan3A_2242, %mul3A_2266 : i32
      %swap3A_2268 = arith.constant 7 : i32
      %swap3A_2269 = arith.index_cast %swap3A_2268 : i32 to index
      %swap3A_2270 = arith.index_cast %mul3A_2267 : i32 to index
      %swap3A_2271 = tpu.vector_load %arg8[%swap3A_2269, %swap3A_2270] {strides = array<i32>} : memref<8x128xi32, #tpu.memory_space<vmem>>, vector<1x16xi32>,
      %swap3A_2272 = vector.shape_cast %swap3A_2271 : vector<1x16xi32> to vector<16xi32>
      %swap3A_2273 = vector.shape_cast %select_n3A_2265 : vector<16xi32> to vector<1x16xi32>
      tpu.vector_store %arg8[%swap3A_2269, %swap3A_2270], %swap3A_2273 {strides = array<i32>} : memref<8x128xi32, #tpu.memory_space<vmem>>, vector<1x16xi32>,
      %scan3A_2274 = arith.constant 0 : i32
      %scan3A_2275 = arith.constant 5 : i32
      %mul3A_2276 = arith.constant 16 : i32
      %mul3A_2277 = arith.muli %scan3A_2275, %mul3A_2276 : i32
      %get3A_2278 = arith.constant 7 : i32
      %get3A_2279 = arith.index_cast %get3A_2278 : i32 to index
      %get3A_2280 = arith.index_cast %mul3A_2277 : i32 to index
      %get3A_2281 = tpu.vector_load %arg6[%get3A_2279, %get3A_2280] {strides = array<i32>} : memref<8x128xi32, #tpu.memory_space<vmem>>, vector<1x16xi32>,
      %get3A_2282 = vector.shape_cast %get3A_2281 : vector<1x16xi32> to vector<16xi32>
      %sub3A_2283 = vector.broadcast %mul3A_0 : i32 to vector<16xi32>
      %sub3A_2284 = arith.subi %get3A_2282, %sub3A_2283 : vector<16xi32>
      %ge3A_2285 = arith.constant 0 : i32
      %ge3A_2286 = vector.broadcast %ge3A_2285 : i32 to vector<16xi32>
      %ge3A_2287 = arith.cmpi sge, %sub3A_2284, %ge3A_2286 : vector<16xi32>
      %lt3A_2288 = arith.constant 25000 : i32
      %lt3A_2289 = vector.broadcast %lt3A_2288 : i32 to vector<16xi32>
      %lt3A_2290 = arith.cmpi slt, %sub3A_2284, %lt3A_2289 : vector<16xi32>
      %and3A_2291 = arith.andi %ge3A_2287, %lt3A_2290 : vector<16xi1>
      %and3A_2292 = arith.constant 127 : i32
      %and3A_2293 = vector.broadcast %and3A_2292 : i32 to vector<16xi32>
      %and3A_2294 = arith.andi %sub3A_2284, %and3A_2293 : vector<16xi32>
      %add3A_2295 = arith.constant 25000 : i32
      %add3A_2296 = vector.broadcast %add3A_2295 : i32 to vector<16xi32>
      %add3A_2297 = arith.addi %add3A_2296, %and3A_2294 : vector<16xi32>
      %select_n3A_2298 = arith.select %and3A_2291, %sub3A_2284, %add3A_2297 : vector<16xi1>, vector<16xi32>
      %mul3A_2299 = arith.constant 16 : i32
      %mul3A_2300 = arith.muli %scan3A_2275, %mul3A_2299 : i32
      %swap3A_2301 = arith.constant 7 : i32
      %swap3A_2302 = arith.index_cast %swap3A_2301 : i32 to index
      %swap3A_2303 = arith.index_cast %mul3A_2300 : i32 to index
      %swap3A_2304 = tpu.vector_load %arg8[%swap3A_2302, %swap3A_2303] {strides = array<i32>} : memref<8x128xi32, #tpu.memory_space<vmem>>, vector<1x16xi32>,
      %swap3A_2305 = vector.shape_cast %swap3A_2304 : vector<1x16xi32> to vector<16xi32>
      %swap3A_2306 = vector.shape_cast %select_n3A_2298 : vector<16xi32> to vector<1x16xi32>
      tpu.vector_store %arg8[%swap3A_2302, %swap3A_2303], %swap3A_2306 {strides = array<i32>} : memref<8x128xi32, #tpu.memory_space<vmem>>, vector<1x16xi32>,
      %scan3A_2307 = arith.constant 0 : i32
      %scan3A_2308 = arith.constant 6 : i32
      %mul3A_2309 = arith.constant 16 : i32
      %mul3A_2310 = arith.muli %scan3A_2308, %mul3A_2309 : i32
      %get3A_2311 = arith.constant 7 : i32
      %get3A_2312 = arith.index_cast %get3A_2311 : i32 to index
      %get3A_2313 = arith.index_cast %mul3A_2310 : i32 to index
      %get3A_2314 = tpu.vector_load %arg6[%get3A_2312, %get3A_2313] {strides = array<i32>} : memref<8x128xi32, #tpu.memory_space<vmem>>, vector<1x16xi32>,
      %get3A_2315 = vector.shape_cast %get3A_2314 : vector<1x16xi32> to vector<16xi32>
      %sub3A_2316 = vector.broadcast %mul3A_0 : i32 to vector<16xi32>
      %sub3A_2317 = arith.subi %get3A_2315, %sub3A_2316 : vector<16xi32>
      %ge3A_2318 = arith.constant 0 : i32
      %ge3A_2319 = vector.broadcast %ge3A_2318 : i32 to vector<16xi32>
      %ge3A_2320 = arith.cmpi sge, %sub3A_2317, %ge3A_2319 : vector<16xi32>
      %lt3A_2321 = arith.constant 25000 : i32
      %lt3A_2322 = vector.broadcast %lt3A_2321 : i32 to vector<16xi32>
      %lt3A_2323 = arith.cmpi slt, %sub3A_2317, %lt3A_2322 : vector<16xi32>
      %and3A_2324 = arith.andi %ge3A_2320, %lt3A_2323 : vector<16xi1>
      %and3A_2325 = arith.constant 127 : i32
      %and3A_2326 = vector.broadcast %and3A_2325 : i32 to vector<16xi32>
      %and3A_2327 = arith.andi %sub3A_2317, %and3A_2326 : vector<16xi32>
      %add3A_2328 = arith.constant 25000 : i32
      %add3A_2329 = vector.broadcast %add3A_2328 : i32 to vector<16xi32>
      %add3A_2330 = arith.addi %add3A_2329, %and3A_2327 : vector<16xi32>
      %select_n3A_2331 = arith.select %and3A_2324, %sub3A_2317, %add3A_2330 : vector<16xi1>, vector<16xi32>
      %mul3A_2332 = arith.constant 16 : i32
      %mul3A_2333 = arith.muli %scan3A_2308, %mul3A_2332 : i32
      %swap3A_2334 = arith.constant 7 : i32
      %swap3A_2335 = arith.index_cast %swap3A_2334 : i32 to index
      %swap3A_2336 = arith.index_cast %mul3A_2333 : i32 to index
      %swap3A_2337 = tpu.vector_load %arg8[%swap3A_2335, %swap3A_2336] {strides = array<i32>} : memref<8x128xi32, #tpu.memory_space<vmem>>, vector<1x16xi32>,
      %swap3A_2338 = vector.shape_cast %swap3A_2337 : vector<1x16xi32> to vector<16xi32>
      %swap3A_2339 = vector.shape_cast %select_n3A_2331 : vector<16xi32> to vector<1x16xi32>
      tpu.vector_store %arg8[%swap3A_2335, %swap3A_2336], %swap3A_2339 {strides = array<i32>} : memref<8x128xi32, #tpu.memory_space<vmem>>, vector<1x16xi32>,
      %scan3A_2340 = arith.constant 0 : i32
      %scan3A_2341 = arith.constant 7 : i32
      %mul3A_2342 = arith.constant 16 : i32
      %mul3A_2343 = arith.muli %scan3A_2341, %mul3A_2342 : i32
      %get3A_2344 = arith.constant 7 : i32
      %get3A_2345 = arith.index_cast %get3A_2344 : i32 to index
      %get3A_2346 = arith.index_cast %mul3A_2343 : i32 to index
      %get3A_2347 = tpu.vector_load %arg6[%get3A_2345, %get3A_2346] {strides = array<i32>} : memref<8x128xi32, #tpu.memory_space<vmem>>, vector<1x16xi32>,
      %get3A_2348 = vector.shape_cast %get3A_2347 : vector<1x16xi32> to vector<16xi32>
      %sub3A_2349 = vector.broadcast %mul3A_0 : i32 to vector<16xi32>
      %sub3A_2350 = arith.subi %get3A_2348, %sub3A_2349 : vector<16xi32>
      %ge3A_2351 = arith.constant 0 : i32
      %ge3A_2352 = vector.broadcast %ge3A_2351 : i32 to vector<16xi32>
      %ge3A_2353 = arith.cmpi sge, %sub3A_2350, %ge3A_2352 : vector<16xi32>
      %lt3A_2354 = arith.constant 25000 : i32
      %lt3A_2355 = vector.broadcast %lt3A_2354 : i32 to vector<16xi32>
      %lt3A_2356 = arith.cmpi slt, %sub3A_2350, %lt3A_2355 : vector<16xi32>
      %and3A_2357 = arith.andi %ge3A_2353, %lt3A_2356 : vector<16xi1>
      %and3A_2358 = arith.constant 127 : i32
      %and3A_2359 = vector.broadcast %and3A_2358 : i32 to vector<16xi32>
      %and3A_2360 = arith.andi %sub3A_2350, %and3A_2359 : vector<16xi32>
      %add3A_2361 = arith.constant 25000 : i32
      %add3A_2362 = vector.broadcast %add3A_2361 : i32 to vector<16xi32>
      %add3A_2363 = arith.addi %add3A_2362, %and3A_2360 : vector<16xi32>
      %select_n3A_2364 = arith.select %and3A_2357, %sub3A_2350, %add3A_2363 : vector<16xi1>, vector<16xi32>
      %mul3A_2365 = arith.constant 16 : i32
      %mul3A_2366 = arith.muli %scan3A_2341, %mul3A_2365 : i32
      %swap3A_2367 = arith.constant 7 : i32
      %swap3A_2368 = arith.index_cast %swap3A_2367 : i32 to index
      %swap3A_2369 = arith.index_cast %mul3A_2366 : i32 to index
      %swap3A_2370 = tpu.vector_load %arg8[%swap3A_2368, %swap3A_2369] {strides = array<i32>} : memref<8x128xi32, #tpu.memory_space<vmem>>, vector<1x16xi32>,
      %swap3A_2371 = vector.shape_cast %swap3A_2370 : vector<1x16xi32> to vector<16xi32>
      %swap3A_2372 = vector.shape_cast %select_n3A_2364 : vector<16xi32> to vector<1x16xi32>
      tpu.vector_store %arg8[%swap3A_2368, %swap3A_2369], %swap3A_2372 {strides = array<i32>} : memref<8x128xi32, #tpu.memory_space<vmem>>, vector<1x16xi32>,
      %scan3A_2373 = arith.constant 0 : i32
      %scan3A_2374 = arith.constant 8 : i32
      %dma_start3A_2375 = arith.constant 7 : i32
      %dma_start3A_2376 = arith.constant 0 : i32
      %dma_start3A_2377 = tpu.memref_slice %arg8[%dma_start3A_2375, %dma_start3A_2376] : memref<8x128xi32, #tpu.memory_space<vmem>> -> memref<1x128xi32, #tpu.memory_space<vmem>>
      %dma_start3A_2378 = tpu.memref_squeeze %dma_start3A_2377 : memref<1x128xi32, #tpu.memory_space<vmem>> -> memref<128xi32, #tpu.memory_space<vmem>>
      %dma_start3A_2379 = arith.constant 0 : i32
      %dma_start3A_2380 = arith.constant 0 : i32
      %dma_start3A_2381 = tpu.memref_slice %arg12[%dma_start3A_2379, %dma_start3A_2380] : memref<25152x16xf32, #tpu.memory_space<vmem_shared>> -> memref<25152x16xf32, #tpu.memory_space<vmem_shared>>
      tpu.enqueue_indirect_dma source(%arg9 : memref<128x16xf32, #tpu.memory_space<vmem>>) target(%dma_start3A_2381 : memref<25152x16xf32, #tpu.memory_space<vmem_shared>>) offsets(%dma_start3A_2378 : memref<128xi32, #tpu.memory_space<vmem>>) semaphore(%arg14 : memref<!tpu.dma_semaphore, #tpu.memory_space<semaphore_mem>>) {add = true}
      %dma_wait3A_2382 = arith.constant 0 : i32
      %dma_wait3A_2383 = arith.constant 0 : i32
      %dma_wait3A_2384 = tpu.memref_slice %arg8[%dma_wait3A_2382, %dma_wait3A_2383] : memref<8x128xi32, #tpu.memory_space<vmem>> -> memref<1x128xi32, #tpu.memory_space<vmem>>
      %dma_wait3A_2385 = tpu.memref_squeeze %dma_wait3A_2384 : memref<1x128xi32, #tpu.memory_space<vmem>> -> memref<128xi32, #tpu.memory_space<vmem>>
      %dma_wait3A_2386 = arith.constant 0 : i32
      %dma_wait3A_2387 = arith.constant 0 : i32
      %dma_wait3A_2388 = tpu.memref_slice %arg12[%dma_wait3A_2386, %dma_wait3A_2387] : memref<25152x16xf32, #tpu.memory_space<vmem_shared>> -> memref<25152x16xf32, #tpu.memory_space<vmem_shared>>
      tpu.wait_indirect_dma semaphore(%arg14 : memref<!tpu.dma_semaphore, #tpu.memory_space<semaphore_mem>>) src(%arg9 : memref<128x16xf32, #tpu.memory_space<vmem>>) dst(%dma_wait3A_2388 : memref<25152x16xf32, #tpu.memory_space<vmem_shared>>)
      %dma_wait3A_2389 = arith.constant 1 : i32
      %dma_wait3A_2390 = arith.constant 0 : i32
      %dma_wait3A_2391 = tpu.memref_slice %arg8[%dma_wait3A_2389, %dma_wait3A_2390] : memref<8x128xi32, #tpu.memory_space<vmem>> -> memref<1x128xi32, #tpu.memory_space<vmem>>
      %dma_wait3A_2392 = tpu.memref_squeeze %dma_wait3A_2391 : memref<1x128xi32, #tpu.memory_space<vmem>> -> memref<128xi32, #tpu.memory_space<vmem>>
      %dma_wait3A_2393 = arith.constant 0 : i32
      %dma_wait3A_2394 = arith.constant 0 : i32
      %dma_wait3A_2395 = tpu.memref_slice %arg12[%dma_wait3A_2393, %dma_wait3A_2394] : memref<25152x16xf32, #tpu.memory_space<vmem_shared>> -> memref<25152x16xf32, #tpu.memory_space<vmem_shared>>
      tpu.wait_indirect_dma semaphore(%arg14 : memref<!tpu.dma_semaphore, #tpu.memory_space<semaphore_mem>>) src(%arg9 : memref<128x16xf32, #tpu.memory_space<vmem>>) dst(%dma_wait3A_2395 : memref<25152x16xf32, #tpu.memory_space<vmem_shared>>)
      %dma_wait3A_2396 = arith.constant 2 : i32
      %dma_wait3A_2397 = arith.constant 0 : i32
      %dma_wait3A_2398 = tpu.memref_slice %arg8[%dma_wait3A_2396, %dma_wait3A_2397] : memref<8x128xi32, #tpu.memory_space<vmem>> -> memref<1x128xi32, #tpu.memory_space<vmem>>
      %dma_wait3A_2399 = tpu.memref_squeeze %dma_wait3A_2398 : memref<1x128xi32, #tpu.memory_space<vmem>> -> memref<128xi32, #tpu.memory_space<vmem>>
      %dma_wait3A_2400 = arith.constant 0 : i32
      %dma_wait3A_2401 = arith.constant 0 : i32
      %dma_wait3A_2402 = tpu.memref_slice %arg12[%dma_wait3A_2400, %dma_wait3A_2401] : memref<25152x16xf32, #tpu.memory_space<vmem_shared>> -> memref<25152x16xf32, #tpu.memory_space<vmem_shared>>
      tpu.wait_indirect_dma semaphore(%arg14 : memref<!tpu.dma_semaphore, #tpu.memory_space<semaphore_mem>>) src(%arg9 : memref<128x16xf32, #tpu.memory_space<vmem>>) dst(%dma_wait3A_2402 : memref<25152x16xf32, #tpu.memory_space<vmem_shared>>)
      %dma_wait3A_2403 = arith.constant 3 : i32
      %dma_wait3A_2404 = arith.constant 0 : i32
      %dma_wait3A_2405 = tpu.memref_slice %arg8[%dma_wait3A_2403, %dma_wait3A_2404] : memref<8x128xi32, #tpu.memory_space<vmem>> -> memref<1x128xi32, #tpu.memory_space<vmem>>
      %dma_wait3A_2406 = tpu.memref_squeeze %dma_wait3A_2405 : memref<1x128xi32, #tpu.memory_space<vmem>> -> memref<128xi32, #tpu.memory_space<vmem>>
      %dma_wait3A_2407 = arith.constant 0 : i32
      %dma_wait3A_2408 = arith.constant 0 : i32
      %dma_wait3A_2409 = tpu.memref_slice %arg12[%dma_wait3A_2407, %dma_wait3A_2408] : memref<25152x16xf32, #tpu.memory_space<vmem_shared>> -> memref<25152x16xf32, #tpu.memory_space<vmem_shared>>
      tpu.wait_indirect_dma semaphore(%arg14 : memref<!tpu.dma_semaphore, #tpu.memory_space<semaphore_mem>>) src(%arg9 : memref<128x16xf32, #tpu.memory_space<vmem>>) dst(%dma_wait3A_2409 : memref<25152x16xf32, #tpu.memory_space<vmem_shared>>)
      %dma_wait3A_2410 = arith.constant 4 : i32
      %dma_wait3A_2411 = arith.constant 0 : i32
      %dma_wait3A_2412 = tpu.memref_slice %arg8[%dma_wait3A_2410, %dma_wait3A_2411] : memref<8x128xi32, #tpu.memory_space<vmem>> -> memref<1x128xi32, #tpu.memory_space<vmem>>
      %dma_wait3A_2413 = tpu.memref_squeeze %dma_wait3A_2412 : memref<1x128xi32, #tpu.memory_space<vmem>> -> memref<128xi32, #tpu.memory_space<vmem>>
      %dma_wait3A_2414 = arith.constant 0 : i32
      %dma_wait3A_2415 = arith.constant 0 : i32
      %dma_wait3A_2416 = tpu.memref_slice %arg12[%dma_wait3A_2414, %dma_wait3A_2415] : memref<25152x16xf32, #tpu.memory_space<vmem_shared>> -> memref<25152x16xf32, #tpu.memory_space<vmem_shared>>
      tpu.wait_indirect_dma semaphore(%arg14 : memref<!tpu.dma_semaphore, #tpu.memory_space<semaphore_mem>>) src(%arg9 : memref<128x16xf32, #tpu.memory_space<vmem>>) dst(%dma_wait3A_2416 : memref<25152x16xf32, #tpu.memory_space<vmem_shared>>)
      %dma_wait3A_2417 = arith.constant 5 : i32
      %dma_wait3A_2418 = arith.constant 0 : i32
      %dma_wait3A_2419 = tpu.memref_slice %arg8[%dma_wait3A_2417, %dma_wait3A_2418] : memref<8x128xi32, #tpu.memory_space<vmem>> -> memref<1x128xi32, #tpu.memory_space<vmem>>
      %dma_wait3A_2420 = tpu.memref_squeeze %dma_wait3A_2419 : memref<1x128xi32, #tpu.memory_space<vmem>> -> memref<128xi32, #tpu.memory_space<vmem>>
      %dma_wait3A_2421 = arith.constant 0 : i32
      %dma_wait3A_2422 = arith.constant 0 : i32
      %dma_wait3A_2423 = tpu.memref_slice %arg12[%dma_wait3A_2421, %dma_wait3A_2422] : memref<25152x16xf32, #tpu.memory_space<vmem_shared>> -> memref<25152x16xf32, #tpu.memory_space<vmem_shared>>
      tpu.wait_indirect_dma semaphore(%arg14 : memref<!tpu.dma_semaphore, #tpu.memory_space<semaphore_mem>>) src(%arg9 : memref<128x16xf32, #tpu.memory_space<vmem>>) dst(%dma_wait3A_2423 : memref<25152x16xf32, #tpu.memory_space<vmem_shared>>)
      %dma_wait3A_2424 = arith.constant 6 : i32
      %dma_wait3A_2425 = arith.constant 0 : i32
      %dma_wait3A_2426 = tpu.memref_slice %arg8[%dma_wait3A_2424, %dma_wait3A_2425] : memref<8x128xi32, #tpu.memory_space<vmem>> -> memref<1x128xi32, #tpu.memory_space<vmem>>
      %dma_wait3A_2427 = tpu.memref_squeeze %dma_wait3A_2426 : memref<1x128xi32, #tpu.memory_space<vmem>> -> memref<128xi32, #tpu.memory_space<vmem>>
      %dma_wait3A_2428 = arith.constant 0 : i32
      %dma_wait3A_2429 = arith.constant 0 : i32
      %dma_wait3A_2430 = tpu.memref_slice %arg12[%dma_wait3A_2428, %dma_wait3A_2429] : memref<25152x16xf32, #tpu.memory_space<vmem_shared>> -> memref<25152x16xf32, #tpu.memory_space<vmem_shared>>
      tpu.wait_indirect_dma semaphore(%arg14 : memref<!tpu.dma_semaphore, #tpu.memory_space<semaphore_mem>>) src(%arg9 : memref<128x16xf32, #tpu.memory_space<vmem>>) dst(%dma_wait3A_2430 : memref<25152x16xf32, #tpu.memory_space<vmem_shared>>)
      %dma_wait3A_2431 = arith.constant 7 : i32
      %dma_wait3A_2432 = arith.constant 0 : i32
      %dma_wait3A_2433 = tpu.memref_slice %arg8[%dma_wait3A_2431, %dma_wait3A_2432] : memref<8x128xi32, #tpu.memory_space<vmem>> -> memref<1x128xi32, #tpu.memory_space<vmem>>
      %dma_wait3A_2434 = tpu.memref_squeeze %dma_wait3A_2433 : memref<1x128xi32, #tpu.memory_space<vmem>> -> memref<128xi32, #tpu.memory_space<vmem>>
      %dma_wait3A_2435 = arith.constant 0 : i32
      %dma_wait3A_2436 = arith.constant 0 : i32
      %dma_wait3A_2437 = tpu.memref_slice %arg12[%dma_wait3A_2435, %dma_wait3A_2436] : memref<25152x16xf32, #tpu.memory_space<vmem_shared>> -> memref<25152x16xf32, #tpu.memory_space<vmem_shared>>
      tpu.wait_indirect_dma semaphore(%arg14 : memref<!tpu.dma_semaphore, #tpu.memory_space<semaphore_mem>>) src(%arg9 : memref<128x16xf32, #tpu.memory_space<vmem>>) dst(%dma_wait3A_2437 : memref<25152x16xf32, #tpu.memory_space<vmem_shared>>)
      %scan3A_2438 = arith.constant 0 : i32
      scf.yield %scan3A_2438 : i32
    }
    %scan3A_27 = arith.constant 49 : i32
    %barrier3A_28 = arith.constant 0 : index
    tpu.barrier barrier_id(%barrier3A_28)
    %add3A = arith.constant 0 : i32
    %add3A_29 = arith.addi %arg1, %add3A : i32
    %lt3A = arith.constant 25 : i32
    %lt3A_30 = arith.cmpi slt, %add3A_29, %lt3A : i32
    %convert_element_type3A = arith.extui %lt3A_30 : i1 to i32
    %cond3A = arith.constant 0 : i32
    %cond3A_31 = arith.cmpi ne, %convert_element_type3A, %cond3A : i32
    scf.if %cond3A_31 {
      %mul3A_39 = arith.constant 1000 : i32
      %mul3A_40 = arith.muli %add3A_29, %mul3A_39 : i32
      %mul3A_41 = arith.constant 25000 : i32
      %mul3A_42 = arith.muli %arg0, %mul3A_41 : i32
      %add3A_43 = arith.addi %mul3A_42, %mul3A_40 : i32
      "tpu.region"() ({
        %run_scoped3A = tpu.sem_alloc : memref<!tpu.dma_semaphore, #tpu.memory_space<semaphore_mem>>
        %dma_start3A = arith.constant 0 : i32
        %dma_start3A_47 = tpu.memref_slice %arg4[%add3A_43, %dma_start3A] : memref<50000x16xf32, #tpu.memory_space<hbm>> -> memref<1000x16xf32, #tpu.memory_space<hbm>>
        %dma_start3A_48 = arith.constant 0 : i32
        %dma_start3A_49 = tpu.memref_slice %arg11[%mul3A_40, %dma_start3A_48] : memref<25152x16xf32, #tpu.memory_space<vmem_shared>> -> memref<1000x16xf32, #tpu.memory_space<vmem_shared>>
        tpu.enqueue_dma source(%dma_start3A_49 : memref<1000x16xf32, #tpu.memory_space<vmem_shared>>) target(%dma_start3A_47 : memref<1000x16xf32, #tpu.memory_space<hbm>>) target_semaphore(%run_scoped3A : memref<!tpu.dma_semaphore, #tpu.memory_space<semaphore_mem>>)
        %dma_wait3A = arith.constant 0 : i32
        %dma_wait3A_50 = tpu.memref_slice %arg4[%add3A_43, %dma_wait3A] : memref<50000x16xf32, #tpu.memory_space<hbm>> -> memref<1000x16xf32, #tpu.memory_space<hbm>>
        %dma_wait3A_51 = arith.constant 0 : i32
        %dma_wait3A_52 = tpu.memref_slice %arg11[%mul3A_40, %dma_wait3A_51] : memref<25152x16xf32, #tpu.memory_space<vmem_shared>> -> memref<1000x16xf32, #tpu.memory_space<vmem_shared>>
        tpu.wait_dma2 semaphore(%run_scoped3A : memref<!tpu.dma_semaphore, #tpu.memory_space<semaphore_mem>>) src(%dma_wait3A_52 : memref<1000x16xf32, #tpu.memory_space<vmem_shared>>) dst(%dma_wait3A_50 : memref<1000x16xf32, #tpu.memory_space<hbm>>)
        tpu.yield
      }) : () -> ()
      %mul3A_44 = arith.constant 25000 : i32
      %mul3A_45 = arith.muli %arg0, %mul3A_44 : i32
      %add3A_46 = arith.addi %mul3A_45, %mul3A_40 : i32
      "tpu.region"() ({
        %run_scoped3A = tpu.sem_alloc : memref<!tpu.dma_semaphore, #tpu.memory_space<semaphore_mem>>
        %dma_start3A = arith.constant 0 : i32
        %dma_start3A_47 = tpu.memref_slice %arg5[%add3A_46, %dma_start3A] : memref<50000x16xf32, #tpu.memory_space<hbm>> -> memref<1000x16xf32, #tpu.memory_space<hbm>>
        %dma_start3A_48 = arith.constant 0 : i32
        %dma_start3A_49 = tpu.memref_slice %arg12[%mul3A_40, %dma_start3A_48] : memref<25152x16xf32, #tpu.memory_space<vmem_shared>> -> memref<1000x16xf32, #tpu.memory_space<vmem_shared>>
        tpu.enqueue_dma source(%dma_start3A_49 : memref<1000x16xf32, #tpu.memory_space<vmem_shared>>) target(%dma_start3A_47 : memref<1000x16xf32, #tpu.memory_space<hbm>>) target_semaphore(%run_scoped3A : memref<!tpu.dma_semaphore, #tpu.memory_space<semaphore_mem>>)
        %dma_wait3A = arith.constant 0 : i32
        %dma_wait3A_50 = tpu.memref_slice %arg5[%add3A_46, %dma_wait3A] : memref<50000x16xf32, #tpu.memory_space<hbm>> -> memref<1000x16xf32, #tpu.memory_space<hbm>>
        %dma_wait3A_51 = arith.constant 0 : i32
        %dma_wait3A_52 = tpu.memref_slice %arg12[%mul3A_40, %dma_wait3A_51] : memref<25152x16xf32, #tpu.memory_space<vmem_shared>> -> memref<1000x16xf32, #tpu.memory_space<vmem_shared>>
        tpu.wait_dma2 semaphore(%run_scoped3A : memref<!tpu.dma_semaphore, #tpu.memory_space<semaphore_mem>>) src(%dma_wait3A_52 : memref<1000x16xf32, #tpu.memory_space<vmem_shared>>) dst(%dma_wait3A_50 : memref<1000x16xf32, #tpu.memory_space<hbm>>)
        tpu.yield
      }) : () -> ()
    } else {
    }
    %add3A_32 = arith.constant 16 : i32
    %add3A_33 = arith.addi %arg1, %add3A_32 : i32
    %lt3A_34 = arith.constant 25 : i32
    %lt3A_35 = arith.cmpi slt, %add3A_33, %lt3A_34 : i32
    %convert_element_type3A_36 = arith.extui %lt3A_35 : i1 to i32
    %cond3A_37 = arith.constant 0 : i32
    %cond3A_38 = arith.cmpi ne, %convert_element_type3A_36, %cond3A_37 : i32
    scf.if %cond3A_38 {
      %mul3A_39 = arith.constant 1000 : i32
      %mul3A_40 = arith.muli %add3A_33, %mul3A_39 : i32
      %mul3A_41 = arith.constant 25000 : i32
      %mul3A_42 = arith.muli %arg0, %mul3A_41 : i32
      %add3A_43 = arith.addi %mul3A_42, %mul3A_40 : i32
      "tpu.region"() ({
        %run_scoped3A = tpu.sem_alloc : memref<!tpu.dma_semaphore, #tpu.memory_space<semaphore_mem>>
        %dma_start3A = arith.constant 0 : i32
        %dma_start3A_47 = tpu.memref_slice %arg4[%add3A_43, %dma_start3A] : memref<50000x16xf32, #tpu.memory_space<hbm>> -> memref<1000x16xf32, #tpu.memory_space<hbm>>
        %dma_start3A_48 = arith.constant 0 : i32
        %dma_start3A_49 = tpu.memref_slice %arg11[%mul3A_40, %dma_start3A_48] : memref<25152x16xf32, #tpu.memory_space<vmem_shared>> -> memref<1000x16xf32, #tpu.memory_space<vmem_shared>>
        tpu.enqueue_dma source(%dma_start3A_49 : memref<1000x16xf32, #tpu.memory_space<vmem_shared>>) target(%dma_start3A_47 : memref<1000x16xf32, #tpu.memory_space<hbm>>) target_semaphore(%run_scoped3A : memref<!tpu.dma_semaphore, #tpu.memory_space<semaphore_mem>>)
        %dma_wait3A = arith.constant 0 : i32
        %dma_wait3A_50 = tpu.memref_slice %arg4[%add3A_43, %dma_wait3A] : memref<50000x16xf32, #tpu.memory_space<hbm>> -> memref<1000x16xf32, #tpu.memory_space<hbm>>
        %dma_wait3A_51 = arith.constant 0 : i32
        %dma_wait3A_52 = tpu.memref_slice %arg11[%mul3A_40, %dma_wait3A_51] : memref<25152x16xf32, #tpu.memory_space<vmem_shared>> -> memref<1000x16xf32, #tpu.memory_space<vmem_shared>>
        tpu.wait_dma2 semaphore(%run_scoped3A : memref<!tpu.dma_semaphore, #tpu.memory_space<semaphore_mem>>) src(%dma_wait3A_52 : memref<1000x16xf32, #tpu.memory_space<vmem_shared>>) dst(%dma_wait3A_50 : memref<1000x16xf32, #tpu.memory_space<hbm>>)
        tpu.yield
      }) : () -> ()
      %mul3A_44 = arith.constant 25000 : i32
      %mul3A_45 = arith.muli %arg0, %mul3A_44 : i32
      %add3A_46 = arith.addi %mul3A_45, %mul3A_40 : i32
      "tpu.region"() ({
        %run_scoped3A = tpu.sem_alloc : memref<!tpu.dma_semaphore, #tpu.memory_space<semaphore_mem>>
        %dma_start3A = arith.constant 0 : i32
        %dma_start3A_47 = tpu.memref_slice %arg5[%add3A_46, %dma_start3A] : memref<50000x16xf32, #tpu.memory_space<hbm>> -> memref<1000x16xf32, #tpu.memory_space<hbm>>
        %dma_start3A_48 = arith.constant 0 : i32
        %dma_start3A_49 = tpu.memref_slice %arg12[%mul3A_40, %dma_start3A_48] : memref<25152x16xf32, #tpu.memory_space<vmem_shared>> -> memref<1000x16xf32, #tpu.memory_space<vmem_shared>>
        tpu.enqueue_dma source(%dma_start3A_49 : memref<1000x16xf32, #tpu.memory_space<vmem_shared>>) target(%dma_start3A_47 : memref<1000x16xf32, #tpu.memory_space<hbm>>) target_semaphore(%run_scoped3A : memref<!tpu.dma_semaphore, #tpu.memory_space<semaphore_mem>>)
        %dma_wait3A = arith.constant 0 : i32
        %dma_wait3A_50 = tpu.memref_slice %arg5[%add3A_46, %dma_wait3A] : memref<50000x16xf32, #tpu.memory_space<hbm>> -> memref<1000x16xf32, #tpu.memory_space<hbm>>
        %dma_wait3A_51 = arith.constant 0 : i32
        %dma_wait3A_52 = tpu.memref_slice %arg12[%mul3A_40, %dma_wait3A_51] : memref<25152x16xf32, #tpu.memory_space<vmem_shared>> -> memref<1000x16xf32, #tpu.memory_space<vmem_shared>>
        tpu.wait_dma2 semaphore(%run_scoped3A : memref<!tpu.dma_semaphore, #tpu.memory_space<semaphore_mem>>) src(%dma_wait3A_52 : memref<1000x16xf32, #tpu.memory_space<vmem_shared>>) dst(%dma_wait3A_50 : memref<1000x16xf32, #tpu.memory_space<hbm>>)
        tpu.yield
      }) : () -> ()
    } else {
    }
    return
  }
}

</mosaic_0001>

<sc_bundles>
// kernel: _preprocess.3.cloned.1.call-start
scs
__scs_entry_jumppad:
0x0: {  	(pc) =	sbr.rel $0x88, $3  }
0x1: {  	(tag) =	ssettag $0x0;
	lr =	simm.s32 $0x1  }
0x2: {  	[smem:$0x3F9F] =	sst lr;
	_ =	strace $0xD0000000  }
0x3: {  	_ = 	snop  }
0x4: {  	_ = 	snop  }
0x5: {  	_ = 	snop  }
0x6: {  	_ = 	snop  }
0x7: {  	_ = 	snop  }
__scs_overlays_trampoline_lowered:
0x8: {  	[smem:$0x3FAE] =	sst s0  }
0x9: {  	[smem:$0x3FAF] =	sst s1  }
0xa: {  	[smem:$0x3FB0] =	sst s2  }
0xb: {  	[smem:$0x3FB1] =	sst s3  }
0xc: {  	[smem:$0x3FB2] =	sst s4  }
0xd: {  	[smem:$0x3FB3] =	sst s5  }
0xe: {  	[smem:$0x3FB4] =	sst s6  }
0xf: {  	[smem:$0x3FB5] =	sst s7  }
0x10: {  	[smem:$0x3FB6] =	sst s8  }
0x11: {  	[smem:$0x3FB7] =	sst s9;
	s0 =	simm.s32 @!p0 $0x0  }
0x12: {  	s1 =	sld [smem:$0x3F9D];
	s0 =	simm.s32 @p0 $0x1  }
0x13: {  	[smem:$0x3FB8] =	sst s0;
	s0 =	simm.s32 @!p1 $0x0  }
0x14: {  	s2 =	sld [smem:$0x3F9C];
	s0 =	simm.s32 @p1 $0x1  }
0x15: {  	[smem:$0x3FB9] =	sst s0;
	s0 =	simm.s32 @!p2 $0x0  }
0x16: {  	s3 =	sld [smem:$0x3FDB];
	s0 =	simm.s32 @p2 $0x1  }
0x17: {  	s4 =	simm.s32 $0x1BF5;
	[smem:$0x3FBB] =	sst s0  }
0x18: {  	s0 =	sld [smem:$0x3F9E];
	_ =	swait.ge [sflag:s4], $0x0  }
0x19: {  	s7 =	sld [smem:$0x3F9F]  }
0x1a: {  	s8 =	sadd.s32 $0xFFFFE003, lr  }
0x1b: {  	s9 =	sadd.s32 $0xFFFFFEF7, lr;
	s5 =	simm.s32 $0xFFFFFFFF;
	p2 =	slt.u32 s8, $0xFFFFF086  }
0x1c: {  	p1 =	slt.u32 s9, $0xF7A;
	s5 =	simm.s32 @!p2 $0x0  }
0x1d: {  	s5 =	simm.s32 @p1 $0x1;
	p0 =	seq.s32 s7, s2  }
0x1e: {  	s7 =	smul.u32 @!p0 $0xF7A, s2;
	p2 =	seq.s32 @!p0 s5, $0x0  }
0x1f: {  	s9 =	smul.u32 $0xF7A, s1;
	s8 =	simm.s32 @!p0 $0x1BF5;
	p2 =	por !p2, p0  }
0x20: {  	[sflag:s8] =	ssyncset.s32 @!p0 $0xFFFFF086;
	s6 =	sadd.s32 @!p0 s3, s7;
	s7 =	simm.s32 @!p0 $0x108  }
0x21: {  	s3 =	sadd.s32 s3, s9;
	s6 =	sadd.s32 @!p0 $0x88, s6;
	s7 =	simm.s32 @p2 $0x1082  }
0x22: {  	[simem:s7], [sflag:s8] =	dma.local @!p0 [hbm:s6], $0xF7A  }
0x23: {  	s9 =	sor.u32 $0xD0000000, s2;
	s6 =	simm.s32 $0x108;
	_ =	swait.ge @!p0 [sflag:s8], $0x0  }
0x24: {  	s3 =	sadd.s32 $0x88, s3;
	s6 =	simm.s32 @!p1 $0x1082;
	[sflag:s4] =	ssyncset.s32 $0xFFFFF086  }
0x25: {  	[simem:s6], [sflag:s4] =	dma.local [hbm:s3], $0xF7A  }
0x26: {  	[smem:$0x3F9F] =	sst s1;
	(tag) =	ssettag s2;
	_ =	strace s9  }
0x27: {  	s1 =	sld [smem:$0x3FAF]  }
0x28: {  	s2 =	sld [smem:$0x3FB0]  }
0x29: {  	s4 =	sld [smem:$0x3FB2]  }
0x2a: {  	p0 =	seq.s32 s5, $0x0;
	s5 =	sld [smem:$0x3FB3]  }
0x2b: {  	s6 =	sld [smem:$0x3FB4]  }
0x2c: {  	s7 =	sld [smem:$0x3FB5]  }
0x2d: {  	s3 =	simm.s32 $0x108;
	s8 =	sld [smem:$0x3FB6]  }
0x2e: {  	s3 =	simm.s32 @!p0 $0x1082;
	s9 =	sld [smem:$0x3FB7]  }
0x2f: {  	lr =	sadd.s32 s0, s3;
	s0 =	sld [smem:$0x3FAE]  }
0x30: {  	s3 =	sld [smem:$0x3FB1]  }
0x31: {  	[smem:$0x3FBA] =	sst s10  }
0x32: {  	s10 =	sld [smem:$0x3FB8];
	_ =	sdelay $0x3  }
0x33: {  	p0 =	seq.s32 s10, $0x1;
	s10 =	sld [smem:$0x3FBA];
	_ =	sdelay $0x3  }
0x34: {  	[smem:$0x3FBA] =	sst s10  }
0x35: {  	s10 =	sld [smem:$0x3FB9];
	_ =	sdelay $0x3  }
0x36: {  	p1 =	seq.s32 s10, $0x1;
	s10 =	sld [smem:$0x3FBA];
	_ =	sdelay $0x3  }
0x37: {  	[smem:$0x3FBA] =	sst s10  }
0x38: {  	s10 =	sld [smem:$0x3FBB]  }
0x39: {  	_ = 	snop;
	(pc) =	sbr.ind lr, $3  }
0x3a: {  	_ = 	snop  }
0x3b: {  	_ = 	snop  }
0x3c: {  	p2 =	seq.s32 s10, $0x1;
	s10 =	sld [smem:$0x3FBA]  }
0x3d: {  	_ =	shalt  }
0x3e: {  	_ =	shalt  }
0x3f: {  	_ =	shalt  }
0x40: {  	_ =	shalt  }
0x41: {  	_ =	shalt  }
0x42: {  	_ =	shalt  }
0x43: {  	_ =	shalt  }
0x44: {  	_ =	shalt  }
0x45: {  	_ =	shalt  }
0x46: {  	_ =	shalt  }
0x47: {  	_ =	shalt  }
0x48: {  	_ =	shalt  }
0x49: {  	_ =	shalt  }
0x4a: {  	_ =	shalt  }
0x4b: {  	_ =	shalt  }
0x4c: {  	_ =	shalt  }
0x4d: {  	_ =	shalt  }
0x4e: {  	_ =	shalt  }
0x4f: {  	_ =	shalt  }
0x50: {  	_ =	shalt  }
0x51: {  	_ =	shalt  }
0x52: {  	_ =	shalt  }
0x53: {  	_ =	shalt  }
0x54: {  	_ =	shalt  }
0x55: {  	_ =	shalt  }
0x56: {  	_ =	shalt  }
0x57: {  	_ =	shalt  }
0x58: {  	_ =	shalt  }
0x59: {  	_ =	shalt  }
0x5a: {  	_ =	shalt  }
0x5b: {  	_ =	shalt  }
0x5c: {  	_ =	shalt  }
0x5d: {  	_ =	shalt  }
0x5e: {  	_ =	shalt  }
0x5f: {  	_ =	shalt  }
0x60: {  	_ =	shalt  }
0x61: {  	_ =	shalt  }
0x62: {  	_ =	shalt  }
0x63: {  	_ =	shalt  }
0x64: {  	_ =	shalt  }
0x65: {  	_ =	shalt  }
0x66: {  	_ =	shalt  }
0x67: {  	_ =	shalt  }
0x68: {  	_ =	shalt  }
0x69: {  	_ =	shalt  }
0x6a: {  	_ =	shalt  }
0x6b: {  	_ =	shalt  }
0x6c: {  	_ =	shalt  }
0x6d: {  	_ =	shalt  }
0x6e: {  	_ =	shalt  }
0x6f: {  	_ =	shalt  }
0x70: {  	_ =	shalt  }
0x71: {  	_ =	shalt  }
0x72: {  	_ =	shalt  }
0x73: {  	_ =	shalt  }
0x74: {  	_ =	shalt  }
0x75: {  	_ =	shalt  }
0x76: {  	_ =	shalt  }
0x77: {  	_ =	shalt  }
0x78: {  	_ =	shalt  }
0x79: {  	_ =	shalt  }
0x7a: {  	_ =	shalt  }
0x7b: {  	_ =	shalt  }
0x7c: {  	_ =	shalt  }
0x7d: {  	_ =	shalt  }
0x7e: {  	_ =	shalt  }
0x7f: {  	_ =	shalt  }
0x80: {  	_ =	shalt  }
0x81: {  	_ =	shalt  }
0x82: {  	_ =	shalt  }
0x83: {  	_ =	shalt  }
0x84: {  	_ =	shalt  }
0x85: {  	_ =	shalt  }
0x86: {  	_ =	shalt  }
0x87: {  	_ =	shalt  }
.Lfunc_end0:
.L_simem_size_0:
called_computation_lowered:
.L_overlay_start_0:
0x88: {  	s2 =	sld [smem:$0x3FD9]  }
0x89: {  	s3 =	sld [smem:$0x3FFE];
	_ =	sdelay $0x1  }
0x8a: {  	s1 =	srdreg.scid  }
0x8b: {  	s0 =	sand.u32 $0x1, s1  }
0x8c: {  	s15 =	sshll.u32 s0, $0xA;
	s2 =	sadd.s32 s3, s2  }
0x8d: {  	s2 =	sadd.s32 s2, s15  }
0x8e: {  	[smem:$0x3FC6] =	sst s2  }
0x8f: {  	_ = 	snop  }
0x90: {  	s2 =	sld [smem:$0x3FD0];
	_ =	sdelay $0x1  }
0x91: {  	s16 =	sld [smem:$0x3FC9]  }
0x92: {  	s5 =	simm.s32 $0xA;
	s6 =	simm.s32 $0x10;
	s4 =	sld [smem:$0x3FC8]  }
0x93: {  	[smem:s6], [sflag:s5] =	dma.local [hbm:s2], $0x1  }
0x94: {  	_ =	swait.eq [sflag:s5], $0x1  }
0x95: {  	[sflag:s5] =	ssyncset.done $0x0  }
0x96: {  	s17 =	sld [smem:$0x10];
	[sflag:s5] =	ssyncadd.s32 $0xFFFFFFFF  }
0x97: {  	s18 =	sld [smem:$0x11];
	(tm) =	ssettm $0x1  }
0x98: {  	s19 =	sld [smem:$0x3FFB];
	_ =	sdelay $0x3  }
0x99: {  	_ =	strace s19  }
0x9a: {  	s6 =	sld [smem:$0x3FFC];
	_ =	sdelay $0x3  }
0x9b: {  	_ =	strace s6  }
0x9c: {  	s6 =	sld [smem:$0x3FFD];
	_ =	sdelay $0x3  }
0x9d: {  	_ =	strace s6  }
0x9e: {  	_ =	strace $0x8FFFFFFF  }
0x9f: {  	s20 =	sld [smem:$0x3FDB];
	_ =	sdelay $0x1  }
0xa0: {  	s7 =	simm.s32 $_scs_section_size  }
0xa1: {  	s8 =	simm.s32 $_size__tile_overlayer_lowered;
	s9 =	simm.s32 $_tile_overlayer_lowered  }
0xa2: {  	s23 =	simm.s32 $0x1BFF;
	s22 =	sshll.u32 s9, $0x1;
	s6 =	sadd.s32 s7, s20  }
0xa3: {  	s10 =	simm.s32 $0x0;
	s21 =	sshll.u32 s8, $0x1;
	s8 =	sadd.s32 s22, s6  }
0xa4: {  	[timem:s10], [sflag:s23] =	dma.local [hbm:s8], s21  }
0xa5: {  	_ =	swait.ge [sflag:s23], s21  }
0xa6: {  	s7 =	ssub.s32 $0x0, s21;
	[sflag:s23] =	ssyncset.done $0x0  }
0xa7: {  	[sflag:s23] =	ssyncadd.s32 s7;
	_ =	sdelay $0x1  }
0xa8: {  	s24 =	simm.s32 $0x1B8B  }
0xa9: {  	_ =	swait.ge [sflag:s24], $0x1  }
0xaa: {  	[sflag:s24] =	ssyncset.done $0x0  }
0xab: {  	s25 =	simm.s32 $0x1B8E;
	[sflag:s24] =	ssyncadd.s32 $0xFFFFFFFF  }
0xac: {  	s26 =	simm.s32 $execute0_lowered;
	[smem:$0x3FD2] =	sst s25  }
0xad: {  	s7 =	sshll.u32 s26, $0x1;
	_ =	strace $0x80000046;
	[dreg:$0x1] =	wrdreg $0xFFFFFFFF  }
0xae: {  	s28 =	simm.s32 $_size_execute0_lowered;
	s6 =	sadd.s32 s6, s7;
	[dreg:$0x0] =	wrdreg $0x0  }
0xaf: {  	s7 =	sshll.u32 s28, $0x1;
	[dreg:$0x2] =	wrdreg s6  }
0xb0: {  	[dreg:$0x3] =	wrdreg s7  }
0xb1: {  	[dreg:$0x4] =	wrdreg $0xC0  }
0xb2: {  	_ =	task [dreg:s10], $0x5FFFF  }
0xb3: {  	[dreg:$0x1] =	wrdreg $0xFFFFFFFF  }
0xb4: {  	[dreg:$0x0] =	wrdreg $0x60  }
0xb5: {  	[dreg:$0x2] =	wrdreg s16  }
0xb6: {  	[dreg:$0x3] =	wrdreg s4  }
0xb7: {  	[dreg:$0x4] =	wrdreg s17  }
0xb8: {  	[dreg:$0x5] =	wrdreg s18  }
0xb9: {  	[dreg:$0x6] =	wrdreg $0x14000  }
0xba: {  	[dreg:$0x7] =	wrdreg $0x76400  }
0xbb: {  	[dreg:$0x8] =	wrdreg $0x9  }
0xbc: {  	_ =	task.clear_ibuf [dreg:s10], $0x9FFFF;
	_ =	strace $0x90000046  }
0xbd: {  	s29 =	simm.s32 $0x9;
	_ =	strace $0x80000048  }
0xbe: {  	_ =	swait.ge [sflag:s29], $0x1  }
0xbf: {  	[sflag:s29] =	ssyncadd.s32 $0xFFFFFFFF  }
0xc0: {  	_ =	strace $0x90000048  }
0xc1: {  	_ =	sfence  }
0xc2: {  	s30 =	sld [smem:$0x0];
	_ =	sdelay $0x2  }
0xc3: {  	s31 =	sshll.u32 s1, $0xD;
	s1 =	sshrl.u32 s1, $0x2  }
0xc4: {  	s3 =	sand.u32 $0x4000, s31;
	s1 =	sadd.s32 s1, s30  }
0xc5: {  	s0 =	sor.u32 s3, s0;
	s1 =	sshll.u32 s1, $0x11  }
0xc6: {  	s0 =	sor.u32 s1, s0  }
0xc7: {  	s0 =	sadd.s32 $0x8F2B, s0  }
0xc8: {  	[sflag:s0] =	ssyncadd.remote.s32 $0x1  }
0xc9: {  	_ =	sfence.sel $0xFFFF  }
0xca: {  	[dreg:$0x0] =	wrdreg $0xFFFFFFFF;
	(pc) =	sbr.abs _section_cstart, $3  }
0xcb: {  	[dreg:$0x1] =	wrdreg $0xFFFFFFFF  }
0xcc: {  	_ =	task.clear_ibuf [dreg:s10], $0x2FFFF;
	_ =	strace $0x9FFFFFFF  }
0xcd: {  	(tm) =	ssettm $0x7FFFFFFF  }
tec
execute0_lowered:
.L_overlay_start_1:
0x0: {  	(tag) =	ssettag $0x1  }
0x1: {  	s0 =	rddreg [dreg:$0x0]  }
0x2: {  	s3 =	rddreg [dreg:$0x1]  }
0x3: {  	s5 =	rddreg [dreg:$0x2]  }
0x4: {  	s6 =	rddreg [dreg:$0x3];
	s13 =	stileid.u32  }
0x5: {  	s1 =	rddreg [dreg:$0x4];
	s8 =	smul.u32 $0x3E8, s13  }
0x6: {  	s2 =	rddreg [dreg:$0x5];
	s11 =	smul.u32 $0x3E80, s13  }
0x7: {  	s4 =	srdreg.scid;
	s28 =	simm.s32 $0x400;
	s14 =	smul.u32 $0x19, s13  }
0x8: {  	s29 =	simm.s32 $0x800;
	s30 =	simm.s32 $0x480;
	s19 =	smul.u32 $0x19000, s13  }
0x9: {  	s31 =	simm.s32 $0x500;
	s7 =	sand.u32 $0x1, s4;
	s23 =	smul.u32 $0x1880, s13  }
0xa: {  	s4 =	simm.s32 $0x0;
	s12 =	sor.u32 $0x10, s13;
	s9 =	smul.u32 $0x61A8, s7  }
0xb: {  	p0 =	sgt.u32 s13, $0x8;
	s13 =	simm.s32 $0x0;
	s15 =	smul.u32 $0x3E8, s12  }
0xc: {  	[smem:$0x7FF] =	sst s4;
	s7 =	ssub.s32 $0x2, s7;
	s18 =	smul.u32 $0x3E80, s12  }
0xd: {  	_ =	strace $0x80000047;
	s10 =	sshrl.u32 s7, $0x1;
	[dreg:$0x7] =	wrdreg s14  }
0xe: {  	s21 =	sadd.s32 s11, s1;
	s22 =	sadd.s32 s11, s2;
	s20 =	sshrl.u32 s19, $0x2  }
0xf: {  	s24 =	sadd.s32 s23, s3;
	s23 =	sadd.s32 s23, s0;
	s19 =	simm.s32 $0x280  }
0x10: {  	s3 =	simm.s32 $0x600;
	s8 =	sadd.s32 s8, s9;
	s7 =	ssub.s32 s7, s10  }
0x11: {  	s17 =	sadd.s32 s9, s15;
	s11 =	sadd.s32 s20, s2;
	s12 =	sadd.s32 s20, s1  }
0x12: {  	s15 =	simm.s32 $0x80;
	s20 =	simm.s32 $0x300;
	[dreg:$0xd] =	wrdreg s24  }
0x13: {  	s25 =	sshrl.u32 s21, $0x3;
	s26 =	sshrl.u32 s22, $0x3;
	[dreg:$0xe] =	wrdreg s23  }
0x14: {  	v0 =	vmov s9;
	s9 =	simm.s32 $0x2;
	s8 =	sshll.u32 s8, $0x1;
	[dreg:$0xf] =	wrdreg s25  }
0x15: {  	s7 =	smax.u32 s7, $0x1;
	[dreg:$0x10] =	wrdreg s26;
	s25 =	simm.s32 $0x380  }
0x16: {  	s26 =	simm.s32 $0x1;
	s16 =	sadd.s32 s5, s8;
	[dreg:$0xc] =	wrdreg s7  }
0x17: {  	s8 =	sadd.s32 s6, s8;
	s7 =	simm.s32 $0x700;
	[dreg:$0x8] =	wrdreg s16  }
0x18: {  	[dreg:$0x9] =	wrdreg s8;
	s8 =	sshll.u32 s17, $0x1;
	s16 =	simm.s32 $0x100  }
0x19: {  	s17 =	simm.s32 $0x180;
	s5 =	sadd.s32 s5, s8;
	s6 =	sadd.s32 s6, s8  }
0x1a: {  	s8 =	simm.s32 $0x780;
	[dreg:$0xa] =	wrdreg s5;
	s5 =	sadd.s32 s18, s1  }
0x1b: {  	[dreg:$0xb] =	wrdreg s6;
	s6 =	sadd.s32 s18, s2;
	s0 =	sshrl.u32 @!p0 s5, $0x3  }
0x1c: {  	s18 =	simm.s32 $0x200;
	[dreg:$0x11] =	wrdreg s0;
	s0 =	sshrl.u32 @!p0 s6, $0x3  }
0x1d: {  	v1 =	vimm.f32 $1.000000000e+00;
	s6 =	simm.s32 $0x680;
	[dreg:$0x12] =	wrdreg s0;
	s0 =	simm.s32 $0x580  }
.LBB2_1:
0x1e: {  	[dreg:$0x13] =	wrdreg s13  }
0x1f: {  	s5 =	simm.s32 $0x1000;
	s10 =	simm.s32 $0x800;
	s22 =	simm.s32 $0x0  }
.LBB2_2:
0x20: {  	p1 =	sgt.u32 s22, $0x3F  }
0x21: {  	[tilespmem:s10+$0x0] =	vst v1;
	s22 =	sadd.s32 $0x1, s22;
	v2 =	vimm.f32 @!p1 $0.0e+00  }
0x22: {  	[tilespmem:s5+$0x0] =	vst @!p1 v2;
	p1 =	sne.s32 s22, $0x80  }
.Ltmp0:
0x23: {  	_ = 	snop;
	(pc) =	sbr.rel @p1 .LBB2_2-.Ltmp0, $2  }
0x24: {  	_ =	sdelay $0x2  }
0x25: {  	s10 =	sadd.s32 $0x10, s10;
	s5 =	sadd.s32 $0x10, s5  }
0x26: {  	s13 =	rddreg [dreg:$0x7]  }
0x27: {  	p1 =	sgt.u32 s13, $0x188  }
0x28: {  	s5 =	simm.s32 @!p1 $0x1000  }
0x29: {  	s10 =	sadd.s32 @!p1 $0x0, s12;
	s23 =	simm.s32 @!p1 $0x4;
	p1 =	por p1, p1  }
0x2a: {  	[spmem:s10] =	stream.linear.scatter @!p1 [tilespmem:s5], [sflag:$0x4], $0x400, $0x38;
	[tilespmem:$0xD880] =	vst v63  }
0x2b: {  	_ =	swait.ge @!p1 [sflag:s23], $0x400  }
0x2c: {  	s22 =	sadd.s32 $0x1, s13;
	[sflag:s23] =	ssyncset.done @!p1 $0x0  }
0x2d: {  	s10 =	simm.s32 @!p1 $0x3;
	[sflag:s23] =	ssyncadd.s32 @!p1 $0xFFFFFC00;
	s23 =	sadd.s32 @!p1 $0x0, s11  }
0x2e: {  	[spmem:s23] =	stream.linear.scatter @!p1 [tilespmem:s5], [sflag:$0x3], $0x400, $0x38;
	[tilespmem:$0xD880] =	vst v63  }
0x2f: {  	s24 =	simm.s32 $0x2000;
	p2 =	sgt.u32 s22, $0x188;
	_ =	swait.ge @!p1 [sflag:s10], $0x400  }
0x30: {  	s5 =	simm.s32 @!p2 $0x400;
	s23 =	simm.s32 @!p2 $0x1000;
	[sflag:s10] =	ssyncset.done @!p1 $0x0  }
.LBB2_4:
0x31: {  	s21 =	sadd.s32 @!p2 s5, s12;
	s13 =	simm.s32 @!p2 $0x4;
	[sflag:s10] =	ssyncadd.s32 @!p1 $0xFFFFFC00  }
0x32: {  	s14 =	smov.u32 s24;
	p1 =	por p2, p2;
	s24 =	sadd.s32 $0x1000, s24  }
0x33: {  	[spmem:s21] =	stream.linear.scatter @!p1 [tilespmem:s23], [sflag:$0x4], $0x400, $0x38;
	[tilespmem:$0xD880] =	vst v63  }
0x34: {  	p3 =	sne.s32 s24, $0x19000;
	_ =	swait.ge @!p1 [sflag:s13], $0x400  }
.Ltmp1:
0x35: {  	s22 =	sadd.s32 $0x1, s22;
	[sflag:s13] =	ssyncset.done @!p1 $0x0;
	(pc) =	sbr.rel @p3 .LBB2_4-.Ltmp1, $4  }
0x36: {  	s5 =	sadd.s32 @!p1 s5, s11;
	s10 =	simm.s32 @!p1 $0x3;
	[sflag:s13] =	ssyncadd.s32 @!p1 $0xFFFFFC00  }
0x37: {  	[spmem:s5] =	stream.linear.scatter @!p1 [tilespmem:s23], [sflag:$0x3], $0x400, $0x38;
	[tilespmem:$0xD880] =	vst v63  }
0x38: {  	p2 =	sgt.u32 s22, $0x188;
	_ =	swait.ge @!p1 [sflag:s10], $0x400  }
0x39: {  	s5 =	sshra.s32 @!p2 s14, $0x2;
	s23 =	simm.s32 @!p2 $0x1000;
	[sflag:s10] =	ssyncset.done @!p1 $0x0  }
0x3a: {  	s13 =	sadd.s32 @!p2 s5, s12  }
0x3b: {  	s14 =	simm.s32 @!p2 $0x4;
	[sflag:s10] =	ssyncadd.s32 @!p1 $0xFFFFFC00;
	p1 =	por p2, p2  }
0x3c: {  	[spmem:s13] =	stream.linear.scatter @!p1 [tilespmem:s23], [sflag:$0x4], $0x400, $0x38;
	[tilespmem:$0xD880] =	vst v63  }
0x3d: {  	_ =	swait.ge @!p1 [sflag:s14], $0x400  }
0x3e: {  	[sflag:s14] =	ssyncset.done @!p1 $0x0  }
0x3f: {  	s5 =	sadd.s32 @!p1 s5, s11;
	s10 =	simm.s32 @!p1 $0x3;
	[sflag:s14] =	ssyncadd.s32 @!p1 $0xFFFFFC00  }
0x40: {  	[spmem:s5] =	stream.linear.scatter @!p1 [tilespmem:s23], [sflag:$0x3], $0x400, $0x38;
	[tilespmem:$0xD880] =	vst v63  }
0x41: {  	_ =	swait.ge @!p1 [sflag:s10], $0x400  }
0x42: {  	[sflag:s10] =	ssyncset.done @!p1 $0x0  }
0x43: {  	[sflag:s10] =	ssyncadd.s32 @!p1 $0xFFFFFC00  }
0x44: {  	[bflag:$0x0] =	sbarrier.arrive $0xFFFF  }
0x45: {  	s22 =	simm.s32 $0x0;
	s23 =	simm.s32 $0x0;
	s14 =	rddreg [dreg:$0xd]  }
.LBB2_6:
0x46: {  	s5 =	sadd.s32 s23, s14  }
0x47: {  	[tilespmem:s22], [sflag:$0x1] =	stream.linear.gather [hbm4b:s5+s22], $0x80, $0x38;
	[tilespmem:$0xD880] =	vst v63  }
0x48: {  	s10 =	sadd.s32 $0x10, s5  }
0x49: {  	[tilespmem:s15], [sflag:$0x1] =	stream.linear.gather [hbm4b:s10+s22], $0x80, $0x38;
	[tilespmem:$0xD880] =	vst v63  }
0x4a: {  	s21 =	sadd.s32 $0x20, s5  }
0x4b: {  	[tilespmem:s16], [sflag:$0x1] =	stream.linear.gather [hbm4b:s21+s22], $0x80, $0x38;
	[tilespmem:$0xD880] =	vst v63  }
0x4c: {  	s24 =	sadd.s32 $0x30, s5  }
0x4d: {  	[tilespmem:s17], [sflag:$0x1] =	stream.linear.gather [hbm4b:s24+s22], $0x80, $0x38;
	[tilespmem:$0xD880] =	vst v63  }
0x4e: {  	s13 =	sadd.s32 $0x40, s5  }
0x4f: {  	[tilespmem:s18], [sflag:$0x1] =	stream.linear.gather [hbm4b:s13+s22], $0x80, $0x38;
	[tilespmem:$0xD880] =	vst v63  }
0x50: {  	s21 =	sadd.s32 $0x50, s5  }
0x51: {  	[tilespmem:s19], [sflag:$0x1] =	stream.linear.gather [hbm4b:s21+s22], $0x80, $0x38;
	[tilespmem:$0xD880] =	vst v63  }
0x52: {  	s24 =	sadd.s32 $0x60, s5  }
0x53: {  	[tilespmem:s20], [sflag:$0x1] =	stream.linear.gather [hbm4b:s24+s22], $0x80, $0x38;
	[tilespmem:$0xD880] =	vst v63  }
0x54: {  	s5 =	sadd.s32 $0x70, s5  }
0x55: {  	[tilespmem:s25], [sflag:$0x1] =	stream.linear.gather [hbm4b:s5+s22], $0x80, $0x38;
	[tilespmem:$0xD880] =	vst v63  }
0x56: {  	_ =	swait.ge [sflag:s26], $0x80  }
0x57: {  	[sflag:s26] =	ssyncset.done $0x0  }
0x58: {  	[sflag:s26] =	ssyncadd.s32 $0xFFFFFF80  }
0x59: {  	_ =	swait.ge [sflag:s26], $0x80  }
0x5a: {  	[sflag:s26] =	ssyncset.done $0x0  }
0x5b: {  	[sflag:s26] =	ssyncadd.s32 $0xFFFFFF80  }
0x5c: {  	_ =	swait.ge [sflag:s26], $0x80  }
0x5d: {  	[sflag:s26] =	ssyncset.done $0x0  }
0x5e: {  	[sflag:s26] =	ssyncadd.s32 $0xFFFFFF80  }
0x5f: {  	_ =	swait.ge [sflag:s26], $0x80  }
0x60: {  	[sflag:s26] =	ssyncset.done $0x0  }
0x61: {  	[sflag:s26] =	ssyncadd.s32 $0xFFFFFF80  }
0x62: {  	_ =	swait.ge [sflag:s26], $0x80  }
0x63: {  	[sflag:s26] =	ssyncset.done $0x0  }
0x64: {  	[sflag:s26] =	ssyncadd.s32 $0xFFFFFF80  }
0x65: {  	_ =	swait.ge [sflag:s26], $0x80  }
0x66: {  	[sflag:s26] =	ssyncset.done $0x0  }
0x67: {  	[sflag:s26] =	ssyncadd.s32 $0xFFFFFF80  }
0x68: {  	_ =	swait.ge [sflag:s26], $0x80  }
0x69: {  	[sflag:s26] =	ssyncset.done $0x0  }
0x6a: {  	[sflag:s26] =	ssyncadd.s32 $0xFFFFFF80  }
0x6b: {  	_ =	swait.ge [sflag:s26], $0x80  }
0x6c: {  	[sflag:s26] =	ssyncset.done $0x0  }
0x6d: {  	[sflag:s26] =	ssyncadd.s32 $0xFFFFFF80  }
0x6e: {  	v2 =	vld [tilespmem:$0x0]  }
0x6f: {  	v3 =	vld [tilespmem:$0x10]  }
0x70: {  	v4 =	vld [tilespmem:$0x20]  }
0x71: {  	v5 =	vld [tilespmem:$0x30]  }
0x72: {  	v7 =	vld [tilespmem:$0x40]  }
0x73: {  	v9 =	vld [tilespmem:$0x50]  }
0x74: {  	v45 =	vld [tilespmem:$0x60]  }
0x75: {  	v10 =	vld [tilespmem:$0x70];
	_ =	sdelay $0x2  }
0x76: {  	v2 =	vsub.s32 v2, v0;
	v3 =	vsub.s32 v3, v0;
	v4 =	vsub.s32 v4, v0  }
0x77: {  	v5 =	vsub.s32 v5, v0;
	v7 =	vsub.s32 v7, v0;
	v9 =	vsub.s32 v9, v0  }
0x78: {  	v49 =	vsub.s32 v45, v0;
	v51 =	vsub.s32 v10, v0;
	v6 =	vand.u32 $0x7F, v2  }
0x79: {  	vm0 =	vlt.u32 v2, $0x61A8;
	v8 =	vand.u32 $0x7F, v3;
	vm1 =	vlt.u32 v3, $0x61A8  }
0x7a: {  	v44 =	vand.u32 $0x7F, v4;
	vm14 =	vlt.u32 v4, $0x61A8;
	v46 =	vand.u32 $0x7F, v5  }
0x7b: {  	vm15 =	vlt.u32 v5, $0x61A8;
	v11 =	vand.u32 $0x7F, v7;
	v6 =	vadd.s32 $0x61A8, v6  }
0x7c: {  	vm4 =	vlt.u32 v7, $0x61A8;
	v8 =	vadd.s32 $0x61A8, v8;
	v2 =	vsel vm0, v2, v6  }
0x7d: {  	v47 =	vand.u32 $0x7F, v9;
	v3 =	vsel vm1, v3, v8;
	v6 =	vadd.s32 $0x61A8, v44;
	[tilespmem:$0x400] =	vst v2  }
0x7e: {  	vm5 =	vlt.u32 v9, $0x61A8;
	v4 =	vsel vm14, v4, v6;
	v6 =	vadd.s32 $0x61A8, v46;
	[tilespmem:$0x410] =	vst v3  }
0x7f: {  	v50 =	vand.u32 $0x7F, v49;
	v2 =	vadd.s32 $0x61A8, v11;
	v3 =	vsel vm15, v5, v6;
	[tilespmem:$0x420] =	vst v4  }
0x80: {  	vm6 =	vlt.u32 v49, $0x61A8;
	v48 =	vadd.s32 $0x61A8, v47;
	v2 =	vsel vm4, v7, v2;
	[tilespmem:$0x430] =	vst v3  }
0x81: {  	v52 =	vand.u32 $0x7F, v51;
	v3 =	vsel vm5, v9, v48;
	[tilespmem:$0x440] =	vst v2;
	v2 =	vadd.s32 $0x61A8, v50  }
0x82: {  	vm7 =	vlt.u32 v51, $0x61A8;
	[tilespmem:$0x450] =	vst v3;
	v2 =	vsel vm6, v49, v2;
	v3 =	vadd.s32 $0x61A8, v52  }
0x83: {  	[tilespmem:$0x460] =	vst v2;
	v2 =	vsel vm7, v51, v3  }
0x84: {  	[tilespmem:$0x470] =	vst v2  }
0x85: {  	[spmem:s1] =	stream.indirect.scatter.add.f32 [tilespmem:s29], [sflag:$0x2], $0x10, s28, s15, $0xb8;
	[tilespmem:$0xD880] =	vst v63  }
0x86: {  	v2 =	vld [tilespmem:$0x80]  }
0x87: {  	v3 =	vld [tilespmem:$0x90]  }
0x88: {  	v53 =	vld [tilespmem:$0xA0]  }
0x89: {  	v54 =	vld [tilespmem:$0xB0]  }
0x8a: {  	v56 =	vld [tilespmem:$0xC0]  }
0x8b: {  	v58 =	vld [tilespmem:$0xD0]  }
0x8c: {  	v60 =	vld [tilespmem:$0xE0]  }
0x8d: {  	v62 =	vld [tilespmem:$0xF0];
	_ =	sdelay $0x2  }
0x8e: {  	v2 =	vsub.s32 v2, v0;
	v3 =	vsub.s32 v3, v0;
	v4 =	vsub.s32 v53, v0  }
0x8f: {  	v5 =	vsub.s32 v54, v0;
	v7 =	vsub.s32 v56, v0;
	v9 =	vsub.s32 v58, v0  }
0x90: {  	v13 =	vsub.s32 v60, v0;
	v15 =	vsub.s32 v62, v0;
	v55 =	vand.u32 $0x7F, v2  }
0x91: {  	vm8 =	vlt.u32 v2, $0x61A8;
	v57 =	vand.u32 $0x7F, v3;
	vm9 =	vlt.u32 v3, $0x61A8  }
0x92: {  	v59 =	vand.u32 $0x7F, v4;
	vm10 =	vlt.u32 v4, $0x61A8;
	v61 =	vand.u32 $0x7F, v5  }
0x93: {  	vm11 =	vlt.u32 v5, $0x61A8;
	v63 =	vand.u32 $0x7F, v7;
	v6 =	vadd.s32 $0x61A8, v55  }
0x94: {  	vm12 =	vlt.u32 v7, $0x61A8;
	v8 =	vadd.s32 $0x61A8, v57;
	v2 =	vsel vm8, v2, v6  }
0x95: {  	v11 =	vand.u32 $0x7F, v9;
	v3 =	vsel vm9, v3, v8;
	v6 =	vadd.s32 $0x61A8, v59;
	[tilespmem:$0x480] =	vst v2  }
0x96: {  	vm13 =	vlt.u32 v9, $0x61A8;
	v4 =	vsel vm10, v4, v6;
	v6 =	vadd.s32 $0x61A8, v61;
	[tilespmem:$0x490] =	vst v3  }
0x97: {  	v14 =	vand.u32 $0x7F, v13;
	v2 =	vadd.s32 $0x61A8, v63;
	v3 =	vsel vm11, v5, v6;
	[tilespmem:$0x4A0] =	vst v4  }
0x98: {  	vm14 =	vlt.u32 v13, $0x61A8;
	v12 =	vadd.s32 $0x61A8, v11;
	v2 =	vsel vm12, v7, v2;
	[tilespmem:$0x4B0] =	vst v3  }
0x99: {  	v16 =	vand.u32 $0x7F, v15;
	v3 =	vsel vm13, v9, v12;
	[tilespmem:$0x4C0] =	vst v2;
	v2 =	vadd.s32 $0x61A8, v14  }
0x9a: {  	vm15 =	vlt.u32 v15, $0x61A8;
	[tilespmem:$0x4D0] =	vst v3;
	v2 =	vsel vm14, v13, v2;
	v3 =	vadd.s32 $0x61A8, v16  }
0x9b: {  	[tilespmem:$0x4E0] =	vst v2;
	v2 =	vsel vm15, v15, v3  }
0x9c: {  	[tilespmem:$0x4F0] =	vst v2  }
0x9d: {  	[spmem:s1] =	stream.indirect.scatter.add.f32 [tilespmem:s29], [sflag:$0x2], $0x10, s30, s15, $0xb8;
	[tilespmem:$0xD880] =	vst v63  }
0x9e: {  	v2 =	vld [tilespmem:$0x100]  }
0x9f: {  	v3 =	vld [tilespmem:$0x110]  }
0xa0: {  	v17 =	vld [tilespmem:$0x120]  }
0xa1: {  	v18 =	vld [tilespmem:$0x130]  }
0xa2: {  	v20 =	vld [tilespmem:$0x140]  }
0xa3: {  	v22 =	vld [tilespmem:$0x150]  }
0xa4: {  	v24 =	vld [tilespmem:$0x160]  }
0xa5: {  	v26 =	vld [tilespmem:$0x170];
	_ =	sdelay $0x2  }
0xa6: {  	v2 =	vsub.s32 v2, v0;
	v3 =	vsub.s32 v3, v0;
	v4 =	vsub.s32 v17, v0  }
0xa7: {  	v5 =	vsub.s32 v18, v0;
	v7 =	vsub.s32 v20, v0;
	v9 =	vsub.s32 v22, v0  }
0xa8: {  	v30 =	vsub.s32 v24, v0;
	v32 =	vsub.s32 v26, v0;
	v19 =	vand.u32 $0x7F, v2  }
0xa9: {  	vm4 =	vlt.u32 v2, $0x61A8;
	v21 =	vand.u32 $0x7F, v3;
	vm5 =	vlt.u32 v3, $0x61A8  }
0xaa: {  	v23 =	vand.u32 $0x7F, v4;
	vm6 =	vlt.u32 v4, $0x61A8;
	v25 =	vand.u32 $0x7F, v5  }
0xab: {  	vm7 =	vlt.u32 v5, $0x61A8;
	v27 =	vand.u32 $0x7F, v7;
	v6 =	vadd.s32 $0x61A8, v19  }
0xac: {  	vm8 =	vlt.u32 v7, $0x61A8;
	v8 =	vadd.s32 $0x61A8, v21;
	v2 =	vsel vm4, v2, v6  }
0xad: {  	v28 =	vand.u32 $0x7F, v9;
	v3 =	vsel vm5, v3, v8;
	v6 =	vadd.s32 $0x61A8, v23;
	[tilespmem:$0x500] =	vst v2  }
0xae: {  	vm9 =	vlt.u32 v9, $0x61A8;
	v4 =	vsel vm6, v4, v6;
	v6 =	vadd.s32 $0x61A8, v25;
	[tilespmem:$0x510] =	vst v3  }
0xaf: {  	v31 =	vand.u32 $0x7F, v30;
	v2 =	vadd.s32 $0x61A8, v27;
	v3 =	vsel vm7, v5, v6;
	[tilespmem:$0x520] =	vst v4  }
0xb0: {  	vm10 =	vlt.u32 v30, $0x61A8;
	v29 =	vadd.s32 $0x61A8, v28;
	v2 =	vsel vm8, v7, v2;
	[tilespmem:$0x530] =	vst v3  }
0xb1: {  	v33 =	vand.u32 $0x7F, v32;
	v3 =	vsel vm9, v9, v29;
	[tilespmem:$0x540] =	vst v2;
	v2 =	vadd.s32 $0x61A8, v31  }
0xb2: {  	vm11 =	vlt.u32 v32, $0x61A8;
	[tilespmem:$0x550] =	vst v3;
	v2 =	vsel vm10, v30, v2;
	v3 =	vadd.s32 $0x61A8, v33  }
0xb3: {  	[tilespmem:$0x560] =	vst v2;
	v2 =	vsel vm11, v32, v3  }
0xb4: {  	[tilespmem:$0x570] =	vst v2  }
0xb5: {  	[spmem:s1] =	stream.indirect.scatter.add.f32 [tilespmem:s29], [sflag:$0x2], $0x10, s31, s15, $0xb8;
	[tilespmem:$0xD880] =	vst v63  }
0xb6: {  	v2 =	vld [tilespmem:$0x180]  }
0xb7: {  	v3 =	vld [tilespmem:$0x190]  }
0xb8: {  	v34 =	vld [tilespmem:$0x1A0]  }
0xb9: {  	v35 =	vld [tilespmem:$0x1B0]  }
0xba: {  	v37 =	vld [tilespmem:$0x1C0]  }
0xbb: {  	v39 =	vld [tilespmem:$0x1D0]  }
0xbc: {  	v41 =	vld [tilespmem:$0x1E0]  }
0xbd: {  	v43 =	vld [tilespmem:$0x1F0];
	_ =	sdelay $0x2  }
0xbe: {  	v2 =	vsub.s32 v2, v0;
	v3 =	vsub.s32 v3, v0;
	v4 =	vsub.s32 v34, v0  }
0xbf: {  	v5 =	vsub.s32 v35, v0;
	v7 =	vsub.s32 v37, v0;
	v9 =	vsub.s32 v39, v0  }
0xc0: {  	v47 =	vsub.s32 v41, v0;
	v49 =	vsub.s32 v43, v0;
	v36 =	vand.u32 $0x7F, v2  }
0xc1: {  	vm12 =	vlt.u32 v2, $0x61A8;
	v38 =	vand.u32 $0x7F, v3;
	vm13 =	vlt.u32 v3, $0x61A8  }
0xc2: {  	v40 =	vand.u32 $0x7F, v4;
	vm14 =	vlt.u32 v4, $0x61A8;
	v42 =	vand.u32 $0x7F, v5  }
0xc3: {  	vm15 =	vlt.u32 v5, $0x61A8;
	v44 =	vand.u32 $0x7F, v7;
	v6 =	vadd.s32 $0x61A8, v36  }
0xc4: {  	vm4 =	vlt.u32 v7, $0x61A8;
	v8 =	vadd.s32 $0x61A8, v38;
	v2 =	vsel vm12, v2, v6  }
0xc5: {  	v45 =	vand.u32 $0x7F, v9;
	v3 =	vsel vm13, v3, v8;
	v6 =	vadd.s32 $0x61A8, v40;
	[tilespmem:$0x580] =	vst v2  }
0xc6: {  	vm5 =	vlt.u32 v9, $0x61A8;
	v4 =	vsel vm14, v4, v6;
	v6 =	vadd.s32 $0x61A8, v42;
	[tilespmem:$0x590] =	vst v3  }
0xc7: {  	v48 =	vand.u32 $0x7F, v47;
	v2 =	vadd.s32 $0x61A8, v44;
	v3 =	vsel vm15, v5, v6;
	[tilespmem:$0x5A0] =	vst v4  }
0xc8: {  	vm6 =	vlt.u32 v47, $0x61A8;
	v46 =	vadd.s32 $0x61A8, v45;
	v2 =	vsel vm4, v7, v2;
	[tilespmem:$0x5B0] =	vst v3  }
0xc9: {  	v50 =	vand.u32 $0x7F, v49;
	v3 =	vsel vm5, v9, v46;
	[tilespmem:$0x5C0] =	vst v2;
	v2 =	vadd.s32 $0x61A8, v48  }
0xca: {  	vm7 =	vlt.u32 v49, $0x61A8;
	[tilespmem:$0x5D0] =	vst v3;
	v2 =	vsel vm6, v47, v2;
	v3 =	vadd.s32 $0x61A8, v50  }
0xcb: {  	[tilespmem:$0x5E0] =	vst v2;
	v2 =	vsel vm7, v49, v3  }
0xcc: {  	[tilespmem:$0x5F0] =	vst v2  }
0xcd: {  	[spmem:s1] =	stream.indirect.scatter.add.f32 [tilespmem:s29], [sflag:$0x2], $0x10, s0, s15, $0xb8;
	[tilespmem:$0xD880] =	vst v63  }
0xce: {  	v2 =	vld [tilespmem:$0x200]  }
0xcf: {  	v3 =	vld [tilespmem:$0x210]  }
0xd0: {  	v51 =	vld [tilespmem:$0x220]  }
0xd1: {  	v52 =	vld [tilespmem:$0x230]  }
0xd2: {  	v54 =	vld [tilespmem:$0x240]  }
0xd3: {  	v56 =	vld [tilespmem:$0x250]  }
0xd4: {  	v58 =	vld [tilespmem:$0x260]  }
0xd5: {  	v60 =	vld [tilespmem:$0x270];
	_ =	sdelay $0x2  }
0xd6: {  	v2 =	vsub.s32 v2, v0;
	v3 =	vsub.s32 v3, v0;
	v4 =	vsub.s32 v51, v0  }
0xd7: {  	v5 =	vsub.s32 v52, v0;
	v7 =	vsub.s32 v54, v0;
	v9 =	vsub.s32 v56, v0  }
0xd8: {  	v11 =	vsub.s32 v58, v0;
	v13 =	vsub.s32 v60, v0;
	v53 =	vand.u32 $0x7F, v2  }
0xd9: {  	vm8 =	vlt.u32 v2, $0x61A8;
	v55 =	vand.u32 $0x7F, v3;
	vm9 =	vlt.u32 v3, $0x61A8  }
0xda: {  	v57 =	vand.u32 $0x7F, v4;
	vm10 =	vlt.u32 v4, $0x61A8;
	v59 =	vand.u32 $0x7F, v5  }
0xdb: {  	vm11 =	vlt.u32 v5, $0x61A8;
	v61 =	vand.u32 $0x7F, v7;
	v6 =	vadd.s32 $0x61A8, v53  }
0xdc: {  	vm12 =	vlt.u32 v7, $0x61A8;
	v8 =	vadd.s32 $0x61A8, v55;
	v2 =	vsel vm8, v2, v6  }
0xdd: {  	v62 =	vand.u32 $0x7F, v9;
	v3 =	vsel vm9, v3, v8;
	v6 =	vadd.s32 $0x61A8, v57;
	[tilespmem:$0x600] =	vst v2  }
0xde: {  	vm13 =	vlt.u32 v9, $0x61A8;
	v4 =	vsel vm10, v4, v6;
	v6 =	vadd.s32 $0x61A8, v59;
	[tilespmem:$0x610] =	vst v3  }
0xdf: {  	v12 =	vand.u32 $0x7F, v11;
	v2 =	vadd.s32 $0x61A8, v61;
	v3 =	vsel vm11, v5, v6;
	[tilespmem:$0x620] =	vst v4  }
0xe0: {  	vm14 =	vlt.u32 v11, $0x61A8;
	v63 =	vadd.s32 $0x61A8, v62;
	v2 =	vsel vm12, v7, v2;
	[tilespmem:$0x630] =	vst v3  }
0xe1: {  	v14 =	vand.u32 $0x7F, v13;
	v3 =	vsel vm13, v9, v63;
	[tilespmem:$0x640] =	vst v2;
	v2 =	vadd.s32 $0x61A8, v12  }
0xe2: {  	vm15 =	vlt.u32 v13, $0x61A8;
	[tilespmem:$0x650] =	vst v3;
	v2 =	vsel vm14, v11, v2;
	v3 =	vadd.s32 $0x61A8, v14  }
0xe3: {  	[tilespmem:$0x660] =	vst v2;
	v2 =	vsel vm15, v13, v3  }
0xe4: {  	[tilespmem:$0x670] =	vst v2  }
0xe5: {  	[spmem:s1] =	stream.indirect.scatter.add.f32 [tilespmem:s29], [sflag:$0x2], $0x10, s3, s15, $0xb8;
	[tilespmem:$0xD880] =	vst v63  }
0xe6: {  	v2 =	vld [tilespmem:$0x280]  }
0xe7: {  	v3 =	vld [tilespmem:$0x290]  }
0xe8: {  	v15 =	vld [tilespmem:$0x2A0]  }
0xe9: {  	v16 =	vld [tilespmem:$0x2B0]  }
0xea: {  	v18 =	vld [tilespmem:$0x2C0]  }
0xeb: {  	v20 =	vld [tilespmem:$0x2D0]  }
0xec: {  	v22 =	vld [tilespmem:$0x2E0]  }
0xed: {  	v24 =	vld [tilespmem:$0x2F0];
	_ =	sdelay $0x2  }
0xee: {  	v2 =	vsub.s32 v2, v0;
	v3 =	vsub.s32 v3, v0;
	v4 =	vsub.s32 v15, v0  }
0xef: {  	v5 =	vsub.s32 v16, v0;
	v7 =	vsub.s32 v18, v0;
	v9 =	vsub.s32 v20, v0  }
0xf0: {  	v28 =	vsub.s32 v22, v0;
	v30 =	vsub.s32 v24, v0;
	v17 =	vand.u32 $0x7F, v2  }
0xf1: {  	vm4 =	vlt.u32 v2, $0x61A8;
	v19 =	vand.u32 $0x7F, v3;
	vm5 =	vlt.u32 v3, $0x61A8  }
0xf2: {  	v21 =	vand.u32 $0x7F, v4;
	vm6 =	vlt.u32 v4, $0x61A8;
	v23 =	vand.u32 $0x7F, v5  }
0xf3: {  	vm7 =	vlt.u32 v5, $0x61A8;
	v25 =	vand.u32 $0x7F, v7;
	v6 =	vadd.s32 $0x61A8, v17  }
0xf4: {  	vm8 =	vlt.u32 v7, $0x61A8;
	v8 =	vadd.s32 $0x61A8, v19;
	v2 =	vsel vm4, v2, v6  }
0xf5: {  	v26 =	vand.u32 $0x7F, v9;
	v3 =	vsel vm5, v3, v8;
	v6 =	vadd.s32 $0x61A8, v21;
	[tilespmem:$0x680] =	vst v2  }
0xf6: {  	vm9 =	vlt.u32 v9, $0x61A8;
	v4 =	vsel vm6, v4, v6;
	v6 =	vadd.s32 $0x61A8, v23;
	[tilespmem:$0x690] =	vst v3  }
0xf7: {  	v29 =	vand.u32 $0x7F, v28;
	v2 =	vadd.s32 $0x61A8, v25;
	v3 =	vsel vm7, v5, v6;
	[tilespmem:$0x6A0] =	vst v4  }
0xf8: {  	vm10 =	vlt.u32 v28, $0x61A8;
	v27 =	vadd.s32 $0x61A8, v26;
	v2 =	vsel vm8, v7, v2;
	[tilespmem:$0x6B0] =	vst v3  }
0xf9: {  	v31 =	vand.u32 $0x7F, v30;
	v3 =	vsel vm9, v9, v27;
	[tilespmem:$0x6C0] =	vst v2;
	v2 =	vadd.s32 $0x61A8, v29  }
0xfa: {  	vm11 =	vlt.u32 v30, $0x61A8;
	[tilespmem:$0x6D0] =	vst v3;
	v2 =	vsel vm10, v28, v2;
	v3 =	vadd.s32 $0x61A8, v31  }
0xfb: {  	[tilespmem:$0x6E0] =	vst v2;
	v2 =	vsel vm11, v30, v3  }
0xfc: {  	[tilespmem:$0x6F0] =	vst v2  }
0xfd: {  	[spmem:s1] =	stream.indirect.scatter.add.f32 [tilespmem:s29], [sflag:$0x2], $0x10, s6, s15, $0xb8;
	[tilespmem:$0xD880] =	vst v63  }
0xfe: {  	v2 =	vld [tilespmem:$0x300]  }
0xff: {  	v3 =	vld [tilespmem:$0x310]  }
0x100: {  	v32 =	vld [tilespmem:$0x320]  }
0x101: {  	v33 =	vld [tilespmem:$0x330]  }
0x102: {  	v35 =	vld [tilespmem:$0x340]  }
0x103: {  	v37 =	vld [tilespmem:$0x350]  }
0x104: {  	v39 =	vld [tilespmem:$0x360]  }
0x105: {  	v41 =	vld [tilespmem:$0x370];
	_ =	sdelay $0x2  }
0x106: {  	v2 =	vsub.s32 v2, v0;
	v3 =	vsub.s32 v3, v0;
	v4 =	vsub.s32 v32, v0  }
0x107: {  	v5 =	vsub.s32 v33, v0;
	v7 =	vsub.s32 v35, v0;
	v9 =	vsub.s32 v37, v0  }
0x108: {  	v45 =	vsub.s32 v39, v0;
	v47 =	vsub.s32 v41, v0;
	v34 =	vand.u32 $0x7F, v2  }
0x109: {  	vm12 =	vlt.u32 v2, $0x61A8;
	v36 =	vand.u32 $0x7F, v3;
	vm13 =	vlt.u32 v3, $0x61A8  }
0x10a: {  	v38 =	vand.u32 $0x7F, v4;
	vm14 =	vlt.u32 v4, $0x61A8;
	v40 =	vand.u32 $0x7F, v5  }
0x10b: {  	vm15 =	vlt.u32 v5, $0x61A8;
	v42 =	vand.u32 $0x7F, v7;
	v6 =	vadd.s32 $0x61A8, v34  }
0x10c: {  	vm4 =	vlt.u32 v7, $0x61A8;
	v8 =	vadd.s32 $0x61A8, v36;
	v2 =	vsel vm12, v2, v6  }
0x10d: {  	v43 =	vand.u32 $0x7F, v9;
	v3 =	vsel vm13, v3, v8;
	v6 =	vadd.s32 $0x61A8, v38;
	[tilespmem:$0x700] =	vst v2  }
0x10e: {  	vm5 =	vlt.u32 v9, $0x61A8;
	v4 =	vsel vm14, v4, v6;
	v6 =	vadd.s32 $0x61A8, v40;
	[tilespmem:$0x710] =	vst v3  }
0x10f: {  	v46 =	vand.u32 $0x7F, v45;
	v2 =	vadd.s32 $0x61A8, v42;
	v3 =	vsel vm15, v5, v6;
	[tilespmem:$0x720] =	vst v4  }
0x110: {  	vm6 =	vlt.u32 v45, $0x61A8;
	v44 =	vadd.s32 $0x61A8, v43;
	v2 =	vsel vm4, v7, v2;
	[tilespmem:$0x730] =	vst v3  }
0x111: {  	v48 =	vand.u32 $0x7F, v47;
	v3 =	vsel vm5, v9, v44;
	[tilespmem:$0x740] =	vst v2;
	v2 =	vadd.s32 $0x61A8, v46  }
0x112: {  	vm7 =	vlt.u32 v47, $0x61A8;
	[tilespmem:$0x750] =	vst v3;
	v2 =	vsel vm6, v45, v2;
	v3 =	vadd.s32 $0x61A8, v48  }
0x113: {  	[tilespmem:$0x760] =	vst v2;
	v2 =	vsel vm7, v47, v3  }
0x114: {  	[tilespmem:$0x770] =	vst v2  }
0x115: {  	[spmem:s1] =	stream.indirect.scatter.add.f32 [tilespmem:s29], [sflag:$0x2], $0x10, s7, s15, $0xb8;
	[tilespmem:$0xD880] =	vst v63  }
0x116: {  	v2 =	vld [tilespmem:$0x380]  }
0x117: {  	v3 =	vld [tilespmem:$0x390]  }
0x118: {  	v49 =	vld [tilespmem:$0x3A0]  }
0x119: {  	v50 =	vld [tilespmem:$0x3B0]  }
0x11a: {  	v52 =	vld [tilespmem:$0x3C0]  }
0x11b: {  	v54 =	vld [tilespmem:$0x3D0]  }
0x11c: {  	v56 =	vld [tilespmem:$0x3E0]  }
0x11d: {  	v58 =	vld [tilespmem:$0x3F0];
	_ =	sdelay $0x2  }
0x11e: {  	v2 =	vsub.s32 v2, v0;
	v3 =	vsub.s32 v3, v0;
	v4 =	vsub.s32 v49, v0  }
0x11f: {  	v5 =	vsub.s32 v50, v0;
	v7 =	vsub.s32 v52, v0;
	v9 =	vsub.s32 v54, v0  }
0x120: {  	v60 =	vsub.s32 v56, v0;
	v62 =	vsub.s32 v58, v0;
	v51 =	vand.u32 $0x7F, v2  }
0x121: {  	vm8 =	vlt.u32 v2, $0x61A8;
	v53 =	vand.u32 $0x7F, v3;
	vm9 =	vlt.u32 v3, $0x61A8  }
0x122: {  	v55 =	vand.u32 $0x7F, v4;
	vm10 =	vlt.u32 v4, $0x61A8;
	v57 =	vand.u32 $0x7F, v5  }
0x123: {  	vm11 =	vlt.u32 v5, $0x61A8;
	v59 =	vand.u32 $0x7F, v7;
	v6 =	vadd.s32 $0x61A8, v51  }
0x124: {  	vm12 =	vlt.u32 v7, $0x61A8;
	v8 =	vadd.s32 $0x61A8, v53;
	v2 =	vsel vm8, v2, v6  }
0x125: {  	vm13 =	vlt.u32 v9, $0x61A8;
	v3 =	vsel vm9, v3, v8;
	v6 =	vadd.s32 $0x61A8, v55;
	[tilespmem:$0x780] =	vst v2  }
0x126: {  	v61 =	vand.u32 $0x7F, v60;
	v4 =	vsel vm10, v4, v6;
	v6 =	vadd.s32 $0x61A8, v57;
	[tilespmem:$0x790] =	vst v3  }
0x127: {  	v2 =	vadd.s32 $0x61A8, v59;
	v3 =	vand.u32 $0x7F, v9;
	v5 =	vsel vm11, v5, v6;
	[tilespmem:$0x7A0] =	vst v4  }
0x128: {  	vm14 =	vlt.u32 v60, $0x61A8;
	v2 =	vsel vm12, v7, v2;
	v3 =	vadd.s32 $0x61A8, v3;
	[tilespmem:$0x7B0] =	vst v5  }
0x129: {  	v63 =	vand.u32 $0x7F, v62;
	v3 =	vsel vm13, v9, v3;
	[tilespmem:$0x7C0] =	vst v2;
	v2 =	vadd.s32 $0x61A8, v61  }
0x12a: {  	vm15 =	vlt.u32 v62, $0x61A8;
	[tilespmem:$0x7D0] =	vst v3;
	v2 =	vsel vm14, v60, v2;
	v3 =	vadd.s32 $0x61A8, v63  }
0x12b: {  	[tilespmem:$0x7E0] =	vst v2;
	v2 =	vsel vm15, v62, v3  }
0x12c: {  	[tilespmem:$0x7F0] =	vst v2  }
0x12d: {  	[spmem:s1] =	stream.indirect.scatter.add.f32 [tilespmem:s29], [sflag:$0x2], $0x10, s8, s15, $0xb8;
	[tilespmem:$0xD880] =	vst v63  }
0x12e: {  	_ =	swait.ge [sflag:s9], $0x800  }
0x12f: {  	[sflag:s9] =	ssyncset.done $0x0  }
0x130: {  	[sflag:s9] =	ssyncadd.s32 $0xFFFFF800  }
0x131: {  	_ =	swait.ge [sflag:s9], $0x800  }
0x132: {  	[sflag:s9] =	ssyncset.done $0x0  }
0x133: {  	[sflag:s9] =	ssyncadd.s32 $0xFFFFF800  }
0x134: {  	_ =	swait.ge [sflag:s9], $0x800  }
0x135: {  	[sflag:s9] =	ssyncset.done $0x0  }
0x136: {  	[sflag:s9] =	ssyncadd.s32 $0xFFFFF800  }
0x137: {  	_ =	swait.ge [sflag:s9], $0x800  }
0x138: {  	[sflag:s9] =	ssyncset.done $0x0  }
0x139: {  	[sflag:s9] =	ssyncadd.s32 $0xFFFFF800  }
0x13a: {  	_ =	swait.ge [sflag:s9], $0x800  }
0x13b: {  	[sflag:s9] =	ssyncset.done $0x0  }
0x13c: {  	[sflag:s9] =	ssyncadd.s32 $0xFFFFF800  }
0x13d: {  	_ =	swait.ge [sflag:s9], $0x800  }
0x13e: {  	[sflag:s9] =	ssyncset.done $0x0  }
0x13f: {  	[sflag:s9] =	ssyncadd.s32 $0xFFFFF800  }
0x140: {  	p1 =	sne.s32 s23, $0x1800;
	_ =	swait.ge [sflag:s9], $0x800  }
.Ltmp2:
0x141: {  	[sflag:s9] =	ssyncset.done $0x0;
	(pc) =	sbr.rel @p1 .LBB2_6-.Ltmp2, $4  }
0x142: {  	[sflag:s9] =	ssyncadd.s32 $0xFFFFF800  }
0x143: {  	_ =	swait.ge [sflag:s9], $0x800  }
0x144: {  	[sflag:s9] =	ssyncset.done $0x0  }
0x145: {  	s23 =	sadd.s32 $0x80, s23;
	[sflag:s9] =	ssyncadd.s32 $0xFFFFF800  }
0x146: {  	s23 =	rddreg [dreg:$0xe]  }
.LBB2_8:
0x147: {  	s5 =	sadd.s32 s22, s23  }
0x148: {  	[tilespmem:s4], [sflag:$0x1] =	stream.linear.gather [hbm4b:s5+s4], $0x80, $0x38;
	[tilespmem:$0xD880] =	vst v63  }
0x149: {  	s10 =	sadd.s32 $0x10, s5  }
0x14a: {  	[tilespmem:s15], [sflag:$0x1] =	stream.linear.gather [hbm4b:s10+s4], $0x80, $0x38;
	[tilespmem:$0xD880] =	vst v63  }
0x14b: {  	s24 =	sadd.s32 $0x20, s5  }
0x14c: {  	[tilespmem:s16], [sflag:$0x1] =	stream.linear.gather [hbm4b:s24+s4], $0x80, $0x38;
	[tilespmem:$0xD880] =	vst v63  }
0x14d: {  	s13 =	sadd.s32 $0x30, s5  }
0x14e: {  	[tilespmem:s17], [sflag:$0x1] =	stream.linear.gather [hbm4b:s13+s4], $0x80, $0x38;
	[tilespmem:$0xD880] =	vst v63  }
0x14f: {  	s14 =	sadd.s32 $0x40, s5  }
0x150: {  	[tilespmem:s18], [sflag:$0x1] =	stream.linear.gather [hbm4b:s14+s4], $0x80, $0x38;
	[tilespmem:$0xD880] =	vst v63  }
0x151: {  	s21 =	sadd.s32 $0x50, s5  }
0x152: {  	[tilespmem:s19], [sflag:$0x1] =	stream.linear.gather [hbm4b:s21+s4], $0x80, $0x38;
	[tilespmem:$0xD880] =	vst v63  }
0x153: {  	s24 =	sadd.s32 $0x60, s5  }
0x154: {  	[tilespmem:s20], [sflag:$0x1] =	stream.linear.gather [hbm4b:s24+s4], $0x80, $0x38;
	[tilespmem:$0xD880] =	vst v63  }
0x155: {  	s5 =	sadd.s32 $0x70, s5  }
0x156: {  	[tilespmem:s25], [sflag:$0x1] =	stream.linear.gather [hbm4b:s5+s4], $0x80, $0x38;
	[tilespmem:$0xD880] =	vst v63  }
0x157: {  	_ =	swait.ge [sflag:s26], $0x80  }
0x158: {  	[sflag:s26] =	ssyncset.done $0x0  }
0x159: {  	[sflag:s26] =	ssyncadd.s32 $0xFFFFFF80  }
0x15a: {  	_ =	swait.ge [sflag:s26], $0x80  }
0x15b: {  	[sflag:s26] =	ssyncset.done $0x0  }
0x15c: {  	[sflag:s26] =	ssyncadd.s32 $0xFFFFFF80  }
0x15d: {  	_ =	swait.ge [sflag:s26], $0x80  }
0x15e: {  	[sflag:s26] =	ssyncset.done $0x0  }
0x15f: {  	[sflag:s26] =	ssyncadd.s32 $0xFFFFFF80  }
0x160: {  	_ =	swait.ge [sflag:s26], $0x80  }
0x161: {  	[sflag:s26] =	ssyncset.done $0x0  }
0x162: {  	[sflag:s26] =	ssyncadd.s32 $0xFFFFFF80  }
0x163: {  	_ =	swait.ge [sflag:s26], $0x80  }
0x164: {  	[sflag:s26] =	ssyncset.done $0x0  }
0x165: {  	[sflag:s26] =	ssyncadd.s32 $0xFFFFFF80  }
0x166: {  	_ =	swait.ge [sflag:s26], $0x80  }
0x167: {  	[sflag:s26] =	ssyncset.done $0x0  }
0x168: {  	[sflag:s26] =	ssyncadd.s32 $0xFFFFFF80  }
0x169: {  	_ =	swait.ge [sflag:s26], $0x80  }
0x16a: {  	[sflag:s26] =	ssyncset.done $0x0  }
0x16b: {  	[sflag:s26] =	ssyncadd.s32 $0xFFFFFF80  }
0x16c: {  	_ =	swait.ge [sflag:s26], $0x80  }
0x16d: {  	[sflag:s26] =	ssyncset.done $0x0  }
0x16e: {  	[sflag:s26] =	ssyncadd.s32 $0xFFFFFF80  }
0x16f: {  	v2 =	vld [tilespmem:$0x0]  }
0x170: {  	v3 =	vld [tilespmem:$0x10]  }
0x171: {  	v4 =	vld [tilespmem:$0x20]  }
0x172: {  	v5 =	vld [tilespmem:$0x30]  }
0x173: {  	v7 =	vld [tilespmem:$0x40]  }
0x174: {  	v9 =	vld [tilespmem:$0x50]  }
0x175: {  	v45 =	vld [tilespmem:$0x60]  }
0x176: {  	v10 =	vld [tilespmem:$0x70];
	_ =	sdelay $0x2  }
0x177: {  	v2 =	vsub.s32 v2, v0;
	v3 =	vsub.s32 v3, v0;
	v4 =	vsub.s32 v4, v0  }
0x178: {  	v5 =	vsub.s32 v5, v0;
	v7 =	vsub.s32 v7, v0;
	v9 =	vsub.s32 v9, v0  }
0x179: {  	v49 =	vsub.s32 v45, v0;
	v51 =	vsub.s32 v10, v0;
	v6 =	vand.u32 $0x7F, v2  }
0x17a: {  	vm0 =	vlt.u32 v2, $0x61A8;
	v8 =	vand.u32 $0x7F, v3;
	vm1 =	vlt.u32 v3, $0x61A8  }
0x17b: {  	v44 =	vand.u32 $0x7F, v4;
	vm14 =	vlt.u32 v4, $0x61A8;
	v46 =	vand.u32 $0x7F, v5  }
0x17c: {  	vm15 =	vlt.u32 v5, $0x61A8;
	v11 =	vand.u32 $0x7F, v7;
	v6 =	vadd.s32 $0x61A8, v6  }
0x17d: {  	vm4 =	vlt.u32 v7, $0x61A8;
	v8 =	vadd.s32 $0x61A8, v8;
	v2 =	vsel vm0, v2, v6  }
0x17e: {  	v47 =	vand.u32 $0x7F, v9;
	v3 =	vsel vm1, v3, v8;
	v6 =	vadd.s32 $0x61A8, v44;
	[tilespmem:$0x400] =	vst v2  }
0x17f: {  	vm5 =	vlt.u32 v9, $0x61A8;
	v4 =	vsel vm14, v4, v6;
	v6 =	vadd.s32 $0x61A8, v46;
	[tilespmem:$0x410] =	vst v3  }
0x180: {  	v50 =	vand.u32 $0x7F, v49;
	v2 =	vadd.s32 $0x61A8, v11;
	v3 =	vsel vm15, v5, v6;
	[tilespmem:$0x420] =	vst v4  }
0x181: {  	vm6 =	vlt.u32 v49, $0x61A8;
	v48 =	vadd.s32 $0x61A8, v47;
	v2 =	vsel vm4, v7, v2;
	[tilespmem:$0x430] =	vst v3  }
0x182: {  	v52 =	vand.u32 $0x7F, v51;
	v3 =	vsel vm5, v9, v48;
	[tilespmem:$0x440] =	vst v2;
	v2 =	vadd.s32 $0x61A8, v50  }
0x183: {  	vm7 =	vlt.u32 v51, $0x61A8;
	[tilespmem:$0x450] =	vst v3;
	v2 =	vsel vm6, v49, v2;
	v3 =	vadd.s32 $0x61A8, v52  }
0x184: {  	[tilespmem:$0x460] =	vst v2;
	v2 =	vsel vm7, v51, v3  }
0x185: {  	[tilespmem:$0x470] =	vst v2  }
0x186: {  	[spmem:s2] =	stream.indirect.scatter.add.f32 [tilespmem:s29], [sflag:$0x2], $0x10, s28, s15, $0xb8;
	[tilespmem:$0xD880] =	vst v63  }
0x187: {  	v2 =	vld [tilespmem:$0x80]  }
0x188: {  	v3 =	vld [tilespmem:$0x90]  }
0x189: {  	v53 =	vld [tilespmem:$0xA0]  }
0x18a: {  	v54 =	vld [tilespmem:$0xB0]  }
0x18b: {  	v56 =	vld [tilespmem:$0xC0]  }
0x18c: {  	v58 =	vld [tilespmem:$0xD0]  }
0x18d: {  	v60 =	vld [tilespmem:$0xE0]  }
0x18e: {  	v62 =	vld [tilespmem:$0xF0];
	_ =	sdelay $0x2  }
0x18f: {  	v2 =	vsub.s32 v2, v0;
	v3 =	vsub.s32 v3, v0;
	v4 =	vsub.s32 v53, v0  }
0x190: {  	v5 =	vsub.s32 v54, v0;
	v7 =	vsub.s32 v56, v0;
	v9 =	vsub.s32 v58, v0  }
0x191: {  	v13 =	vsub.s32 v60, v0;
	v15 =	vsub.s32 v62, v0;
	v55 =	vand.u32 $0x7F, v2  }
0x192: {  	vm8 =	vlt.u32 v2, $0x61A8;
	v57 =	vand.u32 $0x7F, v3;
	vm9 =	vlt.u32 v3, $0x61A8  }
0x193: {  	v59 =	vand.u32 $0x7F, v4;
	vm10 =	vlt.u32 v4, $0x61A8;
	v61 =	vand.u32 $0x7F, v5  }
0x194: {  	vm11 =	vlt.u32 v5, $0x61A8;
	v63 =	vand.u32 $0x7F, v7;
	v6 =	vadd.s32 $0x61A8, v55  }
0x195: {  	vm12 =	vlt.u32 v7, $0x61A8;
	v8 =	vadd.s32 $0x61A8, v57;
	v2 =	vsel vm8, v2, v6  }
0x196: {  	v11 =	vand.u32 $0x7F, v9;
	v3 =	vsel vm9, v3, v8;
	v6 =	vadd.s32 $0x61A8, v59;
	[tilespmem:$0x480] =	vst v2  }
0x197: {  	vm13 =	vlt.u32 v9, $0x61A8;
	v4 =	vsel vm10, v4, v6;
	v6 =	vadd.s32 $0x61A8, v61;
	[tilespmem:$0x490] =	vst v3  }
0x198: {  	v14 =	vand.u32 $0x7F, v13;
	v2 =	vadd.s32 $0x61A8, v63;
	v3 =	vsel vm11, v5, v6;
	[tilespmem:$0x4A0] =	vst v4  }
0x199: {  	vm14 =	vlt.u32 v13, $0x61A8;
	v12 =	vadd.s32 $0x61A8, v11;
	v2 =	vsel vm12, v7, v2;
	[tilespmem:$0x4B0] =	vst v3  }
0x19a: {  	v16 =	vand.u32 $0x7F, v15;
	v3 =	vsel vm13, v9, v12;
	[tilespmem:$0x4C0] =	vst v2;
	v2 =	vadd.s32 $0x61A8, v14  }
0x19b: {  	vm15 =	vlt.u32 v15, $0x61A8;
	[tilespmem:$0x4D0] =	vst v3;
	v2 =	vsel vm14, v13, v2;
	v3 =	vadd.s32 $0x61A8, v16  }
0x19c: {  	[tilespmem:$0x4E0] =	vst v2;
	v2 =	vsel vm15, v15, v3  }
0x19d: {  	[tilespmem:$0x4F0] =	vst v2  }
0x19e: {  	[spmem:s2] =	stream.indirect.scatter.add.f32 [tilespmem:s29], [sflag:$0x2], $0x10, s30, s15, $0xb8;
	[tilespmem:$0xD880] =	vst v63  }
0x19f: {  	v2 =	vld [tilespmem:$0x100]  }
0x1a0: {  	v3 =	vld [tilespmem:$0x110]  }
0x1a1: {  	v17 =	vld [tilespmem:$0x120]  }
0x1a2: {  	v18 =	vld [tilespmem:$0x130]  }
0x1a3: {  	v20 =	vld [tilespmem:$0x140]  }
0x1a4: {  	v22 =	vld [tilespmem:$0x150]  }
0x1a5: {  	v24 =	vld [tilespmem:$0x160]  }
0x1a6: {  	v26 =	vld [tilespmem:$0x170];
	_ =	sdelay $0x2  }
0x1a7: {  	v2 =	vsub.s32 v2, v0;
	v3 =	vsub.s32 v3, v0;
	v4 =	vsub.s32 v17, v0  }
0x1a8: {  	v5 =	vsub.s32 v18, v0;
	v7 =	vsub.s32 v20, v0;
	v9 =	vsub.s32 v22, v0  }
0x1a9: {  	v30 =	vsub.s32 v24, v0;
	v32 =	vsub.s32 v26, v0;
	v19 =	vand.u32 $0x7F, v2  }
0x1aa: {  	vm4 =	vlt.u32 v2, $0x61A8;
	v21 =	vand.u32 $0x7F, v3;
	vm5 =	vlt.u32 v3, $0x61A8  }
0x1ab: {  	v23 =	vand.u32 $0x7F, v4;
	vm6 =	vlt.u32 v4, $0x61A8;
	v25 =	vand.u32 $0x7F, v5  }
0x1ac: {  	vm7 =	vlt.u32 v5, $0x61A8;
	v27 =	vand.u32 $0x7F, v7;
	v6 =	vadd.s32 $0x61A8, v19  }
0x1ad: {  	vm8 =	vlt.u32 v7, $0x61A8;
	v8 =	vadd.s32 $0x61A8, v21;
	v2 =	vsel vm4, v2, v6  }
0x1ae: {  	v28 =	vand.u32 $0x7F, v9;
	v3 =	vsel vm5, v3, v8;
	v6 =	vadd.s32 $0x61A8, v23;
	[tilespmem:$0x500] =	vst v2  }
0x1af: {  	vm9 =	vlt.u32 v9, $0x61A8;
	v4 =	vsel vm6, v4, v6;
	v6 =	vadd.s32 $0x61A8, v25;
	[tilespmem:$0x510] =	vst v3  }
0x1b0: {  	v31 =	vand.u32 $0x7F, v30;
	v2 =	vadd.s32 $0x61A8, v27;
	v3 =	vsel vm7, v5, v6;
	[tilespmem:$0x520] =	vst v4  }
0x1b1: {  	vm10 =	vlt.u32 v30, $0x61A8;
	v29 =	vadd.s32 $0x61A8, v28;
	v2 =	vsel vm8, v7, v2;
	[tilespmem:$0x530] =	vst v3  }
0x1b2: {  	v33 =	vand.u32 $0x7F, v32;
	v3 =	vsel vm9, v9, v29;
	[tilespmem:$0x540] =	vst v2;
	v2 =	vadd.s32 $0x61A8, v31  }
0x1b3: {  	vm11 =	vlt.u32 v32, $0x61A8;
	[tilespmem:$0x550] =	vst v3;
	v2 =	vsel vm10, v30, v2;
	v3 =	vadd.s32 $0x61A8, v33  }
0x1b4: {  	[tilespmem:$0x560] =	vst v2;
	v2 =	vsel vm11, v32, v3  }
0x1b5: {  	[tilespmem:$0x570] =	vst v2  }
0x1b6: {  	[spmem:s2] =	stream.indirect.scatter.add.f32 [tilespmem:s29], [sflag:$0x2], $0x10, s31, s15, $0xb8;
	[tilespmem:$0xD880] =	vst v63  }
0x1b7: {  	v2 =	vld [tilespmem:$0x180]  }
0x1b8: {  	v3 =	vld [tilespmem:$0x190]  }
0x1b9: {  	v34 =	vld [tilespmem:$0x1A0]  }
0x1ba: {  	v35 =	vld [tilespmem:$0x1B0]  }
0x1bb: {  	v37 =	vld [tilespmem:$0x1C0]  }
0x1bc: {  	v39 =	vld [tilespmem:$0x1D0]  }
0x1bd: {  	v41 =	vld [tilespmem:$0x1E0]  }
0x1be: {  	v43 =	vld [tilespmem:$0x1F0];
	_ =	sdelay $0x2  }
0x1bf: {  	v2 =	vsub.s32 v2, v0;
	v3 =	vsub.s32 v3, v0;
	v4 =	vsub.s32 v34, v0  }
0x1c0: {  	v5 =	vsub.s32 v35, v0;
	v7 =	vsub.s32 v37, v0;
	v9 =	vsub.s32 v39, v0  }
0x1c1: {  	v47 =	vsub.s32 v41, v0;
	v49 =	vsub.s32 v43, v0;
	v36 =	vand.u32 $0x7F, v2  }
0x1c2: {  	vm12 =	vlt.u32 v2, $0x61A8;
	v38 =	vand.u32 $0x7F, v3;
	vm13 =	vlt.u32 v3, $0x61A8  }
0x1c3: {  	v40 =	vand.u32 $0x7F, v4;
	vm14 =	vlt.u32 v4, $0x61A8;
	v42 =	vand.u32 $0x7F, v5  }
0x1c4: {  	vm15 =	vlt.u32 v5, $0x61A8;
	v44 =	vand.u32 $0x7F, v7;
	v6 =	vadd.s32 $0x61A8, v36  }
0x1c5: {  	vm4 =	vlt.u32 v7, $0x61A8;
	v8 =	vadd.s32 $0x61A8, v38;
	v2 =	vsel vm12, v2, v6  }
0x1c6: {  	v45 =	vand.u32 $0x7F, v9;
	v3 =	vsel vm13, v3, v8;
	v6 =	vadd.s32 $0x61A8, v40;
	[tilespmem:$0x580] =	vst v2  }
0x1c7: {  	vm5 =	vlt.u32 v9, $0x61A8;
	v4 =	vsel vm14, v4, v6;
	v6 =	vadd.s32 $0x61A8, v42;
	[tilespmem:$0x590] =	vst v3  }
0x1c8: {  	v48 =	vand.u32 $0x7F, v47;
	v2 =	vadd.s32 $0x61A8, v44;
	v3 =	vsel vm15, v5, v6;
	[tilespmem:$0x5A0] =	vst v4  }
0x1c9: {  	vm6 =	vlt.u32 v47, $0x61A8;
	v46 =	vadd.s32 $0x61A8, v45;
	v2 =	vsel vm4, v7, v2;
	[tilespmem:$0x5B0] =	vst v3  }
0x1ca: {  	v50 =	vand.u32 $0x7F, v49;
	v3 =	vsel vm5, v9, v46;
	[tilespmem:$0x5C0] =	vst v2;
	v2 =	vadd.s32 $0x61A8, v48  }
0x1cb: {  	vm7 =	vlt.u32 v49, $0x61A8;
	[tilespmem:$0x5D0] =	vst v3;
	v2 =	vsel vm6, v47, v2;
	v3 =	vadd.s32 $0x61A8, v50  }
0x1cc: {  	[tilespmem:$0x5E0] =	vst v2;
	v2 =	vsel vm7, v49, v3  }
0x1cd: {  	[tilespmem:$0x5F0] =	vst v2  }
0x1ce: {  	[spmem:s2] =	stream.indirect.scatter.add.f32 [tilespmem:s29], [sflag:$0x2], $0x10, s0, s15, $0xb8;
	[tilespmem:$0xD880] =	vst v63  }
0x1cf: {  	v2 =	vld [tilespmem:$0x200]  }
0x1d0: {  	v3 =	vld [tilespmem:$0x210]  }
0x1d1: {  	v51 =	vld [tilespmem:$0x220]  }
0x1d2: {  	v52 =	vld [tilespmem:$0x230]  }
0x1d3: {  	v54 =	vld [tilespmem:$0x240]  }
0x1d4: {  	v56 =	vld [tilespmem:$0x250]  }
0x1d5: {  	v58 =	vld [tilespmem:$0x260]  }
0x1d6: {  	v60 =	vld [tilespmem:$0x270];
	_ =	sdelay $0x2  }
0x1d7: {  	v2 =	vsub.s32 v2, v0;
	v3 =	vsub.s32 v3, v0;
	v4 =	vsub.s32 v51, v0  }
0x1d8: {  	v5 =	vsub.s32 v52, v0;
	v7 =	vsub.s32 v54, v0;
	v9 =	vsub.s32 v56, v0  }
0x1d9: {  	v11 =	vsub.s32 v58, v0;
	v13 =	vsub.s32 v60, v0;
	v53 =	vand.u32 $0x7F, v2  }
0x1da: {  	vm8 =	vlt.u32 v2, $0x61A8;
	v55 =	vand.u32 $0x7F, v3;
	vm9 =	vlt.u32 v3, $0x61A8  }
0x1db: {  	v57 =	vand.u32 $0x7F, v4;
	vm10 =	vlt.u32 v4, $0x61A8;
	v59 =	vand.u32 $0x7F, v5  }
0x1dc: {  	vm11 =	vlt.u32 v5, $0x61A8;
	v61 =	vand.u32 $0x7F, v7;
	v6 =	vadd.s32 $0x61A8, v53  }
0x1dd: {  	vm12 =	vlt.u32 v7, $0x61A8;
	v8 =	vadd.s32 $0x61A8, v55;
	v2 =	vsel vm8, v2, v6  }
0x1de: {  	v62 =	vand.u32 $0x7F, v9;
	v3 =	vsel vm9, v3, v8;
	v6 =	vadd.s32 $0x61A8, v57;
	[tilespmem:$0x600] =	vst v2  }
0x1df: {  	vm13 =	vlt.u32 v9, $0x61A8;
	v4 =	vsel vm10, v4, v6;
	v6 =	vadd.s32 $0x61A8, v59;
	[tilespmem:$0x610] =	vst v3  }
0x1e0: {  	v12 =	vand.u32 $0x7F, v11;
	v2 =	vadd.s32 $0x61A8, v61;
	v3 =	vsel vm11, v5, v6;
	[tilespmem:$0x620] =	vst v4  }
0x1e1: {  	vm14 =	vlt.u32 v11, $0x61A8;
	v63 =	vadd.s32 $0x61A8, v62;
	v2 =	vsel vm12, v7, v2;
	[tilespmem:$0x630] =	vst v3  }
0x1e2: {  	v14 =	vand.u32 $0x7F, v13;
	v3 =	vsel vm13, v9, v63;
	[tilespmem:$0x640] =	vst v2;
	v2 =	vadd.s32 $0x61A8, v12  }
0x1e3: {  	vm15 =	vlt.u32 v13, $0x61A8;
	[tilespmem:$0x650] =	vst v3;
	v2 =	vsel vm14, v11, v2;
	v3 =	vadd.s32 $0x61A8, v14  }
0x1e4: {  	[tilespmem:$0x660] =	vst v2;
	v2 =	vsel vm15, v13, v3  }
0x1e5: {  	[tilespmem:$0x670] =	vst v2  }
0x1e6: {  	[spmem:s2] =	stream.indirect.scatter.add.f32 [tilespmem:s29], [sflag:$0x2], $0x10, s3, s15, $0xb8;
	[tilespmem:$0xD880] =	vst v63  }
0x1e7: {  	v2 =	vld [tilespmem:$0x280]  }
0x1e8: {  	v3 =	vld [tilespmem:$0x290]  }
0x1e9: {  	v15 =	vld [tilespmem:$0x2A0]  }
0x1ea: {  	v16 =	vld [tilespmem:$0x2B0]  }
0x1eb: {  	v18 =	vld [tilespmem:$0x2C0]  }
0x1ec: {  	v20 =	vld [tilespmem:$0x2D0]  }
0x1ed: {  	v22 =	vld [tilespmem:$0x2E0]  }
0x1ee: {  	v24 =	vld [tilespmem:$0x2F0];
	_ =	sdelay $0x2  }
0x1ef: {  	v2 =	vsub.s32 v2, v0;
	v3 =	vsub.s32 v3, v0;
	v4 =	vsub.s32 v15, v0  }
0x1f0: {  	v5 =	vsub.s32 v16, v0;
	v7 =	vsub.s32 v18, v0;
	v9 =	vsub.s32 v20, v0  }
0x1f1: {  	v28 =	vsub.s32 v22, v0;
	v30 =	vsub.s32 v24, v0;
	v17 =	vand.u32 $0x7F, v2  }
0x1f2: {  	vm4 =	vlt.u32 v2, $0x61A8;
	v19 =	vand.u32 $0x7F, v3;
	vm5 =	vlt.u32 v3, $0x61A8  }
0x1f3: {  	v21 =	vand.u32 $0x7F, v4;
	vm6 =	vlt.u32 v4, $0x61A8;
	v23 =	vand.u32 $0x7F, v5  }
0x1f4: {  	vm7 =	vlt.u32 v5, $0x61A8;
	v25 =	vand.u32 $0x7F, v7;
	v6 =	vadd.s32 $0x61A8, v17  }
0x1f5: {  	vm8 =	vlt.u32 v7, $0x61A8;
	v8 =	vadd.s32 $0x61A8, v19;
	v2 =	vsel vm4, v2, v6  }
0x1f6: {  	v26 =	vand.u32 $0x7F, v9;
	v3 =	vsel vm5, v3, v8;
	v6 =	vadd.s32 $0x61A8, v21;
	[tilespmem:$0x680] =	vst v2  }
0x1f7: {  	vm9 =	vlt.u32 v9, $0x61A8;
	v4 =	vsel vm6, v4, v6;
	v6 =	vadd.s32 $0x61A8, v23;
	[tilespmem:$0x690] =	vst v3  }
0x1f8: {  	v29 =	vand.u32 $0x7F, v28;
	v2 =	vadd.s32 $0x61A8, v25;
	v3 =	vsel vm7, v5, v6;
	[tilespmem:$0x6A0] =	vst v4  }
0x1f9: {  	vm10 =	vlt.u32 v28, $0x61A8;
	v27 =	vadd.s32 $0x61A8, v26;
	v2 =	vsel vm8, v7, v2;
	[tilespmem:$0x6B0] =	vst v3  }
0x1fa: {  	v31 =	vand.u32 $0x7F, v30;
	v3 =	vsel vm9, v9, v27;
	[tilespmem:$0x6C0] =	vst v2;
	v2 =	vadd.s32 $0x61A8, v29  }
0x1fb: {  	vm11 =	vlt.u32 v30, $0x61A8;
	[tilespmem:$0x6D0] =	vst v3;
	v2 =	vsel vm10, v28, v2;
	v3 =	vadd.s32 $0x61A8, v31  }
0x1fc: {  	[tilespmem:$0x6E0] =	vst v2;
	v2 =	vsel vm11, v30, v3  }
0x1fd: {  	[tilespmem:$0x6F0] =	vst v2  }
0x1fe: {  	[spmem:s2] =	stream.indirect.scatter.add.f32 [tilespmem:s29], [sflag:$0x2], $0x10, s6, s15, $0xb8;
	[tilespmem:$0xD880] =	vst v63  }
0x1ff: {  	v2 =	vld [tilespmem:$0x300]  }
0x200: {  	v3 =	vld [tilespmem:$0x310]  }
0x201: {  	v32 =	vld [tilespmem:$0x320]  }
0x202: {  	v33 =	vld [tilespmem:$0x330]  }
0x203: {  	v35 =	vld [tilespmem:$0x340]  }
0x204: {  	v37 =	vld [tilespmem:$0x350]  }
0x205: {  	v39 =	vld [tilespmem:$0x360]  }
0x206: {  	v41 =	vld [tilespmem:$0x370];
	_ =	sdelay $0x2  }
0x207: {  	v2 =	vsub.s32 v2, v0;
	v3 =	vsub.s32 v3, v0;
	v4 =	vsub.s32 v32, v0  }
0x208: {  	v5 =	vsub.s32 v33, v0;
	v7 =	vsub.s32 v35, v0;
	v9 =	vsub.s32 v37, v0  }
0x209: {  	v45 =	vsub.s32 v39, v0;
	v47 =	vsub.s32 v41, v0;
	v34 =	vand.u32 $0x7F, v2  }
0x20a: {  	vm12 =	vlt.u32 v2, $0x61A8;
	v36 =	vand.u32 $0x7F, v3;
	vm13 =	vlt.u32 v3, $0x61A8  }
0x20b: {  	v38 =	vand.u32 $0x7F, v4;
	vm14 =	vlt.u32 v4, $0x61A8;
	v40 =	vand.u32 $0x7F, v5  }
0x20c: {  	vm15 =	vlt.u32 v5, $0x61A8;
	v42 =	vand.u32 $0x7F, v7;
	v6 =	vadd.s32 $0x61A8, v34  }
0x20d: {  	vm4 =	vlt.u32 v7, $0x61A8;
	v8 =	vadd.s32 $0x61A8, v36;
	v2 =	vsel vm12, v2, v6  }
0x20e: {  	v43 =	vand.u32 $0x7F, v9;
	v3 =	vsel vm13, v3, v8;
	v6 =	vadd.s32 $0x61A8, v38;
	[tilespmem:$0x700] =	vst v2  }
0x20f: {  	vm5 =	vlt.u32 v9, $0x61A8;
	v4 =	vsel vm14, v4, v6;
	v6 =	vadd.s32 $0x61A8, v40;
	[tilespmem:$0x710] =	vst v3  }
0x210: {  	v46 =	vand.u32 $0x7F, v45;
	v2 =	vadd.s32 $0x61A8, v42;
	v3 =	vsel vm15, v5, v6;
	[tilespmem:$0x720] =	vst v4  }
0x211: {  	vm6 =	vlt.u32 v45, $0x61A8;
	v44 =	vadd.s32 $0x61A8, v43;
	v2 =	vsel vm4, v7, v2;
	[tilespmem:$0x730] =	vst v3  }
0x212: {  	v48 =	vand.u32 $0x7F, v47;
	v3 =	vsel vm5, v9, v44;
	[tilespmem:$0x740] =	vst v2;
	v2 =	vadd.s32 $0x61A8, v46  }
0x213: {  	vm7 =	vlt.u32 v47, $0x61A8;
	[tilespmem:$0x750] =	vst v3;
	v2 =	vsel vm6, v45, v2;
	v3 =	vadd.s32 $0x61A8, v48  }
0x214: {  	[tilespmem:$0x760] =	vst v2;
	v2 =	vsel vm7, v47, v3  }
0x215: {  	[tilespmem:$0x770] =	vst v2  }
0x216: {  	[spmem:s2] =	stream.indirect.scatter.add.f32 [tilespmem:s29], [sflag:$0x2], $0x10, s7, s15, $0xb8;
	[tilespmem:$0xD880] =	vst v63  }
0x217: {  	v2 =	vld [tilespmem:$0x380]  }
0x218: {  	v3 =	vld [tilespmem:$0x390]  }
0x219: {  	v49 =	vld [tilespmem:$0x3A0]  }
0x21a: {  	v50 =	vld [tilespmem:$0x3B0]  }
0x21b: {  	v52 =	vld [tilespmem:$0x3C0]  }
0x21c: {  	v54 =	vld [tilespmem:$0x3D0]  }
0x21d: {  	v56 =	vld [tilespmem:$0x3E0]  }
0x21e: {  	v58 =	vld [tilespmem:$0x3F0];
	_ =	sdelay $0x2  }
0x21f: {  	v2 =	vsub.s32 v2, v0;
	v3 =	vsub.s32 v3, v0;
	v4 =	vsub.s32 v49, v0  }
0x220: {  	v5 =	vsub.s32 v50, v0;
	v7 =	vsub.s32 v52, v0;
	v9 =	vsub.s32 v54, v0  }
0x221: {  	v60 =	vsub.s32 v56, v0;
	v62 =	vsub.s32 v58, v0;
	v51 =	vand.u32 $0x7F, v2  }
0x222: {  	vm8 =	vlt.u32 v2, $0x61A8;
	v53 =	vand.u32 $0x7F, v3;
	vm9 =	vlt.u32 v3, $0x61A8  }
0x223: {  	v55 =	vand.u32 $0x7F, v4;
	vm10 =	vlt.u32 v4, $0x61A8;
	v57 =	vand.u32 $0x7F, v5  }
0x224: {  	vm11 =	vlt.u32 v5, $0x61A8;
	v59 =	vand.u32 $0x7F, v7;
	v6 =	vadd.s32 $0x61A8, v51  }
0x225: {  	vm12 =	vlt.u32 v7, $0x61A8;
	v8 =	vadd.s32 $0x61A8, v53;
	v2 =	vsel vm8, v2, v6  }
0x226: {  	vm13 =	vlt.u32 v9, $0x61A8;
	v3 =	vsel vm9, v3, v8;
	v6 =	vadd.s32 $0x61A8, v55;
	[tilespmem:$0x780] =	vst v2  }
0x227: {  	v61 =	vand.u32 $0x7F, v60;
	v4 =	vsel vm10, v4, v6;
	v6 =	vadd.s32 $0x61A8, v57;
	[tilespmem:$0x790] =	vst v3  }
0x228: {  	v2 =	vadd.s32 $0x61A8, v59;
	v3 =	vand.u32 $0x7F, v9;
	v5 =	vsel vm11, v5, v6;
	[tilespmem:$0x7A0] =	vst v4  }
0x229: {  	vm14 =	vlt.u32 v60, $0x61A8;
	v2 =	vsel vm12, v7, v2;
	v3 =	vadd.s32 $0x61A8, v3;
	[tilespmem:$0x7B0] =	vst v5  }
0x22a: {  	v63 =	vand.u32 $0x7F, v62;
	v3 =	vsel vm13, v9, v3;
	[tilespmem:$0x7C0] =	vst v2;
	v2 =	vadd.s32 $0x61A8, v61  }
0x22b: {  	vm15 =	vlt.u32 v62, $0x61A8;
	[tilespmem:$0x7D0] =	vst v3;
	v2 =	vsel vm14, v60, v2;
	v3 =	vadd.s32 $0x61A8, v63  }
0x22c: {  	[tilespmem:$0x7E0] =	vst v2;
	v2 =	vsel vm15, v62, v3  }
0x22d: {  	[tilespmem:$0x7F0] =	vst v2  }
0x22e: {  	[spmem:s2] =	stream.indirect.scatter.add.f32 [tilespmem:s29], [sflag:$0x2], $0x10, s8, s15, $0xb8;
	[tilespmem:$0xD880] =	vst v63  }
0x22f: {  	_ =	swait.ge [sflag:s9], $0x800  }
0x230: {  	[sflag:s9] =	ssyncset.done $0x0  }
0x231: {  	[sflag:s9] =	ssyncadd.s32 $0xFFFFF800  }
0x232: {  	_ =	swait.ge [sflag:s9], $0x800  }
0x233: {  	[sflag:s9] =	ssyncset.done $0x0  }
0x234: {  	[sflag:s9] =	ssyncadd.s32 $0xFFFFF800  }
0x235: {  	_ =	swait.ge [sflag:s9], $0x800  }
0x236: {  	[sflag:s9] =	ssyncset.done $0x0  }
0x237: {  	[sflag:s9] =	ssyncadd.s32 $0xFFFFF800  }
0x238: {  	_ =	swait.ge [sflag:s9], $0x800  }
0x239: {  	[sflag:s9] =	ssyncset.done $0x0  }
0x23a: {  	[sflag:s9] =	ssyncadd.s32 $0xFFFFF800  }
0x23b: {  	_ =	swait.ge [sflag:s9], $0x800  }
0x23c: {  	[sflag:s9] =	ssyncset.done $0x0  }
0x23d: {  	[sflag:s9] =	ssyncadd.s32 $0xFFFFF800  }
0x23e: {  	_ =	swait.ge [sflag:s9], $0x800  }
0x23f: {  	[sflag:s9] =	ssyncset.done $0x0  }
0x240: {  	[sflag:s9] =	ssyncadd.s32 $0xFFFFF800  }
0x241: {  	p1 =	sne.s32 s22, $0x1800;
	_ =	swait.ge [sflag:s9], $0x800  }
.Ltmp3:
0x242: {  	[sflag:s9] =	ssyncset.done $0x0;
	(pc) =	sbr.rel @p1 .LBB2_8-.Ltmp3, $4  }
0x243: {  	[sflag:s9] =	ssyncadd.s32 $0xFFFFF800  }
0x244: {  	_ =	swait.ge [sflag:s9], $0x800  }
0x245: {  	[sflag:s9] =	ssyncset.done $0x0  }
0x246: {  	s22 =	sadd.s32 $0x80, s22;
	[sflag:s9] =	ssyncadd.s32 $0xFFFFF800  }
0x247: {  	s5 =	stileid.u32;
	[bflag:$0x0] =	sbarrier.arrive $0xFFFF  }
0x248: {  	s5 =	sshll.u32 s5, $0x6;
	s10 =	rddreg [dreg:$0x8]  }
0x249: {  	s21 =	simm.s32 $0x3;
	s13 =	rddreg [dreg:$0xf];
	s5 =	sor.u32 $0x1C03, s5  }
0x24a: {  	[hbm:s10], [sflag:s5] =	dma.local [spmem:s13], $0x7D0  }
0x24b: {  	_ =	swait.ge [sflag:s21], $0x7D0  }
0x24c: {  	[sflag:s21] =	ssyncset.done $0x0;
	s14 =	rddreg [dreg:$0x9]  }
0x24d: {  	s22 =	rddreg [dreg:$0x10];
	[sflag:s21] =	ssyncadd.s32 $0xFFFFF830  }
0x24e: {  	[hbm:s14], [sflag:s5] =	dma.local [spmem:s22], $0x7D0  }
0x24f: {  	_ =	swait.ge [sflag:s21], $0x7D0  }
0x250: {  	[sflag:s21] =	ssyncset.done $0x0;
	s10 =	rddreg [dreg:$0xa]  }
0x251: {  	s13 =	rddreg [dreg:$0x11];
	[sflag:s21] =	ssyncadd.s32 $0xFFFFF830  }
0x252: {  	[hbm:s10], [sflag:s5] =	dma.local @!p0 [spmem:s13], $0x7D0  }
0x253: {  	s10 =	simm.s32 @!p0 $0x3  }
0x254: {  	_ =	swait.ge @!p0 [sflag:s10], $0x7D0  }
0x255: {  	[sflag:s10] =	ssyncset.done @!p0 $0x0;
	s13 =	rddreg [dreg:$0xb]  }
0x256: {  	s21 =	rddreg [dreg:$0x12];
	[sflag:s10] =	ssyncadd.s32 @!p0 $0xFFFFF830  }
0x257: {  	[hbm:s13], [sflag:s5] =	dma.local @!p0 [spmem:s21], $0x7D0  }
0x258: {  	_ =	swait.ge @!p0 [sflag:s10], $0x7D0  }
0x259: {  	s23 =	rddreg [dreg:$0x13]  }
0x25a: {  	s24 =	rddreg [dreg:$0xc];
	s13 =	sadd.s32 $0x1, s23  }
0x25b: {  	p1 =	sne.s32 s13, s24  }
.Ltmp4:
0x25c: {  	_ = 	snop;
	(pc) =	sbr.rel @p1 .LBB2_1-.Ltmp4, $3  }
0x25d: {  	_ =	sdelay $0x1  }
0x25e: {  	[sflag:s10] =	ssyncset.done @!p0 $0x0  }
0x25f: {  	[sflag:s10] =	ssyncadd.s32 @!p0 $0xFFFFF830  }
0x260: {  	_ =	sfence.sel $0x180000  }
0x261: {  	[bflag:$0x0] =	sbarrier.arrive $0xFFFF  }
0x262: {  	_ =	strace $0x90000047  }
0x263: {  	s0 =	stileid.u32;
	[bflag:$0x2] =	sbarrier.arrive $0xFFFF  }
0x264: {  	p0 =	sne.s32 s0, $0x0;
	s0 =	rddreg [dreg:$0x6]  }
0x265: {  	s0 =	sadd.s32 @!p0 $0x100000, s0  }
0x266: {  	[sflag:s0] =	ssyncadd.tile.s32 @!p0 $0x1;
	_ =	shalt  }
.Lfunc_end2:
_tile_overlayer_lowered:
.L_overlay_start_2:
0x267: {  	(tag) =	ssettag $0x2  }
0x268: {  	s0 =	rddreg [dreg:$0x0];
	s2 =	stileid.u32  }
0x269: {  	s1 =	rddreg [dreg:$0x1];
	p0 =	sne.s32 s2, $0x0  }
0x26a: {  	s3 =	rddreg [dreg:$0x2];
	[bflag:$0x3] =	sbarrier.arrive $0xFFFF;
	s2 =	simm.s32 @!p0 $0x1C03  }
0x26b: {  	[timem:s3], [sflag:s2] =	dma.local @!p0 [hbm:s0], s1  }
0x26c: {  	s0 =	simm.s32 @!p0 $0x3  }
0x26d: {  	_ =	swait.ge @!p0 [sflag:s0], s1  }
0x26e: {  	s1 =	ssub.s32 @!p0 $0x0, s1;
	[sflag:s0] =	ssyncset.done @!p0 $0x0  }
0x26f: {  	[sflag:s0] =	ssyncadd.s32 @!p0 s1  }
0x270: {  	[bflag:$0x3] =	sbarrier.arrive $0xFFFF  }
0x271: {  	_ =	shalt  }

</sc_bundles>
